<compile_context>
chip_gen: v7x
topology: tpu7x:2x2x1
jax: 0.10.2.dev20260603
libtpu: 0.0.44.dev20260713+nightly
codegen_flags: <defaults>
</compile_context>

<pallas_src>
import functools

import jax
import jax.numpy as jnp
from jax import lax
from jax.experimental import pallas as pl
from jax.experimental.pallas import tpu as pltpu
from jax.experimental.pallas import tpu_sc as plsc

EPS = 1e-08
CE_W = 0.6
IOU_W = 0.4
NUM_CLASSES = 21

NB = 512
NC = 2
NS = 16
NW = NC * NS
B_ = 4
H_ = 512
W_ = 512
HW_ = H_ * W_
WPS = NW // B_
ROWS_W = H_ // WPS
RPC = 8
CW = 256
NCHUNK = (ROWS_W // RPC) * (W_ // CW)
VPC = RPC * CW // 16
TAB = NUM_CLASSES * NB

_NBADJ = NB * (1.0 - 1e-6)


def _sc_body(probs_hbm, target_hbm, k_out, a1_out, pbuf, tbuf, ktab, a1tab,
             psem0, psem1, tsem0, tsem1):
    wid = lax.axis_index("s") * NC + lax.axis_index("c")
    s = wid // WPS
    row0 = (wid % WPS) * ROWS_W

    def zero_body(i, _):
        z = jnp.zeros((16,), jnp.float32)
        ktab[pl.ds(i * 16, 16)] = z
        a1tab[pl.ds(i * 16, 16)] = z
        return 0
    lax.fori_loop(0, TAB // 16, zero_body, 0)

    ones16 = jnp.ones((16,), jnp.float32)
    iota16 = lax.iota(jnp.int32, 16)
    zeros16i = jnp.zeros((16,), jnp.int32)
    psems = [psem0, psem1]
    tsems = [tsem0, tsem1]

    def start_fetch(g, slot):
        r0 = row0 + lax.shift_right_logical(g, 1) * RPC
        c0 = (g & 1) * CW
        pltpu.async_copy(target_hbm.at[s, pl.ds(r0, RPC), pl.ds(c0, CW)],
                         tbuf.at[slot], tsems[slot])
        pltpu.async_copy(probs_hbm.at[s, :, pl.ds(r0, RPC), pl.ds(c0, CW)],
                         pbuf.at[slot], psems[slot])

    def wait_fetch(slot):
        pltpu.make_async_copy(target_hbm.at[s, pl.ds(0, RPC), pl.ds(0, CW)],
                              tbuf.at[slot], tsems[slot]).wait()
        pltpu.make_async_copy(probs_hbm.at[s, :, pl.ds(0, RPC), pl.ds(0, CW)],
                              pbuf.at[slot], psems[slot]).wait()

    def compute_chunk(slot):
        def vec_body(i):
            r = lax.shift_right_logical(i, 4)
            cb = (i & 15) * 16
            t = tbuf[slot, r, pl.ds(cb, 16)]
            for c in range(NUM_CLASSES):
                p = pbuf[slot, c, r, pl.ds(cb, 16)]
                bi = (p * _NBADJ).astype(jnp.int32) + (c * NB)
                plsc.addupdate_scatter(a1tab, [bi], p)
            ptraw = plsc.load_gather(
                pbuf, [zeros16i + slot, t, zeros16i + r, cb + iota16])
            tnb = t * NB
            bip = (ptraw * _NBADJ).astype(jnp.int32) + tnb
            plsc.addupdate_scatter(a1tab, [bip], -ptraw)
            efg = 1.0 - ptraw
            bifg = (efg * _NBADJ).astype(jnp.int32) + tnb
            plsc.addupdate_scatter(a1tab, [bifg], efg)
            plsc.addupdate_scatter(ktab, [bifg], ones16)

        plsc.parallel_loop(0, VPC, 1, unroll=2)(vec_body)

    start_fetch(0, 0)

    def pair_body(g2, carry):
        g = g2 * 2
        start_fetch(g + 1, 1)
        wait_fetch(0)
        compute_chunk(0)

        @pl.when(g + 2 < NCHUNK)
        def _():
            start_fetch(g + 2, 0)

        wait_fetch(1)
        compute_chunk(1)
        return carry

    lax.fori_loop(0, NCHUNK // 2, pair_body, 0)

    pltpu.sync_copy(ktab, k_out.at[wid])
    pltpu.sync_copy(a1tab, a1_out.at[wid])


_sc_pass = functools.partial(
    pl.kernel,
    mesh=plsc.VectorSubcoreMesh(core_axis_name="c", subcore_axis_name="s"),
    compiler_params=pltpu.CompilerParams(needs_layout_passes=False),
    out_type=(
        jax.ShapeDtypeStruct((NW, TAB), jnp.float32),
        jax.ShapeDtypeStruct((NW, TAB), jnp.float32),
    ),
    scratch_types=[
        pltpu.VMEM((2, NUM_CLASSES, RPC, CW), jnp.float32),
        pltpu.VMEM((2, RPC, CW), jnp.int32),
        pltpu.VMEM((TAB,), jnp.float32),
        pltpu.VMEM((TAB,), jnp.float32),
        pltpu.SemaphoreType.DMA,
        pltpu.SemaphoreType.DMA,
        pltpu.SemaphoreType.DMA,
        pltpu.SemaphoreType.DMA,
    ],
)(_sc_body)


CE_ROWS = 64
CE_STEPS = B_ * H_ // CE_ROWS


def _ce_body(p_ref, t_ref, w_ref, out_ref):
    step = pl.program_id(0) * pl.num_programs(1) + pl.program_id(1)
    t = t_ref[0]
    sump = jnp.zeros((CE_ROWS, W_), jnp.float32)
    pt = jnp.zeros((CE_ROWS, W_), jnp.float32)
    wt = jnp.zeros((CE_ROWS, W_), jnp.float32)
    for c in range(NUM_CLASSES):
        pc = jnp.maximum(p_ref[0, c], EPS)
        sump = sump + pc
        fg = t == c
        pt = jnp.where(fg, pc, pt)
        wt = wt + jnp.where(fg, w_ref[0, c], 0.0)
    num = jnp.sum(wt * (jnp.log(pt) - jnp.log(sump)))
    den = jnp.sum(wt)

    @pl.when(step == 0)
    def _():
        out_ref[0, 0] = 0.0
        out_ref[0, 1] = 0.0

    out_ref[0, 0] += num
    out_ref[0, 1] += den


def _combine_body(k_ref, a1_ref, ce_ref, out_ref):
    K = jnp.sum(k_ref[...], axis=1)
    A1 = jnp.sum(a1_ref[...], axis=1)

    Kf = K.reshape(B_ * NUM_CLASSES, NB)
    r = lax.broadcasted_iota(jnp.int32, (NB, NB), 0)
    cidx = lax.broadcasted_iota(jnp.int32, (NB, NB), 1)
    upper = (r > cidx).astype(jnp.float32)
    C_gt = jnp.dot(Kf, upper, preferred_element_type=jnp.float32)
    C_gt = C_gt.reshape(B_, NUM_CLASSES, NB)

    b = lax.broadcasted_iota(jnp.int32, (B_, NUM_CLASSES, NB), 2).astype(jnp.float32)
    mid = (b + 0.5) / NB
    w = 1.0 / NB
    loss_sum = jnp.sum(
        A1 * (C_gt + 0.5 * K) + K * (mid * 0.5 + w / 12.0),
        axis=2)

    fgcnt = jnp.sum(K, axis=2)
    denom = jnp.maximum(fgcnt, 1.0)
    loss_c = loss_sum / (denom * HW_)
    present = (jnp.sum(fgcnt, axis=0) > 0.0).astype(jnp.float32)
    total = jnp.sum(present[None, :] * loss_c)
    count = jnp.sum(present) * B_
    loss_iou = jnp.where(count > 0.0,
                         total / jnp.maximum(count, 1.0),
                         jnp.float32(0.0))

    loss_ce = -ce_ref[0, 0] / ce_ref[0, 1]

    out_ref[0, 0] = CE_W * loss_ce + IOU_W * loss_iou


def kernel(probs, target, ce_weight):
    probs = probs.astype(jnp.float32)
    target = target.astype(jnp.int32)
    cew2 = ce_weight.astype(jnp.float32).reshape(1, NUM_CLASSES)

    K, A1 = _sc_pass(probs, target)

    ce = pl.pallas_call(
        _ce_body,
        grid=(B_, H_ // CE_ROWS),
        in_specs=[
            pl.BlockSpec((1, NUM_CLASSES, CE_ROWS, W_),
                         lambda i, j: (i, 0, j, 0)),
            pl.BlockSpec((1, CE_ROWS, W_), lambda i, j: (i, j, 0)),
            pl.BlockSpec(memory_space=pltpu.SMEM),
        ],
        out_specs=pl.BlockSpec(memory_space=pltpu.SMEM),
        out_shape=jax.ShapeDtypeStruct((1, 2), jnp.float32),
    )(probs, target, cew2)

    K4 = K.reshape(B_, WPS, NUM_CLASSES, NB)
    A14 = A1.reshape(B_, WPS, NUM_CLASSES, NB)

    out = pl.pallas_call(
        _combine_body,
        in_specs=[
            pl.BlockSpec(memory_space=pltpu.VMEM),
            pl.BlockSpec(memory_space=pltpu.VMEM),
            pl.BlockSpec(memory_space=pltpu.SMEM),
        ],
        out_specs=pl.BlockSpec(memory_space=pltpu.SMEM),
        out_shape=jax.ShapeDtypeStruct((1, 1), jnp.float32),
    )(K4, A14, ce)
    return out[0, 0]

# --- scband reference (transcript-rebuilt; emitter-appended) ---
"""Pipeline reference for scband-uniform-cbce-lovasz-prob-8950711845320 (READ-ONLY COPY).

The authoritative reference and input builder live on the scoring server;
editing this copy changes nothing except your own understanding.
"""

import jax, jax.numpy as jnp
import numpy as np

EPS = 1e-08
CE_W = 0.6
IOU_W = 0.4
NUM_CLASSES = 21


def setup_inputs(seed: int = 0) -> dict:
    key = jax.random.key(seed)
    k1, k2 = jax.random.split(key)
    probs = jax.random.uniform(k1, (4, NUM_CLASSES, 512, 512), dtype=jnp.float32)
    target = jax.random.randint(k2, (4, 512, 512), 0, NUM_CLASSES, dtype=jnp.int32)
    ce_weight = jnp.ones((NUM_CLASSES,), dtype=jnp.float32).at[0].set(0.05)
    return {"probs": probs, "target": target, "ce_weight": ce_weight}


def _ce2d(logits, target, weight, ignore_index=-100):
    log_p = jax.nn.log_softmax(logits, axis=1)
    log_p = jnp.take_along_axis(log_p, target[:, None, :, :], axis=1)[:, 0]
    mask = (target != ignore_index).astype(jnp.float32)
    w = weight[target]
    return -(w * log_p * mask).sum() / (w * mask).sum()


def _lovasz_softmax(probs, labels):
    B, C, H, W = probs.shape
    total = jnp.float32(0.0)
    count = jnp.float32(0.0)
    for c in range(C):
        fg = (labels == c).astype(jnp.float32)
        present = (fg.sum() > 0).astype(jnp.float32)
        pc = probs[:, c]
        errors = jnp.abs(fg - pc).reshape(B, -1)
        perm = jnp.argsort(-errors, axis=1)
        errors_sorted = jnp.take_along_axis(errors, perm, axis=1)
        fg_flat = fg.reshape(B, -1)
        fg_sorted = jnp.take_along_axis(fg_flat, perm, axis=1)
        denom = jnp.clip(fg_sorted.sum(axis=1, keepdims=True), 1.0, None)
        grad = jnp.cumsum(fg_sorted, axis=1) / denom
        loss_c = (errors_sorted * grad).sum(axis=1) / (H * W)
        total = total + present * loss_c.sum()
        count = count + present * B
    return jnp.where(count > 0, total / jnp.maximum(count, 1.0), jnp.float32(0.0))


def reference(probs, target, ce_weight):
    probs = probs.astype(jnp.float32)
    target = target.astype(jnp.int32)
    logits = jnp.log(jnp.clip(probs, EPS, None))
    loss_ce = _ce2d(logits, target, ce_weight)
    loss_iou = _lovasz_softmax(probs, target)
    return CE_W * loss_ce + IOU_W * loss_iou

if __name__ == "__main__":
    import jax
    _d = setup_inputs()
    print(jax.jit(kernel)(*tuple(_d.values())))

</pallas_src>

<mosaic_0001>
#map = affine_map<(d0, d1) -> (0, 0, 0, 0)>
#map1 = affine_map<(d0, d1) -> (0, 0, 0)>
#map2 = affine_map<(d0, d1) -> (0, 0)>
module attributes {stable_mosaic.version = 14 : i64} {
  func.func @_sc_body(%arg0: i32, %arg1: i32, %arg2: memref<4x21x512x512xf32, #tpu.memory_space<hbm>>, %arg3: memref<4x512x512xi32, #tpu.memory_space<hbm>>, %arg4: memref<32x10752xf32, #tpu.memory_space<hbm>>, %arg5: memref<32x10752xf32, #tpu.memory_space<hbm>>, %arg6: memref<2x21x8x256xf32, #tpu.memory_space<vmem>>, %arg7: memref<2x8x256xi32, #tpu.memory_space<vmem>>, %arg8: memref<10752xf32, #tpu.memory_space<vmem>>, %arg9: memref<10752xf32, #tpu.memory_space<vmem>>, %arg10: memref<!tpu.dma_semaphore, #tpu.memory_space<semaphore_mem>>, %arg11: memref<!tpu.dma_semaphore, #tpu.memory_space<semaphore_mem>>, %arg12: memref<!tpu.dma_semaphore, #tpu.memory_space<semaphore_mem>>, %arg13: memref<!tpu.dma_semaphore, #tpu.memory_space<semaphore_mem>>) attributes {dimension_semantics = [#tpu.dimension_semantics<core_parallel>, #tpu.dimension_semantics<subcore_parallel>], iteration_bounds = array<i64: 2, 16>, scalar_prefetch = 0 : i64, scratch_operands = 8 : i64, tpu.core_type = #tpu.core_type<sc_vector_subcore>, window_params = [{transform_indices = #map}, {transform_indices = #map1}, {transform_indices = #map2}, {transform_indices = #map2}]} {
    %mul3A = arith.constant 2 : i32
    %mul3A_0 = arith.muli %arg1, %mul3A : i32
    %add3A = arith.addi %mul3A_0, %arg0 : i32
    %jit3A = arith.constant 8 : i32
    %div3A = arith.divsi %add3A, %jit3A : i32
    %sign3A = arith.constant 0 : i32
    %sign3A_1 = arith.cmpi sgt, %add3A, %sign3A : i32
    %sign3A_2 = arith.extui %sign3A_1 : i1 to i32
    %sign3A_3 = arith.constant 0 : i32
    %sign3A_4 = arith.cmpi slt, %add3A, %sign3A_3 : i32
    %sign3A_5 = arith.extui %sign3A_4 : i1 to i32
    %sign3A_6 = arith.subi %sign3A_2, %sign3A_5 : i32
    %sign3A_7 = arith.constant 0 : i32
    %sign3A_8 = arith.cmpi sgt, %jit3A, %sign3A_7 : i32
    %sign3A_9 = arith.extui %sign3A_8 : i1 to i32
    %sign3A_10 = arith.constant 0 : i32
    %sign3A_11 = arith.cmpi slt, %jit3A, %sign3A_10 : i32
    %sign3A_12 = arith.extui %sign3A_11 : i1 to i32
    %sign3A_13 = arith.subi %sign3A_9, %sign3A_12 : i32
    %ne3A = arith.cmpi ne, %sign3A_6, %sign3A_13 : i32
    %rem3A = arith.remsi %add3A, %jit3A : i32
    %ne3A_14 = arith.constant 0 : i32
    %ne3A_15 = arith.cmpi ne, %rem3A, %ne3A_14 : i32
    %and3A = arith.andi %ne3A, %ne3A_15 : i1
    %sub3A = arith.constant 1 : i32
    %sub3A_16 = arith.subi %div3A, %sub3A : i32
    %select_n3A = arith.select %and3A, %sub3A_16, %div3A : i32
    %jit3A_17 = arith.constant 8 : i32
    %eq3A = arith.constant 0 : i32
    %eq3A_18 = arith.cmpi eq, %jit3A_17, %eq3A : i32
    %jit3A_19 = arith.constant 1 : i32
    %select_n3A_20 = arith.select %eq3A_18, %jit3A_19, %jit3A_17 : i32
    %rem3A_21 = arith.remsi %add3A, %select_n3A_20 : i32
    %ne3A_22 = arith.constant 0 : i32
    %ne3A_23 = arith.cmpi ne, %rem3A_21, %ne3A_22 : i32
    %lt3A = arith.constant 0 : i32
    %lt3A_24 = arith.cmpi slt, %rem3A_21, %lt3A : i32
    %lt3A_25 = arith.constant 0 : i32
    %lt3A_26 = arith.cmpi slt, %select_n3A_20, %lt3A_25 : i32
    %ne3A_27 = arith.xori %lt3A_24, %lt3A_26 : i1
    %and3A_28 = arith.andi %ne3A_27, %ne3A_23 : i1
    %add3A_29 = arith.addi %rem3A_21, %select_n3A_20 : i32
    %select_n3A_30 = arith.select %and3A_28, %add3A_29, %rem3A_21 : i32
    %mul3A_31 = arith.constant 64 : i32
    %mul3A_32 = arith.muli %select_n3A_30, %mul3A_31 : i32
    %scan3A = arith.constant 0 : i32
    %scan3A_33 = arith.constant 0 : i32
    %scan3A_34 = arith.constant 672 : i32
    %scan3A_35 = arith.addi %scan3A_33, %scan3A_34 : i32
    %scan3A_36 = arith.constant 1 : i32
    %scan3A_37 = scf.for %scan3A_86 = %scan3A_33 to %scan3A_35 step %scan3A_36 iter_args(%scan3A_87 = %scan3A) -> (i32)  : i32 {
      %broadcast_in_dim3A_88 = arith.constant 0.000000e+00 : f32
      %broadcast_in_dim3A_89 = vector.broadcast %broadcast_in_dim3A_88 : f32 to vector<16xf32>
      %mul3A_90 = arith.constant 16 : i32
      %mul3A_91 = arith.muli %scan3A_86, %mul3A_90 : i32
      %swap3A = arith.index_cast %mul3A_91 : i32 to index
      %swap3A_92 = tpu.vector_load %arg8[%swap3A] {strides = array<i32>} : memref<10752xf32, #tpu.memory_space<vmem>>, vector<16xf32>,
      tpu.vector_store %arg8[%swap3A], %broadcast_in_dim3A_89 {strides = array<i32>} : memref<10752xf32, #tpu.memory_space<vmem>>, vector<16xf32>,
      %mul3A_93 = arith.constant 16 : i32
      %mul3A_94 = arith.muli %scan3A_86, %mul3A_93 : i32
      %swap3A_95 = arith.index_cast %mul3A_94 : i32 to index
      %swap3A_96 = tpu.vector_load %arg9[%swap3A_95] {strides = array<i32>} : memref<10752xf32, #tpu.memory_space<vmem>>, vector<16xf32>,
      tpu.vector_store %arg9[%swap3A_95], %broadcast_in_dim3A_89 {strides = array<i32>} : memref<10752xf32, #tpu.memory_space<vmem>>, vector<16xf32>,
      %scan3A_97 = arith.constant 0 : i32
      scf.yield %scan3A_97 : i32
    }
    %scan3A_38 = arith.constant 672 : i32
    %broadcast_in_dim3A = arith.constant 1.000000e+00 : f32
    %broadcast_in_dim3A_39 = vector.broadcast %broadcast_in_dim3A : f32 to vector<16xf32>
    %iota3A = tpu.iota {dimensions = array<i32: 0>} : vector<16xi32>
    %broadcast_in_dim3A_40 = arith.constant 0 : i32
    %broadcast_in_dim3A_41 = vector.broadcast %broadcast_in_dim3A_40 : i32 to vector<16xi32>
    %shift_right_logical3A = arith.constant 0 : i32
    %shift_right_logical3A_42 = arith.constant 1 : i32
    %shift_right_logical3A_43 = arith.shrui %shift_right_logical3A, %shift_right_logical3A_42 : i32
    %mul3A_44 = arith.constant 8 : i32
    %mul3A_45 = arith.muli %shift_right_logical3A_43, %mul3A_44 : i32
    %add3A_46 = arith.addi %mul3A_32, %mul3A_45 : i32
    %dma_start3A = arith.constant 0 : i32
    %dma_start3A_47 = arith.constant 0 : i32
    %dma_start3A_48 = arith.constant 0 : i32
    %dma_start3A_49 = tpu.memref_slice %arg7[%dma_start3A, %dma_start3A_47, %dma_start3A_48] : memref<2x8x256xi32, #tpu.memory_space<vmem>> -> memref<1x8x256xi32, #tpu.memory_space<vmem>>
    %dma_start3A_50 = tpu.memref_squeeze %dma_start3A_49 : memref<1x8x256xi32, #tpu.memory_space<vmem>> -> memref<8x256xi32, #tpu.memory_space<vmem>>
    %dma_start3A_51 = arith.constant 0 : i32
    %dma_start3A_52 = tpu.memref_slice %arg3[%select_n3A, %add3A_46, %dma_start3A_51] : memref<4x512x512xi32, #tpu.memory_space<hbm>> -> memref<1x8x256xi32, #tpu.memory_space<hbm>>
    %dma_start3A_53 = tpu.memref_squeeze %dma_start3A_52 : memref<1x8x256xi32, #tpu.memory_space<hbm>> -> memref<8x256xi32, #tpu.memory_space<hbm>>
    %dma_start3A_54 = arith.constant 0 : i32
    %dma_start3A_55 = arith.constant 0 : i32
    %dma_start3A_56 = tpu.memref_slice %arg7[%dma_start3A, %dma_start3A_54, %dma_start3A_55] : memref<2x8x256xi32, #tpu.memory_space<vmem>> -> memref<1x8x256xi32, #tpu.memory_space<vmem>>
    %dma_start3A_57 = tpu.memref_squeeze %dma_start3A_56 : memref<1x8x256xi32, #tpu.memory_space<vmem>> -> memref<8x256xi32, #tpu.memory_space<vmem>>
    %dma_start3A_58 = arith.constant 0 : i32
    %dma_start3A_59 = tpu.memref_slice %arg3[%select_n3A, %add3A_46, %dma_start3A_58] : memref<4x512x512xi32, #tpu.memory_space<hbm>> -> memref<1x8x256xi32, #tpu.memory_space<hbm>>
    %dma_start3A_60 = tpu.memref_squeeze %dma_start3A_59 : memref<1x8x256xi32, #tpu.memory_space<hbm>> -> memref<8x256xi32, #tpu.memory_space<hbm>>
    tpu.enqueue_dma source(%dma_start3A_60 : memref<8x256xi32, #tpu.memory_space<hbm>>) target(%dma_start3A_57 : memref<8x256xi32, #tpu.memory_space<vmem>>) target_semaphore(%arg12 : memref<!tpu.dma_semaphore, #tpu.memory_space<semaphore_mem>>)
    %dma_start3A_61 = arith.constant 0 : i32
    %dma_start3A_62 = arith.constant 0 : i32
    %dma_start3A_63 = arith.constant 0 : i32
    %dma_start3A_64 = arith.constant 0 : i32
    %dma_start3A_65 = tpu.memref_slice %arg6[%dma_start3A_61, %dma_start3A_62, %dma_start3A_63, %dma_start3A_64] : memref<2x21x8x256xf32, #tpu.memory_space<vmem>> -> memref<1x21x8x256xf32, #tpu.memory_space<vmem>>
    %dma_start3A_66 = tpu.memref_squeeze %dma_start3A_65 : memref<1x21x8x256xf32, #tpu.memory_space<vmem>> -> memref<21x8x256xf32, #tpu.memory_space<vmem>>
    %dma_start3A_67 = arith.constant 0 : i32
    %dma_start3A_68 = arith.constant 0 : i32
    %dma_start3A_69 = tpu.memref_slice %arg2[%select_n3A, %dma_start3A_67, %add3A_46, %dma_start3A_68] : memref<4x21x512x512xf32, #tpu.memory_space<hbm>> -> memref<1x21x8x256xf32, #tpu.memory_space<hbm>>
    %dma_start3A_70 = tpu.memref_squeeze %dma_start3A_69 : memref<1x21x8x256xf32, #tpu.memory_space<hbm>> -> memref<21x8x256xf32, #tpu.memory_space<hbm>>
    %dma_start3A_71 = arith.constant 0 : i32
    %dma_start3A_72 = arith.constant 0 : i32
    %dma_start3A_73 = arith.constant 0 : i32
    %dma_start3A_74 = tpu.memref_slice %arg6[%dma_start3A_61, %dma_start3A_71, %dma_start3A_72, %dma_start3A_73] : memref<2x21x8x256xf32, #tpu.memory_space<vmem>> -> memref<1x21x8x256xf32, #tpu.memory_space<vmem>>
    %dma_start3A_75 = tpu.memref_squeeze %dma_start3A_74 : memref<1x21x8x256xf32, #tpu.memory_space<vmem>> -> memref<21x8x256xf32, #tpu.memory_space<vmem>>
    %dma_start3A_76 = arith.constant 0 : i32
    %dma_start3A_77 = arith.constant 0 : i32
    %dma_start3A_78 = tpu.memref_slice %arg2[%select_n3A, %dma_start3A_76, %add3A_46, %dma_start3A_77] : memref<4x21x512x512xf32, #tpu.memory_space<hbm>> -> memref<1x21x8x256xf32, #tpu.memory_space<hbm>>
    %dma_start3A_79 = tpu.memref_squeeze %dma_start3A_78 : memref<1x21x8x256xf32, #tpu.memory_space<hbm>> -> memref<21x8x256xf32, #tpu.memory_space<hbm>>
    tpu.enqueue_dma source(%dma_start3A_79 : memref<21x8x256xf32, #tpu.memory_space<hbm>>) target(%dma_start3A_75 : memref<21x8x256xf32, #tpu.memory_space<vmem>>) target_semaphore(%arg10 : memref<!tpu.dma_semaphore, #tpu.memory_space<semaphore_mem>>)
    %scan3A_80 = arith.constant 0 : i32
    %scan3A_81 = arith.constant 0 : i32
    %scan3A_82 = arith.constant 8 : i32
    %scan3A_83 = arith.addi %scan3A_81, %scan3A_82 : i32
    %scan3A_84 = arith.constant 1 : i32
    scf.for %scan3A_86 = %scan3A_81 to %scan3A_83 step %scan3A_84  : i32 {
      %mul3A_87 = arith.constant 2 : i32
      %mul3A_88 = arith.muli %scan3A_86, %mul3A_87 : i32
      %add3A_89 = arith.constant 1 : i32
      %add3A_90 = arith.addi %mul3A_88, %add3A_89 : i32
      %shift_right_logical3A_91 = arith.constant 1 : i32
      %shift_right_logical3A_92 = arith.shrui %add3A_90, %shift_right_logical3A_91 : i32
      %mul3A_93 = arith.constant 8 : i32
      %mul3A_94 = arith.muli %shift_right_logical3A_92, %mul3A_93 : i32
      %add3A_95 = arith.addi %mul3A_32, %mul3A_94 : i32
      %and3A_96 = arith.constant 1 : i32
      %and3A_97 = arith.andi %add3A_90, %and3A_96 : i32
      %mul3A_98 = arith.constant 256 : i32
      %mul3A_99 = arith.muli %and3A_97, %mul3A_98 : i32
      %dma_start3A_100 = arith.constant 1 : i32
      %dma_start3A_101 = arith.constant 0 : i32
      %dma_start3A_102 = arith.constant 0 : i32
      %dma_start3A_103 = tpu.memref_slice %arg7[%dma_start3A_100, %dma_start3A_101, %dma_start3A_102] : memref<2x8x256xi32, #tpu.memory_space<vmem>> -> memref<1x8x256xi32, #tpu.memory_space<vmem>>
      %dma_start3A_104 = tpu.memref_squeeze %dma_start3A_103 : memref<1x8x256xi32, #tpu.memory_space<vmem>> -> memref<8x256xi32, #tpu.memory_space<vmem>>
      %dma_start3A_105 = tpu.memref_slice %arg3[%select_n3A, %add3A_95, %mul3A_99] : memref<4x512x512xi32, #tpu.memory_space<hbm>> -> memref<1x8x256xi32, #tpu.memory_space<hbm>>
      %dma_start3A_106 = tpu.memref_squeeze %dma_start3A_105 : memref<1x8x256xi32, #tpu.memory_space<hbm>> -> memref<8x256xi32, #tpu.memory_space<hbm>>
      %dma_start3A_107 = arith.constant 0 : i32
      %dma_start3A_108 = arith.constant 0 : i32
      %dma_start3A_109 = tpu.memref_slice %arg7[%dma_start3A_100, %dma_start3A_107, %dma_start3A_108] : memref<2x8x256xi32, #tpu.memory_space<vmem>> -> memref<1x8x256xi32, #tpu.memory_space<vmem>>
      %dma_start3A_110 = tpu.memref_squeeze %dma_start3A_109 : memref<1x8x256xi32, #tpu.memory_space<vmem>> -> memref<8x256xi32, #tpu.memory_space<vmem>>
      %dma_start3A_111 = tpu.memref_slice %arg3[%select_n3A, %add3A_95, %mul3A_99] : memref<4x512x512xi32, #tpu.memory_space<hbm>> -> memref<1x8x256xi32, #tpu.memory_space<hbm>>
      %dma_start3A_112 = tpu.memref_squeeze %dma_start3A_111 : memref<1x8x256xi32, #tpu.memory_space<hbm>> -> memref<8x256xi32, #tpu.memory_space<hbm>>
      tpu.enqueue_dma source(%dma_start3A_112 : memref<8x256xi32, #tpu.memory_space<hbm>>) target(%dma_start3A_110 : memref<8x256xi32, #tpu.memory_space<vmem>>) target_semaphore(%arg13 : memref<!tpu.dma_semaphore, #tpu.memory_space<semaphore_mem>>)
      %dma_start3A_113 = arith.constant 1 : i32
      %dma_start3A_114 = arith.constant 0 : i32
      %dma_start3A_115 = arith.constant 0 : i32
      %dma_start3A_116 = arith.constant 0 : i32
      %dma_start3A_117 = tpu.memref_slice %arg6[%dma_start3A_113, %dma_start3A_114, %dma_start3A_115, %dma_start3A_116] : memref<2x21x8x256xf32, #tpu.memory_space<vmem>> -> memref<1x21x8x256xf32, #tpu.memory_space<vmem>>
      %dma_start3A_118 = tpu.memref_squeeze %dma_start3A_117 : memref<1x21x8x256xf32, #tpu.memory_space<vmem>> -> memref<21x8x256xf32, #tpu.memory_space<vmem>>
      %dma_start3A_119 = arith.constant 0 : i32
      %dma_start3A_120 = tpu.memref_slice %arg2[%select_n3A, %dma_start3A_119, %add3A_95, %mul3A_99] : memref<4x21x512x512xf32, #tpu.memory_space<hbm>> -> memref<1x21x8x256xf32, #tpu.memory_space<hbm>>
      %dma_start3A_121 = tpu.memref_squeeze %dma_start3A_120 : memref<1x21x8x256xf32, #tpu.memory_space<hbm>> -> memref<21x8x256xf32, #tpu.memory_space<hbm>>
      %dma_start3A_122 = arith.constant 0 : i32
      %dma_start3A_123 = arith.constant 0 : i32
      %dma_start3A_124 = arith.constant 0 : i32
      %dma_start3A_125 = tpu.memref_slice %arg6[%dma_start3A_113, %dma_start3A_122, %dma_start3A_123, %dma_start3A_124] : memref<2x21x8x256xf32, #tpu.memory_space<vmem>> -> memref<1x21x8x256xf32, #tpu.memory_space<vmem>>
      %dma_start3A_126 = tpu.memref_squeeze %dma_start3A_125 : memref<1x21x8x256xf32, #tpu.memory_space<vmem>> -> memref<21x8x256xf32, #tpu.memory_space<vmem>>
      %dma_start3A_127 = arith.constant 0 : i32
      %dma_start3A_128 = tpu.memref_slice %arg2[%select_n3A, %dma_start3A_127, %add3A_95, %mul3A_99] : memref<4x21x512x512xf32, #tpu.memory_space<hbm>> -> memref<1x21x8x256xf32, #tpu.memory_space<hbm>>
      %dma_start3A_129 = tpu.memref_squeeze %dma_start3A_128 : memref<1x21x8x256xf32, #tpu.memory_space<hbm>> -> memref<21x8x256xf32, #tpu.memory_space<hbm>>
      tpu.enqueue_dma source(%dma_start3A_129 : memref<21x8x256xf32, #tpu.memory_space<hbm>>) target(%dma_start3A_126 : memref<21x8x256xf32, #tpu.memory_space<vmem>>) target_semaphore(%arg11 : memref<!tpu.dma_semaphore, #tpu.memory_space<semaphore_mem>>)
      %dma_wait3A = arith.constant 0 : i32
      %dma_wait3A_130 = arith.constant 0 : i32
      %dma_wait3A_131 = arith.constant 0 : i32
      %dma_wait3A_132 = tpu.memref_slice %arg7[%dma_wait3A, %dma_wait3A_130, %dma_wait3A_131] : memref<2x8x256xi32, #tpu.memory_space<vmem>> -> memref<1x8x256xi32, #tpu.memory_space<vmem>>
      %dma_wait3A_133 = tpu.memref_squeeze %dma_wait3A_132 : memref<1x8x256xi32, #tpu.memory_space<vmem>> -> memref<8x256xi32, #tpu.memory_space<vmem>>
      %dma_wait3A_134 = arith.constant 0 : i32
      %dma_wait3A_135 = arith.constant 0 : i32
      %dma_wait3A_136 = tpu.memref_slice %arg3[%select_n3A, %dma_wait3A_134, %dma_wait3A_135] : memref<4x512x512xi32, #tpu.memory_space<hbm>> -> memref<1x8x256xi32, #tpu.memory_space<hbm>>
      %dma_wait3A_137 = tpu.memref_squeeze %dma_wait3A_136 : memref<1x8x256xi32, #tpu.memory_space<hbm>> -> memref<8x256xi32, #tpu.memory_space<hbm>>
      %dma_wait3A_138 = arith.constant 0 : i32
      %dma_wait3A_139 = arith.constant 0 : i32
      %dma_wait3A_140 = tpu.memref_slice %arg7[%dma_wait3A, %dma_wait3A_138, %dma_wait3A_139] : memref<2x8x256xi32, #tpu.memory_space<vmem>> -> memref<1x8x256xi32, #tpu.memory_space<vmem>>
      %dma_wait3A_141 = tpu.memref_squeeze %dma_wait3A_140 : memref<1x8x256xi32, #tpu.memory_space<vmem>> -> memref<8x256xi32, #tpu.memory_space<vmem>>
      %dma_wait3A_142 = arith.constant 0 : i32
      %dma_wait3A_143 = arith.constant 0 : i32
      %dma_wait3A_144 = tpu.memref_slice %arg3[%select_n3A, %dma_wait3A_142, %dma_wait3A_143] : memref<4x512x512xi32, #tpu.memory_space<hbm>> -> memref<1x8x256xi32, #tpu.memory_space<hbm>>
      %dma_wait3A_145 = tpu.memref_squeeze %dma_wait3A_144 : memref<1x8x256xi32, #tpu.memory_space<hbm>> -> memref<8x256xi32, #tpu.memory_space<hbm>>
      tpu.wait_dma2 semaphore(%arg12 : memref<!tpu.dma_semaphore, #tpu.memory_space<semaphore_mem>>) src(%dma_wait3A_145 : memref<8x256xi32, #tpu.memory_space<hbm>>) dst(%dma_wait3A_141 : memref<8x256xi32, #tpu.memory_space<vmem>>)
      %dma_wait3A_146 = arith.constant 0 : i32
      %dma_wait3A_147 = arith.constant 0 : i32
      %dma_wait3A_148 = arith.constant 0 : i32
      %dma_wait3A_149 = arith.constant 0 : i32
      %dma_wait3A_150 = tpu.memref_slice %arg6[%dma_wait3A_146, %dma_wait3A_147, %dma_wait3A_148, %dma_wait3A_149] : memref<2x21x8x256xf32, #tpu.memory_space<vmem>> -> memref<1x21x8x256xf32, #tpu.memory_space<vmem>>
      %dma_wait3A_151 = tpu.memref_squeeze %dma_wait3A_150 : memref<1x21x8x256xf32, #tpu.memory_space<vmem>> -> memref<21x8x256xf32, #tpu.memory_space<vmem>>
      %dma_wait3A_152 = arith.constant 0 : i32
      %dma_wait3A_153 = arith.constant 0 : i32
      %dma_wait3A_154 = arith.constant 0 : i32
      %dma_wait3A_155 = tpu.memref_slice %arg2[%select_n3A, %dma_wait3A_152, %dma_wait3A_153, %dma_wait3A_154] : memref<4x21x512x512xf32, #tpu.memory_space<hbm>> -> memref<1x21x8x256xf32, #tpu.memory_space<hbm>>
      %dma_wait3A_156 = tpu.memref_squeeze %dma_wait3A_155 : memref<1x21x8x256xf32, #tpu.memory_space<hbm>> -> memref<21x8x256xf32, #tpu.memory_space<hbm>>
      %dma_wait3A_157 = arith.constant 0 : i32
      %dma_wait3A_158 = arith.constant 0 : i32
      %dma_wait3A_159 = arith.constant 0 : i32
      %dma_wait3A_160 = tpu.memref_slice %arg6[%dma_wait3A_146, %dma_wait3A_157, %dma_wait3A_158, %dma_wait3A_159] : memref<2x21x8x256xf32, #tpu.memory_space<vmem>> -> memref<1x21x8x256xf32, #tpu.memory_space<vmem>>
      %dma_wait3A_161 = tpu.memref_squeeze %dma_wait3A_160 : memref<1x21x8x256xf32, #tpu.memory_space<vmem>> -> memref<21x8x256xf32, #tpu.memory_space<vmem>>
      %dma_wait3A_162 = arith.constant 0 : i32
      %dma_wait3A_163 = arith.constant 0 : i32
      %dma_wait3A_164 = arith.constant 0 : i32
      %dma_wait3A_165 = tpu.memref_slice %arg2[%select_n3A, %dma_wait3A_162, %dma_wait3A_163, %dma_wait3A_164] : memref<4x21x512x512xf32, #tpu.memory_space<hbm>> -> memref<1x21x8x256xf32, #tpu.memory_space<hbm>>
      %dma_wait3A_166 = tpu.memref_squeeze %dma_wait3A_165 : memref<1x21x8x256xf32, #tpu.memory_space<hbm>> -> memref<21x8x256xf32, #tpu.memory_space<hbm>>
      tpu.wait_dma2 semaphore(%arg10 : memref<!tpu.dma_semaphore, #tpu.memory_space<semaphore_mem>>) src(%dma_wait3A_166 : memref<21x8x256xf32, #tpu.memory_space<hbm>>) dst(%dma_wait3A_161 : memref<21x8x256xf32, #tpu.memory_space<vmem>>)
      %parallel_loop3A = arith.constant 0 : i32
      %parallel_loop3A_167 = arith.constant 128 : i32
      %parallel_loop3A_168 = arith.constant 1 : i32
      scf.for %parallel_loop3A_215 = %parallel_loop3A to %parallel_loop3A_167 step %parallel_loop3A_168  : i32 {
        %parallel_loop3A_216 = arith.constant 4 : i32
        %parallel_loop3A_217 = arith.shrui %parallel_loop3A_215, %parallel_loop3A_216 : i32
        %parallel_loop3A_218 = arith.constant 15 : i32
        %parallel_loop3A_219 = arith.andi %parallel_loop3A_215, %parallel_loop3A_218 : i32
        %parallel_loop3A_220 = arith.constant 16 : i32
        %parallel_loop3A_221 = arith.muli %parallel_loop3A_219, %parallel_loop3A_220 : i32
        %parallel_loop3A_222 = arith.constant 0 : i32
        %parallel_loop3A_223 = arith.index_cast %parallel_loop3A_222 : i32 to index
        %parallel_loop3A_224 = arith.index_cast %parallel_loop3A_217 : i32 to index
        %parallel_loop3A_225 = arith.index_cast %parallel_loop3A_221 : i32 to index
        %parallel_loop3A_226 = tpu.vector_load %arg7[%parallel_loop3A_223, %parallel_loop3A_224, %parallel_loop3A_225] {strides = array<i32>} : memref<2x8x256xi32, #tpu.memory_space<vmem>>, vector<16xi32>,
        %parallel_loop3A_227 = arith.constant 0 : i32
        %parallel_loop3A_228 = arith.constant 0 : i32
        %parallel_loop3A_229 = arith.index_cast %parallel_loop3A_227 : i32 to index
        %parallel_loop3A_230 = arith.index_cast %parallel_loop3A_228 : i32 to index
        %parallel_loop3A_231 = arith.index_cast %parallel_loop3A_217 : i32 to index
        %parallel_loop3A_232 = arith.index_cast %parallel_loop3A_221 : i32 to index
        %parallel_loop3A_233 = tpu.vector_load %arg6[%parallel_loop3A_229, %parallel_loop3A_230, %parallel_loop3A_231, %parallel_loop3A_232] {strides = array<i32>} : memref<2x21x8x256xf32, #tpu.memory_space<vmem>>, vector<16xf32>,
        %parallel_loop3A_234 = arith.constant 511.999481 : f32
        %parallel_loop3A_235 = vector.broadcast %parallel_loop3A_234 : f32 to vector<16xf32>
        %parallel_loop3A_236 = arith.mulf %parallel_loop3A_233, %parallel_loop3A_235 : vector<16xf32>
        %parallel_loop3A_237 = arith.fptosi %parallel_loop3A_236 : vector<16xf32> to vector<16xi32>
        %parallel_loop3A_238 = arith.constant 0 : i32
        %parallel_loop3A_239 = vector.broadcast %parallel_loop3A_238 : i32 to vector<16xi32>
        %parallel_loop3A_240 = arith.addi %parallel_loop3A_237, %parallel_loop3A_239 : vector<16xi32>
        tpu.vector_store_idx %arg9[%parallel_loop3A_240], %parallel_loop3A_233 {add = true} : memref<10752xf32, #tpu.memory_space<vmem>>[vector<16xi32>], vector<16xf32>,
        %parallel_loop3A_241 = arith.constant 0 : i32
        %parallel_loop3A_242 = arith.constant 1 : i32
        %parallel_loop3A_243 = arith.index_cast %parallel_loop3A_241 : i32 to index
        %parallel_loop3A_244 = arith.index_cast %parallel_loop3A_242 : i32 to index
        %parallel_loop3A_245 = arith.index_cast %parallel_loop3A_217 : i32 to index
        %parallel_loop3A_246 = arith.index_cast %parallel_loop3A_221 : i32 to index
        %parallel_loop3A_247 = tpu.vector_load %arg6[%parallel_loop3A_243, %parallel_loop3A_244, %parallel_loop3A_245, %parallel_loop3A_246] {strides = array<i32>} : memref<2x21x8x256xf32, #tpu.memory_space<vmem>>, vector<16xf32>,
        %parallel_loop3A_248 = arith.constant 511.999481 : f32
        %parallel_loop3A_249 = vector.broadcast %parallel_loop3A_248 : f32 to vector<16xf32>
        %parallel_loop3A_250 = arith.mulf %parallel_loop3A_247, %parallel_loop3A_249 : vector<16xf32>
        %parallel_loop3A_251 = arith.fptosi %parallel_loop3A_250 : vector<16xf32> to vector<16xi32>
        %parallel_loop3A_252 = arith.constant 512 : i32
        %parallel_loop3A_253 = vector.broadcast %parallel_loop3A_252 : i32 to vector<16xi32>
        %parallel_loop3A_254 = arith.addi %parallel_loop3A_251, %parallel_loop3A_253 : vector<16xi32>
        tpu.vector_store_idx %arg9[%parallel_loop3A_254], %parallel_loop3A_247 {add = true} : memref<10752xf32, #tpu.memory_space<vmem>>[vector<16xi32>], vector<16xf32>,
        %parallel_loop3A_255 = arith.constant 0 : i32
        %parallel_loop3A_256 = arith.constant 2 : i32
        %parallel_loop3A_257 = arith.index_cast %parallel_loop3A_255 : i32 to index
        %parallel_loop3A_258 = arith.index_cast %parallel_loop3A_256 : i32 to index
        %parallel_loop3A_259 = arith.index_cast %parallel_loop3A_217 : i32 to index
        %parallel_loop3A_260 = arith.index_cast %parallel_loop3A_221 : i32 to index
        %parallel_loop3A_261 = tpu.vector_load %arg6[%parallel_loop3A_257, %parallel_loop3A_258, %parallel_loop3A_259, %parallel_loop3A_260] {strides = array<i32>} : memref<2x21x8x256xf32, #tpu.memory_space<vmem>>, vector<16xf32>,
        %parallel_loop3A_262 = arith.constant 511.999481 : f32
        %parallel_loop3A_263 = vector.broadcast %parallel_loop3A_262 : f32 to vector<16xf32>
        %parallel_loop3A_264 = arith.mulf %parallel_loop3A_261, %parallel_loop3A_263 : vector<16xf32>
        %parallel_loop3A_265 = arith.fptosi %parallel_loop3A_264 : vector<16xf32> to vector<16xi32>
        %parallel_loop3A_266 = arith.constant 1024 : i32
        %parallel_loop3A_267 = vector.broadcast %parallel_loop3A_266 : i32 to vector<16xi32>
        %parallel_loop3A_268 = arith.addi %parallel_loop3A_265, %parallel_loop3A_267 : vector<16xi32>
        tpu.vector_store_idx %arg9[%parallel_loop3A_268], %parallel_loop3A_261 {add = true} : memref<10752xf32, #tpu.memory_space<vmem>>[vector<16xi32>], vector<16xf32>,
        %parallel_loop3A_269 = arith.constant 0 : i32
        %parallel_loop3A_270 = arith.constant 3 : i32
        %parallel_loop3A_271 = arith.index_cast %parallel_loop3A_269 : i32 to index
        %parallel_loop3A_272 = arith.index_cast %parallel_loop3A_270 : i32 to index
        %parallel_loop3A_273 = arith.index_cast %parallel_loop3A_217 : i32 to index
        %parallel_loop3A_274 = arith.index_cast %parallel_loop3A_221 : i32 to index
        %parallel_loop3A_275 = tpu.vector_load %arg6[%parallel_loop3A_271, %parallel_loop3A_272, %parallel_loop3A_273, %parallel_loop3A_274] {strides = array<i32>} : memref<2x21x8x256xf32, #tpu.memory_space<vmem>>, vector<16xf32>,
        %parallel_loop3A_276 = arith.constant 511.999481 : f32
        %parallel_loop3A_277 = vector.broadcast %parallel_loop3A_276 : f32 to vector<16xf32>
        %parallel_loop3A_278 = arith.mulf %parallel_loop3A_275, %parallel_loop3A_277 : vector<16xf32>
        %parallel_loop3A_279 = arith.fptosi %parallel_loop3A_278 : vector<16xf32> to vector<16xi32>
        %parallel_loop3A_280 = arith.constant 1536 : i32
        %parallel_loop3A_281 = vector.broadcast %parallel_loop3A_280 : i32 to vector<16xi32>
        %parallel_loop3A_282 = arith.addi %parallel_loop3A_279, %parallel_loop3A_281 : vector<16xi32>
        tpu.vector_store_idx %arg9[%parallel_loop3A_282], %parallel_loop3A_275 {add = true} : memref<10752xf32, #tpu.memory_space<vmem>>[vector<16xi32>], vector<16xf32>,
        %parallel_loop3A_283 = arith.constant 0 : i32
        %parallel_loop3A_284 = arith.constant 4 : i32
        %parallel_loop3A_285 = arith.index_cast %parallel_loop3A_283 : i32 to index
        %parallel_loop3A_286 = arith.index_cast %parallel_loop3A_284 : i32 to index
        %parallel_loop3A_287 = arith.index_cast %parallel_loop3A_217 : i32 to index
        %parallel_loop3A_288 = arith.index_cast %parallel_loop3A_221 : i32 to index
        %parallel_loop3A_289 = tpu.vector_load %arg6[%parallel_loop3A_285, %parallel_loop3A_286, %parallel_loop3A_287, %parallel_loop3A_288] {strides = array<i32>} : memref<2x21x8x256xf32, #tpu.memory_space<vmem>>, vector<16xf32>,
        %parallel_loop3A_290 = arith.constant 511.999481 : f32
        %parallel_loop3A_291 = vector.broadcast %parallel_loop3A_290 : f32 to vector<16xf32>
        %parallel_loop3A_292 = arith.mulf %parallel_loop3A_289, %parallel_loop3A_291 : vector<16xf32>
        %parallel_loop3A_293 = arith.fptosi %parallel_loop3A_292 : vector<16xf32> to vector<16xi32>
        %parallel_loop3A_294 = arith.constant 2048 : i32
        %parallel_loop3A_295 = vector.broadcast %parallel_loop3A_294 : i32 to vector<16xi32>
        %parallel_loop3A_296 = arith.addi %parallel_loop3A_293, %parallel_loop3A_295 : vector<16xi32>
        tpu.vector_store_idx %arg9[%parallel_loop3A_296], %parallel_loop3A_289 {add = true} : memref<10752xf32, #tpu.memory_space<vmem>>[vector<16xi32>], vector<16xf32>,
        %parallel_loop3A_297 = arith.constant 0 : i32
        %parallel_loop3A_298 = arith.constant 5 : i32
        %parallel_loop3A_299 = arith.index_cast %parallel_loop3A_297 : i32 to index
        %parallel_loop3A_300 = arith.index_cast %parallel_loop3A_298 : i32 to index
        %parallel_loop3A_301 = arith.index_cast %parallel_loop3A_217 : i32 to index
        %parallel_loop3A_302 = arith.index_cast %parallel_loop3A_221 : i32 to index
        %parallel_loop3A_303 = tpu.vector_load %arg6[%parallel_loop3A_299, %parallel_loop3A_300, %parallel_loop3A_301, %parallel_loop3A_302] {strides = array<i32>} : memref<2x21x8x256xf32, #tpu.memory_space<vmem>>, vector<16xf32>,
        %parallel_loop3A_304 = arith.constant 511.999481 : f32
        %parallel_loop3A_305 = vector.broadcast %parallel_loop3A_304 : f32 to vector<16xf32>
        %parallel_loop3A_306 = arith.mulf %parallel_loop3A_303, %parallel_loop3A_305 : vector<16xf32>
        %parallel_loop3A_307 = arith.fptosi %parallel_loop3A_306 : vector<16xf32> to vector<16xi32>
        %parallel_loop3A_308 = arith.constant 2560 : i32
        %parallel_loop3A_309 = vector.broadcast %parallel_loop3A_308 : i32 to vector<16xi32>
        %parallel_loop3A_310 = arith.addi %parallel_loop3A_307, %parallel_loop3A_309 : vector<16xi32>
        tpu.vector_store_idx %arg9[%parallel_loop3A_310], %parallel_loop3A_303 {add = true} : memref<10752xf32, #tpu.memory_space<vmem>>[vector<16xi32>], vector<16xf32>,
        %parallel_loop3A_311 = arith.constant 0 : i32
        %parallel_loop3A_312 = arith.constant 6 : i32
        %parallel_loop3A_313 = arith.index_cast %parallel_loop3A_311 : i32 to index
        %parallel_loop3A_314 = arith.index_cast %parallel_loop3A_312 : i32 to index
        %parallel_loop3A_315 = arith.index_cast %parallel_loop3A_217 : i32 to index
        %parallel_loop3A_316 = arith.index_cast %parallel_loop3A_221 : i32 to index
        %parallel_loop3A_317 = tpu.vector_load %arg6[%parallel_loop3A_313, %parallel_loop3A_314, %parallel_loop3A_315, %parallel_loop3A_316] {strides = array<i32>} : memref<2x21x8x256xf32, #tpu.memory_space<vmem>>, vector<16xf32>,
        %parallel_loop3A_318 = arith.constant 511.999481 : f32
        %parallel_loop3A_319 = vector.broadcast %parallel_loop3A_318 : f32 to vector<16xf32>
        %parallel_loop3A_320 = arith.mulf %parallel_loop3A_317, %parallel_loop3A_319 : vector<16xf32>
        %parallel_loop3A_321 = arith.fptosi %parallel_loop3A_320 : vector<16xf32> to vector<16xi32>
        %parallel_loop3A_322 = arith.constant 3072 : i32
        %parallel_loop3A_323 = vector.broadcast %parallel_loop3A_322 : i32 to vector<16xi32>
        %parallel_loop3A_324 = arith.addi %parallel_loop3A_321, %parallel_loop3A_323 : vector<16xi32>
        tpu.vector_store_idx %arg9[%parallel_loop3A_324], %parallel_loop3A_317 {add = true} : memref<10752xf32, #tpu.memory_space<vmem>>[vector<16xi32>], vector<16xf32>,
        %parallel_loop3A_325 = arith.constant 0 : i32
        %parallel_loop3A_326 = arith.constant 7 : i32
        %parallel_loop3A_327 = arith.index_cast %parallel_loop3A_325 : i32 to index
        %parallel_loop3A_328 = arith.index_cast %parallel_loop3A_326 : i32 to index
        %parallel_loop3A_329 = arith.index_cast %parallel_loop3A_217 : i32 to index
        %parallel_loop3A_330 = arith.index_cast %parallel_loop3A_221 : i32 to index
        %parallel_loop3A_331 = tpu.vector_load %arg6[%parallel_loop3A_327, %parallel_loop3A_328, %parallel_loop3A_329, %parallel_loop3A_330] {strides = array<i32>} : memref<2x21x8x256xf32, #tpu.memory_space<vmem>>, vector<16xf32>,
        %parallel_loop3A_332 = arith.constant 511.999481 : f32
        %parallel_loop3A_333 = vector.broadcast %parallel_loop3A_332 : f32 to vector<16xf32>
        %parallel_loop3A_334 = arith.mulf %parallel_loop3A_331, %parallel_loop3A_333 : vector<16xf32>
        %parallel_loop3A_335 = arith.fptosi %parallel_loop3A_334 : vector<16xf32> to vector<16xi32>
        %parallel_loop3A_336 = arith.constant 3584 : i32
        %parallel_loop3A_337 = vector.broadcast %parallel_loop3A_336 : i32 to vector<16xi32>
        %parallel_loop3A_338 = arith.addi %parallel_loop3A_335, %parallel_loop3A_337 : vector<16xi32>
        tpu.vector_store_idx %arg9[%parallel_loop3A_338], %parallel_loop3A_331 {add = true} : memref<10752xf32, #tpu.memory_space<vmem>>[vector<16xi32>], vector<16xf32>,
        %parallel_loop3A_339 = arith.constant 0 : i32
        %parallel_loop3A_340 = arith.constant 8 : i32
        %parallel_loop3A_341 = arith.index_cast %parallel_loop3A_339 : i32 to index
        %parallel_loop3A_342 = arith.index_cast %parallel_loop3A_340 : i32 to index
        %parallel_loop3A_343 = arith.index_cast %parallel_loop3A_217 : i32 to index
        %parallel_loop3A_344 = arith.index_cast %parallel_loop3A_221 : i32 to index
        %parallel_loop3A_345 = tpu.vector_load %arg6[%parallel_loop3A_341, %parallel_loop3A_342, %parallel_loop3A_343, %parallel_loop3A_344] {strides = array<i32>} : memref<2x21x8x256xf32, #tpu.memory_space<vmem>>, vector<16xf32>,
        %parallel_loop3A_346 = arith.constant 511.999481 : f32
        %parallel_loop3A_347 = vector.broadcast %parallel_loop3A_346 : f32 to vector<16xf32>
        %parallel_loop3A_348 = arith.mulf %parallel_loop3A_345, %parallel_loop3A_347 : vector<16xf32>
        %parallel_loop3A_349 = arith.fptosi %parallel_loop3A_348 : vector<16xf32> to vector<16xi32>
        %parallel_loop3A_350 = arith.constant 4096 : i32
        %parallel_loop3A_351 = vector.broadcast %parallel_loop3A_350 : i32 to vector<16xi32>
        %parallel_loop3A_352 = arith.addi %parallel_loop3A_349, %parallel_loop3A_351 : vector<16xi32>
        tpu.vector_store_idx %arg9[%parallel_loop3A_352], %parallel_loop3A_345 {add = true} : memref<10752xf32, #tpu.memory_space<vmem>>[vector<16xi32>], vector<16xf32>,
        %parallel_loop3A_353 = arith.constant 0 : i32
        %parallel_loop3A_354 = arith.constant 9 : i32
        %parallel_loop3A_355 = arith.index_cast %parallel_loop3A_353 : i32 to index
        %parallel_loop3A_356 = arith.index_cast %parallel_loop3A_354 : i32 to index
        %parallel_loop3A_357 = arith.index_cast %parallel_loop3A_217 : i32 to index
        %parallel_loop3A_358 = arith.index_cast %parallel_loop3A_221 : i32 to index
        %parallel_loop3A_359 = tpu.vector_load %arg6[%parallel_loop3A_355, %parallel_loop3A_356, %parallel_loop3A_357, %parallel_loop3A_358] {strides = array<i32>} : memref<2x21x8x256xf32, #tpu.memory_space<vmem>>, vector<16xf32>,
        %parallel_loop3A_360 = arith.constant 511.999481 : f32
        %parallel_loop3A_361 = vector.broadcast %parallel_loop3A_360 : f32 to vector<16xf32>
        %parallel_loop3A_362 = arith.mulf %parallel_loop3A_359, %parallel_loop3A_361 : vector<16xf32>
        %parallel_loop3A_363 = arith.fptosi %parallel_loop3A_362 : vector<16xf32> to vector<16xi32>
        %parallel_loop3A_364 = arith.constant 4608 : i32
        %parallel_loop3A_365 = vector.broadcast %parallel_loop3A_364 : i32 to vector<16xi32>
        %parallel_loop3A_366 = arith.addi %parallel_loop3A_363, %parallel_loop3A_365 : vector<16xi32>
        tpu.vector_store_idx %arg9[%parallel_loop3A_366], %parallel_loop3A_359 {add = true} : memref<10752xf32, #tpu.memory_space<vmem>>[vector<16xi32>], vector<16xf32>,
        %parallel_loop3A_367 = arith.constant 0 : i32
        %parallel_loop3A_368 = arith.constant 10 : i32
        %parallel_loop3A_369 = arith.index_cast %parallel_loop3A_367 : i32 to index
        %parallel_loop3A_370 = arith.index_cast %parallel_loop3A_368 : i32 to index
        %parallel_loop3A_371 = arith.index_cast %parallel_loop3A_217 : i32 to index
        %parallel_loop3A_372 = arith.index_cast %parallel_loop3A_221 : i32 to index
        %parallel_loop3A_373 = tpu.vector_load %arg6[%parallel_loop3A_369, %parallel_loop3A_370, %parallel_loop3A_371, %parallel_loop3A_372] {strides = array<i32>} : memref<2x21x8x256xf32, #tpu.memory_space<vmem>>, vector<16xf32>,
        %parallel_loop3A_374 = arith.constant 511.999481 : f32
        %parallel_loop3A_375 = vector.broadcast %parallel_loop3A_374 : f32 to vector<16xf32>
        %parallel_loop3A_376 = arith.mulf %parallel_loop3A_373, %parallel_loop3A_375 : vector<16xf32>
        %parallel_loop3A_377 = arith.fptosi %parallel_loop3A_376 : vector<16xf32> to vector<16xi32>
        %parallel_loop3A_378 = arith.constant 5120 : i32
        %parallel_loop3A_379 = vector.broadcast %parallel_loop3A_378 : i32 to vector<16xi32>
        %parallel_loop3A_380 = arith.addi %parallel_loop3A_377, %parallel_loop3A_379 : vector<16xi32>
        tpu.vector_store_idx %arg9[%parallel_loop3A_380], %parallel_loop3A_373 {add = true} : memref<10752xf32, #tpu.memory_space<vmem>>[vector<16xi32>], vector<16xf32>,
        %parallel_loop3A_381 = arith.constant 0 : i32
        %parallel_loop3A_382 = arith.constant 11 : i32
        %parallel_loop3A_383 = arith.index_cast %parallel_loop3A_381 : i32 to index
        %parallel_loop3A_384 = arith.index_cast %parallel_loop3A_382 : i32 to index
        %parallel_loop3A_385 = arith.index_cast %parallel_loop3A_217 : i32 to index
        %parallel_loop3A_386 = arith.index_cast %parallel_loop3A_221 : i32 to index
        %parallel_loop3A_387 = tpu.vector_load %arg6[%parallel_loop3A_383, %parallel_loop3A_384, %parallel_loop3A_385, %parallel_loop3A_386] {strides = array<i32>} : memref<2x21x8x256xf32, #tpu.memory_space<vmem>>, vector<16xf32>,
        %parallel_loop3A_388 = arith.constant 511.999481 : f32
        %parallel_loop3A_389 = vector.broadcast %parallel_loop3A_388 : f32 to vector<16xf32>
        %parallel_loop3A_390 = arith.mulf %parallel_loop3A_387, %parallel_loop3A_389 : vector<16xf32>
        %parallel_loop3A_391 = arith.fptosi %parallel_loop3A_390 : vector<16xf32> to vector<16xi32>
        %parallel_loop3A_392 = arith.constant 5632 : i32
        %parallel_loop3A_393 = vector.broadcast %parallel_loop3A_392 : i32 to vector<16xi32>
        %parallel_loop3A_394 = arith.addi %parallel_loop3A_391, %parallel_loop3A_393 : vector<16xi32>
        tpu.vector_store_idx %arg9[%parallel_loop3A_394], %parallel_loop3A_387 {add = true} : memref<10752xf32, #tpu.memory_space<vmem>>[vector<16xi32>], vector<16xf32>,
        %parallel_loop3A_395 = arith.constant 0 : i32
        %parallel_loop3A_396 = arith.constant 12 : i32
        %parallel_loop3A_397 = arith.index_cast %parallel_loop3A_395 : i32 to index
        %parallel_loop3A_398 = arith.index_cast %parallel_loop3A_396 : i32 to index
        %parallel_loop3A_399 = arith.index_cast %parallel_loop3A_217 : i32 to index
        %parallel_loop3A_400 = arith.index_cast %parallel_loop3A_221 : i32 to index
        %parallel_loop3A_401 = tpu.vector_load %arg6[%parallel_loop3A_397, %parallel_loop3A_398, %parallel_loop3A_399, %parallel_loop3A_400] {strides = array<i32>} : memref<2x21x8x256xf32, #tpu.memory_space<vmem>>, vector<16xf32>,
        %parallel_loop3A_402 = arith.constant 511.999481 : f32
        %parallel_loop3A_403 = vector.broadcast %parallel_loop3A_402 : f32 to vector<16xf32>
        %parallel_loop3A_404 = arith.mulf %parallel_loop3A_401, %parallel_loop3A_403 : vector<16xf32>
        %parallel_loop3A_405 = arith.fptosi %parallel_loop3A_404 : vector<16xf32> to vector<16xi32>
        %parallel_loop3A_406 = arith.constant 6144 : i32
        %parallel_loop3A_407 = vector.broadcast %parallel_loop3A_406 : i32 to vector<16xi32>
        %parallel_loop3A_408 = arith.addi %parallel_loop3A_405, %parallel_loop3A_407 : vector<16xi32>
        tpu.vector_store_idx %arg9[%parallel_loop3A_408], %parallel_loop3A_401 {add = true} : memref<10752xf32, #tpu.memory_space<vmem>>[vector<16xi32>], vector<16xf32>,
        %parallel_loop3A_409 = arith.constant 0 : i32
        %parallel_loop3A_410 = arith.constant 13 : i32
        %parallel_loop3A_411 = arith.index_cast %parallel_loop3A_409 : i32 to index
        %parallel_loop3A_412 = arith.index_cast %parallel_loop3A_410 : i32 to index
        %parallel_loop3A_413 = arith.index_cast %parallel_loop3A_217 : i32 to index
        %parallel_loop3A_414 = arith.index_cast %parallel_loop3A_221 : i32 to index
        %parallel_loop3A_415 = tpu.vector_load %arg6[%parallel_loop3A_411, %parallel_loop3A_412, %parallel_loop3A_413, %parallel_loop3A_414] {strides = array<i32>} : memref<2x21x8x256xf32, #tpu.memory_space<vmem>>, vector<16xf32>,
        %parallel_loop3A_416 = arith.constant 511.999481 : f32
        %parallel_loop3A_417 = vector.broadcast %parallel_loop3A_416 : f32 to vector<16xf32>
        %parallel_loop3A_418 = arith.mulf %parallel_loop3A_415, %parallel_loop3A_417 : vector<16xf32>
        %parallel_loop3A_419 = arith.fptosi %parallel_loop3A_418 : vector<16xf32> to vector<16xi32>
        %parallel_loop3A_420 = arith.constant 6656 : i32
        %parallel_loop3A_421 = vector.broadcast %parallel_loop3A_420 : i32 to vector<16xi32>
        %parallel_loop3A_422 = arith.addi %parallel_loop3A_419, %parallel_loop3A_421 : vector<16xi32>
        tpu.vector_store_idx %arg9[%parallel_loop3A_422], %parallel_loop3A_415 {add = true} : memref<10752xf32, #tpu.memory_space<vmem>>[vector<16xi32>], vector<16xf32>,
        %parallel_loop3A_423 = arith.constant 0 : i32
        %parallel_loop3A_424 = arith.constant 14 : i32
        %parallel_loop3A_425 = arith.index_cast %parallel_loop3A_423 : i32 to index
        %parallel_loop3A_426 = arith.index_cast %parallel_loop3A_424 : i32 to index
        %parallel_loop3A_427 = arith.index_cast %parallel_loop3A_217 : i32 to index
        %parallel_loop3A_428 = arith.index_cast %parallel_loop3A_221 : i32 to index
        %parallel_loop3A_429 = tpu.vector_load %arg6[%parallel_loop3A_425, %parallel_loop3A_426, %parallel_loop3A_427, %parallel_loop3A_428] {strides = array<i32>} : memref<2x21x8x256xf32, #tpu.memory_space<vmem>>, vector<16xf32>,
        %parallel_loop3A_430 = arith.constant 511.999481 : f32
        %parallel_loop3A_431 = vector.broadcast %parallel_loop3A_430 : f32 to vector<16xf32>
        %parallel_loop3A_432 = arith.mulf %parallel_loop3A_429, %parallel_loop3A_431 : vector<16xf32>
        %parallel_loop3A_433 = arith.fptosi %parallel_loop3A_432 : vector<16xf32> to vector<16xi32>
        %parallel_loop3A_434 = arith.constant 7168 : i32
        %parallel_loop3A_435 = vector.broadcast %parallel_loop3A_434 : i32 to vector<16xi32>
        %parallel_loop3A_436 = arith.addi %parallel_loop3A_433, %parallel_loop3A_435 : vector<16xi32>
        tpu.vector_store_idx %arg9[%parallel_loop3A_436], %parallel_loop3A_429 {add = true} : memref<10752xf32, #tpu.memory_space<vmem>>[vector<16xi32>], vector<16xf32>,
        %parallel_loop3A_437 = arith.constant 0 : i32
        %parallel_loop3A_438 = arith.constant 15 : i32
        %parallel_loop3A_439 = arith.index_cast %parallel_loop3A_437 : i32 to index
        %parallel_loop3A_440 = arith.index_cast %parallel_loop3A_438 : i32 to index
        %parallel_loop3A_441 = arith.index_cast %parallel_loop3A_217 : i32 to index
        %parallel_loop3A_442 = arith.index_cast %parallel_loop3A_221 : i32 to index
        %parallel_loop3A_443 = tpu.vector_load %arg6[%parallel_loop3A_439, %parallel_loop3A_440, %parallel_loop3A_441, %parallel_loop3A_442] {strides = array<i32>} : memref<2x21x8x256xf32, #tpu.memory_space<vmem>>, vector<16xf32>,
        %parallel_loop3A_444 = arith.constant 511.999481 : f32
        %parallel_loop3A_445 = vector.broadcast %parallel_loop3A_444 : f32 to vector<16xf32>
        %parallel_loop3A_446 = arith.mulf %parallel_loop3A_443, %parallel_loop3A_445 : vector<16xf32>
        %parallel_loop3A_447 = arith.fptosi %parallel_loop3A_446 : vector<16xf32> to vector<16xi32>
        %parallel_loop3A_448 = arith.constant 7680 : i32
        %parallel_loop3A_449 = vector.broadcast %parallel_loop3A_448 : i32 to vector<16xi32>
        %parallel_loop3A_450 = arith.addi %parallel_loop3A_447, %parallel_loop3A_449 : vector<16xi32>
        tpu.vector_store_idx %arg9[%parallel_loop3A_450], %parallel_loop3A_443 {add = true} : memref<10752xf32, #tpu.memory_space<vmem>>[vector<16xi32>], vector<16xf32>,
        %parallel_loop3A_451 = arith.constant 0 : i32
        %parallel_loop3A_452 = arith.constant 16 : i32
        %parallel_loop3A_453 = arith.index_cast %parallel_loop3A_451 : i32 to index
        %parallel_loop3A_454 = arith.index_cast %parallel_loop3A_452 : i32 to index
        %parallel_loop3A_455 = arith.index_cast %parallel_loop3A_217 : i32 to index
        %parallel_loop3A_456 = arith.index_cast %parallel_loop3A_221 : i32 to index
        %parallel_loop3A_457 = tpu.vector_load %arg6[%parallel_loop3A_453, %parallel_loop3A_454, %parallel_loop3A_455, %parallel_loop3A_456] {strides = array<i32>} : memref<2x21x8x256xf32, #tpu.memory_space<vmem>>, vector<16xf32>,
        %parallel_loop3A_458 = arith.constant 511.999481 : f32
        %parallel_loop3A_459 = vector.broadcast %parallel_loop3A_458 : f32 to vector<16xf32>
        %parallel_loop3A_460 = arith.mulf %parallel_loop3A_457, %parallel_loop3A_459 : vector<16xf32>
        %parallel_loop3A_461 = arith.fptosi %parallel_loop3A_460 : vector<16xf32> to vector<16xi32>
        %parallel_loop3A_462 = arith.constant 8192 : i32
        %parallel_loop3A_463 = vector.broadcast %parallel_loop3A_462 : i32 to vector<16xi32>
        %parallel_loop3A_464 = arith.addi %parallel_loop3A_461, %parallel_loop3A_463 : vector<16xi32>
        tpu.vector_store_idx %arg9[%parallel_loop3A_464], %parallel_loop3A_457 {add = true} : memref<10752xf32, #tpu.memory_space<vmem>>[vector<16xi32>], vector<16xf32>,
        %parallel_loop3A_465 = arith.constant 0 : i32
        %parallel_loop3A_466 = arith.constant 17 : i32
        %parallel_loop3A_467 = arith.index_cast %parallel_loop3A_465 : i32 to index
        %parallel_loop3A_468 = arith.index_cast %parallel_loop3A_466 : i32 to index
        %parallel_loop3A_469 = arith.index_cast %parallel_loop3A_217 : i32 to index
        %parallel_loop3A_470 = arith.index_cast %parallel_loop3A_221 : i32 to index
        %parallel_loop3A_471 = tpu.vector_load %arg6[%parallel_loop3A_467, %parallel_loop3A_468, %parallel_loop3A_469, %parallel_loop3A_470] {strides = array<i32>} : memref<2x21x8x256xf32, #tpu.memory_space<vmem>>, vector<16xf32>,
        %parallel_loop3A_472 = arith.constant 511.999481 : f32
        %parallel_loop3A_473 = vector.broadcast %parallel_loop3A_472 : f32 to vector<16xf32>
        %parallel_loop3A_474 = arith.mulf %parallel_loop3A_471, %parallel_loop3A_473 : vector<16xf32>
        %parallel_loop3A_475 = arith.fptosi %parallel_loop3A_474 : vector<16xf32> to vector<16xi32>
        %parallel_loop3A_476 = arith.constant 8704 : i32
        %parallel_loop3A_477 = vector.broadcast %parallel_loop3A_476 : i32 to vector<16xi32>
        %parallel_loop3A_478 = arith.addi %parallel_loop3A_475, %parallel_loop3A_477 : vector<16xi32>
        tpu.vector_store_idx %arg9[%parallel_loop3A_478], %parallel_loop3A_471 {add = true} : memref<10752xf32, #tpu.memory_space<vmem>>[vector<16xi32>], vector<16xf32>,
        %parallel_loop3A_479 = arith.constant 0 : i32
        %parallel_loop3A_480 = arith.constant 18 : i32
        %parallel_loop3A_481 = arith.index_cast %parallel_loop3A_479 : i32 to index
        %parallel_loop3A_482 = arith.index_cast %parallel_loop3A_480 : i32 to index
        %parallel_loop3A_483 = arith.index_cast %parallel_loop3A_217 : i32 to index
        %parallel_loop3A_484 = arith.index_cast %parallel_loop3A_221 : i32 to index
        %parallel_loop3A_485 = tpu.vector_load %arg6[%parallel_loop3A_481, %parallel_loop3A_482, %parallel_loop3A_483, %parallel_loop3A_484] {strides = array<i32>} : memref<2x21x8x256xf32, #tpu.memory_space<vmem>>, vector<16xf32>,
        %parallel_loop3A_486 = arith.constant 511.999481 : f32
        %parallel_loop3A_487 = vector.broadcast %parallel_loop3A_486 : f32 to vector<16xf32>
        %parallel_loop3A_488 = arith.mulf %parallel_loop3A_485, %parallel_loop3A_487 : vector<16xf32>
        %parallel_loop3A_489 = arith.fptosi %parallel_loop3A_488 : vector<16xf32> to vector<16xi32>
        %parallel_loop3A_490 = arith.constant 9216 : i32
        %parallel_loop3A_491 = vector.broadcast %parallel_loop3A_490 : i32 to vector<16xi32>
        %parallel_loop3A_492 = arith.addi %parallel_loop3A_489, %parallel_loop3A_491 : vector<16xi32>
        tpu.vector_store_idx %arg9[%parallel_loop3A_492], %parallel_loop3A_485 {add = true} : memref<10752xf32, #tpu.memory_space<vmem>>[vector<16xi32>], vector<16xf32>,
        %parallel_loop3A_493 = arith.constant 0 : i32
        %parallel_loop3A_494 = arith.constant 19 : i32
        %parallel_loop3A_495 = arith.index_cast %parallel_loop3A_493 : i32 to index
        %parallel_loop3A_496 = arith.index_cast %parallel_loop3A_494 : i32 to index
        %parallel_loop3A_497 = arith.index_cast %parallel_loop3A_217 : i32 to index
        %parallel_loop3A_498 = arith.index_cast %parallel_loop3A_221 : i32 to index
        %parallel_loop3A_499 = tpu.vector_load %arg6[%parallel_loop3A_495, %parallel_loop3A_496, %parallel_loop3A_497, %parallel_loop3A_498] {strides = array<i32>} : memref<2x21x8x256xf32, #tpu.memory_space<vmem>>, vector<16xf32>,
        %parallel_loop3A_500 = arith.constant 511.999481 : f32
        %parallel_loop3A_501 = vector.broadcast %parallel_loop3A_500 : f32 to vector<16xf32>
        %parallel_loop3A_502 = arith.mulf %parallel_loop3A_499, %parallel_loop3A_501 : vector<16xf32>
        %parallel_loop3A_503 = arith.fptosi %parallel_loop3A_502 : vector<16xf32> to vector<16xi32>
        %parallel_loop3A_504 = arith.constant 9728 : i32
        %parallel_loop3A_505 = vector.broadcast %parallel_loop3A_504 : i32 to vector<16xi32>
        %parallel_loop3A_506 = arith.addi %parallel_loop3A_503, %parallel_loop3A_505 : vector<16xi32>
        tpu.vector_store_idx %arg9[%parallel_loop3A_506], %parallel_loop3A_499 {add = true} : memref<10752xf32, #tpu.memory_space<vmem>>[vector<16xi32>], vector<16xf32>,
        %parallel_loop3A_507 = arith.constant 0 : i32
        %parallel_loop3A_508 = arith.constant 20 : i32
        %parallel_loop3A_509 = arith.index_cast %parallel_loop3A_507 : i32 to index
        %parallel_loop3A_510 = arith.index_cast %parallel_loop3A_508 : i32 to index
        %parallel_loop3A_511 = arith.index_cast %parallel_loop3A_217 : i32 to index
        %parallel_loop3A_512 = arith.index_cast %parallel_loop3A_221 : i32 to index
        %parallel_loop3A_513 = tpu.vector_load %arg6[%parallel_loop3A_509, %parallel_loop3A_510, %parallel_loop3A_511, %parallel_loop3A_512] {strides = array<i32>} : memref<2x21x8x256xf32, #tpu.memory_space<vmem>>, vector<16xf32>,
        %parallel_loop3A_514 = arith.constant 511.999481 : f32
        %parallel_loop3A_515 = vector.broadcast %parallel_loop3A_514 : f32 to vector<16xf32>
        %parallel_loop3A_516 = arith.mulf %parallel_loop3A_513, %parallel_loop3A_515 : vector<16xf32>
        %parallel_loop3A_517 = arith.fptosi %parallel_loop3A_516 : vector<16xf32> to vector<16xi32>
        %parallel_loop3A_518 = arith.constant 10240 : i32
        %parallel_loop3A_519 = vector.broadcast %parallel_loop3A_518 : i32 to vector<16xi32>
        %parallel_loop3A_520 = arith.addi %parallel_loop3A_517, %parallel_loop3A_519 : vector<16xi32>
        tpu.vector_store_idx %arg9[%parallel_loop3A_520], %parallel_loop3A_513 {add = true} : memref<10752xf32, #tpu.memory_space<vmem>>[vector<16xi32>], vector<16xf32>,
        %parallel_loop3A_521 = arith.constant 0 : i32
        %parallel_loop3A_522 = vector.broadcast %parallel_loop3A_521 : i32 to vector<16xi32>
        %parallel_loop3A_523 = arith.addi %broadcast_in_dim3A_41, %parallel_loop3A_522 : vector<16xi32>
        %parallel_loop3A_524 = vector.broadcast %parallel_loop3A_217 : i32 to vector<16xi32>
        %parallel_loop3A_525 = arith.addi %broadcast_in_dim3A_41, %parallel_loop3A_524 : vector<16xi32>
        %parallel_loop3A_526 = vector.broadcast %parallel_loop3A_221 : i32 to vector<16xi32>
        %parallel_loop3A_527 = arith.addi %parallel_loop3A_526, %iota3A : vector<16xi32>
        %parallel_loop3A_528 = tpu.vector_load_idx %arg6[%parallel_loop3A_523, %parallel_loop3A_226, %parallel_loop3A_525, %parallel_loop3A_527] : memref<2x21x8x256xf32, #tpu.memory_space<vmem>>[vector<16xi32>, vector<16xi32>, vector<16xi32>, vector<16xi32>], vector<16xf32>,
        %parallel_loop3A_529 = arith.constant 512 : i32
        %parallel_loop3A_530 = vector.broadcast %parallel_loop3A_529 : i32 to vector<16xi32>
        %parallel_loop3A_531 = arith.muli %parallel_loop3A_226, %parallel_loop3A_530 : vector<16xi32>
        %parallel_loop3A_532 = arith.constant 511.999481 : f32
        %parallel_loop3A_533 = vector.broadcast %parallel_loop3A_532 : f32 to vector<16xf32>
        %parallel_loop3A_534 = arith.mulf %parallel_loop3A_528, %parallel_loop3A_533 : vector<16xf32>
        %parallel_loop3A_535 = arith.fptosi %parallel_loop3A_534 : vector<16xf32> to vector<16xi32>
        %parallel_loop3A_536 = arith.addi %parallel_loop3A_535, %parallel_loop3A_531 : vector<16xi32>
        %parallel_loop3A_537 = arith.constant 0.000000e+00 : f32
        %parallel_loop3A_538 = vector.broadcast %parallel_loop3A_537 : f32 to vector<16xf32>
        %parallel_loop3A_539 = arith.subf %parallel_loop3A_538, %parallel_loop3A_528 : vector<16xf32>
        tpu.vector_store_idx %arg9[%parallel_loop3A_536], %parallel_loop3A_539 {add = true} : memref<10752xf32, #tpu.memory_space<vmem>>[vector<16xi32>], vector<16xf32>,
        %parallel_loop3A_540 = arith.constant 1.000000e+00 : f32
        %parallel_loop3A_541 = vector.broadcast %parallel_loop3A_540 : f32 to vector<16xf32>
        %parallel_loop3A_542 = arith.subf %parallel_loop3A_541, %parallel_loop3A_528 : vector<16xf32>
        %parallel_loop3A_543 = arith.constant 511.999481 : f32
        %parallel_loop3A_544 = vector.broadcast %parallel_loop3A_543 : f32 to vector<16xf32>
        %parallel_loop3A_545 = arith.mulf %parallel_loop3A_542, %parallel_loop3A_544 : vector<16xf32>
        %parallel_loop3A_546 = arith.fptosi %parallel_loop3A_545 : vector<16xf32> to vector<16xi32>
        %parallel_loop3A_547 = arith.addi %parallel_loop3A_546, %parallel_loop3A_531 : vector<16xi32>
        tpu.vector_store_idx %arg9[%parallel_loop3A_547], %parallel_loop3A_542 {add = true} : memref<10752xf32, #tpu.memory_space<vmem>>[vector<16xi32>], vector<16xf32>,
        tpu.vector_store_idx %arg8[%parallel_loop3A_547], %broadcast_in_dim3A_39 {add = true} : memref<10752xf32, #tpu.memory_space<vmem>>[vector<16xi32>], vector<16xf32>,
      } {sc.loop_unroll_factor = 2 : i64, sc.parallel_access}
      %add3A_169 = arith.constant 2 : i32
      %add3A_170 = arith.addi %mul3A_88, %add3A_169 : i32
      %lt3A_171 = arith.constant 16 : i32
      %lt3A_172 = arith.cmpi slt, %add3A_170, %lt3A_171 : i32
      %convert_element_type3A = arith.extui %lt3A_172 : i1 to i32
      %cond3A = arith.constant 0 : i32
      %cond3A_173 = arith.cmpi ne, %convert_element_type3A, %cond3A : i32
      scf.if %cond3A_173 {
        %add3A_215 = arith.constant 2 : i32
        %add3A_216 = arith.addi %mul3A_88, %add3A_215 : i32
        %shift_right_logical3A_217 = arith.constant 1 : i32
        %shift_right_logical3A_218 = arith.shrui %add3A_216, %shift_right_logical3A_217 : i32
        %mul3A_219 = arith.constant 8 : i32
        %mul3A_220 = arith.muli %shift_right_logical3A_218, %mul3A_219 : i32
        %add3A_221 = arith.addi %mul3A_32, %mul3A_220 : i32
        %and3A_222 = arith.constant 1 : i32
        %and3A_223 = arith.andi %add3A_216, %and3A_222 : i32
        %mul3A_224 = arith.constant 256 : i32
        %mul3A_225 = arith.muli %and3A_223, %mul3A_224 : i32
        %dma_start3A_226 = arith.constant 0 : i32
        %dma_start3A_227 = arith.constant 0 : i32
        %dma_start3A_228 = arith.constant 0 : i32
        %dma_start3A_229 = tpu.memref_slice %arg7[%dma_start3A_226, %dma_start3A_227, %dma_start3A_228] : memref<2x8x256xi32, #tpu.memory_space<vmem>> -> memref<1x8x256xi32, #tpu.memory_space<vmem>>
        %dma_start3A_230 = tpu.memref_squeeze %dma_start3A_229 : memref<1x8x256xi32, #tpu.memory_space<vmem>> -> memref<8x256xi32, #tpu.memory_space<vmem>>
        %dma_start3A_231 = tpu.memref_slice %arg3[%select_n3A, %add3A_221, %mul3A_225] : memref<4x512x512xi32, #tpu.memory_space<hbm>> -> memref<1x8x256xi32, #tpu.memory_space<hbm>>
        %dma_start3A_232 = tpu.memref_squeeze %dma_start3A_231 : memref<1x8x256xi32, #tpu.memory_space<hbm>> -> memref<8x256xi32, #tpu.memory_space<hbm>>
        %dma_start3A_233 = arith.constant 0 : i32
        %dma_start3A_234 = arith.constant 0 : i32
        %dma_start3A_235 = tpu.memref_slice %arg7[%dma_start3A_226, %dma_start3A_233, %dma_start3A_234] : memref<2x8x256xi32, #tpu.memory_space<vmem>> -> memref<1x8x256xi32, #tpu.memory_space<vmem>>
        %dma_start3A_236 = tpu.memref_squeeze %dma_start3A_235 : memref<1x8x256xi32, #tpu.memory_space<vmem>> -> memref<8x256xi32, #tpu.memory_space<vmem>>
        %dma_start3A_237 = tpu.memref_slice %arg3[%select_n3A, %add3A_221, %mul3A_225] : memref<4x512x512xi32, #tpu.memory_space<hbm>> -> memref<1x8x256xi32, #tpu.memory_space<hbm>>
        %dma_start3A_238 = tpu.memref_squeeze %dma_start3A_237 : memref<1x8x256xi32, #tpu.memory_space<hbm>> -> memref<8x256xi32, #tpu.memory_space<hbm>>
        tpu.enqueue_dma source(%dma_start3A_238 : memref<8x256xi32, #tpu.memory_space<hbm>>) target(%dma_start3A_236 : memref<8x256xi32, #tpu.memory_space<vmem>>) target_semaphore(%arg12 : memref<!tpu.dma_semaphore, #tpu.memory_space<semaphore_mem>>)
        %dma_start3A_239 = arith.constant 0 : i32
        %dma_start3A_240 = arith.constant 0 : i32
        %dma_start3A_241 = arith.constant 0 : i32
        %dma_start3A_242 = arith.constant 0 : i32
        %dma_start3A_243 = tpu.memref_slice %arg6[%dma_start3A_239, %dma_start3A_240, %dma_start3A_241, %dma_start3A_242] : memref<2x21x8x256xf32, #tpu.memory_space<vmem>> -> memref<1x21x8x256xf32, #tpu.memory_space<vmem>>
        %dma_start3A_244 = tpu.memref_squeeze %dma_start3A_243 : memref<1x21x8x256xf32, #tpu.memory_space<vmem>> -> memref<21x8x256xf32, #tpu.memory_space<vmem>>
        %dma_start3A_245 = arith.constant 0 : i32
        %dma_start3A_246 = tpu.memref_slice %arg2[%select_n3A, %dma_start3A_245, %add3A_221, %mul3A_225] : memref<4x21x512x512xf32, #tpu.memory_space<hbm>> -> memref<1x21x8x256xf32, #tpu.memory_space<hbm>>
        %dma_start3A_247 = tpu.memref_squeeze %dma_start3A_246 : memref<1x21x8x256xf32, #tpu.memory_space<hbm>> -> memref<21x8x256xf32, #tpu.memory_space<hbm>>
        %dma_start3A_248 = arith.constant 0 : i32
        %dma_start3A_249 = arith.constant 0 : i32
        %dma_start3A_250 = arith.constant 0 : i32
        %dma_start3A_251 = tpu.memref_slice %arg6[%dma_start3A_239, %dma_start3A_248, %dma_start3A_249, %dma_start3A_250] : memref<2x21x8x256xf32, #tpu.memory_space<vmem>> -> memref<1x21x8x256xf32, #tpu.memory_space<vmem>>
        %dma_start3A_252 = tpu.memref_squeeze %dma_start3A_251 : memref<1x21x8x256xf32, #tpu.memory_space<vmem>> -> memref<21x8x256xf32, #tpu.memory_space<vmem>>
        %dma_start3A_253 = arith.constant 0 : i32
        %dma_start3A_254 = tpu.memref_slice %arg2[%select_n3A, %dma_start3A_253, %add3A_221, %mul3A_225] : memref<4x21x512x512xf32, #tpu.memory_space<hbm>> -> memref<1x21x8x256xf32, #tpu.memory_space<hbm>>
        %dma_start3A_255 = tpu.memref_squeeze %dma_start3A_254 : memref<1x21x8x256xf32, #tpu.memory_space<hbm>> -> memref<21x8x256xf32, #tpu.memory_space<hbm>>
        tpu.enqueue_dma source(%dma_start3A_255 : memref<21x8x256xf32, #tpu.memory_space<hbm>>) target(%dma_start3A_252 : memref<21x8x256xf32, #tpu.memory_space<vmem>>) target_semaphore(%arg10 : memref<!tpu.dma_semaphore, #tpu.memory_space<semaphore_mem>>)
      } else {
      }
      %dma_wait3A_174 = arith.constant 1 : i32
      %dma_wait3A_175 = arith.constant 0 : i32
      %dma_wait3A_176 = arith.constant 0 : i32
      %dma_wait3A_177 = tpu.memref_slice %arg7[%dma_wait3A_174, %dma_wait3A_175, %dma_wait3A_176] : memref<2x8x256xi32, #tpu.memory_space<vmem>> -> memref<1x8x256xi32, #tpu.memory_space<vmem>>
      %dma_wait3A_178 = tpu.memref_squeeze %dma_wait3A_177 : memref<1x8x256xi32, #tpu.memory_space<vmem>> -> memref<8x256xi32, #tpu.memory_space<vmem>>
      %dma_wait3A_179 = arith.constant 0 : i32
      %dma_wait3A_180 = arith.constant 0 : i32
      %dma_wait3A_181 = tpu.memref_slice %arg3[%select_n3A, %dma_wait3A_179, %dma_wait3A_180] : memref<4x512x512xi32, #tpu.memory_space<hbm>> -> memref<1x8x256xi32, #tpu.memory_space<hbm>>
      %dma_wait3A_182 = tpu.memref_squeeze %dma_wait3A_181 : memref<1x8x256xi32, #tpu.memory_space<hbm>> -> memref<8x256xi32, #tpu.memory_space<hbm>>
      %dma_wait3A_183 = arith.constant 0 : i32
      %dma_wait3A_184 = arith.constant 0 : i32
      %dma_wait3A_185 = tpu.memref_slice %arg7[%dma_wait3A_174, %dma_wait3A_183, %dma_wait3A_184] : memref<2x8x256xi32, #tpu.memory_space<vmem>> -> memref<1x8x256xi32, #tpu.memory_space<vmem>>
      %dma_wait3A_186 = tpu.memref_squeeze %dma_wait3A_185 : memref<1x8x256xi32, #tpu.memory_space<vmem>> -> memref<8x256xi32, #tpu.memory_space<vmem>>
      %dma_wait3A_187 = arith.constant 0 : i32
      %dma_wait3A_188 = arith.constant 0 : i32
      %dma_wait3A_189 = tpu.memref_slice %arg3[%select_n3A, %dma_wait3A_187, %dma_wait3A_188] : memref<4x512x512xi32, #tpu.memory_space<hbm>> -> memref<1x8x256xi32, #tpu.memory_space<hbm>>
      %dma_wait3A_190 = tpu.memref_squeeze %dma_wait3A_189 : memref<1x8x256xi32, #tpu.memory_space<hbm>> -> memref<8x256xi32, #tpu.memory_space<hbm>>
      tpu.wait_dma2 semaphore(%arg13 : memref<!tpu.dma_semaphore, #tpu.memory_space<semaphore_mem>>) src(%dma_wait3A_190 : memref<8x256xi32, #tpu.memory_space<hbm>>) dst(%dma_wait3A_186 : memref<8x256xi32, #tpu.memory_space<vmem>>)
      %dma_wait3A_191 = arith.constant 1 : i32
      %dma_wait3A_192 = arith.constant 0 : i32
      %dma_wait3A_193 = arith.constant 0 : i32
      %dma_wait3A_194 = arith.constant 0 : i32
      %dma_wait3A_195 = tpu.memref_slice %arg6[%dma_wait3A_191, %dma_wait3A_192, %dma_wait3A_193, %dma_wait3A_194] : memref<2x21x8x256xf32, #tpu.memory_space<vmem>> -> memref<1x21x8x256xf32, #tpu.memory_space<vmem>>
      %dma_wait3A_196 = tpu.memref_squeeze %dma_wait3A_195 : memref<1x21x8x256xf32, #tpu.memory_space<vmem>> -> memref<21x8x256xf32, #tpu.memory_space<vmem>>
      %dma_wait3A_197 = arith.constant 0 : i32
      %dma_wait3A_198 = arith.constant 0 : i32
      %dma_wait3A_199 = arith.constant 0 : i32
      %dma_wait3A_200 = tpu.memref_slice %arg2[%select_n3A, %dma_wait3A_197, %dma_wait3A_198, %dma_wait3A_199] : memref<4x21x512x512xf32, #tpu.memory_space<hbm>> -> memref<1x21x8x256xf32, #tpu.memory_space<hbm>>
      %dma_wait3A_201 = tpu.memref_squeeze %dma_wait3A_200 : memref<1x21x8x256xf32, #tpu.memory_space<hbm>> -> memref<21x8x256xf32, #tpu.memory_space<hbm>>
      %dma_wait3A_202 = arith.constant 0 : i32
      %dma_wait3A_203 = arith.constant 0 : i32
      %dma_wait3A_204 = arith.constant 0 : i32
      %dma_wait3A_205 = tpu.memref_slice %arg6[%dma_wait3A_191, %dma_wait3A_202, %dma_wait3A_203, %dma_wait3A_204] : memref<2x21x8x256xf32, #tpu.memory_space<vmem>> -> memref<1x21x8x256xf32, #tpu.memory_space<vmem>>
      %dma_wait3A_206 = tpu.memref_squeeze %dma_wait3A_205 : memref<1x21x8x256xf32, #tpu.memory_space<vmem>> -> memref<21x8x256xf32, #tpu.memory_space<vmem>>
      %dma_wait3A_207 = arith.constant 0 : i32
      %dma_wait3A_208 = arith.constant 0 : i32
      %dma_wait3A_209 = arith.constant 0 : i32
      %dma_wait3A_210 = tpu.memref_slice %arg2[%select_n3A, %dma_wait3A_207, %dma_wait3A_208, %dma_wait3A_209] : memref<4x21x512x512xf32, #tpu.memory_space<hbm>> -> memref<1x21x8x256xf32, #tpu.memory_space<hbm>>
      %dma_wait3A_211 = tpu.memref_squeeze %dma_wait3A_210 : memref<1x21x8x256xf32, #tpu.memory_space<hbm>> -> memref<21x8x256xf32, #tpu.memory_space<hbm>>
      tpu.wait_dma2 semaphore(%arg11 : memref<!tpu.dma_semaphore, #tpu.memory_space<semaphore_mem>>) src(%dma_wait3A_211 : memref<21x8x256xf32, #tpu.memory_space<hbm>>) dst(%dma_wait3A_206 : memref<21x8x256xf32, #tpu.memory_space<vmem>>)
      %parallel_loop3A_212 = arith.constant 0 : i32
      %parallel_loop3A_213 = arith.constant 128 : i32
      %parallel_loop3A_214 = arith.constant 1 : i32
      scf.for %parallel_loop3A_215 = %parallel_loop3A_212 to %parallel_loop3A_213 step %parallel_loop3A_214  : i32 {
        %parallel_loop3A_216 = arith.constant 4 : i32
        %parallel_loop3A_217 = arith.shrui %parallel_loop3A_215, %parallel_loop3A_216 : i32
        %parallel_loop3A_218 = arith.constant 15 : i32
        %parallel_loop3A_219 = arith.andi %parallel_loop3A_215, %parallel_loop3A_218 : i32
        %parallel_loop3A_220 = arith.constant 16 : i32
        %parallel_loop3A_221 = arith.muli %parallel_loop3A_219, %parallel_loop3A_220 : i32
        %parallel_loop3A_222 = arith.constant 1 : i32
        %parallel_loop3A_223 = arith.index_cast %parallel_loop3A_222 : i32 to index
        %parallel_loop3A_224 = arith.index_cast %parallel_loop3A_217 : i32 to index
        %parallel_loop3A_225 = arith.index_cast %parallel_loop3A_221 : i32 to index
        %parallel_loop3A_226 = tpu.vector_load %arg7[%parallel_loop3A_223, %parallel_loop3A_224, %parallel_loop3A_225] {strides = array<i32>} : memref<2x8x256xi32, #tpu.memory_space<vmem>>, vector<16xi32>,
        %parallel_loop3A_227 = arith.constant 1 : i32
        %parallel_loop3A_228 = arith.constant 0 : i32
        %parallel_loop3A_229 = arith.index_cast %parallel_loop3A_227 : i32 to index
        %parallel_loop3A_230 = arith.index_cast %parallel_loop3A_228 : i32 to index
        %parallel_loop3A_231 = arith.index_cast %parallel_loop3A_217 : i32 to index
        %parallel_loop3A_232 = arith.index_cast %parallel_loop3A_221 : i32 to index
        %parallel_loop3A_233 = tpu.vector_load %arg6[%parallel_loop3A_229, %parallel_loop3A_230, %parallel_loop3A_231, %parallel_loop3A_232] {strides = array<i32>} : memref<2x21x8x256xf32, #tpu.memory_space<vmem>>, vector<16xf32>,
        %parallel_loop3A_234 = arith.constant 511.999481 : f32
        %parallel_loop3A_235 = vector.broadcast %parallel_loop3A_234 : f32 to vector<16xf32>
        %parallel_loop3A_236 = arith.mulf %parallel_loop3A_233, %parallel_loop3A_235 : vector<16xf32>
        %parallel_loop3A_237 = arith.fptosi %parallel_loop3A_236 : vector<16xf32> to vector<16xi32>
        %parallel_loop3A_238 = arith.constant 0 : i32
        %parallel_loop3A_239 = vector.broadcast %parallel_loop3A_238 : i32 to vector<16xi32>
        %parallel_loop3A_240 = arith.addi %parallel_loop3A_237, %parallel_loop3A_239 : vector<16xi32>
        tpu.vector_store_idx %arg9[%parallel_loop3A_240], %parallel_loop3A_233 {add = true} : memref<10752xf32, #tpu.memory_space<vmem>>[vector<16xi32>], vector<16xf32>,
        %parallel_loop3A_241 = arith.constant 1 : i32
        %parallel_loop3A_242 = arith.constant 1 : i32
        %parallel_loop3A_243 = arith.index_cast %parallel_loop3A_241 : i32 to index
        %parallel_loop3A_244 = arith.index_cast %parallel_loop3A_242 : i32 to index
        %parallel_loop3A_245 = arith.index_cast %parallel_loop3A_217 : i32 to index
        %parallel_loop3A_246 = arith.index_cast %parallel_loop3A_221 : i32 to index
        %parallel_loop3A_247 = tpu.vector_load %arg6[%parallel_loop3A_243, %parallel_loop3A_244, %parallel_loop3A_245, %parallel_loop3A_246] {strides = array<i32>} : memref<2x21x8x256xf32, #tpu.memory_space<vmem>>, vector<16xf32>,
        %parallel_loop3A_248 = arith.constant 511.999481 : f32
        %parallel_loop3A_249 = vector.broadcast %parallel_loop3A_248 : f32 to vector<16xf32>
        %parallel_loop3A_250 = arith.mulf %parallel_loop3A_247, %parallel_loop3A_249 : vector<16xf32>
        %parallel_loop3A_251 = arith.fptosi %parallel_loop3A_250 : vector<16xf32> to vector<16xi32>
        %parallel_loop3A_252 = arith.constant 512 : i32
        %parallel_loop3A_253 = vector.broadcast %parallel_loop3A_252 : i32 to vector<16xi32>
        %parallel_loop3A_254 = arith.addi %parallel_loop3A_251, %parallel_loop3A_253 : vector<16xi32>
        tpu.vector_store_idx %arg9[%parallel_loop3A_254], %parallel_loop3A_247 {add = true} : memref<10752xf32, #tpu.memory_space<vmem>>[vector<16xi32>], vector<16xf32>,
        %parallel_loop3A_255 = arith.constant 1 : i32
        %parallel_loop3A_256 = arith.constant 2 : i32
        %parallel_loop3A_257 = arith.index_cast %parallel_loop3A_255 : i32 to index
        %parallel_loop3A_258 = arith.index_cast %parallel_loop3A_256 : i32 to index
        %parallel_loop3A_259 = arith.index_cast %parallel_loop3A_217 : i32 to index
        %parallel_loop3A_260 = arith.index_cast %parallel_loop3A_221 : i32 to index
        %parallel_loop3A_261 = tpu.vector_load %arg6[%parallel_loop3A_257, %parallel_loop3A_258, %parallel_loop3A_259, %parallel_loop3A_260] {strides = array<i32>} : memref<2x21x8x256xf32, #tpu.memory_space<vmem>>, vector<16xf32>,
        %parallel_loop3A_262 = arith.constant 511.999481 : f32
        %parallel_loop3A_263 = vector.broadcast %parallel_loop3A_262 : f32 to vector<16xf32>
        %parallel_loop3A_264 = arith.mulf %parallel_loop3A_261, %parallel_loop3A_263 : vector<16xf32>
        %parallel_loop3A_265 = arith.fptosi %parallel_loop3A_264 : vector<16xf32> to vector<16xi32>
        %parallel_loop3A_266 = arith.constant 1024 : i32
        %parallel_loop3A_267 = vector.broadcast %parallel_loop3A_266 : i32 to vector<16xi32>
        %parallel_loop3A_268 = arith.addi %parallel_loop3A_265, %parallel_loop3A_267 : vector<16xi32>
        tpu.vector_store_idx %arg9[%parallel_loop3A_268], %parallel_loop3A_261 {add = true} : memref<10752xf32, #tpu.memory_space<vmem>>[vector<16xi32>], vector<16xf32>,
        %parallel_loop3A_269 = arith.constant 1 : i32
        %parallel_loop3A_270 = arith.constant 3 : i32
        %parallel_loop3A_271 = arith.index_cast %parallel_loop3A_269 : i32 to index
        %parallel_loop3A_272 = arith.index_cast %parallel_loop3A_270 : i32 to index
        %parallel_loop3A_273 = arith.index_cast %parallel_loop3A_217 : i32 to index
        %parallel_loop3A_274 = arith.index_cast %parallel_loop3A_221 : i32 to index
        %parallel_loop3A_275 = tpu.vector_load %arg6[%parallel_loop3A_271, %parallel_loop3A_272, %parallel_loop3A_273, %parallel_loop3A_274] {strides = array<i32>} : memref<2x21x8x256xf32, #tpu.memory_space<vmem>>, vector<16xf32>,
        %parallel_loop3A_276 = arith.constant 511.999481 : f32
        %parallel_loop3A_277 = vector.broadcast %parallel_loop3A_276 : f32 to vector<16xf32>
        %parallel_loop3A_278 = arith.mulf %parallel_loop3A_275, %parallel_loop3A_277 : vector<16xf32>
        %parallel_loop3A_279 = arith.fptosi %parallel_loop3A_278 : vector<16xf32> to vector<16xi32>
        %parallel_loop3A_280 = arith.constant 1536 : i32
        %parallel_loop3A_281 = vector.broadcast %parallel_loop3A_280 : i32 to vector<16xi32>
        %parallel_loop3A_282 = arith.addi %parallel_loop3A_279, %parallel_loop3A_281 : vector<16xi32>
        tpu.vector_store_idx %arg9[%parallel_loop3A_282], %parallel_loop3A_275 {add = true} : memref<10752xf32, #tpu.memory_space<vmem>>[vector<16xi32>], vector<16xf32>,
        %parallel_loop3A_283 = arith.constant 1 : i32
        %parallel_loop3A_284 = arith.constant 4 : i32
        %parallel_loop3A_285 = arith.index_cast %parallel_loop3A_283 : i32 to index
        %parallel_loop3A_286 = arith.index_cast %parallel_loop3A_284 : i32 to index
        %parallel_loop3A_287 = arith.index_cast %parallel_loop3A_217 : i32 to index
        %parallel_loop3A_288 = arith.index_cast %parallel_loop3A_221 : i32 to index
        %parallel_loop3A_289 = tpu.vector_load %arg6[%parallel_loop3A_285, %parallel_loop3A_286, %parallel_loop3A_287, %parallel_loop3A_288] {strides = array<i32>} : memref<2x21x8x256xf32, #tpu.memory_space<vmem>>, vector<16xf32>,
        %parallel_loop3A_290 = arith.constant 511.999481 : f32
        %parallel_loop3A_291 = vector.broadcast %parallel_loop3A_290 : f32 to vector<16xf32>
        %parallel_loop3A_292 = arith.mulf %parallel_loop3A_289, %parallel_loop3A_291 : vector<16xf32>
        %parallel_loop3A_293 = arith.fptosi %parallel_loop3A_292 : vector<16xf32> to vector<16xi32>
        %parallel_loop3A_294 = arith.constant 2048 : i32
        %parallel_loop3A_295 = vector.broadcast %parallel_loop3A_294 : i32 to vector<16xi32>
        %parallel_loop3A_296 = arith.addi %parallel_loop3A_293, %parallel_loop3A_295 : vector<16xi32>
        tpu.vector_store_idx %arg9[%parallel_loop3A_296], %parallel_loop3A_289 {add = true} : memref<10752xf32, #tpu.memory_space<vmem>>[vector<16xi32>], vector<16xf32>,
        %parallel_loop3A_297 = arith.constant 1 : i32
        %parallel_loop3A_298 = arith.constant 5 : i32
        %parallel_loop3A_299 = arith.index_cast %parallel_loop3A_297 : i32 to index
        %parallel_loop3A_300 = arith.index_cast %parallel_loop3A_298 : i32 to index
        %parallel_loop3A_301 = arith.index_cast %parallel_loop3A_217 : i32 to index
        %parallel_loop3A_302 = arith.index_cast %parallel_loop3A_221 : i32 to index
        %parallel_loop3A_303 = tpu.vector_load %arg6[%parallel_loop3A_299, %parallel_loop3A_300, %parallel_loop3A_301, %parallel_loop3A_302] {strides = array<i32>} : memref<2x21x8x256xf32, #tpu.memory_space<vmem>>, vector<16xf32>,
        %parallel_loop3A_304 = arith.constant 511.999481 : f32
        %parallel_loop3A_305 = vector.broadcast %parallel_loop3A_304 : f32 to vector<16xf32>
        %parallel_loop3A_306 = arith.mulf %parallel_loop3A_303, %parallel_loop3A_305 : vector<16xf32>
        %parallel_loop3A_307 = arith.fptosi %parallel_loop3A_306 : vector<16xf32> to vector<16xi32>
        %parallel_loop3A_308 = arith.constant 2560 : i32
        %parallel_loop3A_309 = vector.broadcast %parallel_loop3A_308 : i32 to vector<16xi32>
        %parallel_loop3A_310 = arith.addi %parallel_loop3A_307, %parallel_loop3A_309 : vector<16xi32>
        tpu.vector_store_idx %arg9[%parallel_loop3A_310], %parallel_loop3A_303 {add = true} : memref<10752xf32, #tpu.memory_space<vmem>>[vector<16xi32>], vector<16xf32>,
        %parallel_loop3A_311 = arith.constant 1 : i32
        %parallel_loop3A_312 = arith.constant 6 : i32
        %parallel_loop3A_313 = arith.index_cast %parallel_loop3A_311 : i32 to index
        %parallel_loop3A_314 = arith.index_cast %parallel_loop3A_312 : i32 to index
        %parallel_loop3A_315 = arith.index_cast %parallel_loop3A_217 : i32 to index
        %parallel_loop3A_316 = arith.index_cast %parallel_loop3A_221 : i32 to index
        %parallel_loop3A_317 = tpu.vector_load %arg6[%parallel_loop3A_313, %parallel_loop3A_314, %parallel_loop3A_315, %parallel_loop3A_316] {strides = array<i32>} : memref<2x21x8x256xf32, #tpu.memory_space<vmem>>, vector<16xf32>,
        %parallel_loop3A_318 = arith.constant 511.999481 : f32
        %parallel_loop3A_319 = vector.broadcast %parallel_loop3A_318 : f32 to vector<16xf32>
        %parallel_loop3A_320 = arith.mulf %parallel_loop3A_317, %parallel_loop3A_319 : vector<16xf32>
        %parallel_loop3A_321 = arith.fptosi %parallel_loop3A_320 : vector<16xf32> to vector<16xi32>
        %parallel_loop3A_322 = arith.constant 3072 : i32
        %parallel_loop3A_323 = vector.broadcast %parallel_loop3A_322 : i32 to vector<16xi32>
        %parallel_loop3A_324 = arith.addi %parallel_loop3A_321, %parallel_loop3A_323 : vector<16xi32>
        tpu.vector_store_idx %arg9[%parallel_loop3A_324], %parallel_loop3A_317 {add = true} : memref<10752xf32, #tpu.memory_space<vmem>>[vector<16xi32>], vector<16xf32>,
        %parallel_loop3A_325 = arith.constant 1 : i32
        %parallel_loop3A_326 = arith.constant 7 : i32
        %parallel_loop3A_327 = arith.index_cast %parallel_loop3A_325 : i32 to index
        %parallel_loop3A_328 = arith.index_cast %parallel_loop3A_326 : i32 to index
        %parallel_loop3A_329 = arith.index_cast %parallel_loop3A_217 : i32 to index
        %parallel_loop3A_330 = arith.index_cast %parallel_loop3A_221 : i32 to index
        %parallel_loop3A_331 = tpu.vector_load %arg6[%parallel_loop3A_327, %parallel_loop3A_328, %parallel_loop3A_329, %parallel_loop3A_330] {strides = array<i32>} : memref<2x21x8x256xf32, #tpu.memory_space<vmem>>, vector<16xf32>,
        %parallel_loop3A_332 = arith.constant 511.999481 : f32
        %parallel_loop3A_333 = vector.broadcast %parallel_loop3A_332 : f32 to vector<16xf32>
        %parallel_loop3A_334 = arith.mulf %parallel_loop3A_331, %parallel_loop3A_333 : vector<16xf32>
        %parallel_loop3A_335 = arith.fptosi %parallel_loop3A_334 : vector<16xf32> to vector<16xi32>
        %parallel_loop3A_336 = arith.constant 3584 : i32
        %parallel_loop3A_337 = vector.broadcast %parallel_loop3A_336 : i32 to vector<16xi32>
        %parallel_loop3A_338 = arith.addi %parallel_loop3A_335, %parallel_loop3A_337 : vector<16xi32>
        tpu.vector_store_idx %arg9[%parallel_loop3A_338], %parallel_loop3A_331 {add = true} : memref<10752xf32, #tpu.memory_space<vmem>>[vector<16xi32>], vector<16xf32>,
        %parallel_loop3A_339 = arith.constant 1 : i32
        %parallel_loop3A_340 = arith.constant 8 : i32
        %parallel_loop3A_341 = arith.index_cast %parallel_loop3A_339 : i32 to index
        %parallel_loop3A_342 = arith.index_cast %parallel_loop3A_340 : i32 to index
        %parallel_loop3A_343 = arith.index_cast %parallel_loop3A_217 : i32 to index
        %parallel_loop3A_344 = arith.index_cast %parallel_loop3A_221 : i32 to index
        %parallel_loop3A_345 = tpu.vector_load %arg6[%parallel_loop3A_341, %parallel_loop3A_342, %parallel_loop3A_343, %parallel_loop3A_344] {strides = array<i32>} : memref<2x21x8x256xf32, #tpu.memory_space<vmem>>, vector<16xf32>,
        %parallel_loop3A_346 = arith.constant 511.999481 : f32
        %parallel_loop3A_347 = vector.broadcast %parallel_loop3A_346 : f32 to vector<16xf32>
        %parallel_loop3A_348 = arith.mulf %parallel_loop3A_345, %parallel_loop3A_347 : vector<16xf32>
        %parallel_loop3A_349 = arith.fptosi %parallel_loop3A_348 : vector<16xf32> to vector<16xi32>
        %parallel_loop3A_350 = arith.constant 4096 : i32
        %parallel_loop3A_351 = vector.broadcast %parallel_loop3A_350 : i32 to vector<16xi32>
        %parallel_loop3A_352 = arith.addi %parallel_loop3A_349, %parallel_loop3A_351 : vector<16xi32>
        tpu.vector_store_idx %arg9[%parallel_loop3A_352], %parallel_loop3A_345 {add = true} : memref<10752xf32, #tpu.memory_space<vmem>>[vector<16xi32>], vector<16xf32>,
        %parallel_loop3A_353 = arith.constant 1 : i32
        %parallel_loop3A_354 = arith.constant 9 : i32
        %parallel_loop3A_355 = arith.index_cast %parallel_loop3A_353 : i32 to index
        %parallel_loop3A_356 = arith.index_cast %parallel_loop3A_354 : i32 to index
        %parallel_loop3A_357 = arith.index_cast %parallel_loop3A_217 : i32 to index
        %parallel_loop3A_358 = arith.index_cast %parallel_loop3A_221 : i32 to index
        %parallel_loop3A_359 = tpu.vector_load %arg6[%parallel_loop3A_355, %parallel_loop3A_356, %parallel_loop3A_357, %parallel_loop3A_358] {strides = array<i32>} : memref<2x21x8x256xf32, #tpu.memory_space<vmem>>, vector<16xf32>,
        %parallel_loop3A_360 = arith.constant 511.999481 : f32
        %parallel_loop3A_361 = vector.broadcast %parallel_loop3A_360 : f32 to vector<16xf32>
        %parallel_loop3A_362 = arith.mulf %parallel_loop3A_359, %parallel_loop3A_361 : vector<16xf32>
        %parallel_loop3A_363 = arith.fptosi %parallel_loop3A_362 : vector<16xf32> to vector<16xi32>
        %parallel_loop3A_364 = arith.constant 4608 : i32
        %parallel_loop3A_365 = vector.broadcast %parallel_loop3A_364 : i32 to vector<16xi32>
        %parallel_loop3A_366 = arith.addi %parallel_loop3A_363, %parallel_loop3A_365 : vector<16xi32>
        tpu.vector_store_idx %arg9[%parallel_loop3A_366], %parallel_loop3A_359 {add = true} : memref<10752xf32, #tpu.memory_space<vmem>>[vector<16xi32>], vector<16xf32>,
        %parallel_loop3A_367 = arith.constant 1 : i32
        %parallel_loop3A_368 = arith.constant 10 : i32
        %parallel_loop3A_369 = arith.index_cast %parallel_loop3A_367 : i32 to index
        %parallel_loop3A_370 = arith.index_cast %parallel_loop3A_368 : i32 to index
        %parallel_loop3A_371 = arith.index_cast %parallel_loop3A_217 : i32 to index
        %parallel_loop3A_372 = arith.index_cast %parallel_loop3A_221 : i32 to index
        %parallel_loop3A_373 = tpu.vector_load %arg6[%parallel_loop3A_369, %parallel_loop3A_370, %parallel_loop3A_371, %parallel_loop3A_372] {strides = array<i32>} : memref<2x21x8x256xf32, #tpu.memory_space<vmem>>, vector<16xf32>,
        %parallel_loop3A_374 = arith.constant 511.999481 : f32
        %parallel_loop3A_375 = vector.broadcast %parallel_loop3A_374 : f32 to vector<16xf32>
        %parallel_loop3A_376 = arith.mulf %parallel_loop3A_373, %parallel_loop3A_375 : vector<16xf32>
        %parallel_loop3A_377 = arith.fptosi %parallel_loop3A_376 : vector<16xf32> to vector<16xi32>
        %parallel_loop3A_378 = arith.constant 5120 : i32
        %parallel_loop3A_379 = vector.broadcast %parallel_loop3A_378 : i32 to vector<16xi32>
        %parallel_loop3A_380 = arith.addi %parallel_loop3A_377, %parallel_loop3A_379 : vector<16xi32>
        tpu.vector_store_idx %arg9[%parallel_loop3A_380], %parallel_loop3A_373 {add = true} : memref<10752xf32, #tpu.memory_space<vmem>>[vector<16xi32>], vector<16xf32>,
        %parallel_loop3A_381 = arith.constant 1 : i32
        %parallel_loop3A_382 = arith.constant 11 : i32
        %parallel_loop3A_383 = arith.index_cast %parallel_loop3A_381 : i32 to index
        %parallel_loop3A_384 = arith.index_cast %parallel_loop3A_382 : i32 to index
        %parallel_loop3A_385 = arith.index_cast %parallel_loop3A_217 : i32 to index
        %parallel_loop3A_386 = arith.index_cast %parallel_loop3A_221 : i32 to index
        %parallel_loop3A_387 = tpu.vector_load %arg6[%parallel_loop3A_383, %parallel_loop3A_384, %parallel_loop3A_385, %parallel_loop3A_386] {strides = array<i32>} : memref<2x21x8x256xf32, #tpu.memory_space<vmem>>, vector<16xf32>,
        %parallel_loop3A_388 = arith.constant 511.999481 : f32
        %parallel_loop3A_389 = vector.broadcast %parallel_loop3A_388 : f32 to vector<16xf32>
        %parallel_loop3A_390 = arith.mulf %parallel_loop3A_387, %parallel_loop3A_389 : vector<16xf32>
        %parallel_loop3A_391 = arith.fptosi %parallel_loop3A_390 : vector<16xf32> to vector<16xi32>
        %parallel_loop3A_392 = arith.constant 5632 : i32
        %parallel_loop3A_393 = vector.broadcast %parallel_loop3A_392 : i32 to vector<16xi32>
        %parallel_loop3A_394 = arith.addi %parallel_loop3A_391, %parallel_loop3A_393 : vector<16xi32>
        tpu.vector_store_idx %arg9[%parallel_loop3A_394], %parallel_loop3A_387 {add = true} : memref<10752xf32, #tpu.memory_space<vmem>>[vector<16xi32>], vector<16xf32>,
        %parallel_loop3A_395 = arith.constant 1 : i32
        %parallel_loop3A_396 = arith.constant 12 : i32
        %parallel_loop3A_397 = arith.index_cast %parallel_loop3A_395 : i32 to index
        %parallel_loop3A_398 = arith.index_cast %parallel_loop3A_396 : i32 to index
        %parallel_loop3A_399 = arith.index_cast %parallel_loop3A_217 : i32 to index
        %parallel_loop3A_400 = arith.index_cast %parallel_loop3A_221 : i32 to index
        %parallel_loop3A_401 = tpu.vector_load %arg6[%parallel_loop3A_397, %parallel_loop3A_398, %parallel_loop3A_399, %parallel_loop3A_400] {strides = array<i32>} : memref<2x21x8x256xf32, #tpu.memory_space<vmem>>, vector<16xf32>,
        %parallel_loop3A_402 = arith.constant 511.999481 : f32
        %parallel_loop3A_403 = vector.broadcast %parallel_loop3A_402 : f32 to vector<16xf32>
        %parallel_loop3A_404 = arith.mulf %parallel_loop3A_401, %parallel_loop3A_403 : vector<16xf32>
        %parallel_loop3A_405 = arith.fptosi %parallel_loop3A_404 : vector<16xf32> to vector<16xi32>
        %parallel_loop3A_406 = arith.constant 6144 : i32
        %parallel_loop3A_407 = vector.broadcast %parallel_loop3A_406 : i32 to vector<16xi32>
        %parallel_loop3A_408 = arith.addi %parallel_loop3A_405, %parallel_loop3A_407 : vector<16xi32>
        tpu.vector_store_idx %arg9[%parallel_loop3A_408], %parallel_loop3A_401 {add = true} : memref<10752xf32, #tpu.memory_space<vmem>>[vector<16xi32>], vector<16xf32>,
        %parallel_loop3A_409 = arith.constant 1 : i32
        %parallel_loop3A_410 = arith.constant 13 : i32
        %parallel_loop3A_411 = arith.index_cast %parallel_loop3A_409 : i32 to index
        %parallel_loop3A_412 = arith.index_cast %parallel_loop3A_410 : i32 to index
        %parallel_loop3A_413 = arith.index_cast %parallel_loop3A_217 : i32 to index
        %parallel_loop3A_414 = arith.index_cast %parallel_loop3A_221 : i32 to index
        %parallel_loop3A_415 = tpu.vector_load %arg6[%parallel_loop3A_411, %parallel_loop3A_412, %parallel_loop3A_413, %parallel_loop3A_414] {strides = array<i32>} : memref<2x21x8x256xf32, #tpu.memory_space<vmem>>, vector<16xf32>,
        %parallel_loop3A_416 = arith.constant 511.999481 : f32
        %parallel_loop3A_417 = vector.broadcast %parallel_loop3A_416 : f32 to vector<16xf32>
        %parallel_loop3A_418 = arith.mulf %parallel_loop3A_415, %parallel_loop3A_417 : vector<16xf32>
        %parallel_loop3A_419 = arith.fptosi %parallel_loop3A_418 : vector<16xf32> to vector<16xi32>
        %parallel_loop3A_420 = arith.constant 6656 : i32
        %parallel_loop3A_421 = vector.broadcast %parallel_loop3A_420 : i32 to vector<16xi32>
        %parallel_loop3A_422 = arith.addi %parallel_loop3A_419, %parallel_loop3A_421 : vector<16xi32>
        tpu.vector_store_idx %arg9[%parallel_loop3A_422], %parallel_loop3A_415 {add = true} : memref<10752xf32, #tpu.memory_space<vmem>>[vector<16xi32>], vector<16xf32>,
        %parallel_loop3A_423 = arith.constant 1 : i32
        %parallel_loop3A_424 = arith.constant 14 : i32
        %parallel_loop3A_425 = arith.index_cast %parallel_loop3A_423 : i32 to index
        %parallel_loop3A_426 = arith.index_cast %parallel_loop3A_424 : i32 to index
        %parallel_loop3A_427 = arith.index_cast %parallel_loop3A_217 : i32 to index
        %parallel_loop3A_428 = arith.index_cast %parallel_loop3A_221 : i32 to index
        %parallel_loop3A_429 = tpu.vector_load %arg6[%parallel_loop3A_425, %parallel_loop3A_426, %parallel_loop3A_427, %parallel_loop3A_428] {strides = array<i32>} : memref<2x21x8x256xf32, #tpu.memory_space<vmem>>, vector<16xf32>,
        %parallel_loop3A_430 = arith.constant 511.999481 : f32
        %parallel_loop3A_431 = vector.broadcast %parallel_loop3A_430 : f32 to vector<16xf32>
        %parallel_loop3A_432 = arith.mulf %parallel_loop3A_429, %parallel_loop3A_431 : vector<16xf32>
        %parallel_loop3A_433 = arith.fptosi %parallel_loop3A_432 : vector<16xf32> to vector<16xi32>
        %parallel_loop3A_434 = arith.constant 7168 : i32
        %parallel_loop3A_435 = vector.broadcast %parallel_loop3A_434 : i32 to vector<16xi32>
        %parallel_loop3A_436 = arith.addi %parallel_loop3A_433, %parallel_loop3A_435 : vector<16xi32>
        tpu.vector_store_idx %arg9[%parallel_loop3A_436], %parallel_loop3A_429 {add = true} : memref<10752xf32, #tpu.memory_space<vmem>>[vector<16xi32>], vector<16xf32>,
        %parallel_loop3A_437 = arith.constant 1 : i32
        %parallel_loop3A_438 = arith.constant 15 : i32
        %parallel_loop3A_439 = arith.index_cast %parallel_loop3A_437 : i32 to index
        %parallel_loop3A_440 = arith.index_cast %parallel_loop3A_438 : i32 to index
        %parallel_loop3A_441 = arith.index_cast %parallel_loop3A_217 : i32 to index
        %parallel_loop3A_442 = arith.index_cast %parallel_loop3A_221 : i32 to index
        %parallel_loop3A_443 = tpu.vector_load %arg6[%parallel_loop3A_439, %parallel_loop3A_440, %parallel_loop3A_441, %parallel_loop3A_442] {strides = array<i32>} : memref<2x21x8x256xf32, #tpu.memory_space<vmem>>, vector<16xf32>,
        %parallel_loop3A_444 = arith.constant 511.999481 : f32
        %parallel_loop3A_445 = vector.broadcast %parallel_loop3A_444 : f32 to vector<16xf32>
        %parallel_loop3A_446 = arith.mulf %parallel_loop3A_443, %parallel_loop3A_445 : vector<16xf32>
        %parallel_loop3A_447 = arith.fptosi %parallel_loop3A_446 : vector<16xf32> to vector<16xi32>
        %parallel_loop3A_448 = arith.constant 7680 : i32
        %parallel_loop3A_449 = vector.broadcast %parallel_loop3A_448 : i32 to vector<16xi32>
        %parallel_loop3A_450 = arith.addi %parallel_loop3A_447, %parallel_loop3A_449 : vector<16xi32>
        tpu.vector_store_idx %arg9[%parallel_loop3A_450], %parallel_loop3A_443 {add = true} : memref<10752xf32, #tpu.memory_space<vmem>>[vector<16xi32>], vector<16xf32>,
        %parallel_loop3A_451 = arith.constant 1 : i32
        %parallel_loop3A_452 = arith.constant 16 : i32
        %parallel_loop3A_453 = arith.index_cast %parallel_loop3A_451 : i32 to index
        %parallel_loop3A_454 = arith.index_cast %parallel_loop3A_452 : i32 to index
        %parallel_loop3A_455 = arith.index_cast %parallel_loop3A_217 : i32 to index
        %parallel_loop3A_456 = arith.index_cast %parallel_loop3A_221 : i32 to index
        %parallel_loop3A_457 = tpu.vector_load %arg6[%parallel_loop3A_453, %parallel_loop3A_454, %parallel_loop3A_455, %parallel_loop3A_456] {strides = array<i32>} : memref<2x21x8x256xf32, #tpu.memory_space<vmem>>, vector<16xf32>,
        %parallel_loop3A_458 = arith.constant 511.999481 : f32
        %parallel_loop3A_459 = vector.broadcast %parallel_loop3A_458 : f32 to vector<16xf32>
        %parallel_loop3A_460 = arith.mulf %parallel_loop3A_457, %parallel_loop3A_459 : vector<16xf32>
        %parallel_loop3A_461 = arith.fptosi %parallel_loop3A_460 : vector<16xf32> to vector<16xi32>
        %parallel_loop3A_462 = arith.constant 8192 : i32
        %parallel_loop3A_463 = vector.broadcast %parallel_loop3A_462 : i32 to vector<16xi32>
        %parallel_loop3A_464 = arith.addi %parallel_loop3A_461, %parallel_loop3A_463 : vector<16xi32>
        tpu.vector_store_idx %arg9[%parallel_loop3A_464], %parallel_loop3A_457 {add = true} : memref<10752xf32, #tpu.memory_space<vmem>>[vector<16xi32>], vector<16xf32>,
        %parallel_loop3A_465 = arith.constant 1 : i32
        %parallel_loop3A_466 = arith.constant 17 : i32
        %parallel_loop3A_467 = arith.index_cast %parallel_loop3A_465 : i32 to index
        %parallel_loop3A_468 = arith.index_cast %parallel_loop3A_466 : i32 to index
        %parallel_loop3A_469 = arith.index_cast %parallel_loop3A_217 : i32 to index
        %parallel_loop3A_470 = arith.index_cast %parallel_loop3A_221 : i32 to index
        %parallel_loop3A_471 = tpu.vector_load %arg6[%parallel_loop3A_467, %parallel_loop3A_468, %parallel_loop3A_469, %parallel_loop3A_470] {strides = array<i32>} : memref<2x21x8x256xf32, #tpu.memory_space<vmem>>, vector<16xf32>,
        %parallel_loop3A_472 = arith.constant 511.999481 : f32
        %parallel_loop3A_473 = vector.broadcast %parallel_loop3A_472 : f32 to vector<16xf32>
        %parallel_loop3A_474 = arith.mulf %parallel_loop3A_471, %parallel_loop3A_473 : vector<16xf32>
        %parallel_loop3A_475 = arith.fptosi %parallel_loop3A_474 : vector<16xf32> to vector<16xi32>
        %parallel_loop3A_476 = arith.constant 8704 : i32
        %parallel_loop3A_477 = vector.broadcast %parallel_loop3A_476 : i32 to vector<16xi32>
        %parallel_loop3A_478 = arith.addi %parallel_loop3A_475, %parallel_loop3A_477 : vector<16xi32>
        tpu.vector_store_idx %arg9[%parallel_loop3A_478], %parallel_loop3A_471 {add = true} : memref<10752xf32, #tpu.memory_space<vmem>>[vector<16xi32>], vector<16xf32>,
        %parallel_loop3A_479 = arith.constant 1 : i32
        %parallel_loop3A_480 = arith.constant 18 : i32
        %parallel_loop3A_481 = arith.index_cast %parallel_loop3A_479 : i32 to index
        %parallel_loop3A_482 = arith.index_cast %parallel_loop3A_480 : i32 to index
        %parallel_loop3A_483 = arith.index_cast %parallel_loop3A_217 : i32 to index
        %parallel_loop3A_484 = arith.index_cast %parallel_loop3A_221 : i32 to index
        %parallel_loop3A_485 = tpu.vector_load %arg6[%parallel_loop3A_481, %parallel_loop3A_482, %parallel_loop3A_483, %parallel_loop3A_484] {strides = array<i32>} : memref<2x21x8x256xf32, #tpu.memory_space<vmem>>, vector<16xf32>,
        %parallel_loop3A_486 = arith.constant 511.999481 : f32
        %parallel_loop3A_487 = vector.broadcast %parallel_loop3A_486 : f32 to vector<16xf32>
        %parallel_loop3A_488 = arith.mulf %parallel_loop3A_485, %parallel_loop3A_487 : vector<16xf32>
        %parallel_loop3A_489 = arith.fptosi %parallel_loop3A_488 : vector<16xf32> to vector<16xi32>
        %parallel_loop3A_490 = arith.constant 9216 : i32
        %parallel_loop3A_491 = vector.broadcast %parallel_loop3A_490 : i32 to vector<16xi32>
        %parallel_loop3A_492 = arith.addi %parallel_loop3A_489, %parallel_loop3A_491 : vector<16xi32>
        tpu.vector_store_idx %arg9[%parallel_loop3A_492], %parallel_loop3A_485 {add = true} : memref<10752xf32, #tpu.memory_space<vmem>>[vector<16xi32>], vector<16xf32>,
        %parallel_loop3A_493 = arith.constant 1 : i32
        %parallel_loop3A_494 = arith.constant 19 : i32
        %parallel_loop3A_495 = arith.index_cast %parallel_loop3A_493 : i32 to index
        %parallel_loop3A_496 = arith.index_cast %parallel_loop3A_494 : i32 to index
        %parallel_loop3A_497 = arith.index_cast %parallel_loop3A_217 : i32 to index
        %parallel_loop3A_498 = arith.index_cast %parallel_loop3A_221 : i32 to index
        %parallel_loop3A_499 = tpu.vector_load %arg6[%parallel_loop3A_495, %parallel_loop3A_496, %parallel_loop3A_497, %parallel_loop3A_498] {strides = array<i32>} : memref<2x21x8x256xf32, #tpu.memory_space<vmem>>, vector<16xf32>,
        %parallel_loop3A_500 = arith.constant 511.999481 : f32
        %parallel_loop3A_501 = vector.broadcast %parallel_loop3A_500 : f32 to vector<16xf32>
        %parallel_loop3A_502 = arith.mulf %parallel_loop3A_499, %parallel_loop3A_501 : vector<16xf32>
        %parallel_loop3A_503 = arith.fptosi %parallel_loop3A_502 : vector<16xf32> to vector<16xi32>
        %parallel_loop3A_504 = arith.constant 9728 : i32
        %parallel_loop3A_505 = vector.broadcast %parallel_loop3A_504 : i32 to vector<16xi32>
        %parallel_loop3A_506 = arith.addi %parallel_loop3A_503, %parallel_loop3A_505 : vector<16xi32>
        tpu.vector_store_idx %arg9[%parallel_loop3A_506], %parallel_loop3A_499 {add = true} : memref<10752xf32, #tpu.memory_space<vmem>>[vector<16xi32>], vector<16xf32>,
        %parallel_loop3A_507 = arith.constant 1 : i32
        %parallel_loop3A_508 = arith.constant 20 : i32
        %parallel_loop3A_509 = arith.index_cast %parallel_loop3A_507 : i32 to index
        %parallel_loop3A_510 = arith.index_cast %parallel_loop3A_508 : i32 to index
        %parallel_loop3A_511 = arith.index_cast %parallel_loop3A_217 : i32 to index
        %parallel_loop3A_512 = arith.index_cast %parallel_loop3A_221 : i32 to index
        %parallel_loop3A_513 = tpu.vector_load %arg6[%parallel_loop3A_509, %parallel_loop3A_510, %parallel_loop3A_511, %parallel_loop3A_512] {strides = array<i32>} : memref<2x21x8x256xf32, #tpu.memory_space<vmem>>, vector<16xf32>,
        %parallel_loop3A_514 = arith.constant 511.999481 : f32
        %parallel_loop3A_515 = vector.broadcast %parallel_loop3A_514 : f32 to vector<16xf32>
        %parallel_loop3A_516 = arith.mulf %parallel_loop3A_513, %parallel_loop3A_515 : vector<16xf32>
        %parallel_loop3A_517 = arith.fptosi %parallel_loop3A_516 : vector<16xf32> to vector<16xi32>
        %parallel_loop3A_518 = arith.constant 10240 : i32
        %parallel_loop3A_519 = vector.broadcast %parallel_loop3A_518 : i32 to vector<16xi32>
        %parallel_loop3A_520 = arith.addi %parallel_loop3A_517, %parallel_loop3A_519 : vector<16xi32>
        tpu.vector_store_idx %arg9[%parallel_loop3A_520], %parallel_loop3A_513 {add = true} : memref<10752xf32, #tpu.memory_space<vmem>>[vector<16xi32>], vector<16xf32>,
        %parallel_loop3A_521 = arith.constant 1 : i32
        %parallel_loop3A_522 = vector.broadcast %parallel_loop3A_521 : i32 to vector<16xi32>
        %parallel_loop3A_523 = arith.addi %broadcast_in_dim3A_41, %parallel_loop3A_522 : vector<16xi32>
        %parallel_loop3A_524 = vector.broadcast %parallel_loop3A_217 : i32 to vector<16xi32>
        %parallel_loop3A_525 = arith.addi %broadcast_in_dim3A_41, %parallel_loop3A_524 : vector<16xi32>
        %parallel_loop3A_526 = vector.broadcast %parallel_loop3A_221 : i32 to vector<16xi32>
        %parallel_loop3A_527 = arith.addi %parallel_loop3A_526, %iota3A : vector<16xi32>
        %parallel_loop3A_528 = tpu.vector_load_idx %arg6[%parallel_loop3A_523, %parallel_loop3A_226, %parallel_loop3A_525, %parallel_loop3A_527] : memref<2x21x8x256xf32, #tpu.memory_space<vmem>>[vector<16xi32>, vector<16xi32>, vector<16xi32>, vector<16xi32>], vector<16xf32>,
        %parallel_loop3A_529 = arith.constant 512 : i32
        %parallel_loop3A_530 = vector.broadcast %parallel_loop3A_529 : i32 to vector<16xi32>
        %parallel_loop3A_531 = arith.muli %parallel_loop3A_226, %parallel_loop3A_530 : vector<16xi32>
        %parallel_loop3A_532 = arith.constant 511.999481 : f32
        %parallel_loop3A_533 = vector.broadcast %parallel_loop3A_532 : f32 to vector<16xf32>
        %parallel_loop3A_534 = arith.mulf %parallel_loop3A_528, %parallel_loop3A_533 : vector<16xf32>
        %parallel_loop3A_535 = arith.fptosi %parallel_loop3A_534 : vector<16xf32> to vector<16xi32>
        %parallel_loop3A_536 = arith.addi %parallel_loop3A_535, %parallel_loop3A_531 : vector<16xi32>
        %parallel_loop3A_537 = arith.constant 0.000000e+00 : f32
        %parallel_loop3A_538 = vector.broadcast %parallel_loop3A_537 : f32 to vector<16xf32>
        %parallel_loop3A_539 = arith.subf %parallel_loop3A_538, %parallel_loop3A_528 : vector<16xf32>
        tpu.vector_store_idx %arg9[%parallel_loop3A_536], %parallel_loop3A_539 {add = true} : memref<10752xf32, #tpu.memory_space<vmem>>[vector<16xi32>], vector<16xf32>,
        %parallel_loop3A_540 = arith.constant 1.000000e+00 : f32
        %parallel_loop3A_541 = vector.broadcast %parallel_loop3A_540 : f32 to vector<16xf32>
        %parallel_loop3A_542 = arith.subf %parallel_loop3A_541, %parallel_loop3A_528 : vector<16xf32>
        %parallel_loop3A_543 = arith.constant 511.999481 : f32
        %parallel_loop3A_544 = vector.broadcast %parallel_loop3A_543 : f32 to vector<16xf32>
        %parallel_loop3A_545 = arith.mulf %parallel_loop3A_542, %parallel_loop3A_544 : vector<16xf32>
        %parallel_loop3A_546 = arith.fptosi %parallel_loop3A_545 : vector<16xf32> to vector<16xi32>
        %parallel_loop3A_547 = arith.addi %parallel_loop3A_546, %parallel_loop3A_531 : vector<16xi32>
        tpu.vector_store_idx %arg9[%parallel_loop3A_547], %parallel_loop3A_542 {add = true} : memref<10752xf32, #tpu.memory_space<vmem>>[vector<16xi32>], vector<16xf32>,
        tpu.vector_store_idx %arg8[%parallel_loop3A_547], %broadcast_in_dim3A_39 {add = true} : memref<10752xf32, #tpu.memory_space<vmem>>[vector<16xi32>], vector<16xf32>,
      } {sc.loop_unroll_factor = 2 : i64, sc.parallel_access}
    }
    %scan3A_85 = arith.constant 8 : i32
    "tpu.region"() ({
      %run_scoped3A = tpu.sem_alloc : memref<!tpu.dma_semaphore, #tpu.memory_space<semaphore_mem>>
      %dma_start3A_86 = arith.constant 0 : i32
      %dma_start3A_87 = tpu.memref_slice %arg4[%add3A, %dma_start3A_86] : memref<32x10752xf32, #tpu.memory_space<hbm>> -> memref<1x10752xf32, #tpu.memory_space<hbm>>
      %dma_start3A_88 = tpu.memref_squeeze %dma_start3A_87 : memref<1x10752xf32, #tpu.memory_space<hbm>> -> memref<10752xf32, #tpu.memory_space<hbm>>
      %dma_start3A_89 = arith.constant 0 : i32
      %dma_start3A_90 = tpu.memref_slice %arg4[%add3A, %dma_start3A_89] : memref<32x10752xf32, #tpu.memory_space<hbm>> -> memref<1x10752xf32, #tpu.memory_space<hbm>>
      %dma_start3A_91 = tpu.memref_squeeze %dma_start3A_90 : memref<1x10752xf32, #tpu.memory_space<hbm>> -> memref<10752xf32, #tpu.memory_space<hbm>>
      tpu.enqueue_dma source(%arg8 : memref<10752xf32, #tpu.memory_space<vmem>>) target(%dma_start3A_91 : memref<10752xf32, #tpu.memory_space<hbm>>) target_semaphore(%run_scoped3A : memref<!tpu.dma_semaphore, #tpu.memory_space<semaphore_mem>>)
      %dma_wait3A = arith.constant 0 : i32
      %dma_wait3A_92 = tpu.memref_slice %arg4[%add3A, %dma_wait3A] : memref<32x10752xf32, #tpu.memory_space<hbm>> -> memref<1x10752xf32, #tpu.memory_space<hbm>>
      %dma_wait3A_93 = tpu.memref_squeeze %dma_wait3A_92 : memref<1x10752xf32, #tpu.memory_space<hbm>> -> memref<10752xf32, #tpu.memory_space<hbm>>
      %dma_wait3A_94 = arith.constant 0 : i32
      %dma_wait3A_95 = tpu.memref_slice %arg4[%add3A, %dma_wait3A_94] : memref<32x10752xf32, #tpu.memory_space<hbm>> -> memref<1x10752xf32, #tpu.memory_space<hbm>>
      %dma_wait3A_96 = tpu.memref_squeeze %dma_wait3A_95 : memref<1x10752xf32, #tpu.memory_space<hbm>> -> memref<10752xf32, #tpu.memory_space<hbm>>
      tpu.wait_dma2 semaphore(%run_scoped3A : memref<!tpu.dma_semaphore, #tpu.memory_space<semaphore_mem>>) src(%arg8 : memref<10752xf32, #tpu.memory_space<vmem>>) dst(%dma_wait3A_96 : memref<10752xf32, #tpu.memory_space<hbm>>)
      tpu.yield
    }) : () -> ()
    "tpu.region"() ({
      %run_scoped3A = tpu.sem_alloc : memref<!tpu.dma_semaphore, #tpu.memory_space<semaphore_mem>>
      %dma_start3A_86 = arith.constant 0 : i32
      %dma_start3A_87 = tpu.memref_slice %arg5[%add3A, %dma_start3A_86] : memref<32x10752xf32, #tpu.memory_space<hbm>> -> memref<1x10752xf32, #tpu.memory_space<hbm>>
      %dma_start3A_88 = tpu.memref_squeeze %dma_start3A_87 : memref<1x10752xf32, #tpu.memory_space<hbm>> -> memref<10752xf32, #tpu.memory_space<hbm>>
      %dma_start3A_89 = arith.constant 0 : i32
      %dma_start3A_90 = tpu.memref_slice %arg5[%add3A, %dma_start3A_89] : memref<32x10752xf32, #tpu.memory_space<hbm>> -> memref<1x10752xf32, #tpu.memory_space<hbm>>
      %dma_start3A_91 = tpu.memref_squeeze %dma_start3A_90 : memref<1x10752xf32, #tpu.memory_space<hbm>> -> memref<10752xf32, #tpu.memory_space<hbm>>
      tpu.enqueue_dma source(%arg9 : memref<10752xf32, #tpu.memory_space<vmem>>) target(%dma_start3A_91 : memref<10752xf32, #tpu.memory_space<hbm>>) target_semaphore(%run_scoped3A : memref<!tpu.dma_semaphore, #tpu.memory_space<semaphore_mem>>)
      %dma_wait3A = arith.constant 0 : i32
      %dma_wait3A_92 = tpu.memref_slice %arg5[%add3A, %dma_wait3A] : memref<32x10752xf32, #tpu.memory_space<hbm>> -> memref<1x10752xf32, #tpu.memory_space<hbm>>
      %dma_wait3A_93 = tpu.memref_squeeze %dma_wait3A_92 : memref<1x10752xf32, #tpu.memory_space<hbm>> -> memref<10752xf32, #tpu.memory_space<hbm>>
      %dma_wait3A_94 = arith.constant 0 : i32
      %dma_wait3A_95 = tpu.memref_slice %arg5[%add3A, %dma_wait3A_94] : memref<32x10752xf32, #tpu.memory_space<hbm>> -> memref<1x10752xf32, #tpu.memory_space<hbm>>
      %dma_wait3A_96 = tpu.memref_squeeze %dma_wait3A_95 : memref<1x10752xf32, #tpu.memory_space<hbm>> -> memref<10752xf32, #tpu.memory_space<hbm>>
      tpu.wait_dma2 semaphore(%run_scoped3A : memref<!tpu.dma_semaphore, #tpu.memory_space<semaphore_mem>>) src(%arg9 : memref<10752xf32, #tpu.memory_space<vmem>>) dst(%dma_wait3A_96 : memref<10752xf32, #tpu.memory_space<hbm>>)
      tpu.yield
    }) : () -> ()
    return
  }
}

module attributes {stable_mosaic.version = 14 : i64} {
  func.func @_ce_body(%arg0: i32, %arg1: i32, %arg2: memref<1x21x64x512xf32, #tpu.memory_space<vmem>>, %arg3: memref<1x64x512xi32, #tpu.memory_space<vmem>>, %arg4: memref<1x21xf32, #tpu.memory_space<smem>>, %arg5: memref<1x2xf32, #tpu.memory_space<smem>>) attributes {dimension_semantics = [#tpu.dimension_semantics<arbitrary>, #tpu.dimension_semantics<arbitrary>], iteration_bounds = array<i64: 4, 8>, scalar_prefetch = 0 : i64, scratch_operands = 0 : i64, tpu.core_type = #tpu.core_type<tc>, window_params = [{transform_indices = @transform_0, window_bounds = array<i64: 1, 21, 64, 512>}, {transform_indices = @transform_1, window_bounds = array<i64: 1, 64, 512>}, {transform_indices = @transform_2, window_bounds = array<i64: 1, 21>}, {transform_indices = @transform_3, window_bounds = array<i64: 1, 2>}]} {
    %mul3A = arith.constant 8 : i32
    %mul3A_0 = arith.muli %arg0, %mul3A : i32
    %add3A = arith.addi %mul3A_0, %arg1 : i32
    %get3A = arith.constant 0 : index
    %get3A_1 = arith.constant 0 : index
    %get3A_2 = arith.constant 0 : index
    %get3A_3 = vector.load %arg3[%get3A, %get3A_1, %get3A_2] : memref<1x64x512xi32, #tpu.memory_space<vmem>>, vector<1x64x512xi32>
    %get3A_4 = vector.shape_cast %get3A_3 : vector<1x64x512xi32> to vector<64x512xi32>
    %broadcast_in_dim3A = arith.constant 0.000000e+00 : f32
    %broadcast_in_dim3A_5 = vector.broadcast %broadcast_in_dim3A : f32 to vector<64x512xf32>
    %broadcast_in_dim3A_6 = arith.constant 0.000000e+00 : f32
    %broadcast_in_dim3A_7 = vector.broadcast %broadcast_in_dim3A_6 : f32 to vector<64x512xf32>
    %broadcast_in_dim3A_8 = arith.constant 0.000000e+00 : f32
    %broadcast_in_dim3A_9 = vector.broadcast %broadcast_in_dim3A_8 : f32 to vector<64x512xf32>
    %get3A_10 = arith.constant 0 : index
    %get3A_11 = arith.constant 0 : index
    %get3A_12 = arith.constant 0 : index
    %get3A_13 = arith.constant 0 : index
    %get3A_14 = vector.load %arg2[%get3A_10, %get3A_11, %get3A_12, %get3A_13] : memref<1x21x64x512xf32, #tpu.memory_space<vmem>>, vector<1x1x64x512xf32>
    %get3A_15 = vector.shape_cast %get3A_14 : vector<1x1x64x512xf32> to vector<64x512xf32>
    %max3A = arith.constant 9.99999993E-9 : f32
    %max3A_16 = vector.broadcast %max3A : f32 to vector<64x512xf32>
    %max3A_17 = arith.maximumf %get3A_15, %max3A_16 : vector<64x512xf32>
    %add3A_18 = arith.addf %broadcast_in_dim3A_5, %max3A_17 : vector<64x512xf32>
    %eq3A = arith.constant 0 : i32
    %eq3A_19 = vector.broadcast %eq3A : i32 to vector<64x512xi32>
    %eq3A_20 = arith.cmpi eq, %get3A_4, %eq3A_19 : vector<64x512xi32>
    %select_n3A = arith.select %eq3A_20, %max3A_17, %broadcast_in_dim3A_7 : vector<64x512xi1>, vector<64x512xf32>
    %get3A_21 = arith.constant 0 : index
    %get3A_22 = arith.constant 0 : index
    %get3A_23 = memref.load %arg4[%get3A_21, %get3A_22] : memref<1x21xf32, #tpu.memory_space<smem>>
    %jit3A = arith.constant 0.000000e+00 : f32
    %broadcast_in_dim3A_24 = vector.broadcast %get3A_23 : f32 to vector<64x512xf32>
    %broadcast_in_dim3A_25 = vector.broadcast %jit3A : f32 to vector<64x512xf32>
    %select_n3A_26 = arith.select %eq3A_20, %broadcast_in_dim3A_24, %broadcast_in_dim3A_25 : vector<64x512xi1>, vector<64x512xf32>
    %add3A_27 = arith.addf %broadcast_in_dim3A_9, %select_n3A_26 : vector<64x512xf32>
    %get3A_28 = arith.constant 0 : index
    %get3A_29 = arith.constant 1 : index
    %get3A_30 = arith.constant 0 : index
    %get3A_31 = arith.constant 0 : index
    %get3A_32 = vector.load %arg2[%get3A_28, %get3A_29, %get3A_30, %get3A_31] : memref<1x21x64x512xf32, #tpu.memory_space<vmem>>, vector<1x1x64x512xf32>
    %get3A_33 = vector.shape_cast %get3A_32 : vector<1x1x64x512xf32> to vector<64x512xf32>
    %max3A_34 = arith.constant 9.99999993E-9 : f32
    %max3A_35 = vector.broadcast %max3A_34 : f32 to vector<64x512xf32>
    %max3A_36 = arith.maximumf %get3A_33, %max3A_35 : vector<64x512xf32>
    %add3A_37 = arith.addf %add3A_18, %max3A_36 : vector<64x512xf32>
    %eq3A_38 = arith.constant 1 : i32
    %eq3A_39 = vector.broadcast %eq3A_38 : i32 to vector<64x512xi32>
    %eq3A_40 = arith.cmpi eq, %get3A_4, %eq3A_39 : vector<64x512xi32>
    %select_n3A_41 = arith.select %eq3A_40, %max3A_36, %select_n3A : vector<64x512xi1>, vector<64x512xf32>
    %get3A_42 = arith.constant 0 : index
    %get3A_43 = arith.constant 1 : index
    %get3A_44 = memref.load %arg4[%get3A_42, %get3A_43] : memref<1x21xf32, #tpu.memory_space<smem>>
    %jit3A_45 = arith.constant 0.000000e+00 : f32
    %broadcast_in_dim3A_46 = vector.broadcast %get3A_44 : f32 to vector<64x512xf32>
    %broadcast_in_dim3A_47 = vector.broadcast %jit3A_45 : f32 to vector<64x512xf32>
    %select_n3A_48 = arith.select %eq3A_40, %broadcast_in_dim3A_46, %broadcast_in_dim3A_47 : vector<64x512xi1>, vector<64x512xf32>
    %add3A_49 = arith.addf %add3A_27, %select_n3A_48 : vector<64x512xf32>
    %get3A_50 = arith.constant 0 : index
    %get3A_51 = arith.constant 2 : index
    %get3A_52 = arith.constant 0 : index
    %get3A_53 = arith.constant 0 : index
    %get3A_54 = vector.load %arg2[%get3A_50, %get3A_51, %get3A_52, %get3A_53] : memref<1x21x64x512xf32, #tpu.memory_space<vmem>>, vector<1x1x64x512xf32>
    %get3A_55 = vector.shape_cast %get3A_54 : vector<1x1x64x512xf32> to vector<64x512xf32>
    %max3A_56 = arith.constant 9.99999993E-9 : f32
    %max3A_57 = vector.broadcast %max3A_56 : f32 to vector<64x512xf32>
    %max3A_58 = arith.maximumf %get3A_55, %max3A_57 : vector<64x512xf32>
    %add3A_59 = arith.addf %add3A_37, %max3A_58 : vector<64x512xf32>
    %eq3A_60 = arith.constant 2 : i32
    %eq3A_61 = vector.broadcast %eq3A_60 : i32 to vector<64x512xi32>
    %eq3A_62 = arith.cmpi eq, %get3A_4, %eq3A_61 : vector<64x512xi32>
    %select_n3A_63 = arith.select %eq3A_62, %max3A_58, %select_n3A_41 : vector<64x512xi1>, vector<64x512xf32>
    %get3A_64 = arith.constant 0 : index
    %get3A_65 = arith.constant 2 : index
    %get3A_66 = memref.load %arg4[%get3A_64, %get3A_65] : memref<1x21xf32, #tpu.memory_space<smem>>
    %jit3A_67 = arith.constant 0.000000e+00 : f32
    %broadcast_in_dim3A_68 = vector.broadcast %get3A_66 : f32 to vector<64x512xf32>
    %broadcast_in_dim3A_69 = vector.broadcast %jit3A_67 : f32 to vector<64x512xf32>
    %select_n3A_70 = arith.select %eq3A_62, %broadcast_in_dim3A_68, %broadcast_in_dim3A_69 : vector<64x512xi1>, vector<64x512xf32>
    %add3A_71 = arith.addf %add3A_49, %select_n3A_70 : vector<64x512xf32>
    %get3A_72 = arith.constant 0 : index
    %get3A_73 = arith.constant 3 : index
    %get3A_74 = arith.constant 0 : index
    %get3A_75 = arith.constant 0 : index
    %get3A_76 = vector.load %arg2[%get3A_72, %get3A_73, %get3A_74, %get3A_75] : memref<1x21x64x512xf32, #tpu.memory_space<vmem>>, vector<1x1x64x512xf32>
    %get3A_77 = vector.shape_cast %get3A_76 : vector<1x1x64x512xf32> to vector<64x512xf32>
    %max3A_78 = arith.constant 9.99999993E-9 : f32
    %max3A_79 = vector.broadcast %max3A_78 : f32 to vector<64x512xf32>
    %max3A_80 = arith.maximumf %get3A_77, %max3A_79 : vector<64x512xf32>
    %add3A_81 = arith.addf %add3A_59, %max3A_80 : vector<64x512xf32>
    %eq3A_82 = arith.constant 3 : i32
    %eq3A_83 = vector.broadcast %eq3A_82 : i32 to vector<64x512xi32>
    %eq3A_84 = arith.cmpi eq, %get3A_4, %eq3A_83 : vector<64x512xi32>
    %select_n3A_85 = arith.select %eq3A_84, %max3A_80, %select_n3A_63 : vector<64x512xi1>, vector<64x512xf32>
    %get3A_86 = arith.constant 0 : index
    %get3A_87 = arith.constant 3 : index
    %get3A_88 = memref.load %arg4[%get3A_86, %get3A_87] : memref<1x21xf32, #tpu.memory_space<smem>>
    %jit3A_89 = arith.constant 0.000000e+00 : f32
    %broadcast_in_dim3A_90 = vector.broadcast %get3A_88 : f32 to vector<64x512xf32>
    %broadcast_in_dim3A_91 = vector.broadcast %jit3A_89 : f32 to vector<64x512xf32>
    %select_n3A_92 = arith.select %eq3A_84, %broadcast_in_dim3A_90, %broadcast_in_dim3A_91 : vector<64x512xi1>, vector<64x512xf32>
    %add3A_93 = arith.addf %add3A_71, %select_n3A_92 : vector<64x512xf32>
    %get3A_94 = arith.constant 0 : index
    %get3A_95 = arith.constant 4 : index
    %get3A_96 = arith.constant 0 : index
    %get3A_97 = arith.constant 0 : index
    %get3A_98 = vector.load %arg2[%get3A_94, %get3A_95, %get3A_96, %get3A_97] : memref<1x21x64x512xf32, #tpu.memory_space<vmem>>, vector<1x1x64x512xf32>
    %get3A_99 = vector.shape_cast %get3A_98 : vector<1x1x64x512xf32> to vector<64x512xf32>
    %max3A_100 = arith.constant 9.99999993E-9 : f32
    %max3A_101 = vector.broadcast %max3A_100 : f32 to vector<64x512xf32>
    %max3A_102 = arith.maximumf %get3A_99, %max3A_101 : vector<64x512xf32>
    %add3A_103 = arith.addf %add3A_81, %max3A_102 : vector<64x512xf32>
    %eq3A_104 = arith.constant 4 : i32
    %eq3A_105 = vector.broadcast %eq3A_104 : i32 to vector<64x512xi32>
    %eq3A_106 = arith.cmpi eq, %get3A_4, %eq3A_105 : vector<64x512xi32>
    %select_n3A_107 = arith.select %eq3A_106, %max3A_102, %select_n3A_85 : vector<64x512xi1>, vector<64x512xf32>
    %get3A_108 = arith.constant 0 : index
    %get3A_109 = arith.constant 4 : index
    %get3A_110 = memref.load %arg4[%get3A_108, %get3A_109] : memref<1x21xf32, #tpu.memory_space<smem>>
    %jit3A_111 = arith.constant 0.000000e+00 : f32
    %broadcast_in_dim3A_112 = vector.broadcast %get3A_110 : f32 to vector<64x512xf32>
    %broadcast_in_dim3A_113 = vector.broadcast %jit3A_111 : f32 to vector<64x512xf32>
    %select_n3A_114 = arith.select %eq3A_106, %broadcast_in_dim3A_112, %broadcast_in_dim3A_113 : vector<64x512xi1>, vector<64x512xf32>
    %add3A_115 = arith.addf %add3A_93, %select_n3A_114 : vector<64x512xf32>
    %get3A_116 = arith.constant 0 : index
    %get3A_117 = arith.constant 5 : index
    %get3A_118 = arith.constant 0 : index
    %get3A_119 = arith.constant 0 : index
    %get3A_120 = vector.load %arg2[%get3A_116, %get3A_117, %get3A_118, %get3A_119] : memref<1x21x64x512xf32, #tpu.memory_space<vmem>>, vector<1x1x64x512xf32>
    %get3A_121 = vector.shape_cast %get3A_120 : vector<1x1x64x512xf32> to vector<64x512xf32>
    %max3A_122 = arith.constant 9.99999993E-9 : f32
    %max3A_123 = vector.broadcast %max3A_122 : f32 to vector<64x512xf32>
    %max3A_124 = arith.maximumf %get3A_121, %max3A_123 : vector<64x512xf32>
    %add3A_125 = arith.addf %add3A_103, %max3A_124 : vector<64x512xf32>
    %eq3A_126 = arith.constant 5 : i32
    %eq3A_127 = vector.broadcast %eq3A_126 : i32 to vector<64x512xi32>
    %eq3A_128 = arith.cmpi eq, %get3A_4, %eq3A_127 : vector<64x512xi32>
    %select_n3A_129 = arith.select %eq3A_128, %max3A_124, %select_n3A_107 : vector<64x512xi1>, vector<64x512xf32>
    %get3A_130 = arith.constant 0 : index
    %get3A_131 = arith.constant 5 : index
    %get3A_132 = memref.load %arg4[%get3A_130, %get3A_131] : memref<1x21xf32, #tpu.memory_space<smem>>
    %jit3A_133 = arith.constant 0.000000e+00 : f32
    %broadcast_in_dim3A_134 = vector.broadcast %get3A_132 : f32 to vector<64x512xf32>
    %broadcast_in_dim3A_135 = vector.broadcast %jit3A_133 : f32 to vector<64x512xf32>
    %select_n3A_136 = arith.select %eq3A_128, %broadcast_in_dim3A_134, %broadcast_in_dim3A_135 : vector<64x512xi1>, vector<64x512xf32>
    %add3A_137 = arith.addf %add3A_115, %select_n3A_136 : vector<64x512xf32>
    %get3A_138 = arith.constant 0 : index
    %get3A_139 = arith.constant 6 : index
    %get3A_140 = arith.constant 0 : index
    %get3A_141 = arith.constant 0 : index
    %get3A_142 = vector.load %arg2[%get3A_138, %get3A_139, %get3A_140, %get3A_141] : memref<1x21x64x512xf32, #tpu.memory_space<vmem>>, vector<1x1x64x512xf32>
    %get3A_143 = vector.shape_cast %get3A_142 : vector<1x1x64x512xf32> to vector<64x512xf32>
    %max3A_144 = arith.constant 9.99999993E-9 : f32
    %max3A_145 = vector.broadcast %max3A_144 : f32 to vector<64x512xf32>
    %max3A_146 = arith.maximumf %get3A_143, %max3A_145 : vector<64x512xf32>
    %add3A_147 = arith.addf %add3A_125, %max3A_146 : vector<64x512xf32>
    %eq3A_148 = arith.constant 6 : i32
    %eq3A_149 = vector.broadcast %eq3A_148 : i32 to vector<64x512xi32>
    %eq3A_150 = arith.cmpi eq, %get3A_4, %eq3A_149 : vector<64x512xi32>
    %select_n3A_151 = arith.select %eq3A_150, %max3A_146, %select_n3A_129 : vector<64x512xi1>, vector<64x512xf32>
    %get3A_152 = arith.constant 0 : index
    %get3A_153 = arith.constant 6 : index
    %get3A_154 = memref.load %arg4[%get3A_152, %get3A_153] : memref<1x21xf32, #tpu.memory_space<smem>>
    %jit3A_155 = arith.constant 0.000000e+00 : f32
    %broadcast_in_dim3A_156 = vector.broadcast %get3A_154 : f32 to vector<64x512xf32>
    %broadcast_in_dim3A_157 = vector.broadcast %jit3A_155 : f32 to vector<64x512xf32>
    %select_n3A_158 = arith.select %eq3A_150, %broadcast_in_dim3A_156, %broadcast_in_dim3A_157 : vector<64x512xi1>, vector<64x512xf32>
    %add3A_159 = arith.addf %add3A_137, %select_n3A_158 : vector<64x512xf32>
    %get3A_160 = arith.constant 0 : index
    %get3A_161 = arith.constant 7 : index
    %get3A_162 = arith.constant 0 : index
    %get3A_163 = arith.constant 0 : index
    %get3A_164 = vector.load %arg2[%get3A_160, %get3A_161, %get3A_162, %get3A_163] : memref<1x21x64x512xf32, #tpu.memory_space<vmem>>, vector<1x1x64x512xf32>
    %get3A_165 = vector.shape_cast %get3A_164 : vector<1x1x64x512xf32> to vector<64x512xf32>
    %max3A_166 = arith.constant 9.99999993E-9 : f32
    %max3A_167 = vector.broadcast %max3A_166 : f32 to vector<64x512xf32>
    %max3A_168 = arith.maximumf %get3A_165, %max3A_167 : vector<64x512xf32>
    %add3A_169 = arith.addf %add3A_147, %max3A_168 : vector<64x512xf32>
    %eq3A_170 = arith.constant 7 : i32
    %eq3A_171 = vector.broadcast %eq3A_170 : i32 to vector<64x512xi32>
    %eq3A_172 = arith.cmpi eq, %get3A_4, %eq3A_171 : vector<64x512xi32>
    %select_n3A_173 = arith.select %eq3A_172, %max3A_168, %select_n3A_151 : vector<64x512xi1>, vector<64x512xf32>
    %get3A_174 = arith.constant 0 : index
    %get3A_175 = arith.constant 7 : index
    %get3A_176 = memref.load %arg4[%get3A_174, %get3A_175] : memref<1x21xf32, #tpu.memory_space<smem>>
    %jit3A_177 = arith.constant 0.000000e+00 : f32
    %broadcast_in_dim3A_178 = vector.broadcast %get3A_176 : f32 to vector<64x512xf32>
    %broadcast_in_dim3A_179 = vector.broadcast %jit3A_177 : f32 to vector<64x512xf32>
    %select_n3A_180 = arith.select %eq3A_172, %broadcast_in_dim3A_178, %broadcast_in_dim3A_179 : vector<64x512xi1>, vector<64x512xf32>
    %add3A_181 = arith.addf %add3A_159, %select_n3A_180 : vector<64x512xf32>
    %get3A_182 = arith.constant 0 : index
    %get3A_183 = arith.constant 8 : index
    %get3A_184 = arith.constant 0 : index
    %get3A_185 = arith.constant 0 : index
    %get3A_186 = vector.load %arg2[%get3A_182, %get3A_183, %get3A_184, %get3A_185] : memref<1x21x64x512xf32, #tpu.memory_space<vmem>>, vector<1x1x64x512xf32>
    %get3A_187 = vector.shape_cast %get3A_186 : vector<1x1x64x512xf32> to vector<64x512xf32>
    %max3A_188 = arith.constant 9.99999993E-9 : f32
    %max3A_189 = vector.broadcast %max3A_188 : f32 to vector<64x512xf32>
    %max3A_190 = arith.maximumf %get3A_187, %max3A_189 : vector<64x512xf32>
    %add3A_191 = arith.addf %add3A_169, %max3A_190 : vector<64x512xf32>
    %eq3A_192 = arith.constant 8 : i32
    %eq3A_193 = vector.broadcast %eq3A_192 : i32 to vector<64x512xi32>
    %eq3A_194 = arith.cmpi eq, %get3A_4, %eq3A_193 : vector<64x512xi32>
    %select_n3A_195 = arith.select %eq3A_194, %max3A_190, %select_n3A_173 : vector<64x512xi1>, vector<64x512xf32>
    %get3A_196 = arith.constant 0 : index
    %get3A_197 = arith.constant 8 : index
    %get3A_198 = memref.load %arg4[%get3A_196, %get3A_197] : memref<1x21xf32, #tpu.memory_space<smem>>
    %jit3A_199 = arith.constant 0.000000e+00 : f32
    %broadcast_in_dim3A_200 = vector.broadcast %get3A_198 : f32 to vector<64x512xf32>
    %broadcast_in_dim3A_201 = vector.broadcast %jit3A_199 : f32 to vector<64x512xf32>
    %select_n3A_202 = arith.select %eq3A_194, %broadcast_in_dim3A_200, %broadcast_in_dim3A_201 : vector<64x512xi1>, vector<64x512xf32>
    %add3A_203 = arith.addf %add3A_181, %select_n3A_202 : vector<64x512xf32>
    %get3A_204 = arith.constant 0 : index
    %get3A_205 = arith.constant 9 : index
    %get3A_206 = arith.constant 0 : index
    %get3A_207 = arith.constant 0 : index
    %get3A_208 = vector.load %arg2[%get3A_204, %get3A_205, %get3A_206, %get3A_207] : memref<1x21x64x512xf32, #tpu.memory_space<vmem>>, vector<1x1x64x512xf32>
    %get3A_209 = vector.shape_cast %get3A_208 : vector<1x1x64x512xf32> to vector<64x512xf32>
    %max3A_210 = arith.constant 9.99999993E-9 : f32
    %max3A_211 = vector.broadcast %max3A_210 : f32 to vector<64x512xf32>
    %max3A_212 = arith.maximumf %get3A_209, %max3A_211 : vector<64x512xf32>
    %add3A_213 = arith.addf %add3A_191, %max3A_212 : vector<64x512xf32>
    %eq3A_214 = arith.constant 9 : i32
    %eq3A_215 = vector.broadcast %eq3A_214 : i32 to vector<64x512xi32>
    %eq3A_216 = arith.cmpi eq, %get3A_4, %eq3A_215 : vector<64x512xi32>
    %select_n3A_217 = arith.select %eq3A_216, %max3A_212, %select_n3A_195 : vector<64x512xi1>, vector<64x512xf32>
    %get3A_218 = arith.constant 0 : index
    %get3A_219 = arith.constant 9 : index
    %get3A_220 = memref.load %arg4[%get3A_218, %get3A_219] : memref<1x21xf32, #tpu.memory_space<smem>>
    %jit3A_221 = arith.constant 0.000000e+00 : f32
    %broadcast_in_dim3A_222 = vector.broadcast %get3A_220 : f32 to vector<64x512xf32>
    %broadcast_in_dim3A_223 = vector.broadcast %jit3A_221 : f32 to vector<64x512xf32>
    %select_n3A_224 = arith.select %eq3A_216, %broadcast_in_dim3A_222, %broadcast_in_dim3A_223 : vector<64x512xi1>, vector<64x512xf32>
    %add3A_225 = arith.addf %add3A_203, %select_n3A_224 : vector<64x512xf32>
    %get3A_226 = arith.constant 0 : index
    %get3A_227 = arith.constant 10 : index
    %get3A_228 = arith.constant 0 : index
    %get3A_229 = arith.constant 0 : index
    %get3A_230 = vector.load %arg2[%get3A_226, %get3A_227, %get3A_228, %get3A_229] : memref<1x21x64x512xf32, #tpu.memory_space<vmem>>, vector<1x1x64x512xf32>
    %get3A_231 = vector.shape_cast %get3A_230 : vector<1x1x64x512xf32> to vector<64x512xf32>
    %max3A_232 = arith.constant 9.99999993E-9 : f32
    %max3A_233 = vector.broadcast %max3A_232 : f32 to vector<64x512xf32>
    %max3A_234 = arith.maximumf %get3A_231, %max3A_233 : vector<64x512xf32>
    %add3A_235 = arith.addf %add3A_213, %max3A_234 : vector<64x512xf32>
    %eq3A_236 = arith.constant 10 : i32
    %eq3A_237 = vector.broadcast %eq3A_236 : i32 to vector<64x512xi32>
    %eq3A_238 = arith.cmpi eq, %get3A_4, %eq3A_237 : vector<64x512xi32>
    %select_n3A_239 = arith.select %eq3A_238, %max3A_234, %select_n3A_217 : vector<64x512xi1>, vector<64x512xf32>
    %get3A_240 = arith.constant 0 : index
    %get3A_241 = arith.constant 10 : index
    %get3A_242 = memref.load %arg4[%get3A_240, %get3A_241] : memref<1x21xf32, #tpu.memory_space<smem>>
    %jit3A_243 = arith.constant 0.000000e+00 : f32
    %broadcast_in_dim3A_244 = vector.broadcast %get3A_242 : f32 to vector<64x512xf32>
    %broadcast_in_dim3A_245 = vector.broadcast %jit3A_243 : f32 to vector<64x512xf32>
    %select_n3A_246 = arith.select %eq3A_238, %broadcast_in_dim3A_244, %broadcast_in_dim3A_245 : vector<64x512xi1>, vector<64x512xf32>
    %add3A_247 = arith.addf %add3A_225, %select_n3A_246 : vector<64x512xf32>
    %get3A_248 = arith.constant 0 : index
    %get3A_249 = arith.constant 11 : index
    %get3A_250 = arith.constant 0 : index
    %get3A_251 = arith.constant 0 : index
    %get3A_252 = vector.load %arg2[%get3A_248, %get3A_249, %get3A_250, %get3A_251] : memref<1x21x64x512xf32, #tpu.memory_space<vmem>>, vector<1x1x64x512xf32>
    %get3A_253 = vector.shape_cast %get3A_252 : vector<1x1x64x512xf32> to vector<64x512xf32>
    %max3A_254 = arith.constant 9.99999993E-9 : f32
    %max3A_255 = vector.broadcast %max3A_254 : f32 to vector<64x512xf32>
    %max3A_256 = arith.maximumf %get3A_253, %max3A_255 : vector<64x512xf32>
    %add3A_257 = arith.addf %add3A_235, %max3A_256 : vector<64x512xf32>
    %eq3A_258 = arith.constant 11 : i32
    %eq3A_259 = vector.broadcast %eq3A_258 : i32 to vector<64x512xi32>
    %eq3A_260 = arith.cmpi eq, %get3A_4, %eq3A_259 : vector<64x512xi32>
    %select_n3A_261 = arith.select %eq3A_260, %max3A_256, %select_n3A_239 : vector<64x512xi1>, vector<64x512xf32>
    %get3A_262 = arith.constant 0 : index
    %get3A_263 = arith.constant 11 : index
    %get3A_264 = memref.load %arg4[%get3A_262, %get3A_263] : memref<1x21xf32, #tpu.memory_space<smem>>
    %jit3A_265 = arith.constant 0.000000e+00 : f32
    %broadcast_in_dim3A_266 = vector.broadcast %get3A_264 : f32 to vector<64x512xf32>
    %broadcast_in_dim3A_267 = vector.broadcast %jit3A_265 : f32 to vector<64x512xf32>
    %select_n3A_268 = arith.select %eq3A_260, %broadcast_in_dim3A_266, %broadcast_in_dim3A_267 : vector<64x512xi1>, vector<64x512xf32>
    %add3A_269 = arith.addf %add3A_247, %select_n3A_268 : vector<64x512xf32>
    %get3A_270 = arith.constant 0 : index
    %get3A_271 = arith.constant 12 : index
    %get3A_272 = arith.constant 0 : index
    %get3A_273 = arith.constant 0 : index
    %get3A_274 = vector.load %arg2[%get3A_270, %get3A_271, %get3A_272, %get3A_273] : memref<1x21x64x512xf32, #tpu.memory_space<vmem>>, vector<1x1x64x512xf32>
    %get3A_275 = vector.shape_cast %get3A_274 : vector<1x1x64x512xf32> to vector<64x512xf32>
    %max3A_276 = arith.constant 9.99999993E-9 : f32
    %max3A_277 = vector.broadcast %max3A_276 : f32 to vector<64x512xf32>
    %max3A_278 = arith.maximumf %get3A_275, %max3A_277 : vector<64x512xf32>
    %add3A_279 = arith.addf %add3A_257, %max3A_278 : vector<64x512xf32>
    %eq3A_280 = arith.constant 12 : i32
    %eq3A_281 = vector.broadcast %eq3A_280 : i32 to vector<64x512xi32>
    %eq3A_282 = arith.cmpi eq, %get3A_4, %eq3A_281 : vector<64x512xi32>
    %select_n3A_283 = arith.select %eq3A_282, %max3A_278, %select_n3A_261 : vector<64x512xi1>, vector<64x512xf32>
    %get3A_284 = arith.constant 0 : index
    %get3A_285 = arith.constant 12 : index
    %get3A_286 = memref.load %arg4[%get3A_284, %get3A_285] : memref<1x21xf32, #tpu.memory_space<smem>>
    %jit3A_287 = arith.constant 0.000000e+00 : f32
    %broadcast_in_dim3A_288 = vector.broadcast %get3A_286 : f32 to vector<64x512xf32>
    %broadcast_in_dim3A_289 = vector.broadcast %jit3A_287 : f32 to vector<64x512xf32>
    %select_n3A_290 = arith.select %eq3A_282, %broadcast_in_dim3A_288, %broadcast_in_dim3A_289 : vector<64x512xi1>, vector<64x512xf32>
    %add3A_291 = arith.addf %add3A_269, %select_n3A_290 : vector<64x512xf32>
    %get3A_292 = arith.constant 0 : index
    %get3A_293 = arith.constant 13 : index
    %get3A_294 = arith.constant 0 : index
    %get3A_295 = arith.constant 0 : index
    %get3A_296 = vector.load %arg2[%get3A_292, %get3A_293, %get3A_294, %get3A_295] : memref<1x21x64x512xf32, #tpu.memory_space<vmem>>, vector<1x1x64x512xf32>
    %get3A_297 = vector.shape_cast %get3A_296 : vector<1x1x64x512xf32> to vector<64x512xf32>
    %max3A_298 = arith.constant 9.99999993E-9 : f32
    %max3A_299 = vector.broadcast %max3A_298 : f32 to vector<64x512xf32>
    %max3A_300 = arith.maximumf %get3A_297, %max3A_299 : vector<64x512xf32>
    %add3A_301 = arith.addf %add3A_279, %max3A_300 : vector<64x512xf32>
    %eq3A_302 = arith.constant 13 : i32
    %eq3A_303 = vector.broadcast %eq3A_302 : i32 to vector<64x512xi32>
    %eq3A_304 = arith.cmpi eq, %get3A_4, %eq3A_303 : vector<64x512xi32>
    %select_n3A_305 = arith.select %eq3A_304, %max3A_300, %select_n3A_283 : vector<64x512xi1>, vector<64x512xf32>
    %get3A_306 = arith.constant 0 : index
    %get3A_307 = arith.constant 13 : index
    %get3A_308 = memref.load %arg4[%get3A_306, %get3A_307] : memref<1x21xf32, #tpu.memory_space<smem>>
    %jit3A_309 = arith.constant 0.000000e+00 : f32
    %broadcast_in_dim3A_310 = vector.broadcast %get3A_308 : f32 to vector<64x512xf32>
    %broadcast_in_dim3A_311 = vector.broadcast %jit3A_309 : f32 to vector<64x512xf32>
    %select_n3A_312 = arith.select %eq3A_304, %broadcast_in_dim3A_310, %broadcast_in_dim3A_311 : vector<64x512xi1>, vector<64x512xf32>
    %add3A_313 = arith.addf %add3A_291, %select_n3A_312 : vector<64x512xf32>
    %get3A_314 = arith.constant 0 : index
    %get3A_315 = arith.constant 14 : index
    %get3A_316 = arith.constant 0 : index
    %get3A_317 = arith.constant 0 : index
    %get3A_318 = vector.load %arg2[%get3A_314, %get3A_315, %get3A_316, %get3A_317] : memref<1x21x64x512xf32, #tpu.memory_space<vmem>>, vector<1x1x64x512xf32>
    %get3A_319 = vector.shape_cast %get3A_318 : vector<1x1x64x512xf32> to vector<64x512xf32>
    %max3A_320 = arith.constant 9.99999993E-9 : f32
    %max3A_321 = vector.broadcast %max3A_320 : f32 to vector<64x512xf32>
    %max3A_322 = arith.maximumf %get3A_319, %max3A_321 : vector<64x512xf32>
    %add3A_323 = arith.addf %add3A_301, %max3A_322 : vector<64x512xf32>
    %eq3A_324 = arith.constant 14 : i32
    %eq3A_325 = vector.broadcast %eq3A_324 : i32 to vector<64x512xi32>
    %eq3A_326 = arith.cmpi eq, %get3A_4, %eq3A_325 : vector<64x512xi32>
    %select_n3A_327 = arith.select %eq3A_326, %max3A_322, %select_n3A_305 : vector<64x512xi1>, vector<64x512xf32>
    %get3A_328 = arith.constant 0 : index
    %get3A_329 = arith.constant 14 : index
    %get3A_330 = memref.load %arg4[%get3A_328, %get3A_329] : memref<1x21xf32, #tpu.memory_space<smem>>
    %jit3A_331 = arith.constant 0.000000e+00 : f32
    %broadcast_in_dim3A_332 = vector.broadcast %get3A_330 : f32 to vector<64x512xf32>
    %broadcast_in_dim3A_333 = vector.broadcast %jit3A_331 : f32 to vector<64x512xf32>
    %select_n3A_334 = arith.select %eq3A_326, %broadcast_in_dim3A_332, %broadcast_in_dim3A_333 : vector<64x512xi1>, vector<64x512xf32>
    %add3A_335 = arith.addf %add3A_313, %select_n3A_334 : vector<64x512xf32>
    %get3A_336 = arith.constant 0 : index
    %get3A_337 = arith.constant 15 : index
    %get3A_338 = arith.constant 0 : index
    %get3A_339 = arith.constant 0 : index
    %get3A_340 = vector.load %arg2[%get3A_336, %get3A_337, %get3A_338, %get3A_339] : memref<1x21x64x512xf32, #tpu.memory_space<vmem>>, vector<1x1x64x512xf32>
    %get3A_341 = vector.shape_cast %get3A_340 : vector<1x1x64x512xf32> to vector<64x512xf32>
    %max3A_342 = arith.constant 9.99999993E-9 : f32
    %max3A_343 = vector.broadcast %max3A_342 : f32 to vector<64x512xf32>
    %max3A_344 = arith.maximumf %get3A_341, %max3A_343 : vector<64x512xf32>
    %add3A_345 = arith.addf %add3A_323, %max3A_344 : vector<64x512xf32>
    %eq3A_346 = arith.constant 15 : i32
    %eq3A_347 = vector.broadcast %eq3A_346 : i32 to vector<64x512xi32>
    %eq3A_348 = arith.cmpi eq, %get3A_4, %eq3A_347 : vector<64x512xi32>
    %select_n3A_349 = arith.select %eq3A_348, %max3A_344, %select_n3A_327 : vector<64x512xi1>, vector<64x512xf32>
    %get3A_350 = arith.constant 0 : index
    %get3A_351 = arith.constant 15 : index
    %get3A_352 = memref.load %arg4[%get3A_350, %get3A_351] : memref<1x21xf32, #tpu.memory_space<smem>>
    %jit3A_353 = arith.constant 0.000000e+00 : f32
    %broadcast_in_dim3A_354 = vector.broadcast %get3A_352 : f32 to vector<64x512xf32>
    %broadcast_in_dim3A_355 = vector.broadcast %jit3A_353 : f32 to vector<64x512xf32>
    %select_n3A_356 = arith.select %eq3A_348, %broadcast_in_dim3A_354, %broadcast_in_dim3A_355 : vector<64x512xi1>, vector<64x512xf32>
    %add3A_357 = arith.addf %add3A_335, %select_n3A_356 : vector<64x512xf32>
    %get3A_358 = arith.constant 0 : index
    %get3A_359 = arith.constant 16 : index
    %get3A_360 = arith.constant 0 : index
    %get3A_361 = arith.constant 0 : index
    %get3A_362 = vector.load %arg2[%get3A_358, %get3A_359, %get3A_360, %get3A_361] : memref<1x21x64x512xf32, #tpu.memory_space<vmem>>, vector<1x1x64x512xf32>
    %get3A_363 = vector.shape_cast %get3A_362 : vector<1x1x64x512xf32> to vector<64x512xf32>
    %max3A_364 = arith.constant 9.99999993E-9 : f32
    %max3A_365 = vector.broadcast %max3A_364 : f32 to vector<64x512xf32>
    %max3A_366 = arith.maximumf %get3A_363, %max3A_365 : vector<64x512xf32>
    %add3A_367 = arith.addf %add3A_345, %max3A_366 : vector<64x512xf32>
    %eq3A_368 = arith.constant 16 : i32
    %eq3A_369 = vector.broadcast %eq3A_368 : i32 to vector<64x512xi32>
    %eq3A_370 = arith.cmpi eq, %get3A_4, %eq3A_369 : vector<64x512xi32>
    %select_n3A_371 = arith.select %eq3A_370, %max3A_366, %select_n3A_349 : vector<64x512xi1>, vector<64x512xf32>
    %get3A_372 = arith.constant 0 : index
    %get3A_373 = arith.constant 16 : index
    %get3A_374 = memref.load %arg4[%get3A_372, %get3A_373] : memref<1x21xf32, #tpu.memory_space<smem>>
    %jit3A_375 = arith.constant 0.000000e+00 : f32
    %broadcast_in_dim3A_376 = vector.broadcast %get3A_374 : f32 to vector<64x512xf32>
    %broadcast_in_dim3A_377 = vector.broadcast %jit3A_375 : f32 to vector<64x512xf32>
    %select_n3A_378 = arith.select %eq3A_370, %broadcast_in_dim3A_376, %broadcast_in_dim3A_377 : vector<64x512xi1>, vector<64x512xf32>
    %add3A_379 = arith.addf %add3A_357, %select_n3A_378 : vector<64x512xf32>
    %get3A_380 = arith.constant 0 : index
    %get3A_381 = arith.constant 17 : index
    %get3A_382 = arith.constant 0 : index
    %get3A_383 = arith.constant 0 : index
    %get3A_384 = vector.load %arg2[%get3A_380, %get3A_381, %get3A_382, %get3A_383] : memref<1x21x64x512xf32, #tpu.memory_space<vmem>>, vector<1x1x64x512xf32>
    %get3A_385 = vector.shape_cast %get3A_384 : vector<1x1x64x512xf32> to vector<64x512xf32>
    %max3A_386 = arith.constant 9.99999993E-9 : f32
    %max3A_387 = vector.broadcast %max3A_386 : f32 to vector<64x512xf32>
    %max3A_388 = arith.maximumf %get3A_385, %max3A_387 : vector<64x512xf32>
    %add3A_389 = arith.addf %add3A_367, %max3A_388 : vector<64x512xf32>
    %eq3A_390 = arith.constant 17 : i32
    %eq3A_391 = vector.broadcast %eq3A_390 : i32 to vector<64x512xi32>
    %eq3A_392 = arith.cmpi eq, %get3A_4, %eq3A_391 : vector<64x512xi32>
    %select_n3A_393 = arith.select %eq3A_392, %max3A_388, %select_n3A_371 : vector<64x512xi1>, vector<64x512xf32>
    %get3A_394 = arith.constant 0 : index
    %get3A_395 = arith.constant 17 : index
    %get3A_396 = memref.load %arg4[%get3A_394, %get3A_395] : memref<1x21xf32, #tpu.memory_space<smem>>
    %jit3A_397 = arith.constant 0.000000e+00 : f32
    %broadcast_in_dim3A_398 = vector.broadcast %get3A_396 : f32 to vector<64x512xf32>
    %broadcast_in_dim3A_399 = vector.broadcast %jit3A_397 : f32 to vector<64x512xf32>
    %select_n3A_400 = arith.select %eq3A_392, %broadcast_in_dim3A_398, %broadcast_in_dim3A_399 : vector<64x512xi1>, vector<64x512xf32>
    %add3A_401 = arith.addf %add3A_379, %select_n3A_400 : vector<64x512xf32>
    %get3A_402 = arith.constant 0 : index
    %get3A_403 = arith.constant 18 : index
    %get3A_404 = arith.constant 0 : index
    %get3A_405 = arith.constant 0 : index
    %get3A_406 = vector.load %arg2[%get3A_402, %get3A_403, %get3A_404, %get3A_405] : memref<1x21x64x512xf32, #tpu.memory_space<vmem>>, vector<1x1x64x512xf32>
    %get3A_407 = vector.shape_cast %get3A_406 : vector<1x1x64x512xf32> to vector<64x512xf32>
    %max3A_408 = arith.constant 9.99999993E-9 : f32
    %max3A_409 = vector.broadcast %max3A_408 : f32 to vector<64x512xf32>
    %max3A_410 = arith.maximumf %get3A_407, %max3A_409 : vector<64x512xf32>
    %add3A_411 = arith.addf %add3A_389, %max3A_410 : vector<64x512xf32>
    %eq3A_412 = arith.constant 18 : i32
    %eq3A_413 = vector.broadcast %eq3A_412 : i32 to vector<64x512xi32>
    %eq3A_414 = arith.cmpi eq, %get3A_4, %eq3A_413 : vector<64x512xi32>
    %select_n3A_415 = arith.select %eq3A_414, %max3A_410, %select_n3A_393 : vector<64x512xi1>, vector<64x512xf32>
    %get3A_416 = arith.constant 0 : index
    %get3A_417 = arith.constant 18 : index
    %get3A_418 = memref.load %arg4[%get3A_416, %get3A_417] : memref<1x21xf32, #tpu.memory_space<smem>>
    %jit3A_419 = arith.constant 0.000000e+00 : f32
    %broadcast_in_dim3A_420 = vector.broadcast %get3A_418 : f32 to vector<64x512xf32>
    %broadcast_in_dim3A_421 = vector.broadcast %jit3A_419 : f32 to vector<64x512xf32>
    %select_n3A_422 = arith.select %eq3A_414, %broadcast_in_dim3A_420, %broadcast_in_dim3A_421 : vector<64x512xi1>, vector<64x512xf32>
    %add3A_423 = arith.addf %add3A_401, %select_n3A_422 : vector<64x512xf32>
    %get3A_424 = arith.constant 0 : index
    %get3A_425 = arith.constant 19 : index
    %get3A_426 = arith.constant 0 : index
    %get3A_427 = arith.constant 0 : index
    %get3A_428 = vector.load %arg2[%get3A_424, %get3A_425, %get3A_426, %get3A_427] : memref<1x21x64x512xf32, #tpu.memory_space<vmem>>, vector<1x1x64x512xf32>
    %get3A_429 = vector.shape_cast %get3A_428 : vector<1x1x64x512xf32> to vector<64x512xf32>
    %max3A_430 = arith.constant 9.99999993E-9 : f32
    %max3A_431 = vector.broadcast %max3A_430 : f32 to vector<64x512xf32>
    %max3A_432 = arith.maximumf %get3A_429, %max3A_431 : vector<64x512xf32>
    %add3A_433 = arith.addf %add3A_411, %max3A_432 : vector<64x512xf32>
    %eq3A_434 = arith.constant 19 : i32
    %eq3A_435 = vector.broadcast %eq3A_434 : i32 to vector<64x512xi32>
    %eq3A_436 = arith.cmpi eq, %get3A_4, %eq3A_435 : vector<64x512xi32>
    %select_n3A_437 = arith.select %eq3A_436, %max3A_432, %select_n3A_415 : vector<64x512xi1>, vector<64x512xf32>
    %get3A_438 = arith.constant 0 : index
    %get3A_439 = arith.constant 19 : index
    %get3A_440 = memref.load %arg4[%get3A_438, %get3A_439] : memref<1x21xf32, #tpu.memory_space<smem>>
    %jit3A_441 = arith.constant 0.000000e+00 : f32
    %broadcast_in_dim3A_442 = vector.broadcast %get3A_440 : f32 to vector<64x512xf32>
    %broadcast_in_dim3A_443 = vector.broadcast %jit3A_441 : f32 to vector<64x512xf32>
    %select_n3A_444 = arith.select %eq3A_436, %broadcast_in_dim3A_442, %broadcast_in_dim3A_443 : vector<64x512xi1>, vector<64x512xf32>
    %add3A_445 = arith.addf %add3A_423, %select_n3A_444 : vector<64x512xf32>
    %get3A_446 = arith.constant 0 : index
    %get3A_447 = arith.constant 20 : index
    %get3A_448 = arith.constant 0 : index
    %get3A_449 = arith.constant 0 : index
    %get3A_450 = vector.load %arg2[%get3A_446, %get3A_447, %get3A_448, %get3A_449] : memref<1x21x64x512xf32, #tpu.memory_space<vmem>>, vector<1x1x64x512xf32>
    %get3A_451 = vector.shape_cast %get3A_450 : vector<1x1x64x512xf32> to vector<64x512xf32>
    %max3A_452 = arith.constant 9.99999993E-9 : f32
    %max3A_453 = vector.broadcast %max3A_452 : f32 to vector<64x512xf32>
    %max3A_454 = arith.maximumf %get3A_451, %max3A_453 : vector<64x512xf32>
    %add3A_455 = arith.addf %add3A_433, %max3A_454 : vector<64x512xf32>
    %eq3A_456 = arith.constant 20 : i32
    %eq3A_457 = vector.broadcast %eq3A_456 : i32 to vector<64x512xi32>
    %eq3A_458 = arith.cmpi eq, %get3A_4, %eq3A_457 : vector<64x512xi32>
    %select_n3A_459 = arith.select %eq3A_458, %max3A_454, %select_n3A_437 : vector<64x512xi1>, vector<64x512xf32>
    %get3A_460 = arith.constant 0 : index
    %get3A_461 = arith.constant 20 : index
    %get3A_462 = memref.load %arg4[%get3A_460, %get3A_461] : memref<1x21xf32, #tpu.memory_space<smem>>
    %jit3A_463 = arith.constant 0.000000e+00 : f32
    %broadcast_in_dim3A_464 = vector.broadcast %get3A_462 : f32 to vector<64x512xf32>
    %broadcast_in_dim3A_465 = vector.broadcast %jit3A_463 : f32 to vector<64x512xf32>
    %select_n3A_466 = arith.select %eq3A_458, %broadcast_in_dim3A_464, %broadcast_in_dim3A_465 : vector<64x512xi1>, vector<64x512xf32>
    %add3A_467 = arith.addf %add3A_445, %select_n3A_466 : vector<64x512xf32>
    %log3A = math.log %select_n3A_459 : vector<64x512xf32>
    %log3A_468 = math.log %add3A_455 : vector<64x512xf32>
    %sub3A = arith.subf %log3A, %log3A_468 : vector<64x512xf32>
    %mul3A_469 = arith.mulf %add3A_467, %sub3A : vector<64x512xf32>
    %reduce_sum3A = vector.shape_cast %mul3A_469 : vector<64x512xf32> to vector<1x64x512xf32>
    %reduce_sum3A_470 = arith.constant dense<0.000000e+00> : vector<1xf32>
    %reduce_sum3A_471 = vector.multi_reduction <add>, %reduce_sum3A, %reduce_sum3A_470 [1, 2] : vector<1x64x512xf32> to vector<1xf32>
    %reduce_sum3A_472 = vector.shape_cast %reduce_sum3A_471 : vector<1xf32> to vector<1x1x1xf32>
    %reduce_sum3A_473 = vector.extract %reduce_sum3A_472[0, 0, 0] : f32 from vector<1x1x1xf32>
    %reduce_sum3A_474 = vector.shape_cast %add3A_467 : vector<64x512xf32> to vector<1x64x512xf32>
    %reduce_sum3A_475 = arith.constant dense<0.000000e+00> : vector<1xf32>
    %reduce_sum3A_476 = vector.multi_reduction <add>, %reduce_sum3A_474, %reduce_sum3A_475 [1, 2] : vector<1x64x512xf32> to vector<1xf32>
    %reduce_sum3A_477 = vector.shape_cast %reduce_sum3A_476 : vector<1xf32> to vector<1x1x1xf32>
    %reduce_sum3A_478 = vector.extract %reduce_sum3A_477[0, 0, 0] : f32 from vector<1x1x1xf32>
    %eq3A_479 = arith.constant 0 : i32
    %eq3A_480 = arith.cmpi eq, %add3A, %eq3A_479 : i32
    %convert_element_type3A = arith.extui %eq3A_480 : i1 to i32
    %cond3A = arith.constant 0 : i32
    %cond3A_481 = arith.cmpi ne, %convert_element_type3A, %cond3A : i32
    scf.if %cond3A_481 {
      %swap3A_495 = arith.constant 0.000000e+00 : f32
      %swap3A_496 = arith.constant 0 : index
      %swap3A_497 = arith.constant 0 : index
      %swap3A_498 = memref.load %arg5[%swap3A_496, %swap3A_497] : memref<1x2xf32, #tpu.memory_space<smem>>
      memref.store %swap3A_495, %arg5[%swap3A_496, %swap3A_497] : memref<1x2xf32, #tpu.memory_space<smem>>
      %swap3A_499 = arith.constant 0.000000e+00 : f32
      %swap3A_500 = arith.constant 0 : index
      %swap3A_501 = arith.constant 1 : index
      %swap3A_502 = memref.load %arg5[%swap3A_500, %swap3A_501] : memref<1x2xf32, #tpu.memory_space<smem>>
      memref.store %swap3A_499, %arg5[%swap3A_500, %swap3A_501] : memref<1x2xf32, #tpu.memory_space<smem>>
    } else {
    }
    %get3A_482 = arith.constant 0 : index
    %get3A_483 = arith.constant 0 : index
    %get3A_484 = memref.load %arg5[%get3A_482, %get3A_483] : memref<1x2xf32, #tpu.memory_space<smem>>
    %add3A_485 = arith.addf %get3A_484, %reduce_sum3A_473 : f32
    %swap3A = arith.constant 0 : index
    %swap3A_486 = arith.constant 0 : index
    %swap3A_487 = memref.load %arg5[%swap3A, %swap3A_486] : memref<1x2xf32, #tpu.memory_space<smem>>
    memref.store %add3A_485, %arg5[%swap3A, %swap3A_486] : memref<1x2xf32, #tpu.memory_space<smem>>
    %get3A_488 = arith.constant 0 : index
    %get3A_489 = arith.constant 1 : index
    %get3A_490 = memref.load %arg5[%get3A_488, %get3A_489] : memref<1x2xf32, #tpu.memory_space<smem>>
    %add3A_491 = arith.addf %get3A_490, %reduce_sum3A_478 : f32
    %swap3A_492 = arith.constant 0 : index
    %swap3A_493 = arith.constant 1 : index
    %swap3A_494 = memref.load %arg5[%swap3A_492, %swap3A_493] : memref<1x2xf32, #tpu.memory_space<smem>>
    memref.store %add3A_491, %arg5[%swap3A_492, %swap3A_493] : memref<1x2xf32, #tpu.memory_space<smem>>
    return
  }
  func.func @transform_0(%arg0: i32, %arg1: i32) -> (i32, i32, i32, i32) {
    %c0_i32 = arith.constant 0 : i32
    %c0_i32_0 = arith.constant 0 : i32
    %c0_i32_1 = arith.constant 0 : i32
    return %arg0, %c0_i32, %arg1, %c0_i32_0 : i32, i32, i32, i32
  }
  func.func @transform_1(%arg0: i32, %arg1: i32) -> (i32, i32, i32) {
    %c0_i32 = arith.constant 0 : i32
    %c0_i32_0 = arith.constant 0 : i32
    return %arg0, %arg1, %c0_i32 : i32, i32, i32
  }
  func.func @transform_2(%arg0: i32, %arg1: i32) -> (i32, i32) {
    %c0_i32 = arith.constant 0 : i32
    %c0_i32_0 = arith.constant 0 : i32
    %c0_i32_1 = arith.constant 0 : i32
    return %c0_i32, %c0_i32_0 : i32, i32
  }
  func.func @transform_3(%arg0: i32, %arg1: i32) -> (i32, i32) {
    %c0_i32 = arith.constant 0 : i32
    %c0_i32_0 = arith.constant 0 : i32
    %c0_i32_1 = arith.constant 0 : i32
    return %c0_i32, %c0_i32_0 : i32, i32
  }
}

module attributes {stable_mosaic.version = 14 : i64} {
  func.func @_combine_body(%arg0: memref<4x8x21x512xf32, #tpu.memory_space<vmem>>, %arg1: memref<4x8x21x512xf32, #tpu.memory_space<vmem>>, %arg2: memref<1x2xf32, #tpu.memory_space<smem>>, %arg3: memref<1x1xf32, #tpu.memory_space<smem>>) attributes {dimension_semantics = [], scalar_prefetch = 0 : i64, scratch_operands = 0 : i64, tpu.core_type = #tpu.core_type<tc>} {
    %get3A = arith.constant 0 : index
    %get3A_0 = arith.constant 0 : index
    %get3A_1 = arith.constant 0 : index
    %get3A_2 = arith.constant 0 : index
    %get3A_3 = vector.load %arg0[%get3A, %get3A_0, %get3A_1, %get3A_2] : memref<4x8x21x512xf32, #tpu.memory_space<vmem>>, vector<4x8x21x512xf32>
    %reduce_sum3A = arith.constant dense<0.000000e+00> : vector<4x21x512xf32>
    %reduce_sum3A_4 = vector.multi_reduction <add>, %get3A_3, %reduce_sum3A [1] : vector<4x8x21x512xf32> to vector<4x21x512xf32>
    %get3A_5 = arith.constant 0 : index
    %get3A_6 = arith.constant 0 : index
    %get3A_7 = arith.constant 0 : index
    %get3A_8 = arith.constant 0 : index
    %get3A_9 = vector.load %arg1[%get3A_5, %get3A_6, %get3A_7, %get3A_8] : memref<4x8x21x512xf32, #tpu.memory_space<vmem>>, vector<4x8x21x512xf32>
    %reduce_sum3A_10 = arith.constant dense<0.000000e+00> : vector<4x21x512xf32>
    %reduce_sum3A_11 = vector.multi_reduction <add>, %get3A_9, %reduce_sum3A_10 [1] : vector<4x8x21x512xf32> to vector<4x21x512xf32>
    %reshape3A = vector.shape_cast %reduce_sum3A_4 : vector<4x21x512xf32> to vector<84x512xf32>
    %iota3A = tpu.iota {dimensions = array<i32: 0>} : vector<512x512xi32>
    %iota3A_12 = tpu.iota {dimensions = array<i32: 1>} : vector<512x512xi32>
    %gt3A = arith.cmpi sgt, %iota3A, %iota3A_12 : vector<512x512xi32>
    %convert_element_type3A = arith.extui %gt3A : vector<512x512xi1> to vector<512x512xi32>
    %convert_element_type3A_13 = arith.sitofp %convert_element_type3A : vector<512x512xi32> to vector<512x512xf32>
    %dot_general3A = arith.constant dense<0.000000e+00> : vector<84x512xf32>
    %dot_general3A_14 = tpu.matmul %reshape3A, %convert_element_type3A_13, %dot_general3A {dimension_numbers = #tpu.dot_dimension_numbers<[1], [0], [0], [1], [0, 0, 1, 1], [], []>, transpose_lhs_hint = false} : vector<84x512xf32>, vector<512x512xf32>, vector<84x512xf32> -> vector<84x512xf32>
    %reshape3A_15 = vector.shape_cast %dot_general3A_14 : vector<84x512xf32> to vector<4x21x512xf32>
    %iota3A_16 = tpu.iota {dimensions = array<i32: 2>} : vector<4x21x512xi32>
    %convert_element_type3A_17 = arith.sitofp %iota3A_16 : vector<4x21x512xi32> to vector<4x21x512xf32>
    %add3A = arith.constant 5.000000e-01 : f32
    %add3A_18 = vector.broadcast %add3A : f32 to vector<4x21x512xf32>
    %add3A_19 = arith.addf %convert_element_type3A_17, %add3A_18 : vector<4x21x512xf32>
    %div3A = arith.constant 5.120000e+02 : f32
    %div3A_20 = vector.broadcast %div3A : f32 to vector<4x21x512xf32>
    %div3A_21 = arith.divf %add3A_19, %div3A_20 : vector<4x21x512xf32>
    %mul3A = arith.constant 5.000000e-01 : f32
    %mul3A_22 = vector.broadcast %mul3A : f32 to vector<4x21x512xf32>
    %mul3A_23 = arith.mulf %mul3A_22, %reduce_sum3A_4 : vector<4x21x512xf32>
    %add3A_24 = arith.addf %reshape3A_15, %mul3A_23 : vector<4x21x512xf32>
    %mul3A_25 = arith.mulf %reduce_sum3A_11, %add3A_24 : vector<4x21x512xf32>
    %mul3A_26 = arith.constant 5.000000e-01 : f32
    %mul3A_27 = vector.broadcast %mul3A_26 : f32 to vector<4x21x512xf32>
    %mul3A_28 = arith.mulf %div3A_21, %mul3A_27 : vector<4x21x512xf32>
    %add3A_29 = arith.constant 1.62760422E-4 : f32
    %add3A_30 = vector.broadcast %add3A_29 : f32 to vector<4x21x512xf32>
    %add3A_31 = arith.addf %mul3A_28, %add3A_30 : vector<4x21x512xf32>
    %mul3A_32 = arith.mulf %reduce_sum3A_4, %add3A_31 : vector<4x21x512xf32>
    %add3A_33 = arith.addf %mul3A_25, %mul3A_32 : vector<4x21x512xf32>
    %reduce_sum3A_34 = arith.constant dense<0.000000e+00> : vector<4x21xf32>
    %reduce_sum3A_35 = vector.multi_reduction <add>, %add3A_33, %reduce_sum3A_34 [2] : vector<4x21x512xf32> to vector<4x21xf32>
    %reduce_sum3A_36 = arith.constant dense<0.000000e+00> : vector<4x21xf32>
    %reduce_sum3A_37 = vector.multi_reduction <add>, %reduce_sum3A_4, %reduce_sum3A_36 [2] : vector<4x21x512xf32> to vector<4x21xf32>
    %max3A = arith.constant 1.000000e+00 : f32
    %max3A_38 = vector.broadcast %max3A : f32 to vector<4x21xf32>
    %max3A_39 = arith.maximumf %reduce_sum3A_37, %max3A_38 : vector<4x21xf32>
    %mul3A_40 = arith.constant 2.621440e+05 : f32
    %mul3A_41 = vector.broadcast %mul3A_40 : f32 to vector<4x21xf32>
    %mul3A_42 = arith.mulf %max3A_39, %mul3A_41 : vector<4x21xf32>
    %div3A_43 = arith.divf %reduce_sum3A_35, %mul3A_42 : vector<4x21xf32>
    %reduce_sum3A_44 = arith.constant dense<0.000000e+00> : vector<21xf32>
    %reduce_sum3A_45 = vector.multi_reduction <add>, %reduce_sum3A_37, %reduce_sum3A_44 [0] : vector<4x21xf32> to vector<21xf32>
    %gt3A_46 = arith.constant 0.000000e+00 : f32
    %gt3A_47 = vector.broadcast %gt3A_46 : f32 to vector<21xf32>
    %gt3A_48 = arith.cmpf ogt, %reduce_sum3A_45, %gt3A_47 : vector<21xf32>
    %convert_element_type3A_49 = arith.extui %gt3A_48 : vector<21xi1> to vector<21xi32>
    %convert_element_type3A_50 = arith.sitofp %convert_element_type3A_49 : vector<21xi32> to vector<21xf32>
    %broadcast_in_dim3A = vector.shape_cast %convert_element_type3A_50 : vector<21xf32> to vector<1x21xf32>
    %mul3A_51 = vector.broadcast %broadcast_in_dim3A : vector<1x21xf32> to vector<4x21xf32>
    %mul3A_52 = arith.mulf %mul3A_51, %div3A_43 : vector<4x21xf32>
    %reduce_sum3A_53 = vector.shape_cast %mul3A_52 : vector<4x21xf32> to vector<1x4x21xf32>
    %reduce_sum3A_54 = arith.constant dense<0.000000e+00> : vector<1xf32>
    %reduce_sum3A_55 = vector.multi_reduction <add>, %reduce_sum3A_53, %reduce_sum3A_54 [1, 2] : vector<1x4x21xf32> to vector<1xf32>
    %reduce_sum3A_56 = vector.shape_cast %reduce_sum3A_55 : vector<1xf32> to vector<1x1x1xf32>
    %reduce_sum3A_57 = vector.extract %reduce_sum3A_56[0, 0, 0] : f32 from vector<1x1x1xf32>
    %reduce_sum3A_58 = vector.shape_cast %convert_element_type3A_50 : vector<21xf32> to vector<1x21xf32>
    %reduce_sum3A_59 = arith.constant dense<0.000000e+00> : vector<1xf32>
    %reduce_sum3A_60 = vector.multi_reduction <add>, %reduce_sum3A_58, %reduce_sum3A_59 [1] : vector<1x21xf32> to vector<1xf32>
    %reduce_sum3A_61 = vector.shape_cast %reduce_sum3A_60 : vector<1xf32> to vector<1x1xf32>
    %reduce_sum3A_62 = vector.extract %reduce_sum3A_61[0, 0] : f32 from vector<1x1xf32>
    %mul3A_63 = arith.constant 4.000000e+00 : f32
    %mul3A_64 = arith.mulf %reduce_sum3A_62, %mul3A_63 : f32
    %gt3A_65 = arith.constant 0.000000e+00 : f32
    %gt3A_66 = arith.cmpf ogt, %mul3A_64, %gt3A_65 : f32
    %max3A_67 = arith.constant 1.000000e+00 : f32
    %max3A_68 = arith.maximumf %mul3A_64, %max3A_67 : f32
    %div3A_69 = arith.divf %reduce_sum3A_57, %max3A_68 : f32
    %jit3A = arith.constant 0.000000e+00 : f32
    %select_n3A = arith.select %gt3A_66, %div3A_69, %jit3A : f32
    %get3A_70 = arith.constant 0 : index
    %get3A_71 = arith.constant 0 : index
    %get3A_72 = memref.load %arg2[%get3A_70, %get3A_71] : memref<1x2xf32, #tpu.memory_space<smem>>
    %neg3A = arith.constant 0.000000e+00 : f32
    %neg3A_73 = arith.subf %neg3A, %get3A_72 : f32
    %get3A_74 = arith.constant 0 : index
    %get3A_75 = arith.constant 1 : index
    %get3A_76 = memref.load %arg2[%get3A_74, %get3A_75] : memref<1x2xf32, #tpu.memory_space<smem>>
    %div3A_77 = arith.divf %neg3A_73, %get3A_76 : f32
    %mul3A_78 = arith.constant 6.000000e-01 : f32
    %mul3A_79 = arith.mulf %mul3A_78, %div3A_77 : f32
    %mul3A_80 = arith.constant 4.000000e-01 : f32
    %mul3A_81 = arith.mulf %mul3A_80, %select_n3A : f32
    %add3A_82 = arith.addf %mul3A_79, %mul3A_81 : f32
    %swap3A = arith.constant 0 : index
    %swap3A_83 = arith.constant 0 : index
    %swap3A_84 = memref.load %arg3[%swap3A, %swap3A_83] : memref<1x1xf32, #tpu.memory_space<smem>>
    memref.store %add3A_82, %arg3[%swap3A, %swap3A_83] : memref<1x1xf32, #tpu.memory_space<smem>>
    return
  }
}

</mosaic_0001>

<sc_bundles>
// kernel: kernel.5.cloned.1.call-start
scs
__scs_entry_jumppad:
0x0: {  	(pc) =	sbr.rel $0x88, $3  }
0x1: {  	(tag) =	ssettag $0x0;
	lr =	simm.s32 $0x1  }
0x2: {  	[smem:$0x3F9E] =	sst lr;
	_ =	strace $0xD0000000  }
0x3: {  	_ = 	snop  }
0x4: {  	_ = 	snop  }
0x5: {  	_ = 	snop  }
0x6: {  	_ = 	snop  }
0x7: {  	_ = 	snop  }
__scs_overlays_trampoline_lowered:
0x8: {  	[smem:$0x3FAD] =	sst s0  }
0x9: {  	[smem:$0x3FAE] =	sst s1  }
0xa: {  	[smem:$0x3FAF] =	sst s2  }
0xb: {  	[smem:$0x3FB0] =	sst s3  }
0xc: {  	[smem:$0x3FB1] =	sst s4  }
0xd: {  	[smem:$0x3FB2] =	sst s5  }
0xe: {  	[smem:$0x3FB3] =	sst s6  }
0xf: {  	[smem:$0x3FB4] =	sst s7  }
0x10: {  	[smem:$0x3FB5] =	sst s8  }
0x11: {  	[smem:$0x3FB6] =	sst s9;
	s0 =	simm.s32 @!p0 $0x0  }
0x12: {  	s1 =	sld [smem:$0x3F9C];
	s0 =	simm.s32 @p0 $0x1  }
0x13: {  	[smem:$0x3FB7] =	sst s0;
	s0 =	simm.s32 @!p1 $0x0  }
0x14: {  	s2 =	sld [smem:$0x3F9B];
	s0 =	simm.s32 @p1 $0x1  }
0x15: {  	[smem:$0x3FB8] =	sst s0;
	s0 =	simm.s32 @!p2 $0x0  }
0x16: {  	s3 =	sld [smem:$0x3FDB];
	s0 =	simm.s32 @p2 $0x1  }
0x17: {  	s4 =	simm.s32 $0x1BF5;
	[smem:$0x3FBA] =	sst s0  }
0x18: {  	s0 =	sld [smem:$0x3F9D];
	_ =	swait.ge [sflag:s4], $0x0  }
0x19: {  	s7 =	sld [smem:$0x3F9E]  }
0x1a: {  	s8 =	sadd.s32 $0xFFFFE003, lr  }
0x1b: {  	s9 =	sadd.s32 $0xFFFFFEF7, lr;
	s5 =	simm.s32 $0xFFFFFFFF;
	p2 =	slt.u32 s8, $0xFFFFF086  }
0x1c: {  	p1 =	slt.u32 s9, $0xF7A;
	s5 =	simm.s32 @!p2 $0x0  }
0x1d: {  	s5 =	simm.s32 @p1 $0x1;
	p0 =	seq.s32 s7, s2  }
0x1e: {  	s7 =	smul.u32 @!p0 $0xF7A, s2;
	p2 =	seq.s32 @!p0 s5, $0x0  }
0x1f: {  	s9 =	smul.u32 $0xF7A, s1;
	s8 =	simm.s32 @!p0 $0x1BF5;
	p2 =	por !p2, p0  }
0x20: {  	[sflag:s8] =	ssyncset.s32 @!p0 $0xFFFFF086;
	s6 =	sadd.s32 @!p0 s3, s7;
	s7 =	simm.s32 @!p0 $0x108  }
0x21: {  	s3 =	sadd.s32 s3, s9;
	s6 =	sadd.s32 @!p0 $0x88, s6;
	s7 =	simm.s32 @p2 $0x1082  }
0x22: {  	[simem:s7], [sflag:s8] =	dma.local @!p0 [hbm:s6], $0xF7A  }
0x23: {  	s9 =	sor.u32 $0xD0000000, s2;
	s6 =	simm.s32 $0x108;
	_ =	swait.ge @!p0 [sflag:s8], $0x0  }
0x24: {  	s3 =	sadd.s32 $0x88, s3;
	s6 =	simm.s32 @!p1 $0x1082;
	[sflag:s4] =	ssyncset.s32 $0xFFFFF086  }
0x25: {  	[simem:s6], [sflag:s4] =	dma.local [hbm:s3], $0xF7A  }
0x26: {  	[smem:$0x3F9E] =	sst s1;
	(tag) =	ssettag s2;
	_ =	strace s9  }
0x27: {  	s1 =	sld [smem:$0x3FAE]  }
0x28: {  	s2 =	sld [smem:$0x3FAF]  }
0x29: {  	s4 =	sld [smem:$0x3FB1]  }
0x2a: {  	p0 =	seq.s32 s5, $0x0;
	s5 =	sld [smem:$0x3FB2]  }
0x2b: {  	s6 =	sld [smem:$0x3FB3]  }
0x2c: {  	s7 =	sld [smem:$0x3FB4]  }
0x2d: {  	s3 =	simm.s32 $0x108;
	s8 =	sld [smem:$0x3FB5]  }
0x2e: {  	s3 =	simm.s32 @!p0 $0x1082;
	s9 =	sld [smem:$0x3FB6]  }
0x2f: {  	lr =	sadd.s32 s0, s3;
	s0 =	sld [smem:$0x3FAD]  }
0x30: {  	s3 =	sld [smem:$0x3FB0]  }
0x31: {  	[smem:$0x3FB9] =	sst s10  }
0x32: {  	s10 =	sld [smem:$0x3FB7];
	_ =	sdelay $0x3  }
0x33: {  	p0 =	seq.s32 s10, $0x1;
	s10 =	sld [smem:$0x3FB9];
	_ =	sdelay $0x3  }
0x34: {  	[smem:$0x3FB9] =	sst s10  }
0x35: {  	s10 =	sld [smem:$0x3FB8];
	_ =	sdelay $0x3  }
0x36: {  	p1 =	seq.s32 s10, $0x1;
	s10 =	sld [smem:$0x3FB9];
	_ =	sdelay $0x3  }
0x37: {  	[smem:$0x3FB9] =	sst s10  }
0x38: {  	s10 =	sld [smem:$0x3FBA]  }
0x39: {  	_ = 	snop;
	(pc) =	sbr.ind lr, $3  }
0x3a: {  	_ = 	snop  }
0x3b: {  	_ = 	snop  }
0x3c: {  	p2 =	seq.s32 s10, $0x1;
	s10 =	sld [smem:$0x3FB9]  }
0x3d: {  	_ =	shalt  }
0x3e: {  	_ =	shalt  }
0x3f: {  	_ =	shalt  }
0x40: {  	_ =	shalt  }
0x41: {  	_ =	shalt  }
0x42: {  	_ =	shalt  }
0x43: {  	_ =	shalt  }
0x44: {  	_ =	shalt  }
0x45: {  	_ =	shalt  }
0x46: {  	_ =	shalt  }
0x47: {  	_ =	shalt  }
0x48: {  	_ =	shalt  }
0x49: {  	_ =	shalt  }
0x4a: {  	_ =	shalt  }
0x4b: {  	_ =	shalt  }
0x4c: {  	_ =	shalt  }
0x4d: {  	_ =	shalt  }
0x4e: {  	_ =	shalt  }
0x4f: {  	_ =	shalt  }
0x50: {  	_ =	shalt  }
0x51: {  	_ =	shalt  }
0x52: {  	_ =	shalt  }
0x53: {  	_ =	shalt  }
0x54: {  	_ =	shalt  }
0x55: {  	_ =	shalt  }
0x56: {  	_ =	shalt  }
0x57: {  	_ =	shalt  }
0x58: {  	_ =	shalt  }
0x59: {  	_ =	shalt  }
0x5a: {  	_ =	shalt  }
0x5b: {  	_ =	shalt  }
0x5c: {  	_ =	shalt  }
0x5d: {  	_ =	shalt  }
0x5e: {  	_ =	shalt  }
0x5f: {  	_ =	shalt  }
0x60: {  	_ =	shalt  }
0x61: {  	_ =	shalt  }
0x62: {  	_ =	shalt  }
0x63: {  	_ =	shalt  }
0x64: {  	_ =	shalt  }
0x65: {  	_ =	shalt  }
0x66: {  	_ =	shalt  }
0x67: {  	_ =	shalt  }
0x68: {  	_ =	shalt  }
0x69: {  	_ =	shalt  }
0x6a: {  	_ =	shalt  }
0x6b: {  	_ =	shalt  }
0x6c: {  	_ =	shalt  }
0x6d: {  	_ =	shalt  }
0x6e: {  	_ =	shalt  }
0x6f: {  	_ =	shalt  }
0x70: {  	_ =	shalt  }
0x71: {  	_ =	shalt  }
0x72: {  	_ =	shalt  }
0x73: {  	_ =	shalt  }
0x74: {  	_ =	shalt  }
0x75: {  	_ =	shalt  }
0x76: {  	_ =	shalt  }
0x77: {  	_ =	shalt  }
0x78: {  	_ =	shalt  }
0x79: {  	_ =	shalt  }
0x7a: {  	_ =	shalt  }
0x7b: {  	_ =	shalt  }
0x7c: {  	_ =	shalt  }
0x7d: {  	_ =	shalt  }
0x7e: {  	_ =	shalt  }
0x7f: {  	_ =	shalt  }
0x80: {  	_ =	shalt  }
0x81: {  	_ =	shalt  }
0x82: {  	_ =	shalt  }
0x83: {  	_ =	shalt  }
0x84: {  	_ =	shalt  }
0x85: {  	_ =	shalt  }
0x86: {  	_ =	shalt  }
0x87: {  	_ =	shalt  }
.Lfunc_end0:
.L_simem_size_0:
called_computation_lowered:
.L_overlay_start_0:
0x88: {  	s2 =	sld [smem:$0x3FD9]  }
0x89: {  	s3 =	sld [smem:$0x3FFE];
	_ =	sdelay $0x1  }
0x8a: {  	s1 =	srdreg.scid  }
0x8b: {  	s0 =	sand.u32 $0x1, s1  }
0x8c: {  	s17 =	sshll.u32 s0, $0xA;
	s2 =	sadd.s32 s3, s2  }
0x8d: {  	s2 =	sadd.s32 s2, s17  }
0x8e: {  	[smem:$0x3FC5] =	sst s2  }
0x8f: {  	_ = 	snop  }
0x90: {  	s2 =	sld [smem:$0x3FC9]  }
0x91: {  	s18 =	sld [smem:$0x3FC8];
	(tm) =	ssettm $0x1  }
0x92: {  	s4 =	sld [smem:$0x3FFB];
	_ =	sdelay $0x3  }
0x93: {  	_ =	strace s4  }
0x94: {  	s4 =	sld [smem:$0x3FFC];
	_ =	sdelay $0x3  }
0x95: {  	_ =	strace s4  }
0x96: {  	s4 =	sld [smem:$0x3FFD];
	_ =	sdelay $0x3  }
0x97: {  	_ =	strace s4  }
0x98: {  	_ =	strace $0x8FFFFFFF  }
0x99: {  	s19 =	sld [smem:$0x3FDB];
	_ =	sdelay $0x1  }
0x9a: {  	s5 =	simm.s32 $_scs_section_size  }
0x9b: {  	s6 =	simm.s32 $_size__tile_overlayer_lowered;
	s7 =	simm.s32 $_tile_overlayer_lowered  }
0x9c: {  	s22 =	simm.s32 $0x1BFF;
	s21 =	sshll.u32 s7, $0x1;
	s4 =	sadd.s32 s5, s19  }
0x9d: {  	s8 =	simm.s32 $0x0;
	s20 =	sshll.u32 s6, $0x1;
	s6 =	sadd.s32 s21, s4  }
0x9e: {  	[timem:s8], [sflag:s22] =	dma.local [hbm:s6], s20  }
0x9f: {  	_ =	swait.ge [sflag:s22], s20  }
0xa0: {  	s5 =	ssub.s32 $0x0, s20;
	[sflag:s22] =	ssyncset.done $0x0  }
0xa1: {  	[sflag:s22] =	ssyncadd.s32 s5;
	_ =	sdelay $0x1  }
0xa2: {  	s23 =	simm.s32 $0x1B8B  }
0xa3: {  	_ =	swait.ge [sflag:s23], $0x1  }
0xa4: {  	[sflag:s23] =	ssyncset.done $0x0  }
0xa5: {  	s25 =	simm.s32 $0x1B8E;
	s24 =	sld [smem:$0x3FFE];
	[sflag:s23] =	ssyncadd.s32 $0xFFFFFFFF  }
0xa6: {  	s26 =	simm.s32 $execute0_lowered;
	[smem:$0x3FD2] =	sst s25  }
0xa7: {  	s6 =	sshll.u32 s26, $0x1;
	_ =	strace $0x80000046;
	[dreg:$0x1] =	wrdreg $0xFFFFFFFF  }
0xa8: {  	s28 =	simm.s32 $_size_execute0_lowered;
	s4 =	sadd.s32 s4, s6;
	[dreg:$0x0] =	wrdreg $0x0  }
0xa9: {  	s6 =	sshll.u32 s28, $0x1;
	[dreg:$0x2] =	wrdreg s4  }
0xaa: {  	[dreg:$0x3] =	wrdreg s6  }
0xab: {  	[dreg:$0x4] =	wrdreg $0xC0  }
0xac: {  	_ =	task [dreg:s8], $0x5FFFF  }
0xad: {  	[dreg:$0x1] =	wrdreg $0xFFFFFFFF  }
0xae: {  	[dreg:$0x0] =	wrdreg $0x60  }
0xaf: {  	[dreg:$0x2] =	wrdreg s2  }
0xb0: {  	[dreg:$0x3] =	wrdreg s18  }
0xb1: {  	[dreg:$0x4] =	wrdreg s24  }
0xb2: {  	[dreg:$0x5] =	wrdreg $0x9  }
0xb3: {  	_ =	task.clear_ibuf [dreg:s8], $0x6FFFF;
	_ =	strace $0x90000046  }
0xb4: {  	s29 =	simm.s32 $0x9;
	_ =	strace $0x80000048  }
0xb5: {  	_ =	swait.ge [sflag:s29], $0x1  }
0xb6: {  	[sflag:s29] =	ssyncadd.s32 $0xFFFFFFFF  }
0xb7: {  	_ =	strace $0x90000048  }
0xb8: {  	_ =	sfence  }
0xb9: {  	s30 =	sld [smem:$0x0];
	_ =	sdelay $0x2  }
0xba: {  	s31 =	sshll.u32 s1, $0xD;
	s1 =	sshrl.u32 s1, $0x2  }
0xbb: {  	s3 =	sand.u32 $0x4000, s31;
	s1 =	sadd.s32 s1, s30  }
0xbc: {  	s0 =	sor.u32 s3, s0;
	s1 =	sshll.u32 s1, $0x11  }
0xbd: {  	s0 =	sor.u32 s1, s0  }
0xbe: {  	s0 =	sadd.s32 $0x8F2B, s0  }
0xbf: {  	[sflag:s0] =	ssyncadd.remote.s32 $0x1  }
0xc0: {  	_ =	sfence.sel $0xFFFF  }
0xc1: {  	[dreg:$0x0] =	wrdreg $0xFFFFFFFF;
	(pc) =	sbr.abs _section_cstart, $3  }
0xc2: {  	[dreg:$0x1] =	wrdreg $0xFFFFFFFF  }
0xc3: {  	_ =	task.clear_ibuf [dreg:s8], $0x2FFFF;
	_ =	strace $0x9FFFFFFF  }
0xc4: {  	(tm) =	ssettm $0x7FFFFFFF  }
0xc5: {  	_ =	shalt  }
tec
execute0_lowered:
.L_overlay_start_1:
0x0: {  	(tag) =	ssettag $0x1  }
0x1: {  	s6 =	rddreg [dreg:$0x0]  }
0x2: {  	s7 =	rddreg [dreg:$0x1]  }
0x3: {  	s0 =	srdreg.scid;
	s3 =	stileid.u32  }
0x4: {  	s1 =	rddreg [dreg:$0x2];
	s29 =	simm.s32 $0x0;
	s0 =	sand.u32 $0x1, s0  }
0x5: {  	s2 =	sshll.u32 s3, $0x1;
	s3 =	sshrl.u32 s3, $0x2;
	[smem:$0x7FF] =	sst s29  }
0x6: {  	s26 =	sadd.s32 $0x100, s7;
	s28 =	sadd.s32 $0x100, s6;
	s4 =	smul.u32 $0x15000, s3  }
0x7: {  	s2 =	sor.u32 s0, s2;
	_ =	strace $0x80000047;
	s21 =	smul.u32 $0x540000, s3  }
0x8: {  	s22 =	sshll.u32 s3, $0x12;
	s0 =	ssub.s32 $0x2, s0;
	[dreg:$0x12] =	wrdreg s26  }
0x9: {  	[dreg:$0x13] =	wrdreg s28;
	s5 =	sshll.u32 s2, $0x7;
	s2 =	sshll.u32 s2, $0xF  }
0xa: {  	[dreg:$0xf] =	wrdreg s22;
	s24 =	sshrl.u32 s0, $0x1;
	s5 =	sand.u32 $0x380, s5  }
0xb: {  	s8 =	sand.u32 $0x38000, s2;
	[dreg:$0xd] =	wrdreg s21;
	s0 =	ssub.s32 s0, s24  }
0xc: {  	s4 =	sor.u32 s4, s5;
	s2 =	sor.u32 s22, s8;
	s23 =	sor.u32 s21, s8  }
0xd: {  	[dreg:$0xe] =	wrdreg s8;
	s30 =	sor.u32 $0x1000, s8;
	s0 =	smax.u32 s0, $0x1  }
0xe: {  	s4 =	sshrl.u32 s4, $0x3;
	s2 =	sshrl.u32 s2, $0x3;
	[dreg:$0x14] =	wrdreg s30  }
0xf: {  	s3 =	sshrl.u32 s23, $0x3;
	[dreg:$0x17] =	wrdreg s0;
	s2 =	sadd.s32 s7, s2  }
0x10: {  	s1 =	sadd.s32 s4, s1;
	s25 =	sadd.s32 s6, s3;
	[dreg:$0x10] =	wrdreg s2  }
0x11: {  	[dreg:$0x11] =	wrdreg s25;
	s31 =	sadd.s32 $0xE00, s1  }
0x12: {  	s1 =	sadd.s32 $0xB600, s1;
	[dreg:$0x15] =	wrdreg s31  }
0x13: {  	v0 =	vimm.f32 $0.0e+00;
	v1 =	vlaneseq.u32;
	v2 =	vimm.f32 $1.000000000e+00;
	s23 =	simm.s32 $0x18A00;
	[dreg:$0x16] =	wrdreg s1;
	s1 =	simm.s32 $0x0  }
.LBB2_1:
0x14: {  	[dreg:$0x18] =	wrdreg s1;
	s0 =	simm.s32 $0x40;
	s1 =	simm.s32 $0x0  }
.LBB2_2:
0x15: {  	p0 =	sne.s32 s0, $0xA7C0;
	[tilespmem:s1+$0x16000] =	vst v0;
	s2 =	smov.u32 s0;
	s0 =	sadd.s32 $0x40, s0  }
.Ltmp0:
0x16: {  	[tilespmem:s1+$0x18A00] =	vst v0;
	(pc) =	sbr.rel @p0 .LBB2_2-.Ltmp0, $2  }
0x17: {  	_ =	sdelay $0x2  }
0x18: {  	s1 =	sshra.s32 s2, $0x2  }
0x19: {  	[tilespmem:s1+$0x16000] =	vst v0;
	s0 =	rddreg [dreg:$0x10]  }
0x1a: {  	[tilespmem:s1+$0x18A00] =	vst v0;
	s3 =	simm.s32 $0x0;
	s28 =	simm.s32 $0x15000;
	s30 =	rddreg [dreg:$0x11]  }
0x1b: {  	[tilespmem:s28], [sflag:$0x3] =	stream.linear.gather [hbm4b:s0+s3], $0x800, $0x38;
	[tilespmem:$0x1B400] =	vst v63  }
0x1c: {  	s31 =	simm.s32 $0x800;
	s2 =	simm.s32 $0x40000;
	s0 =	simm.s32 $0x0  }
0x1d: {  	[tilespmem:s3], [sflag:$0x1] =	stream.strided.gather [hbm4b:s30+s31], $0xA800, s2, s31, $0x38;
	[tilespmem:$0x1B400] =	vst v63  }
.LBB2_4:
0x1e: {  	[dreg:$0x19] =	wrdreg s0  }
0x1f: {  	s9 =	rddreg [dreg:$0xe]  }
0x20: {  	s10 =	rddreg [dreg:$0xf]  }
0x21: {  	s2 =	rddreg [dreg:$0x12]  }
0x22: {  	s1 =	sshll.u32 s0, $0xC;
	s12 =	rddreg [dreg:$0xd]  }
0x23: {  	s11 =	simm.s32 $0x15800;
	s13 =	rddreg [dreg:$0x13];
	s0 =	sor.u32 s9, s1  }
0x24: {  	s4 =	simm.s32 $0x0;
	[dreg:$0x1a] =	wrdreg s1;
	s1 =	sor.u32 s10, s0  }
0x25: {  	s14 =	simm.s32 $0x800;
	s0 =	sor.u32 s12, s0;
	s1 =	sshrl.u32 s1, $0x3  }
0x26: {  	s15 =	simm.s32 $0x40000;
	s0 =	sshrl.u32 s0, $0x3;
	s1 =	sadd.s32 s1, s2  }
0x27: {  	[tilespmem:s11], [sflag:$0x4] =	stream.linear.gather [hbm4b:s1+s4], $0x800, $0x38;
	[tilespmem:$0x1B400] =	vst v63  }
0x28: {  	s3 =	simm.s32 $0xA800;
	s16 =	simm.s32 $0x3;
	s0 =	sadd.s32 s0, s13  }
0x29: {  	[tilespmem:s3], [sflag:$0x2] =	stream.strided.gather [hbm4b:s0+s14], $0xA800, s15, s14, $0x38;
	[tilespmem:$0x1B400] =	vst v63  }
0x2a: {  	_ =	swait.ge [sflag:s16], $0x800  }
0x2b: {  	s17 =	simm.s32 $0x1;
	s20 =	simm.s32 $0x0;
	[sflag:s16] =	ssyncset.done $0x0  }
0x2c: {  	s18 =	sand.u32 $0xE0, s4;
	s19 =	sand.u32 $0x400, s4;
	[sflag:s16] =	ssyncadd.s32 $0xFFFFF800  }
0x2d: {  	s1 =	sor.u32 s20, s19;
	s3 =	sor.u32 $0x10, s18;
	_ =	swait.ge [sflag:s17], $0xA800  }
0x2e: {  	s13 =	sand.u32 $0x70, s3;
	[dreg:$0x1d] =	wrdreg s18;
	[sflag:s17] =	ssyncset.done $0x0  }
0x2f: {  	s21 =	sor.u32 s1, s13;
	[dreg:$0x1c] =	wrdreg s3;
	[sflag:s17] =	ssyncadd.s32 $0xFFFF5800  }
0x30: {  	v3 =	vld [tilespmem:s21+$0x0];
	_ =	sdelay $0x4  }
0x31: {  	v4 =	vmul.f32 $5.119994810e+02, v3;
	_ =	sdelay $0x1  }
0x32: {  	v4 =	vtrunc.f32 v4  }
0x33: {  	v4 =	vcvt.f32.s32 v4;
	_ =	sdelay $0x3  }
0x34: {  	s14 =	sadd.s32 $0x0, s19  }
0x35: {  	s0 =	sadd.s32 $0x800, s14;
	v9 =	vld [tilespmem:s21+$0x15000]  }
0x36: {  	s22 =	sor.u32 s13, s0;
	[tilespmem:v4+s23+$0x0] =	vst.idx.add.f32.msk $0xffff, v3  }
0x37: {  	v3 =	vld [tilespmem:s22+$0x0];
	_ =	sdelay $0x4  }
0x38: {  	v4 =	vmul.f32 $5.119994810e+02, v3;
	_ =	sdelay $0x1  }
0x39: {  	v4 =	vtrunc.f32 v4  }
0x3a: {  	v4 =	vcvt.f32.s32 v4;
	_ =	sdelay $0x1  }
0x3b: {  	v4 =	vadd.s32 $0x200, v4;
	_ =	sdelay $0x3  }
0x3c: {  	s24 =	sadd.s32 $0x1000, s14  }
0x3d: {  	s25 =	sor.u32 s13, s24;
	[tilespmem:v4+s23+$0x0] =	vst.idx.add.f32.msk $0xffff, v3  }
0x3e: {  	v3 =	vld [tilespmem:s25+$0x0];
	_ =	sdelay $0x4  }
0x3f: {  	v4 =	vmul.f32 $5.119994810e+02, v3;
	_ =	sdelay $0x1  }
0x40: {  	v4 =	vtrunc.f32 v4  }
0x41: {  	v4 =	vcvt.f32.s32 v4;
	_ =	sdelay $0x1  }
0x42: {  	v4 =	vadd.s32 $0x400, v4  }
0x43: {  	s31 =	sand.u32 $0x60, s4  }
0x44: {  	s1 =	sor.u32 s31, s1  }
0x45: {  	v6 =	vld [tilespmem:s1+$0x0]  }
0x46: {  	s26 =	sadd.s32 $0x1800, s14  }
0x47: {  	s9 =	sor.u32 s13, s26;
	[tilespmem:v4+s23+$0x0] =	vst.idx.add.f32.msk $0xffff, v3  }
0x48: {  	v3 =	vld [tilespmem:s9+$0x0];
	_ =	sdelay $0x1  }
0x49: {  	v4 =	vmul.f32 $5.119994810e+02, v6;
	_ =	sdelay $0x1  }
0x4a: {  	v4 =	vtrunc.f32 v4  }
0x4b: {  	v4 =	vcvt.f32.s32 v4;
	v5 =	vmul.f32 $5.119994810e+02, v3;
	_ =	sdelay $0x1  }
0x4c: {  	v5 =	vtrunc.f32 v5  }
0x4d: {  	v7 =	vcvt.f32.s32 v5;
	_ =	sdelay $0x1  }
0x4e: {  	v5 =	vld [tilespmem:s1+$0x15000];
	v7 =	vadd.s32 $0x600, v7  }
0x4f: {  	s10 =	simm.s32 $0x20;
	s11 =	simm.s32 $0x100;
	s0 =	sor.u32 s31, s0;
	[tilespmem:v4+s23+$0x0] =	vst.idx.add.f32.msk $0xffff, v6  }
0x50: {  	s5 =	sand.u32 $0xE0, s10;
	s12 =	sand.u32 $0x400, s11;
	v4 =	vld [tilespmem:s0+$0x0]  }
0x51: {  	s15 =	simm.s32 $0x0;
	[dreg:$0x1f] =	wrdreg s5;
	s5 =	sor.u32 $0x10, s5  }
0x52: {  	s7 =	sor.u32 s15, s12;
	[dreg:$0x1e] =	wrdreg s5;
	s6 =	sand.u32 $0x70, s5  }
0x53: {  	s16 =	sadd.s32 $0x2000, s14;
	s8 =	sor.u32 s7, s6;
	[tilespmem:v7+s23+$0x0] =	vst.idx.add.f32.msk $0xffff, v3  }
0x54: {  	s17 =	sor.u32 s13, s16;
	v3 =	vld [tilespmem:s8+$0x0]  }
0x55: {  	v6 =	vmul.f32 $5.119994810e+02, v4;
	v8 =	vld [tilespmem:s17+$0x0];
	_ =	sdelay $0x1  }
0x56: {  	v6 =	vtrunc.f32 v6  }
0x57: {  	v6 =	vcvt.f32.s32 v6  }
0x58: {  	v7 =	vmul.f32 $5.119994810e+02, v3  }
0x59: {  	v6 =	vadd.s32 $0x200, v6;
	v10 =	vmul.f32 $5.119994810e+02, v8  }
0x5a: {  	v7 =	vtrunc.f32 v7  }
0x5b: {  	v10 =	vtrunc.f32 v10;
	v11 =	vcvt.f32.s32 v7  }
0x5c: {  	v7 =	vcvt.f32.s32 v10;
	_ =	sdelay $0x1  }
0x5d: {  	s3 =	sor.u32 s31, s24;
	[tilespmem:v6+s23+$0x0] =	vst.idx.add.f32.msk $0xffff, v4;
	v4 =	vadd.s32 $0x800, v7  }
0x5e: {  	s21 =	sadd.s32 $0x0, s12;
	v6 =	vld [tilespmem:s3+$0x0]  }
0x5f: {  	s18 =	sadd.s32 $0x800, s21;
	v7 =	vld [tilespmem:s8+$0x15000]  }
0x60: {  	s19 =	sor.u32 s6, s18;
	[tilespmem:v11+s23+$0x0] =	vst.idx.add.f32.msk $0xffff, v3  }
0x61: {  	s20 =	sadd.s32 $0x2800, s14;
	v3 =	vld [tilespmem:s19+$0x0]  }
0x62: {  	s22 =	sor.u32 s13, s20;
	[tilespmem:v4+s23+$0x0] =	vst.idx.add.f32.msk $0xffff, v8  }
0x63: {  	v4 =	vmul.f32 $5.119994810e+02, v6;
	v8 =	vld [tilespmem:s22+$0x0];
	_ =	sdelay $0x1  }
0x64: {  	v4 =	vtrunc.f32 v4  }
0x65: {  	v4 =	vcvt.f32.s32 v4;
	v10 =	vmul.f32 $5.119994810e+02, v3;
	_ =	sdelay $0x1  }
0x66: {  	v4 =	vadd.s32 $0x400, v4;
	v11 =	vmul.f32 $5.119994810e+02, v8;
	v10 =	vtrunc.f32 v10  }
0x67: {  	v10 =	vcvt.f32.s32 v10  }
0x68: {  	v11 =	vtrunc.f32 v11  }
0x69: {  	v11 =	vcvt.f32.s32 v11;
	v10 =	vadd.s32 $0x200, v10;
	_ =	sdelay $0x1  }
0x6a: {  	s2 =	sor.u32 s31, s26;
	[tilespmem:v4+s23+$0x0] =	vst.idx.add.f32.msk $0xffff, v6;
	v4 =	vadd.s32 $0xA00, v11  }
0x6b: {  	v6 =	vld [tilespmem:s2+$0x0]  }
0x6c: {  	s24 =	sadd.s32 $0x1000, s21  }
0x6d: {  	s25 =	sor.u32 s6, s24;
	[tilespmem:v10+s23+$0x0] =	vst.idx.add.f32.msk $0xffff, v3  }
0x6e: {  	s26 =	sadd.s32 $0x3000, s14;
	v3 =	vld [tilespmem:s25+$0x0]  }
0x6f: {  	s11 =	sor.u32 s13, s26;
	[tilespmem:v4+s23+$0x0] =	vst.idx.add.f32.msk $0xffff, v8  }
0x70: {  	v4 =	vmul.f32 $5.119994810e+02, v6;
	v8 =	vld [tilespmem:s11+$0x0]  }
0x71: {  	s17 =	sand.u32 $0x60, s10  }
0x72: {  	s4 =	sor.u32 s17, s7;
	v4 =	vtrunc.f32 v4  }
0x73: {  	v10 =	vld [tilespmem:s4+$0x0];
	v4 =	vcvt.f32.s32 v4;
	v11 =	vmul.f32 $5.119994810e+02, v3;
	_ =	sdelay $0x1  }
0x74: {  	v4 =	vadd.s32 $0x600, v4;
	v12 =	vmul.f32 $5.119994810e+02, v8;
	v11 =	vtrunc.f32 v11  }
0x75: {  	v11 =	vcvt.f32.s32 v11  }
0x76: {  	v12 =	vtrunc.f32 v12  }
0x77: {  	v13 =	vmul.f32 $5.119994810e+02, v10;
	v12 =	vcvt.f32.s32 v12;
	v11 =	vadd.s32 $0x400, v11;
	_ =	sdelay $0x1  }
0x78: {  	s0 =	sor.u32 s31, s16;
	[tilespmem:v4+s23+$0x0] =	vst.idx.add.f32.msk $0xffff, v6;
	v6 =	vtrunc.f32 v13;
	v4 =	vadd.s32 $0xC00, v12  }
0x79: {  	v12 =	vld [tilespmem:s0+$0x0];
	v13 =	vcvt.f32.s32 v6  }
0x7a: {  	s7 =	sadd.s32 $0x1800, s21;
	v6 =	vld [tilespmem:s4+$0x15000]  }
0x7b: {  	s12 =	sor.u32 s6, s7;
	[tilespmem:v11+s23+$0x0] =	vst.idx.add.f32.msk $0xffff, v3  }
0x7c: {  	s0 =	sadd.s32 $0x3800, s14;
	v3 =	vld [tilespmem:s12+$0x0]  }
0x7d: {  	s15 =	sor.u32 s13, s0;
	[tilespmem:v4+s23+$0x0] =	vst.idx.add.f32.msk $0xffff, v8  }
0x7e: {  	v4 =	vmul.f32 $5.119994810e+02, v12;
	v8 =	vld [tilespmem:s15+$0x0]  }
0x7f: {  	s16 =	sor.u32 s17, s18;
	[tilespmem:v13+s23+$0x0] =	vst.idx.add.f32.msk $0xffff, v10  }
0x80: {  	v4 =	vtrunc.f32 v4;
	v10 =	vld [tilespmem:s16+$0x0]  }
0x81: {  	v4 =	vcvt.f32.s32 v4;
	v11 =	vmul.f32 $5.119994810e+02, v3;
	_ =	sdelay $0x1  }
0x82: {  	v4 =	vadd.s32 $0x800, v4;
	v13 =	vmul.f32 $5.119994810e+02, v8;
	v11 =	vtrunc.f32 v11  }
0x83: {  	v11 =	vcvt.f32.s32 v11  }
0x84: {  	v14 =	vmul.f32 $5.119994810e+02, v10;
	v13 =	vtrunc.f32 v13  }
0x85: {  	v13 =	vcvt.f32.s32 v13;
	v11 =	vadd.s32 $0x600, v11  }
0x86: {  	v14 =	vtrunc.f32 v14  }
0x87: {  	s1 =	sor.u32 s31, s20;
	[tilespmem:v4+s23+$0x0] =	vst.idx.add.f32.msk $0xffff, v12;
	v12 =	vcvt.f32.s32 v14;
	v4 =	vadd.s32 $0xE00, v13  }
0x88: {  	v13 =	vld [tilespmem:s1+$0x0]  }
0x89: {  	s5 =	sadd.s32 $0x2000, s21;
	v12 =	vadd.s32 $0x200, v12  }
0x8a: {  	s18 =	sor.u32 s6, s5;
	[tilespmem:v11+s23+$0x0] =	vst.idx.add.f32.msk $0xffff, v3  }
0x8b: {  	s1 =	sadd.s32 $0x4000, s14;
	v3 =	vld [tilespmem:s18+$0x0]  }
0x8c: {  	s19 =	sor.u32 s13, s1;
	[tilespmem:v4+s23+$0x0] =	vst.idx.add.f32.msk $0xffff, v8  }
0x8d: {  	v4 =	vmul.f32 $5.119994810e+02, v13;
	v8 =	vld [tilespmem:s19+$0x0]  }
0x8e: {  	s3 =	sor.u32 s17, s24;
	s4 =	simm.s32 $0x40;
	[tilespmem:v12+s23+$0x0] =	vst.idx.add.f32.msk $0xffff, v10  }
0x8f: {  	s20 =	simm.s32 $0x200;
	s22 =	sand.u32 $0xE0, s4;
	v4 =	vtrunc.f32 v4;
	v10 =	vld [tilespmem:s3+$0x0]  }
0x90: {  	s9 =	sand.u32 $0x400, s20;
	s24 =	simm.s32 $0x0;
	s25 =	sor.u32 $0x10, s22;
	v4 =	vcvt.f32.s32 v4;
	v11 =	vmul.f32 $5.119994810e+02, v3  }
0x91: {  	s10 =	sand.u32 $0x70, s25;
	s3 =	sor.u32 s24, s9  }
0x92: {  	[dreg:$0x1b] =	wrdreg s25;
	s12 =	sor.u32 s3, s10;
	v4 =	vadd.s32 $0xA00, v4;
	v12 =	vmul.f32 $5.119994810e+02, v8;
	v11 =	vtrunc.f32 v11  }
0x93: {  	v14 =	vld [tilespmem:s12+$0x0];
	v11 =	vcvt.f32.s32 v11  }
0x94: {  	v15 =	vmul.f32 $5.119994810e+02, v10;
	v12 =	vtrunc.f32 v12  }
0x95: {  	v12 =	vcvt.f32.s32 v12;
	v11 =	vadd.s32 $0x800, v11  }
0x96: {  	v15 =	vtrunc.f32 v15  }
0x97: {  	s2 =	sor.u32 s31, s26;
	[tilespmem:v4+s23+$0x0] =	vst.idx.add.f32.msk $0xffff, v13;
	v4 =	vadd.s32 $0x1000, v12;
	v12 =	vcvt.f32.s32 v15  }
0x98: {  	v13 =	vld [tilespmem:s2+$0x0];
	v15 =	vmul.f32 $5.119994810e+02, v14  }
0x99: {  	s8 =	sadd.s32 $0x2800, s21;
	v12 =	vadd.s32 $0x400, v12  }
0x9a: {  	s11 =	sor.u32 s6, s8;
	[tilespmem:v11+s23+$0x0] =	vst.idx.add.f32.msk $0xffff, v3;
	v3 =	vtrunc.f32 v15  }
0x9b: {  	s2 =	sadd.s32 $0x4800, s14;
	v11 =	vld [tilespmem:s11+$0x0];
	v3 =	vcvt.f32.s32 v3  }
0x9c: {  	s26 =	sor.u32 s13, s2;
	[tilespmem:v4+s23+$0x0] =	vst.idx.add.f32.msk $0xffff, v8  }
0x9d: {  	v4 =	vmul.f32 $5.119994810e+02, v13;
	v8 =	vld [tilespmem:s26+$0x0]  }
0x9e: {  	s7 =	sor.u32 s17, s7;
	[tilespmem:v12+s23+$0x0] =	vst.idx.add.f32.msk $0xffff, v10  }
0x9f: {  	s11 =	sadd.s32 $0x0, s9;
	v4 =	vtrunc.f32 v4;
	v12 =	vld [tilespmem:s7+$0x0]  }
0xa0: {  	s16 =	sadd.s32 $0x800, s11;
	v10 =	vld [tilespmem:s12+$0x15000];
	v4 =	vcvt.f32.s32 v4;
	v15 =	vmul.f32 $5.119994810e+02, v11  }
0xa1: {  	s15 =	sor.u32 s10, s16;
	[tilespmem:v3+s23+$0x0] =	vst.idx.add.f32.msk $0xffff, v14  }
0xa2: {  	v3 =	vadd.s32 $0xC00, v4;
	v4 =	vmul.f32 $5.119994810e+02, v8;
	v14 =	vtrunc.f32 v15;
	v15 =	vld [tilespmem:s15+$0x0]  }
0xa3: {  	v14 =	vcvt.f32.s32 v14  }
0xa4: {  	v4 =	vtrunc.f32 v4;
	v16 =	vmul.f32 $5.119994810e+02, v12  }
0xa5: {  	v4 =	vcvt.f32.s32 v4;
	v14 =	vadd.s32 $0xA00, v14  }
0xa6: {  	v16 =	vtrunc.f32 v16  }
0xa7: {  	s0 =	sor.u32 s31, s0;
	[tilespmem:v3+s23+$0x0] =	vst.idx.add.f32.msk $0xffff, v13;
	v3 =	vadd.s32 $0x1200, v4;
	v4 =	vcvt.f32.s32 v16;
	v13 =	vmul.f32 $5.119994810e+02, v15  }
0xa8: {  	v16 =	vld [tilespmem:s0+$0x0]  }
0xa9: {  	s7 =	sadd.s32 $0x3000, s21;
	v4 =	vadd.s32 $0x600, v4;
	v13 =	vtrunc.f32 v13  }
0xaa: {  	s18 =	sor.u32 s6, s7;
	[tilespmem:v14+s23+$0x0] =	vst.idx.add.f32.msk $0xffff, v11;
	v11 =	vcvt.f32.s32 v13  }
0xab: {  	s0 =	sadd.s32 $0x5000, s14;
	v13 =	vld [tilespmem:s18+$0x0]  }
0xac: {  	s19 =	sor.u32 s13, s0;
	[tilespmem:v3+s23+$0x0] =	vst.idx.add.f32.msk $0xffff, v8;
	v3 =	vadd.s32 $0x200, v11  }
0xad: {  	v8 =	vmul.f32 $5.119994810e+02, v16;
	v11 =	vld [tilespmem:s19+$0x0]  }
0xae: {  	s5 =	sor.u32 s17, s5;
	[tilespmem:v4+s23+$0x0] =	vst.idx.add.f32.msk $0xffff, v12  }
0xaf: {  	v4 =	vtrunc.f32 v8;
	v8 =	vld [tilespmem:s5+$0x0]  }
0xb0: {  	s9 =	sadd.s32 $0x1000, s11;
	v4 =	vcvt.f32.s32 v4;
	v12 =	vmul.f32 $5.119994810e+02, v13  }
0xb1: {  	s20 =	sor.u32 s10, s9;
	[tilespmem:v3+s23+$0x0] =	vst.idx.add.f32.msk $0xffff, v15  }
0xb2: {  	v3 =	vadd.s32 $0xE00, v4;
	v4 =	vmul.f32 $5.119994810e+02, v11;
	v12 =	vtrunc.f32 v12;
	v14 =	vld [tilespmem:s20+$0x0]  }
0xb3: {  	v12 =	vcvt.f32.s32 v12  }
0xb4: {  	s19 =	sand.u32 $0x60, s4;
	v4 =	vtrunc.f32 v4;
	v15 =	vmul.f32 $5.119994810e+02, v8  }
0xb5: {  	s3 =	sor.u32 s19, s3;
	v4 =	vcvt.f32.s32 v4;
	v12 =	vadd.s32 $0xC00, v12  }
0xb6: {  	v17 =	vld [tilespmem:s3+$0x0];
	v15 =	vtrunc.f32 v15  }
0xb7: {  	s1 =	sor.u32 s31, s1;
	[tilespmem:v3+s23+$0x0] =	vst.idx.add.f32.msk $0xffff, v16;
	v3 =	vadd.s32 $0x1400, v4;
	v4 =	vcvt.f32.s32 v15;
	v15 =	vmul.f32 $5.119994810e+02, v14  }
0xb8: {  	v16 =	vld [tilespmem:s1+$0x0]  }
0xb9: {  	s5 =	sadd.s32 $0x3800, s21;
	v4 =	vadd.s32 $0x800, v4;
	v15 =	vtrunc.f32 v15  }
0xba: {  	s24 =	sor.u32 s6, s5;
	[tilespmem:v12+s23+$0x0] =	vst.idx.add.f32.msk $0xffff, v13;
	v12 =	vcvt.f32.s32 v15  }
0xbb: {  	s1 =	sadd.s32 $0x5800, s14;
	v15 =	vld [tilespmem:s24+$0x0]  }
0xbc: {  	s25 =	sor.u32 s13, s1;
	v13 =	vmul.f32 $5.119994810e+02, v17;
	[tilespmem:v3+s23+$0x0] =	vst.idx.add.f32.msk $0xffff, v11;
	v3 =	vadd.s32 $0x400, v12  }
0xbd: {  	v11 =	vmul.f32 $5.119994810e+02, v16;
	v12 =	vld [tilespmem:s25+$0x0]  }
0xbe: {  	s26 =	sor.u32 s17, s8;
	v13 =	vtrunc.f32 v13;
	[tilespmem:v4+s23+$0x0] =	vst.idx.add.f32.msk $0xffff, v8  }
0xbf: {  	v4 =	vcvt.f32.s32 v13;
	v8 =	vtrunc.f32 v11;
	v11 =	vld [tilespmem:s26+$0x0]  }
0xc0: {  	s15 =	sadd.s32 $0x1800, s11;
	v8 =	vcvt.f32.s32 v8;
	v13 =	vmul.f32 $5.119994810e+02, v15  }
0xc1: {  	s8 =	sor.u32 s10, s15;
	[tilespmem:v3+s23+$0x0] =	vst.idx.add.f32.msk $0xffff, v14  }
0xc2: {  	v3 =	vadd.s32 $0x1000, v8;
	v14 =	vmul.f32 $5.119994810e+02, v12;
	v13 =	vtrunc.f32 v13;
	v18 =	vld [tilespmem:s8+$0x0]  }
0xc3: {  	v13 =	vcvt.f32.s32 v13  }
0xc4: {  	v8 =	vld [tilespmem:s3+$0x15000];
	v14 =	vtrunc.f32 v14;
	v19 =	vmul.f32 $5.119994810e+02, v11  }
0xc5: {  	s12 =	sor.u32 s19, s16;
	[tilespmem:v4+s23+$0x0] =	vst.idx.add.f32.msk $0xffff, v17;
	v4 =	vcvt.f32.s32 v14;
	v13 =	vadd.s32 $0xE00, v13  }
0xc6: {  	v14 =	vld [tilespmem:s12+$0x0];
	v17 =	vtrunc.f32 v19  }
0xc7: {  	s2 =	sor.u32 s31, s2;
	[tilespmem:v3+s23+$0x0] =	vst.idx.add.f32.msk $0xffff, v16;
	v3 =	vadd.s32 $0x1600, v4;
	v4 =	vcvt.f32.s32 v17;
	v16 =	vmul.f32 $5.119994810e+02, v18  }
0xc8: {  	v17 =	vld [tilespmem:s2+$0x0]  }
0xc9: {  	s8 =	sadd.s32 $0x4000, s21;
	v4 =	vadd.s32 $0xA00, v4;
	v16 =	vtrunc.f32 v16  }
0xca: {  	s16 =	sor.u32 s6, s8;
	[tilespmem:v13+s23+$0x0] =	vst.idx.add.f32.msk $0xffff, v15;
	v13 =	vcvt.f32.s32 v16  }
0xcb: {  	s4 =	sadd.s32 $0x6000, s14;
	v19 =	vmul.f32 $5.119994810e+02, v14;
	v15 =	vld [tilespmem:s16+$0x0]  }
0xcc: {  	s18 =	sor.u32 s13, s4;
	[tilespmem:v3+s23+$0x0] =	vst.idx.add.f32.msk $0xffff, v12;
	v12 =	vadd.s32 $0x600, v13  }
0xcd: {  	v3 =	vtrunc.f32 v19;
	v13 =	vmul.f32 $5.119994810e+02, v17;
	v16 =	vld [tilespmem:s18+$0x0]  }
0xce: {  	s20 =	sor.u32 s17, s7;
	v3 =	vcvt.f32.s32 v3;
	[tilespmem:v4+s23+$0x0] =	vst.idx.add.f32.msk $0xffff, v11  }
0xcf: {  	v4 =	vtrunc.f32 v13;
	v11 =	vld [tilespmem:s20+$0x0]  }
0xd0: {  	s7 =	sadd.s32 $0x2000, s11;
	v3 =	vadd.s32 $0x200, v3;
	v4 =	vcvt.f32.s32 v4;
	v13 =	vmul.f32 $5.119994810e+02, v15  }
0xd1: {  	s24 =	sor.u32 s10, s7;
	[tilespmem:v12+s23+$0x0] =	vst.idx.add.f32.msk $0xffff, v18  }
0xd2: {  	v4 =	vadd.s32 $0x1200, v4;
	v12 =	vmul.f32 $5.119994810e+02, v16;
	v13 =	vtrunc.f32 v13;
	v18 =	vld [tilespmem:s24+$0x0]  }
0xd3: {  	v13 =	vcvt.f32.s32 v13  }
0xd4: {  	v12 =	vtrunc.f32 v12;
	v19 =	vmul.f32 $5.119994810e+02, v11  }
0xd5: {  	s25 =	sor.u32 s19, s9;
	[tilespmem:v3+s23+$0x0] =	vst.idx.add.f32.msk $0xffff, v14;
	v3 =	vcvt.f32.s32 v12;
	v13 =	vadd.s32 $0x1000, v13  }
0xd6: {  	v12 =	vld [tilespmem:s25+$0x0];
	v14 =	vtrunc.f32 v19  }
0xd7: {  	s0 =	sor.u32 s31, s0;
	[tilespmem:v4+s23+$0x0] =	vst.idx.add.f32.msk $0xffff, v17;
	v3 =	vadd.s32 $0x1800, v3;
	v4 =	vcvt.f32.s32 v14;
	v14 =	vmul.f32 $5.119994810e+02, v18  }
0xd8: {  	v17 =	vld [tilespmem:s0+$0x0]  }
0xd9: {  	s9 =	sadd.s32 $0x4800, s21;
	v4 =	vadd.s32 $0xC00, v4;
	v14 =	vtrunc.f32 v14  }
0xda: {  	s26 =	sor.u32 s6, s9;
	[tilespmem:v13+s23+$0x0] =	vst.idx.add.f32.msk $0xffff, v15;
	v13 =	vcvt.f32.s32 v14  }
0xdb: {  	s0 =	sadd.s32 $0x6800, s14;
	v19 =	vmul.f32 $5.119994810e+02, v12;
	v14 =	vld [tilespmem:s26+$0x0]  }
0xdc: {  	s3 =	sor.u32 s13, s0;
	[tilespmem:v3+s23+$0x0] =	vst.idx.add.f32.msk $0xffff, v16;
	v13 =	vadd.s32 $0x800, v13  }
0xdd: {  	v3 =	vtrunc.f32 v19;
	v15 =	vmul.f32 $5.119994810e+02, v17;
	v16 =	vld [tilespmem:s3+$0x0]  }
0xde: {  	s12 =	sor.u32 s17, s5;
	v3 =	vcvt.f32.s32 v3;
	[tilespmem:v4+s23+$0x0] =	vst.idx.add.f32.msk $0xffff, v11  }
0xdf: {  	v4 =	vtrunc.f32 v15;
	v11 =	vld [tilespmem:s12+$0x0]  }
0xe0: {  	s5 =	sadd.s32 $0x2800, s11;
	v3 =	vadd.s32 $0x400, v3;
	v4 =	vcvt.f32.s32 v4;
	v15 =	vmul.f32 $5.119994810e+02, v14  }
0xe1: {  	s16 =	sor.u32 s10, s5;
	[tilespmem:v13+s23+$0x0] =	vst.idx.add.f32.msk $0xffff, v18  }
0xe2: {  	v4 =	vadd.s32 $0x1400, v4;
	v13 =	vmul.f32 $5.119994810e+02, v16;
	v15 =	vtrunc.f32 v15;
	v18 =	vld [tilespmem:s16+$0x0]  }
0xe3: {  	v15 =	vcvt.f32.s32 v15  }
0xe4: {  	v13 =	vtrunc.f32 v13;
	v19 =	vmul.f32 $5.119994810e+02, v11  }
0xe5: {  	s18 =	sor.u32 s19, s15;
	[tilespmem:v3+s23+$0x0] =	vst.idx.add.f32.msk $0xffff, v12;
	v3 =	vcvt.f32.s32 v13;
	v13 =	vadd.s32 $0x1200, v15  }
0xe6: {  	v12 =	vld [tilespmem:s18+$0x0];
	v15 =	vtrunc.f32 v19  }
0xe7: {  	[tilespmem:v4+s23+$0x0] =	vst.idx.add.f32.msk $0xffff, v17;
	v4 =	vcvt.f32.s32 v15;
	v15 =	vmul.f32 $5.119994810e+02, v18  }
0xe8: {  	s1 =	sor.u32 s31, s1;
	v3 =	vadd.s32 $0x1A00, v3  }
0xe9: {  	v17 =	vld [tilespmem:s1+$0x0];
	v15 =	vtrunc.f32 v15  }
0xea: {  	s15 =	sadd.s32 $0x5000, s21;
	v4 =	vadd.s32 $0xE00, v4;
	[tilespmem:v13+s23+$0x0] =	vst.idx.add.f32.msk $0xffff, v14;
	v13 =	vcvt.f32.s32 v15  }
0xeb: {  	s20 =	sor.u32 s6, s15;
	v19 =	vmul.f32 $5.119994810e+02, v12  }
0xec: {  	s2 =	sadd.s32 $0x7000, s14;
	v14 =	vld [tilespmem:s20+$0x0];
	v13 =	vadd.s32 $0xA00, v13  }
0xed: {  	s24 =	sor.u32 s13, s2;
	[tilespmem:v3+s23+$0x0] =	vst.idx.add.f32.msk $0xffff, v16;
	v3 =	vtrunc.f32 v19  }
0xee: {  	v15 =	vmul.f32 $5.119994810e+02, v17;
	v16 =	vld [tilespmem:s24+$0x0];
	v3 =	vcvt.f32.s32 v3  }
0xef: {  	s25 =	sor.u32 s17, s8;
	s26 =	simm.s32 $0x300;
	s1 =	simm.s32 $0x60;
	[tilespmem:v4+s23+$0x0] =	vst.idx.add.f32.msk $0xffff, v11  }
0xf0: {  	s8 =	simm.s32 $0x0;
	s12 =	sand.u32 $0x400, s26;
	v4 =	vtrunc.f32 v15;
	v11 =	vld [tilespmem:s25+$0x0];
	v3 =	vadd.s32 $0x600, v3;
	s25 =	sand.u32 $0xE0, s1  }
0xf1: {  	s3 =	sor.u32 s8, s12;
	s16 =	sadd.s32 $0x3000, s11;
	v4 =	vcvt.f32.s32 v4;
	v15 =	vmul.f32 $5.119994810e+02, v14;
	s18 =	sor.u32 $0x10, s25;
	[tilespmem:v13+s23+$0x0] =	vst.idx.add.f32.msk $0xffff, v18  }
0xf2: {  	s24 =	sor.u32 s10, s16;
	s8 =	sand.u32 $0x70, s18;
	[dreg:$0x4] =	wrdreg s18  }
0xf3: {  	v4 =	vadd.s32 $0x1600, v4;
	v18 =	vmul.f32 $5.119994810e+02, v16;
	v15 =	vtrunc.f32 v15;
	s20 =	sor.u32 s3, s8;
	v13 =	vld [tilespmem:s24+$0x0]  }
0xf4: {  	v15 =	vcvt.f32.s32 v15;
	v19 =	vld [tilespmem:s20+$0x0]  }
0xf5: {  	s7 =	sor.u32 s19, s7;
	v18 =	vtrunc.f32 v18;
	v20 =	vmul.f32 $5.119994810e+02, v11;
	[tilespmem:v3+s23+$0x0] =	vst.idx.add.f32.msk $0xffff, v12  }
0xf6: {  	v12 =	vld [tilespmem:s7+$0x0];
	v3 =	vcvt.f32.s32 v18;
	v15 =	vadd.s32 $0x1400, v15  }
0xf7: {  	v18 =	vtrunc.f32 v20  }
0xf8: {  	s4 =	sor.u32 s31, s4;
	[tilespmem:v4+s23+$0x0] =	vst.idx.add.f32.msk $0xffff, v17;
	v3 =	vadd.s32 $0x1C00, v3;
	v4 =	vcvt.f32.s32 v18  }
0xf9: {  	v17 =	vld [tilespmem:s4+$0x0];
	v18 =	vmul.f32 $5.119994810e+02, v19  }
0xfa: {  	s7 =	sadd.s32 $0x5800, s21;
	v20 =	vmul.f32 $5.119994810e+02, v13;
	v4 =	vadd.s32 $0x1000, v4  }
0xfb: {  	s26 =	sor.u32 s6, s7;
	v21 =	vmul.f32 $5.119994810e+02, v12;
	[tilespmem:v15+s23+$0x0] =	vst.idx.add.f32.msk $0xffff, v14;
	v14 =	vtrunc.f32 v18  }
0xfc: {  	s4 =	sadd.s32 $0x7800, s14;
	v18 =	vtrunc.f32 v20;
	v15 =	vld [tilespmem:s26+$0x0];
	v14 =	vcvt.f32.s32 v14  }
0xfd: {  	s26 =	sor.u32 s13, s4;
	[tilespmem:v3+s23+$0x0] =	vst.idx.add.f32.msk $0xffff, v16;
	v3 =	vcvt.f32.s32 v18  }
0xfe: {  	v18 =	vmul.f32 $5.119994810e+02, v17;
	v20 =	vtrunc.f32 v21;
	v16 =	vld [tilespmem:s26+$0x0]  }
0xff: {  	s9 =	sor.u32 s17, s9;
	[tilespmem:v4+s23+$0x0] =	vst.idx.add.f32.msk $0xffff, v11;
	v4 =	vcvt.f32.s32 v20;
	v11 =	vadd.s32 $0xC00, v3  }
0x100: {  	v18 =	vtrunc.f32 v18;
	v20 =	vld [tilespmem:s9+$0x0];
	s9 =	sadd.s32 $0x0, s12  }
0x101: {  	v3 =	vld [tilespmem:s20+$0x15000];
	v18 =	vcvt.f32.s32 v18;
	v4 =	vadd.s32 $0x800, v4;
	v21 =	vmul.f32 $5.119994810e+02, v15;
	s12 =	sadd.s32 $0x800, s9  }
0x102: {  	[tilespmem:v14+s23+$0x0] =	vst.idx.add.f32.msk $0xffff, v19;
	s18 =	sor.u32 s8, s12  }
0x103: {  	s30 =	sadd.s32 $0x3800, s11;
	v18 =	vadd.s32 $0x1800, v18;
	v14 =	vld [tilespmem:s18+$0x0];
	v19 =	vmul.f32 $5.119994810e+02, v16;
	v21 =	vtrunc.f32 v21  }
0x104: {  	s20 =	sor.u32 s10, s30;
	v21 =	vcvt.f32.s32 v21;
	[tilespmem:v11+s23+$0x0] =	vst.idx.add.f32.msk $0xffff, v13  }
0x105: {  	v11 =	vld [tilespmem:s20+$0x0];
	v13 =	vtrunc.f32 v19;
	v19 =	vmul.f32 $5.119994810e+02, v20  }
0x106: {  	s5 =	sor.u32 s19, s5;
	v13 =	vcvt.f32.s32 v13;
	[tilespmem:v4+s23+$0x0] =	vst.idx.add.f32.msk $0xffff, v12;
	v4 =	vadd.s32 $0x1600, v21  }
0x107: {  	v12 =	vld [tilespmem:s5+$0x0];
	v19 =	vtrunc.f32 v19  }
0x108: {  	s0 =	sor.u32 s31, s0;
	s28 =	sand.u32 $0x60, s1;
	[tilespmem:v18+s23+$0x0] =	vst.idx.add.f32.msk $0xffff, v17;
	v13 =	vadd.s32 $0x1E00, v13;
	v17 =	vcvt.f32.s32 v19;
	v18 =	vmul.f32 $5.119994810e+02, v14  }
0x109: {  	s1 =	sor.u32 s28, s3;
	v19 =	vld [tilespmem:s0+$0x0]  }
0x10a: {  	v21 =	vld [tilespmem:s1+$0x0];
	s5 =	sadd.s32 $0x6000, s21;
	v17 =	vadd.s32 $0x1200, v17;
	v18 =	vtrunc.f32 v18;
	v22 =	vmul.f32 $5.119994810e+02, v11  }
0x10b: {  	s24 =	sor.u32 s6, s5;
	[tilespmem:v4+s23+$0x0] =	vst.idx.add.f32.msk $0xffff, v15;
	v4 =	vcvt.f32.s32 v18  }
0x10c: {  	s0 =	sadd.s32 $0x8000, s14;
	v18 =	vld [tilespmem:s24+$0x0];
	v15 =	vmul.f32 $5.119994810e+02, v12;
	v22 =	vtrunc.f32 v22  }
0x10d: {  	s26 =	sor.u32 s13, s0;
	[tilespmem:v13+s23+$0x0] =	vst.idx.add.f32.msk $0xffff, v16;
	v4 =	vadd.s32 $0x200, v4;
	v13 =	vcvt.f32.s32 v22  }
0x10e: {  	v22 =	vmul.f32 $5.119994810e+02, v19;
	v16 =	vld [tilespmem:s26+$0x0];
	v15 =	vtrunc.f32 v15  }
0x10f: {  	[tilespmem:v17+s23+$0x0] =	vst.idx.add.f32.msk $0xffff, v20;
	v17 =	vcvt.f32.s32 v15;
	v20 =	vmul.f32 $5.119994810e+02, v21;
	v13 =	vadd.s32 $0xE00, v13  }
0x110: {  	s15 =	sor.u32 s17, s15;
	v15 =	vld [tilespmem:s1+$0x15000]  }
0x111: {  	s3 =	sadd.s32 $0x1000, s9;
	v22 =	vtrunc.f32 v22;
	v23 =	vld [tilespmem:s15+$0x0];
	v17 =	vadd.s32 $0xA00, v17;
	v20 =	vtrunc.f32 v20  }
0x112: {  	s18 =	sor.u32 s8, s3;
	v24 =	vmul.f32 $5.119994810e+02, v18;
	v20 =	vcvt.f32.s32 v20;
	[tilespmem:v4+s23+$0x0] =	vst.idx.add.f32.msk $0xffff, v14  }
0x113: {  	s26 =	sadd.s32 $0x4000, s11;
	v14 =	vcvt.f32.s32 v22;
	v4 =	vld [tilespmem:s18+$0x0]  }
0x114: {  	s20 =	sor.u32 s10, s26;
	v22 =	vmul.f32 $5.119994810e+02, v16;
	v24 =	vtrunc.f32 v24;
	[tilespmem:v13+s23+$0x0] =	vst.idx.add.f32.msk $0xffff, v11  }
0x115: {  	v13 =	vadd.s32 $0x1A00, v14;
	v14 =	vcvt.f32.s32 v24;
	v11 =	vld [tilespmem:s20+$0x0]  }
0x116: {  	s24 =	sor.u32 s19, s16;
	v22 =	vtrunc.f32 v22;
	v24 =	vmul.f32 $5.119994810e+02, v23;
	[tilespmem:v17+s23+$0x0] =	vst.idx.add.f32.msk $0xffff, v12  }
0x117: {  	v17 =	vcvt.f32.s32 v22;
	v14 =	vadd.s32 $0x1800, v14;
	v12 =	vld [tilespmem:s24+$0x0]  }
0x118: {  	s12 =	sor.u32 s28, s12;
	v22 =	vtrunc.f32 v24;
	[tilespmem:v20+s23+$0x0] =	vst.idx.add.f32.msk $0xffff, v21;
	v20 =	vmul.f32 $5.119994810e+02, v4  }
0x119: {  	v17 =	vadd.s32 $0x2000, v17;
	v22 =	vcvt.f32.s32 v22;
	v21 =	vld [tilespmem:s12+$0x0]  }
0x11a: {  	s15 =	sor.u32 s31, s2;
	[tilespmem:v13+s23+$0x0] =	vst.idx.add.f32.msk $0xffff, v19;
	v13 =	vtrunc.f32 v20;
	v19 =	vmul.f32 $5.119994810e+02, v11  }
0x11b: {  	s24 =	sadd.s32 $0x6800, s21;
	v20 =	vld [tilespmem:s15+$0x0];
	v22 =	vadd.s32 $0x1400, v22;
	v13 =	vcvt.f32.s32 v13  }
0x11c: {  	s16 =	sor.u32 s6, s24;
	[tilespmem:v14+s23+$0x0] =	vst.idx.add.f32.msk $0xffff, v18;
	v24 =	vmul.f32 $5.119994810e+02, v12;
	v14 =	vtrunc.f32 v19  }
0x11d: {  	s12 =	sadd.s32 $0x8800, s14;
	v18 =	vld [tilespmem:s16+$0x0];
	v13 =	vadd.s32 $0x400, v13;
	v14 =	vcvt.f32.s32 v14  }
0x11e: {  	s18 =	sor.u32 s13, s12;
	[tilespmem:v17+s23+$0x0] =	vst.idx.add.f32.msk $0xffff, v16;
	v16 =	vtrunc.f32 v24;
	v17 =	vmul.f32 $5.119994810e+02, v21  }
0x11f: {  	v19 =	vld [tilespmem:s18+$0x0];
	v16 =	vcvt.f32.s32 v16;
	v14 =	vadd.s32 $0x1000, v14  }
0x120: {  	s20 =	sor.u32 s17, s7;
	v24 =	vmul.f32 $5.119994810e+02, v20;
	[tilespmem:v22+s23+$0x0] =	vst.idx.add.f32.msk $0xffff, v23;
	v17 =	vtrunc.f32 v17  }
0x121: {  	s1 =	sadd.s32 $0x1800, s9;
	v22 =	vld [tilespmem:s20+$0x0];
	v16 =	vadd.s32 $0xC00, v16;
	v17 =	vcvt.f32.s32 v17  }
0x122: {  	s2 =	sor.u32 s8, s1;
	v23 =	vtrunc.f32 v24;
	v24 =	vmul.f32 $5.119994810e+02, v18;
	[tilespmem:v13+s23+$0x0] =	vst.idx.add.f32.msk $0xffff, v4  }
0x123: {  	s16 =	sadd.s32 $0x4800, s11;
	v13 =	vcvt.f32.s32 v23;
	v4 =	vld [tilespmem:s2+$0x0];
	v17 =	vadd.s32 $0x200, v17  }
0x124: {  	s15 =	sor.u32 s10, s16;
	v23 =	vmul.f32 $5.119994810e+02, v19;
	v24 =	vtrunc.f32 v24;
	[tilespmem:v14+s23+$0x0] =	vst.idx.add.f32.msk $0xffff, v11  }
0x125: {  	v13 =	vadd.s32 $0x1C00, v13;
	v14 =	vcvt.f32.s32 v24;
	v11 =	vld [tilespmem:s15+$0x0]  }
0x126: {  	s18 =	sor.u32 s19, s30;
	v23 =	vtrunc.f32 v23;
	v24 =	vmul.f32 $5.119994810e+02, v22;
	[tilespmem:v16+s23+$0x0] =	vst.idx.add.f32.msk $0xffff, v12  }
0x127: {  	v16 =	vcvt.f32.s32 v23;
	v14 =	vadd.s32 $0x1A00, v14;
	v12 =	vld [tilespmem:s18+$0x0]  }
0x128: {  	s3 =	sor.u32 s28, s3;
	v23 =	vtrunc.f32 v24;
	[tilespmem:v17+s23+$0x0] =	vst.idx.add.f32.msk $0xffff, v21;
	v17 =	vmul.f32 $5.119994810e+02, v4  }
0x129: {  	v16 =	vadd.s32 $0x2200, v16;
	v23 =	vcvt.f32.s32 v23;
	v21 =	vld [tilespmem:s3+$0x0]  }
0x12a: {  	s20 =	sor.u32 s31, s4;
	[tilespmem:v13+s23+$0x0] =	vst.idx.add.f32.msk $0xffff, v20;
	v13 =	vtrunc.f32 v17;
	v17 =	vmul.f32 $5.119994810e+02, v11  }
0x12b: {  	s15 =	sadd.s32 $0x7000, s21;
	v20 =	vld [tilespmem:s20+$0x0];
	v23 =	vadd.s32 $0x1600, v23;
	v13 =	vcvt.f32.s32 v13  }
0x12c: {  	s2 =	sor.u32 s6, s15;
	[tilespmem:v14+s23+$0x0] =	vst.idx.add.f32.msk $0xffff, v18;
	v24 =	vmul.f32 $5.119994810e+02, v12;
	v14 =	vtrunc.f32 v17  }
0x12d: {  	s7 =	sadd.s32 $0x9000, s14;
	v17 =	vld [tilespmem:s2+$0x0];
	v13 =	vadd.s32 $0x600, v13;
	v14 =	vcvt.f32.s32 v14  }
0x12e: {  	s4 =	sor.u32 s13, s7;
	[tilespmem:v16+s23+$0x0] =	vst.idx.add.f32.msk $0xffff, v19;
	v16 =	vtrunc.f32 v24;
	v18 =	vmul.f32 $5.119994810e+02, v21  }
0x12f: {  	v19 =	vld [tilespmem:s4+$0x0];
	v16 =	vcvt.f32.s32 v16;
	v14 =	vadd.s32 $0x1200, v14  }
0x130: {  	s18 =	sor.u32 s17, s5;
	v24 =	vmul.f32 $5.119994810e+02, v20;
	[tilespmem:v23+s23+$0x0] =	vst.idx.add.f32.msk $0xffff, v22;
	v18 =	vtrunc.f32 v18  }
0x131: {  	s5 =	sadd.s32 $0x2000, s9;
	v22 =	vld [tilespmem:s18+$0x0];
	v16 =	vadd.s32 $0xE00, v16;
	v18 =	vcvt.f32.s32 v18  }
0x132: {  	s20 =	sor.u32 s8, s5;
	v23 =	vtrunc.f32 v24;
	v24 =	vmul.f32 $5.119994810e+02, v17;
	[tilespmem:v13+s23+$0x0] =	vst.idx.add.f32.msk $0xffff, v4  }
0x133: {  	s30 =	sadd.s32 $0x5000, s11;
	v13 =	vcvt.f32.s32 v23;
	v4 =	vld [tilespmem:s20+$0x0];
	v18 =	vadd.s32 $0x400, v18  }
0x134: {  	s2 =	sor.u32 s10, s30;
	v23 =	vmul.f32 $5.119994810e+02, v19;
	v24 =	vtrunc.f32 v24;
	[tilespmem:v14+s23+$0x0] =	vst.idx.add.f32.msk $0xffff, v11  }
0x135: {  	v13 =	vadd.s32 $0x1E00, v13;
	v14 =	vcvt.f32.s32 v24;
	v11 =	vld [tilespmem:s2+$0x0]  }
0x136: {  	s4 =	sor.u32 s19, s26;
	v23 =	vtrunc.f32 v23;
	v24 =	vmul.f32 $5.119994810e+02, v22;
	[tilespmem:v16+s23+$0x0] =	vst.idx.add.f32.msk $0xffff, v12  }
0x137: {  	v16 =	vcvt.f32.s32 v23;
	v14 =	vadd.s32 $0x1C00, v14;
	v12 =	vld [tilespmem:s4+$0x0]  }
0x138: {  	s1 =	sor.u32 s28, s1;
	v23 =	vtrunc.f32 v24;
	[tilespmem:v18+s23+$0x0] =	vst.idx.add.f32.msk $0xffff, v21  }
0x139: {  	v18 =	vmul.f32 $5.119994810e+02, v4;
	v16 =	vadd.s32 $0x2400, v16;
	v23 =	vcvt.f32.s32 v23;
	v21 =	vld [tilespmem:s1+$0x0]  }
0x13a: {  	s0 =	sor.u32 s31, s0;
	[tilespmem:v13+s23+$0x0] =	vst.idx.add.f32.msk $0xffff, v20  }
0x13b: {  	s4 =	sadd.s32 $0x7800, s21;
	v13 =	vtrunc.f32 v18;
	v18 =	vmul.f32 $5.119994810e+02, v11;
	v20 =	vld [tilespmem:s0+$0x0];
	v23 =	vadd.s32 $0x1800, v23  }
0x13c: {  	s18 =	sor.u32 s6, s4;
	v13 =	vcvt.f32.s32 v13;
	[tilespmem:v14+s23+$0x0] =	vst.idx.add.f32.msk $0xffff, v17  }
0x13d: {  	s3 =	sadd.s32 $0x9800, s14;
	v24 =	vmul.f32 $5.119994810e+02, v12;
	v14 =	vtrunc.f32 v18;
	v17 =	vld [tilespmem:s18+$0x0]  }
0x13e: {  	s20 =	sor.u32 s13, s3;
	v13 =	vadd.s32 $0x800, v13;
	v14 =	vcvt.f32.s32 v14;
	[tilespmem:v16+s23+$0x0] =	vst.idx.add.f32.msk $0xffff, v19  }
0x13f: {  	v16 =	vtrunc.f32 v24;
	v18 =	vmul.f32 $5.119994810e+02, v21;
	v19 =	vld [tilespmem:s20+$0x0]  }
0x140: {  	s26 =	sor.u32 s17, s24;
	v16 =	vcvt.f32.s32 v16;
	v14 =	vadd.s32 $0x1400, v14;
	[tilespmem:v23+s23+$0x0] =	vst.idx.add.f32.msk $0xffff, v22  }
0x141: {  	v24 =	vmul.f32 $5.119994810e+02, v20;
	v18 =	vtrunc.f32 v18;
	v22 =	vld [tilespmem:s26+$0x0]  }
0x142: {  	s2 =	sadd.s32 $0x2800, s9;
	v16 =	vadd.s32 $0x1000, v16;
	v18 =	vcvt.f32.s32 v18  }
0x143: {  	s0 =	sor.u32 s8, s2;
	v23 =	vtrunc.f32 v24;
	v24 =	vmul.f32 $5.119994810e+02, v17;
	[tilespmem:v13+s23+$0x0] =	vst.idx.add.f32.msk $0xffff, v4  }
0x144: {  	s24 =	sadd.s32 $0x5800, s11;
	v13 =	vcvt.f32.s32 v23;
	v4 =	vld [tilespmem:s0+$0x0];
	v18 =	vadd.s32 $0x600, v18  }
0x145: {  	s18 =	sor.u32 s10, s24;
	v23 =	vmul.f32 $5.119994810e+02, v19;
	v24 =	vtrunc.f32 v24;
	[tilespmem:v14+s23+$0x0] =	vst.idx.add.f32.msk $0xffff, v11  }
0x146: {  	v13 =	vadd.s32 $0x2000, v13;
	v14 =	vcvt.f32.s32 v24;
	v11 =	vld [tilespmem:s18+$0x0];
	v24 =	vmul.f32 $5.119994810e+02, v22  }
0x147: {  	s20 =	sor.u32 s19, s16;
	v23 =	vtrunc.f32 v23;
	[tilespmem:v16+s23+$0x0] =	vst.idx.add.f32.msk $0xffff, v12  }
0x148: {  	v12 =	vcvt.f32.s32 v23;
	v14 =	vadd.s32 $0x1E00, v14;
	v16 =	vld [tilespmem:s20+$0x0];
	v23 =	vtrunc.f32 v24  }
0x149: {  	s26 =	sor.u32 s28, s5;
	[tilespmem:v18+s23+$0x0] =	vst.idx.add.f32.msk $0xffff, v21;
	v21 =	vcvt.f32.s32 v23  }
0x14a: {  	v12 =	vadd.s32 $0x2600, v12;
	v23 =	vmul.f32 $5.119994810e+02, v4;
	v18 =	vld [tilespmem:s26+$0x0]  }
0x14b: {  	s0 =	sor.u32 s31, s12;
	[tilespmem:v13+s23+$0x0] =	vst.idx.add.f32.msk $0xffff, v20;
	v20 =	vadd.s32 $0x1A00, v21  }
0x14c: {  	s12 =	sadd.s32 $0x8000, s21;
	v13 =	vld [tilespmem:s0+$0x0];
	v21 =	vtrunc.f32 v23;
	v23 =	vmul.f32 $5.119994810e+02, v11  }
0x14d: {  	s5 =	sor.u32 s6, s12;
	[tilespmem:v14+s23+$0x0] =	vst.idx.add.f32.msk $0xffff, v17;
	v14 =	vcvt.f32.s32 v21  }
0x14e: {  	s18 =	sadd.s32 $0xA000, s14;
	s14 =	simm.s32 $0x80;
	s20 =	simm.s32 $0x400;
	v17 =	vld [tilespmem:s5+$0x0];
	v21 =	vmul.f32 $5.119994810e+02, v16;
	v23 =	vtrunc.f32 v23  }
0x14f: {  	s16 =	sor.u32 s13, s18;
	s13 =	sand.u32 $0x400, s20;
	s26 =	sand.u32 $0xE0, s14;
	[tilespmem:v12+s23+$0x0] =	vst.idx.add.f32.msk $0xffff, v19;
	v14 =	vadd.s32 $0xA00, v14;
	v19 =	vcvt.f32.s32 v23  }
0x150: {  	s20 =	sor.u32 s17, s15;
	s0 =	simm.s32 $0x0;
	s5 =	sor.u32 $0x10, s26;
	v21 =	vtrunc.f32 v21;
	v23 =	vmul.f32 $5.119994810e+02, v18;
	[tilespmem:v20+s23+$0x0] =	vst.idx.add.f32.msk $0xffff, v22  }
0x151: {  	s15 =	sand.u32 $0x70, s5;
	v12 =	vld [tilespmem:s16+$0x0];
	s16 =	sor.u32 s0, s13;
	v20 =	vcvt.f32.s32 v21;
	v19 =	vadd.s32 $0x1600, v19;
	[dreg:$0x6] =	wrdreg s5  }
0x152: {  	v22 =	vmul.f32 $5.119994810e+02, v13;
	s0 =	sor.u32 s16, s15;
	v23 =	vtrunc.f32 v23;
	v21 =	vld [tilespmem:s20+$0x0]  }
0x153: {  	s5 =	sadd.s32 $0x3000, s9;
	v20 =	vadd.s32 $0x1200, v20;
	v23 =	vcvt.f32.s32 v23;
	v24 =	vld [tilespmem:s0+$0x0]  }
0x154: {  	v22 =	vtrunc.f32 v22;
	s20 =	sor.u32 s8, s5;
	[tilespmem:v14+s23+$0x0] =	vst.idx.add.f32.msk $0xffff, v4  }
0x155: {  	s1 =	sadd.s32 $0x6000, s11;
	v25 =	vmul.f32 $5.119994810e+02, v17;
	v4 =	vcvt.f32.s32 v22;
	v14 =	vld [tilespmem:s20+$0x0];
	v22 =	vadd.s32 $0x800, v23  }
0x156: {  	s20 =	sor.u32 s10, s1;
	[tilespmem:v19+s23+$0x0] =	vst.idx.add.f32.msk $0xffff, v11  }
0x157: {  	v23 =	vtrunc.f32 v25;
	v4 =	vadd.s32 $0x2200, v4;
	v11 =	vld [tilespmem:s20+$0x0]  }
0x158: {  	v19 =	vcvt.f32.s32 v23;
	s20 =	sor.u32 s19, s30;
	[tilespmem:v20+s23+$0x0] =	vst.idx.add.f32.msk $0xffff, v16;
	v16 =	vmul.f32 $5.119994810e+02, v24  }
0x159: {  	v20 =	vld [tilespmem:s20+$0x0]  }
0x15a: {  	s2 =	sor.u32 s28, s2;
	v19 =	vadd.s32 $0x2000, v19;
	[tilespmem:v22+s23+$0x0] =	vst.idx.add.f32.msk $0xffff, v18;
	v16 =	vtrunc.f32 v16;
	v18 =	vmul.f32 $5.119994810e+02, v14  }
0x15b: {  	v22 =	vld [tilespmem:s2+$0x0];
	v16 =	vcvt.f32.s32 v16  }
0x15c: {  	s7 =	sor.u32 s31, s7;
	s14 =	sand.u32 $0x60, s14;
	[tilespmem:v4+s23+$0x0] =	vst.idx.add.f32.msk $0xffff, v13;
	v4 =	vtrunc.f32 v18;
	v13 =	vmul.f32 $5.119994810e+02, v11  }
0x15d: {  	s2 =	sor.u32 s14, s16;
	v23 =	vld [tilespmem:s7+$0x0];
	v4 =	vcvt.f32.s32 v4  }
0x15e: {  	s7 =	sadd.s32 $0x8800, s21;
	v26 =	vld [tilespmem:s2+$0x0];
	v18 =	vmul.f32 $5.119994810e+02, v20;
	v13 =	vtrunc.f32 v13  }
0x15f: {  	[tilespmem:v19+s23+$0x0] =	vst.idx.add.f32.msk $0xffff, v17;
	s20 =	sor.u32 s6, s7;
	v19 =	vadd.s32 $0xC00, v4;
	v13 =	vcvt.f32.s32 v13  }
0x160: {  	s30 =	sadd.s32 $0x0, s13;
	v17 =	vld [tilespmem:s20+$0x0];
	v18 =	vtrunc.f32 v18;
	v25 =	vmul.f32 $5.119994810e+02, v22  }
0x161: {  	s13 =	sadd.s32 $0x800, s30;
	v4 =	vld [tilespmem:s0+$0x15000];
	v18 =	vcvt.f32.s32 v18;
	v13 =	vadd.s32 $0x1800, v13  }
0x162: {  	v27 =	vmul.f32 $5.119994810e+02, v21;
	s16 =	sor.u32 s15, s13;
	[tilespmem:v16+s23+$0x0] =	vst.idx.add.f32.msk $0xffff, v24;
	v25 =	vtrunc.f32 v25  }
0x163: {  	s0 =	sadd.s32 $0x3800, s9;
	v16 =	vld [tilespmem:s16+$0x0];
	v18 =	vadd.s32 $0x1400, v18;
	v24 =	vcvt.f32.s32 v25  }
0x164: {  	s20 =	sor.u32 s8, s0;
	v25 =	vtrunc.f32 v27;
	[tilespmem:v19+s23+$0x0] =	vst.idx.add.f32.msk $0xffff, v14  }
0x165: {  	s16 =	sadd.s32 $0x6800, s11;
	v19 =	vcvt.f32.s32 v25;
	v14 =	vld [tilespmem:s20+$0x0];
	v24 =	vadd.s32 $0xA00, v24  }
0x166: {  	v27 =	vmul.f32 $5.119994810e+02, v26;
	v25 =	vmul.f32 $5.119994810e+02, v23;
	s20 =	sor.u32 s10, s16;
	[tilespmem:v13+s23+$0x0] =	vst.idx.add.f32.msk $0xffff, v11  }
0x167: {  	v11 =	vadd.s32 $0x1C00, v19;
	v13 =	vld [tilespmem:s20+$0x0]  }
0x168: {  	s24 =	sor.u32 s19, s24;
	v19 =	vtrunc.f32 v25;
	[tilespmem:v18+s23+$0x0] =	vst.idx.add.f32.msk $0xffff, v20;
	v18 =	vtrunc.f32 v27  }
0x169: {  	v20 =	vld [tilespmem:s24+$0x0];
	v25 =	vcvt.f32.s32 v18;
	v18 =	vmul.f32 $5.119994810e+02, v16  }
0x16a: {  	s5 =	sor.u32 s28, s5;
	v19 =	vcvt.f32.s32 v19;
	[tilespmem:v24+s23+$0x0] =	vst.idx.add.f32.msk $0xffff, v22  }
0x16b: {  	v24 =	vmul.f32 $5.119994810e+02, v14;
	v22 =	vld [tilespmem:s5+$0x0];
	v18 =	vtrunc.f32 v18  }
0x16c: {  	s4 =	sor.u32 s17, s4;
	v19 =	vadd.s32 $0x2400, v19;
	[tilespmem:v11+s23+$0x0] =	vst.idx.add.f32.msk $0xffff, v21;
	v11 =	vcvt.f32.s32 v18  }
0x16d: {  	v21 =	vld [tilespmem:s4+$0x0];
	v24 =	vtrunc.f32 v24;
	v27 =	vmul.f32 $5.119994810e+02, v13  }
0x16e: {  	v18 =	vld [tilespmem:s2+$0x15000];
	v28 =	vadd.s32 $0x200, v11;
	v11 =	vcvt.f32.s32 v24  }
0x16f: {  	s24 =	sor.u32 s14, s13;
	v24 =	vmul.f32 $5.119994810e+02, v20;
	[tilespmem:v25+s23+$0x0] =	vst.idx.add.f32.msk $0xffff, v26;
	v25 =	vtrunc.f32 v27  }
0x170: {  	v26 =	vld [tilespmem:s24+$0x0];
	v27 =	vadd.s32 $0xE00, v11;
	v25 =	vcvt.f32.s32 v25  }
0x171: {  	s3 =	sor.u32 s31, s3;
	[tilespmem:v19+s23+$0x0] =	vst.idx.add.f32.msk $0xffff, v23;
	v19 =	vtrunc.f32 v24;
	v23 =	vmul.f32 $5.119994810e+02, v22  }
0x172: {  	s2 =	sadd.s32 $0x1000, s30;
	v11 =	vld [tilespmem:s3+$0x0];
	v19 =	vcvt.f32.s32 v19;
	v24 =	vadd.s32 $0x1A00, v25  }
0x173: {  	s4 =	sor.u32 s15, s2;
	v25 =	vmul.f32 $5.119994810e+02, v21;
	v23 =	vtrunc.f32 v23;
	[tilespmem:v28+s23+$0x0] =	vst.idx.add.f32.msk $0xffff, v16  }
0x174: {  	s24 =	sadd.s32 $0x4000, s9;
	v19 =	vadd.s32 $0x1600, v19;
	v23 =	vcvt.f32.s32 v23;
	v16 =	vld [tilespmem:s4+$0x0]  }
0x175: {  	s5 =	sor.u32 s8, s24;
	v25 =	vtrunc.f32 v25;
	v28 =	vmul.f32 $5.119994810e+02, v26;
	[tilespmem:v27+s23+$0x0] =	vst.idx.add.f32.msk $0xffff, v14  }
0x176: {  	s3 =	sadd.s32 $0x7000, s11;
	v25 =	vcvt.f32.s32 v25;
	v23 =	vadd.s32 $0xC00, v23;
	v27 =	vmul.f32 $5.119994810e+02, v17;
	v14 =	vld [tilespmem:s5+$0x0]  }
0x177: {  	s13 =	sor.u32 s10, s3;
	v28 =	vtrunc.f32 v28;
	[tilespmem:v24+s23+$0x0] =	vst.idx.add.f32.msk $0xffff, v13  }
0x178: {  	v24 =	vadd.s32 $0x1E00, v25;
	v27 =	vtrunc.f32 v27;
	v13 =	vld [tilespmem:s13+$0x0];
	v25 =	vcvt.f32.s32 v28  }
0x179: {  	s1 =	sor.u32 s19, s1;
	[tilespmem:v19+s23+$0x0] =	vst.idx.add.f32.msk $0xffff, v20;
	v27 =	vcvt.f32.s32 v27  }
0x17a: {  	v19 =	vmul.f32 $5.119994810e+02, v16;
	v20 =	vld [tilespmem:s1+$0x0];
	v25 =	vadd.s32 $0x200, v25  }
0x17b: {  	s0 =	sor.u32 s28, s0;
	[tilespmem:v23+s23+$0x0] =	vst.idx.add.f32.msk $0xffff, v22;
	v27 =	vadd.s32 $0x2200, v27  }
0x17c: {  	v19 =	vtrunc.f32 v19;
	v22 =	vmul.f32 $5.119994810e+02, v14;
	v23 =	vld [tilespmem:s0+$0x0]  }
0x17d: {  	s20 =	sor.u32 s17, s12;
	v19 =	vcvt.f32.s32 v19;
	[tilespmem:v24+s23+$0x0] =	vst.idx.add.f32.msk $0xffff, v21  }
0x17e: {  	v21 =	vtrunc.f32 v22;
	v22 =	vmul.f32 $5.119994810e+02, v13;
	v24 =	vld [tilespmem:s20+$0x0]  }
0x17f: {  	v19 =	vadd.s32 $0x400, v19;
	v21 =	vcvt.f32.s32 v21;
	[tilespmem:v25+s23+$0x0] =	vst.idx.add.f32.msk $0xffff, v26  }
0x180: {  	s5 =	sadd.s32 $0x9000, s21;
	s1 =	sor.u32 s14, s2;
	v28 =	vmul.f32 $5.119994810e+02, v20;
	v22 =	vtrunc.f32 v22;
	[tilespmem:v27+s23+$0x0] =	vst.idx.add.f32.msk $0xffff, v17  }
0x181: {  	s2 =	sor.u32 s6, s5;
	v25 =	vld [tilespmem:s1+$0x0];
	v21 =	vadd.s32 $0x1000, v21;
	v22 =	vcvt.f32.s32 v22  }
0x182: {  	v17 =	vtrunc.f32 v28;
	v26 =	vmul.f32 $5.119994810e+02, v23;
	v27 =	vld [tilespmem:s2+$0x0]  }
0x183: {  	s0 =	sadd.s32 $0x1800, s30;
	v17 =	vcvt.f32.s32 v17;
	v22 =	vadd.s32 $0x1C00, v22  }
0x184: {  	s4 =	sor.u32 s15, s0;
	v28 =	vmul.f32 $5.119994810e+02, v24;
	v26 =	vtrunc.f32 v26;
	[tilespmem:v19+s23+$0x0] =	vst.idx.add.f32.msk $0xffff, v16  }
0x185: {  	s1 =	sadd.s32 $0x4800, s9;
	v17 =	vadd.s32 $0x1800, v17;
	v19 =	vcvt.f32.s32 v26;
	v16 =	vld [tilespmem:s4+$0x0]  }
0x186: {  	s12 =	sor.u32 s8, s1;
	v26 =	vtrunc.f32 v28;
	v28 =	vmul.f32 $5.119994810e+02, v25;
	[tilespmem:v21+s23+$0x0] =	vst.idx.add.f32.msk $0xffff, v14  }
0x187: {  	s4 =	sadd.s32 $0x7800, s11;
	v21 =	vcvt.f32.s32 v26;
	v19 =	vadd.s32 $0xE00, v19;
	v26 =	vmul.f32 $5.119994810e+02, v27;
	v14 =	vld [tilespmem:s12+$0x0]  }
0x188: {  	s13 =	sor.u32 s10, s4;
	v28 =	vtrunc.f32 v28;
	[tilespmem:v22+s23+$0x0] =	vst.idx.add.f32.msk $0xffff, v13  }
0x189: {  	v21 =	vadd.s32 $0x2000, v21;
	v26 =	vtrunc.f32 v26;
	v13 =	vld [tilespmem:s13+$0x0];
	v22 =	vcvt.f32.s32 v28  }
0x18a: {  	s20 =	sor.u32 s19, s16;
	[tilespmem:v17+s23+$0x0] =	vst.idx.add.f32.msk $0xffff, v20;
	v26 =	vcvt.f32.s32 v26  }
0x18b: {  	v17 =	vmul.f32 $5.119994810e+02, v16;
	v20 =	vld [tilespmem:s20+$0x0];
	v22 =	vadd.s32 $0x400, v22  }
0x18c: {  	s24 =	sor.u32 s28, s24;
	[tilespmem:v19+s23+$0x0] =	vst.idx.add.f32.msk $0xffff, v23;
	v26 =	vadd.s32 $0x2400, v26  }
0x18d: {  	v17 =	vtrunc.f32 v17;
	v19 =	vmul.f32 $5.119994810e+02, v14;
	v23 =	vld [tilespmem:s24+$0x0]  }
0x18e: {  	s7 =	sor.u32 s17, s7;
	v17 =	vcvt.f32.s32 v17;
	[tilespmem:v21+s23+$0x0] =	vst.idx.add.f32.msk $0xffff, v24  }
0x18f: {  	v19 =	vtrunc.f32 v19;
	v21 =	vmul.f32 $5.119994810e+02, v13;
	v24 =	vld [tilespmem:s7+$0x0]  }
0x190: {  	v17 =	vadd.s32 $0x600, v17;
	v19 =	vcvt.f32.s32 v19;
	[tilespmem:v22+s23+$0x0] =	vst.idx.add.f32.msk $0xffff, v25  }
0x191: {  	s0 =	sor.u32 s14, s0;
	s24 =	sadd.s32 $0x9800, s21;
	v28 =	vmul.f32 $5.119994810e+02, v20;
	v21 =	vtrunc.f32 v21;
	[tilespmem:v26+s23+$0x0] =	vst.idx.add.f32.msk $0xffff, v27  }
0x192: {  	s12 =	sor.u32 s6, s24;
	v22 =	vld [tilespmem:s0+$0x0];
	v19 =	vadd.s32 $0x1200, v19;
	v21 =	vcvt.f32.s32 v21  }
0x193: {  	v25 =	vmul.f32 $5.119994810e+02, v23;
	v26 =	vtrunc.f32 v28;
	v27 =	vld [tilespmem:s12+$0x0]  }
0x194: {  	s7 =	sadd.s32 $0x2000, s30;
	v26 =	vcvt.f32.s32 v26;
	v21 =	vadd.s32 $0x1E00, v21  }
0x195: {  	s13 =	sor.u32 s15, s7;
	v28 =	vmul.f32 $5.119994810e+02, v24;
	v25 =	vtrunc.f32 v25;
	[tilespmem:v17+s23+$0x0] =	vst.idx.add.f32.msk $0xffff, v16  }
0x196: {  	s0 =	sadd.s32 $0x5000, s9;
	v17 =	vcvt.f32.s32 v25;
	v25 =	vadd.s32 $0x1A00, v26;
	v16 =	vld [tilespmem:s13+$0x0]  }
0x197: {  	s16 =	sor.u32 s8, s0;
	v26 =	vtrunc.f32 v28;
	v28 =	vmul.f32 $5.119994810e+02, v22;
	[tilespmem:v19+s23+$0x0] =	vst.idx.add.f32.msk $0xffff, v14  }
0x198: {  	s2 =	sadd.s32 $0x8000, s11;
	v19 =	vcvt.f32.s32 v26;
	v17 =	vadd.s32 $0x1000, v17;
	v26 =	vmul.f32 $5.119994810e+02, v27;
	v14 =	vld [tilespmem:s16+$0x0]  }
0x199: {  	s20 =	sor.u32 s10, s2;
	[tilespmem:v21+s23+$0x0] =	vst.idx.add.f32.msk $0xffff, v13  }
0x19a: {  	v28 =	vtrunc.f32 v28;
	v19 =	vadd.s32 $0x2200, v19;
	v26 =	vtrunc.f32 v26;
	v13 =	vld [tilespmem:s20+$0x0]  }
0x19b: {  	v21 =	vcvt.f32.s32 v28;
	[tilespmem:v25+s23+$0x0] =	vst.idx.add.f32.msk $0xffff, v20;
	v20 =	vmul.f32 $5.119994810e+02, v16  }
0x19c: {  	v26 =	vcvt.f32.s32 v26  }
0x19d: {  	s1 =	sor.u32 s28, s1;
	v21 =	vadd.s32 $0x600, v21;
	[tilespmem:v17+s23+$0x0] =	vst.idx.add.f32.msk $0xffff, v23;
	v17 =	vtrunc.f32 v20;
	v20 =	vmul.f32 $5.119994810e+02, v14  }
0x19e: {  	v26 =	vadd.s32 $0x2600, v26;
	v23 =	vld [tilespmem:s1+$0x0];
	v17 =	vcvt.f32.s32 v17  }
0x19f: {  	s3 =	sor.u32 s19, s3;
	[tilespmem:v19+s23+$0x0] =	vst.idx.add.f32.msk $0xffff, v24;
	v19 =	vtrunc.f32 v20;
	v20 =	vmul.f32 $5.119994810e+02, v13  }
0x1a0: {  	s13 =	sor.u32 s17, s5;
	v25 =	vld [tilespmem:s3+$0x0];
	v28 =	vadd.s32 $0x800, v17;
	v17 =	vcvt.f32.s32 v19  }
0x1a1: {  	v24 =	vld [tilespmem:s13+$0x0];
	v19 =	vmul.f32 $5.119994810e+02, v11;
	v20 =	vtrunc.f32 v20  }
0x1a2: {  	[tilespmem:v21+s23+$0x0] =	vst.idx.add.f32.msk $0xffff, v22;
	v20 =	vcvt.f32.s32 v20  }
0x1a3: {  	s16 =	sor.u32 s14, s7;
	s7 =	sadd.s32 $0xA000, s21;
	[tilespmem:v26+s23+$0x0] =	vst.idx.add.f32.msk $0xffff, v27;
	v22 =	vadd.s32 $0x1400, v17;
	v19 =	vtrunc.f32 v19;
	v26 =	vmul.f32 $5.119994810e+02, v23  }
0x1a4: {  	s20 =	sor.u32 s6, s7;
	v21 =	vld [tilespmem:s16+$0x0];
	v19 =	vcvt.f32.s32 v19  }
0x1a5: {  	s1 =	sadd.s32 $0x2800, s30;
	v17 =	vld [tilespmem:s20+$0x0];
	v20 =	vadd.s32 $0x2000, v20;
	v26 =	vtrunc.f32 v26  }
0x1a6: {  	s21 =	sor.u32 s15, s1;
	v27 =	vmul.f32 $5.119994810e+02, v25;
	[tilespmem:v28+s23+$0x0] =	vst.idx.add.f32.msk $0xffff, v16;
	v16 =	vadd.s32 $0x2600, v19;
	v19 =	vcvt.f32.s32 v26  }
0x1a7: {  	s16 =	sadd.s32 $0x5800, s9;
	v29 =	vld [tilespmem:s21+$0x0]  }
0x1a8: {  	s5 =	sor.u32 s8, s16;
	v26 =	vtrunc.f32 v27;
	v27 =	vmul.f32 $5.119994810e+02, v24;
	[tilespmem:v22+s23+$0x0] =	vst.idx.add.f32.msk $0xffff, v14;
	v19 =	vadd.s32 $0x1200, v19  }
0x1a9: {  	v14 =	vcvt.f32.s32 v26;
	v22 =	vmul.f32 $5.119994810e+02, v21;
	v31 =	vld [tilespmem:s5+$0x0];
	s5 =	sadd.s32 $0x8800, s11  }
0x1aa: {  	v26 =	vtrunc.f32 v27;
	[tilespmem:v20+s23+$0x0] =	vst.idx.add.f32.msk $0xffff, v13;
	s6 =	sor.u32 s10, s5  }
0x1ab: {  	v13 =	vadd.s32 $0x1C00, v14;
	v14 =	vcvt.f32.s32 v26;
	v22 =	vtrunc.f32 v22;
	v20 =	vld [tilespmem:s6+$0x0]  }
0x1ac: {  	[tilespmem:v16+s23+$0x0] =	vst.idx.add.f32.msk $0xffff, v11;
	v11 =	vcvt.f32.s32 v22;
	v22 =	vmul.f32 $5.119994810e+02, v29  }
0x1ad: {  	v35 =	vmov s22;
	v36 =	vor.u32 s22, v1;
	s12 =	sor.u32 s31, s18;
	v14 =	vadd.s32 $0x2400, v14;
	[tilespmem:v19+s23+$0x0] =	vst.idx.add.f32.msk $0xffff, v23  }
0x1ae: {  	s22 =	simm.s32 $0x0;
	v37 =	vmov s25;
	s0 =	sor.u32 s28, s0;
	v16 =	vld [tilespmem:s12+$0x0];
	v11 =	vadd.s32 $0x800, v11;
	v19 =	vtrunc.f32 v22;
	s13 =	rddreg [dreg:$0x1d]  }
0x1af: {  	v28 =	vmov s22;
	v26 =	vld [tilespmem:s0+$0x0];
	v22 =	vmul.f32 $5.119994810e+02, v31;
	s18 =	rddreg [dreg:$0x1f];
	v19 =	vcvt.f32.s32 v19  }
0x1b0: {  	s20 =	sor.u32 s19, s4;
	v23 =	vmov s13;
	v27 =	vor.u32 s13, v1;
	v33 =	vmov s18;
	[tilespmem:v13+s23+$0x0] =	vst.idx.add.f32.msk $0xffff, v25  }
0x1b1: {  	s21 =	simm.s32 $0x0;
	v25 =	vld [tilespmem:s20+$0x0];
	v13 =	vtrunc.f32 v22;
	v22 =	vmul.f32 $5.119994810e+02, v20;
	v19 =	vadd.s32 $0xA00, v19  }
0x1b2: {  	s24 =	sor.u32 s17, s24;
	v23 =	vshll.u32 v23, $0x3;
	[tilespmem:v14+s23+$0x0] =	vst.idx.add.f32.msk $0xffff, v24;
	v14 =	vcvt.f32.s32 v13;
	v24 =	vmov s21  }
0x1b3: {  	s1 =	sor.u32 s14, s1;
	s4 =	simm.s32 $0x0;
	s6 =	simm.s32 $0xA0;
	v13 =	vor.u32 s25, v1;
	[tilespmem:v11+s23+$0x0] =	vst.idx.add.f32.msk $0xffff, v21;
	v11 =	vtrunc.f32 v22;
	v24 =	vshll.u32 v24, $0x7  }
0x1b4: {  	s12 =	simm.s32 $0x500;
	s21 =	sand.u32 $0xE0, s6;
	v22 =	vld [tilespmem:s24+$0x0];
	v21 =	vadd.s32 $0x1600, v14;
	v11 =	vcvt.f32.s32 v11;
	s25 =	rddreg [dreg:$0x1c];
	v47 =	vand.u32 $0x380, v24  }
0x1b5: {  	s0 =	sand.u32 $0x400, s12;
	s13 =	sadd.s32 $0x3000, s30;
	v38 =	vld [tilespmem:s1+$0x0];
	v24 =	vmul.f32 $5.119994810e+02, v12;
	v39 =	vmov s25;
	v40 =	vor.u32 s25, v1;
	s25 =	sor.u32 $0x10, s21  }
0x1b6: {  	v34 =	vor.u32 s18, v1;
	s20 =	sor.u32 s4, s0;
	s18 =	sor.u32 s15, s13;
	v42 =	vand.u32 $0x400, v23;
	v30 =	vmul.f32 $5.119994810e+02, v26;
	s3 =	sand.u32 $0x70, s25;
	[tilespmem:v19+s23+$0x0] =	vst.idx.add.f32.msk $0xffff, v29  }
0x1b7: {  	v11 =	vadd.s32 $0x2200, v11;
	v41 =	vmul.f32 $5.119994810e+02, v25;
	v24 =	vtrunc.f32 v24;
	v29 =	vld [tilespmem:s18+$0x0];
	s18 =	sor.u32 s20, s3  }
0x1b8: {  	s1 =	sand.u32 $0x60, s6;
	v19 =	vtrunc.f32 v30;
	v30 =	vand.u32 $0x6F, v27;
	v24 =	vcvt.f32.s32 v24;
	s22 =	rddreg [dreg:$0x1e];
	v43 =	vld [tilespmem:s18+$0x0]  }
0x1b9: {  	s4 =	sadd.s32 $0x6000, s9;
	v19 =	vcvt.f32.s32 v19;
	v23 =	vtrunc.f32 v41;
	s20 =	sor.u32 s1, s20;
	v14 =	vmov s22;
	[tilespmem:v21+s23+$0x0] =	vst.idx.add.f32.msk $0xffff, v31  }
0x1ba: {  	s24 =	sor.u32 s8, s4;
	v32 =	vor.u32 s22, v1;
	v27 =	vmul.f32 $5.119994810e+02, v38;
	v45 =	vld [tilespmem:s20+$0x0];
	v49 =	vadd.s32 $0x2800, v24  }
0x1bb: {  	v31 =	vshll.u32 v5, $0xB;
	s22 =	sadd.s32 $0x9000, s11;
	v62 =	vld [tilespmem:s24+$0x0];
	v44 =	vadd.s32 $0x1400, v19;
	v19 =	vcvt.f32.s32 v23  }
0x1bc: {  	v21 =	vshll.u32 v5, $0x9;
	v5 =	vshll.u32 v33, $0x3;
	s24 =	sor.u32 s10, s22;
	v23 =	vtrunc.f32 v27;
	[tilespmem:v11+s23+$0x0] =	vst.idx.add.f32.msk $0xffff, v20  }
0x1bd: {  	v27 =	vand.u32 $0x400, v5;
	v63 =	vld [tilespmem:s24+$0x0];
	v5 =	vadd.s32 $0x1E00, v19;
	v11 =	vcvt.f32.s32 v23  }
0x1be: {  	v23 =	vld [tilespmem:s20+$0x15000];
	v46 =	vmul.f32 $5.119994810e+02, v29;
	v50 =	vmul.f32 $5.119994810e+02, v43  }
0x1bf: {  	v48 =	vshll.u32 v9, $0xB;
	v51 =	vshll.u32 v39, $0x3;
	v11 =	vadd.s32 $0xA00, v11;
	[tilespmem:v49+s23+$0x0] =	vst.idx.add.f32.msk $0xffff, v12  }
0x1c0: {  	s16 =	sor.u32 s28, s16;
	v19 =	vand.u32 $0x6F, v34;
	[tilespmem:v44+s23+$0x0] =	vst.idx.add.f32.msk $0xffff, v26;
	v52 =	vtrunc.f32 v46;
	v26 =	vtrunc.f32 v50  }
0x1c1: {  	v34 =	vand.u32 $0x400, v51;
	v44 =	vld [tilespmem:s16+$0x0];
	v39 =	vcvt.f32.s32 v52;
	v26 =	vcvt.f32.s32 v26  }
0x1c2: {  	s2 =	sor.u32 s19, s2;
	[tilespmem:v5+s23+$0x0] =	vst.idx.add.f32.msk $0xffff, v25;
	v5 =	vor.u32 v47, v34;
	v25 =	vmul.f32 $5.119994810e+02, v62;
	v24 =	vmul.f32 $5.119994810e+02, v63  }
0x1c3: {  	v20 =	vshll.u32 v6, $0xB;
	v46 =	vld [tilespmem:s2+$0x0];
	v34 =	vbroadcast v5, $0x0;
	v53 =	vadd.s32 $0xC00, v39  }
0x1c4: {  	[tilespmem:v11+s23+$0x0] =	vst.idx.add.f32.msk $0xffff, v38;
	v11 =	vtrunc.f32 v25;
	v25 =	vand.u32 $0x7F, v40;
	v24 =	vtrunc.f32 v24  }
0x1c5: {  	s16 =	sor.u32 s14, s13;
	v5 =	vld [tilespmem:s18+$0x15000];
	v34 =	vor.u32 v34, v48;
	v54 =	vcvt.f32.s32 v11;
	v11 =	vshll.u32 v6, $0x9  }
0x1c6: {  	s20 =	sadd.s32 $0x0, s0;
	v39 =	vld [tilespmem:s16+$0x0];
	v6 =	vcvt.f32.s32 v24;
	v34 =	vor.u32 v25, v34;
	v25 =	vmul.f32 $5.119994810e+02, v45  }
0x1c7: {  	s0 =	sadd.s32 $0x800, s20;
	v24 =	vshll.u32 v35, $0x3;
	v55 =	vmul.f32 $5.119994810e+02, v44;
	v40 =	vadd.s32 $0x1800, v54;
	[tilespmem:v26+s23+$0x0] =	vst.idx.add.f32.msk $0xffff, v43  }
0x1c8: {  	s13 =	sadd.s32 $0x3800, s30;
	s18 =	sor.u32 s3, s0;
	v26 =	vtrunc.f32 v25;
	[tilespmem:v53+s23+$0x0] =	vst.idx.add.f32.msk $0xffff, v29;
	v25 =	vand.u32 $0x400, v24;
	v29 =	vadd.s32 $0x2400, v6  }
0x1c9: {  	s24 =	sor.u32 s15, s13;
	v12 =	vtrunc.f32 v55;
	v6 =	vshll.u32 v8, $0x9;
	v58 =	vmul.f32 $5.119994810e+02, v46;
	v43 =	vld [tilespmem:s18+$0x0]  }
0x1ca: {  	v38 =	vld [tilespmem:s24+$0x0];
	v56 =	vcvt.f32.s32 v26;
	v26 =	vshll.u32 v8, $0xB;
	v8 =	vcvt.f32.s32 v12  }
0x1cb: {  	v24 =	vand.u32 $0x6F, v36;
	s18 =	sadd.s32 $0x6800, s9;
	v57 =	vmul.f32 $5.119994810e+02, v39;
	v36 =	vtrunc.f32 v58;
	v34 =	vld.idx.msk [tilespmem:v34+s29+$0x0], $0xffff  }
0x1cc: {  	s16 =	sor.u32 s8, s18;
	v36 =	vcvt.f32.s32 v36;
	[tilespmem:v40+s23+$0x0] =	vst.idx.add.f32.msk $0xffff, v62  }
0x1cd: {  	s2 =	sadd.s32 $0x9800, s11;
	v8 =	vadd.s32 $0x1600, v8;
	v35 =	vtrunc.f32 v57;
	v57 =	vmul.f32 $5.119994810e+02, v17;
	v59 =	vld [tilespmem:s16+$0x0]  }
0x1ce: {  	s24 =	sor.u32 s10, s2;
	v35 =	vcvt.f32.s32 v35;
	[tilespmem:v29+s23+$0x0] =	vst.idx.add.f32.msk $0xffff, v63;
	v61 =	vmul.f32 $5.119994810e+02, v43  }
0x1cf: {  	v36 =	vadd.s32 $0x2000, v36;
	v33 =	vld [tilespmem:s24+$0x0];
	v62 =	vmul.f32 $5.119994810e+02, v38;
	v49 =	vtrunc.f32 v57  }
0x1d0: {  	s0 =	sor.u32 s1, s0;
	v35 =	vadd.s32 $0xC00, v35;
	[tilespmem:v56+s23+$0x0] =	vst.idx.add.f32.msk $0xffff, v45;
	v49 =	vcvt.f32.s32 v49;
	v41 =	vtrunc.f32 v61  }
0x1d1: {  	v60 =	vor.u32 v47, v42;
	v45 =	vld [tilespmem:s0+$0x0];
	v41 =	vcvt.f32.s32 v41  }
0x1d2: {  	s24 =	sor.u32 s28, s4;
	v42 =	vtrunc.f32 v62;
	[tilespmem:v8+s23+$0x0] =	vst.idx.add.f32.msk $0xffff, v44;
	v61 =	vadd.s32 $0x2800, v49;
	v8 =	vmul.f32 $5.119994810e+02, v59  }
0x1d3: {  	v28 =	vshll.u32 v28, $0x7;
	v44 =	vld [tilespmem:s24+$0x0];
	v42 =	vcvt.f32.s32 v42;
	v41 =	vadd.s32 $0x200, v41  }
0x1d4: {  	v14 =	vshll.u32 v14, $0x3;
	v32 =	vand.u32 $0x7F, v32;
	[tilespmem:v36+s23+$0x0] =	vst.idx.add.f32.msk $0xffff, v46;
	v8 =	vtrunc.f32 v8  }
0x1d5: {  	s4 =	sor.u32 s14, s13;
	v53 =	vmul.f32 $5.119994810e+02, v33;
	v42 =	vadd.s32 $0xE00, v42;
	[tilespmem:v35+s23+$0x0] =	vst.idx.add.f32.msk $0xffff, v39;
	v8 =	vcvt.f32.s32 v8  }
0x1d6: {  	v14 =	vand.u32 $0x400, v14;
	v12 =	vshll.u32 v37, $0x3;
	v40 =	vbroadcast v60, $0x0;
	v39 =	vld [tilespmem:s4+$0x0]  }
0x1d7: {  	v54 =	vmul.f32 $5.119994810e+02, v45;
	v55 =	vtrunc.f32 v53;
	s4 =	sadd.s32 $0x1000, s20;
	[tilespmem:v61+s23+$0x0] =	vst.idx.add.f32.msk $0xffff, v17;
	v8 =	vadd.s32 $0x1A00, v8  }
0x1d8: {  	v63 =	vmul.f32 $5.119994810e+02, v34;
	v35 =	vand.u32 $0x380, v28;
	v46 =	vcvt.f32.s32 v55;
	s16 =	sor.u32 s3, s4;
	[tilespmem:v41+s23+$0x0] =	vst.idx.add.f32.msk $0xffff, v43  }
0x1d9: {  	s13 =	sor.u32 s19, s5;
	s5 =	sadd.s32 $0x4000, s30;
	v14 =	vor.u32 v35, v14;
	v56 =	vmul.f32 $5.119994810e+02, v44;
	v36 =	vtrunc.f32 v54;
	v43 =	vld [tilespmem:s16+$0x0]  }
0x1da: {  	s24 =	sor.u32 s15, s5;
	v14 =	vbroadcast v14, $0x0;
	v36 =	vcvt.f32.s32 v36;
	v46 =	vadd.s32 $0x2600, v46;
	[tilespmem:v42+s23+$0x0] =	vst.idx.add.f32.msk $0xffff, v38  }
0x1db: {  	v58 =	vshll.u32 v7, $0xB;
	v17 =	vmul.f32 $5.119994810e+02, v22;
	v41 =	vtrunc.f32 v56;
	v42 =	vld [tilespmem:s24+$0x0]  }
0x1dc: {  	v38 =	vor.u32 v14, v58;
	s16 =	sadd.s32 $0x7000, s9;
	v36 =	vadd.s32 $0x200, v36;
	[tilespmem:v8+s23+$0x0] =	vst.idx.add.f32.msk $0xffff, v59;
	v59 =	vmul.f32 $5.119994810e+02, v39  }
0x1dd: {  	v28 =	vld [tilespmem:s13+$0x0];
	v14 =	vshll.u32 v15, $0xB;
	v41 =	vcvt.f32.s32 v41;
	v32 =	vor.u32 v32, v38;
	s13 =	sor.u32 s8, s16  }
0x1de: {  	s0 =	sadd.s32 $0xA000, s11;
	v8 =	vshll.u32 v15, $0x9;
	v50 =	vld [tilespmem:s13+$0x0];
	v15 =	vtrunc.f32 v59;
	v60 =	vmul.f32 $5.119994810e+02, v43  }
0x1df: {  	s10 =	sor.u32 s10, s0;
	v47 =	vtrunc.f32 v63;
	v41 =	vadd.s32 $0x1800, v41;
	[tilespmem:v46+s23+$0x0] =	vst.idx.add.f32.msk $0xffff, v33;
	v15 =	vcvt.f32.s32 v15  }
0x1e0: {  	v29 =	vsub.f32 $1.000000000e+00, v34;
	v17 =	vtrunc.f32 v17;
	v33 =	vld [tilespmem:s10+$0x0];
	v62 =	vtrunc.f32 v60  }
0x1e1: {  	v63 =	vmul.f32 $5.119994810e+02, v42;
	[tilespmem:v36+s23+$0x0] =	vst.idx.add.f32.msk $0xffff, v45;
	v36 =	vcvt.f32.s32 v62;
	v15 =	vadd.s32 $0xE00, v15  }
0x1e2: {  	v31 =	vor.u32 v40, v31;
	v52 =	vmul.f32 $5.119994810e+02, v29;
	s4 =	sor.u32 s1, s4;
	v17 =	vcvt.f32.s32 v17;
	v32 =	vld.idx.msk [tilespmem:v32+s29+$0x0], $0xffff  }
0x1e3: {  	v38 =	vld [tilespmem:s4+$0x0];
	v37 =	vtrunc.f32 v63;
	v51 =	vmul.f32 $5.119994810e+02, v50;
	v36 =	vadd.s32 $0x400, v36  }
0x1e4: {  	v30 =	vor.u32 v30, v31;
	s24 =	sor.u32 s28, s18;
	[tilespmem:v41+s23+$0x0] =	vst.idx.add.f32.msk $0xffff, v44;
	v37 =	vcvt.f32.s32 v37  }
0x1e5: {  	v52 =	vtrunc.f32 v52;
	v17 =	vadd.s32 $0x2600, v17;
	v41 =	vld [tilespmem:s24+$0x0];
	v31 =	vtrunc.f32 v51  }
0x1e6: {  	s5 =	sor.u32 s14, s5;
	v54 =	vmul.f32 $5.119994810e+02, v16;
	v37 =	vadd.s32 $0x1000, v37;
	v31 =	vcvt.f32.s32 v31;
	[tilespmem:v15+s23+$0x0] =	vst.idx.add.f32.msk $0xffff, v39  }
0x1e7: {  	v9 =	vshll.u32 v9, $0x9;
	v49 =	vcvt.f32.s32 v47;
	v53 =	vcvt.f32.s32 v52;
	s10 =	sadd.s32 $0x1800, s20;
	v39 =	vld [tilespmem:s5+$0x0]  }
0x1e8: {  	s13 =	sor.u32 s3, s10;
	v44 =	vtrunc.f32 v54;
	v56 =	vmul.f32 $5.119994810e+02, v38;
	v31 =	vadd.s32 $0x1C00, v31;
	[tilespmem:v36+s23+$0x0] =	vst.idx.add.f32.msk $0xffff, v43  }
0x1e9: {  	v7 =	vshll.u32 v7, $0x9;
	v40 =	vadd.s32 v53, v9;
	v57 =	vcvt.f32.s32 v44;
	v44 =	vld [tilespmem:s13+$0x0]  }
0x1ea: {  	s18 =	sadd.s32 $0x4800, s30;
	[tilespmem:v17+s23+$0x0] =	vst.idx.add.f32.msk $0xffff, v22;
	v58 =	vmul.f32 $5.119994810e+02, v41;
	v36 =	vadd.s32 v49, v9;
	v9 =	vtrunc.f32 v56  }
0x1eb: {  	s24 =	sor.u32 s15, s18;
	v61 =	vmul.f32 $5.119994810e+02, v32;
	[tilespmem:v37+s23+$0x0] =	vst.idx.add.f32.msk $0xffff, v42;
	v43 =	vadd.s32 $0x2800, v57;
	v9 =	vcvt.f32.s32 v9  }
0x1ec: {  	v55 =	vor.u32 s26, v1;
	s4 =	sadd.s32 $0x7800, s9;
	v37 =	vtrunc.f32 v58;
	v42 =	vld [tilespmem:s24+$0x0];
	v59 =	vmul.f32 $5.119994810e+02, v39  }
0x1ed: {  	v15 =	vmov s26;
	s26 =	sor.u32 s8, s4;
	v60 =	vadd.s32 $0x400, v9;
	v9 =	vcvt.f32.s32 v37;
	[tilespmem:v31+s23+$0x0] =	vst.idx.add.f32.msk $0xffff, v50  }
0x1ee: {  	s7 =	sor.u32 s17, s7;
	v34 =	vsub.f32 $0.0e+00, v34;
	v31 =	vld [tilespmem:s26+$0x0];
	v17 =	vmul.f32 $5.119994810e+02, v44;
	v22 =	vtrunc.f32 v59  }
0x1ef: {  	v45 =	vld [tilespmem:s7+$0x0];
	v54 =	vtrunc.f32 v61;
	v62 =	vadd.s32 $0x1A00, v9;
	v22 =	vcvt.f32.s32 v22  }
0x1f0: {  	v61 =	vmul.f32 $5.119994810e+02, v28;
	v37 =	vsub.f32 $1.000000000e+00, v32;
	[tilespmem:v43+s23+$0x0] =	vst.idx.add.f32.msk $0xffff, v16;
	v16 =	vtrunc.f32 v17  }
0x1f1: {  	v30 =	vld.idx.msk [tilespmem:v30+s29+$0x0], $0xffff;
	v17 =	vmul.f32 $5.119994810e+02, v42;
	v52 =	vcvt.f32.s32 v16;
	v22 =	vadd.s32 $0x1000, v22  }
0x1f2: {  	v35 =	vor.u32 v35, v27;
	v47 =	vcvt.f32.s32 v54;
	s5 =	sor.u32 s1, s10;
	v63 =	vmul.f32 $5.119994810e+02, v37;
	[tilespmem:v60+s23+$0x0] =	vst.idx.add.f32.msk $0xffff, v38  }
0x1f3: {  	s11 =	simm.s32 $0x0;
	v48 =	vld [tilespmem:s5+$0x0];
	v17 =	vtrunc.f32 v17;
	v53 =	vmul.f32 $5.119994810e+02, v31;
	v46 =	vadd.s32 $0x600, v52  }
0x1f4: {  	s7 =	sor.u32 s28, s16;
	v54 =	vtrunc.f32 v61;
	v58 =	vmov s11;
	[tilespmem:v62+s23+$0x0] =	vst.idx.add.f32.msk $0xffff, v41;
	v17 =	vcvt.f32.s32 v17  }
0x1f5: {  	v9 =	vand.u32 $0x6F, v55;
	v55 =	vtrunc.f32 v63;
	v27 =	vld [tilespmem:s7+$0x0];
	v38 =	vtrunc.f32 v53  }
0x1f6: {  	s10 =	sor.u32 s14, s18;
	v60 =	vmul.f32 $5.119994810e+02, v33;
	v17 =	vadd.s32 $0x1200, v17;
	v38 =	vcvt.f32.s32 v38;
	[tilespmem:v22+s23+$0x0] =	vst.idx.add.f32.msk $0xffff, v39  }
0x1f7: {  	s5 =	sadd.s32 $0x2000, s20;
	v41 =	vcvt.f32.s32 v55;
	v22 =	vbroadcast v35, $0x0;
	v35 =	vadd.s32 v47, v7;
	v39 =	vld [tilespmem:s10+$0x0]  }
0x1f8: {  	v43 =	vshll.u32 v58, $0x7;
	s13 =	sor.u32 s3, s5;
	v56 =	vmul.f32 $5.119994810e+02, v30;
	v38 =	vadd.s32 $0x1E00, v38;
	[tilespmem:v46+s23+$0x0] =	vst.idx.add.f32.msk $0xffff, v44  }
0x1f9: {  	v62 =	vtrunc.f32 v60;
	v55 =	vshll.u32 v10, $0xB;
	v41 =	vadd.s32 v41, v7;
	s16 =	rddreg [dreg:$0x1b];
	v47 =	vld [tilespmem:s13+$0x0]  }
0x1fa: {  	v57 =	vtrunc.f32 v56;
	v7 =	vsub.f32 $0.0e+00, v32;
	[tilespmem:v36+s23+$0x0] =	vst.idx.add.f32.msk $0xffff, v34;
	v59 =	vmov s16  }
0x1fb: {  	v56 =	vmul.f32 $5.119994810e+02, v45;
	[tilespmem:v17+s23+$0x0] =	vst.idx.add.f32.msk $0xffff, v42;
	v42 =	vand.u32 $0x380, v43;
	v44 =	vshll.u32 v59, $0x3  }
0x1fc: {  	v43 =	vcvt.f32.s32 v62;
	v52 =	vor.u32 s16, v1;
	[tilespmem:v35+s23+$0x0] =	vst.idx.add.f32.msk $0xffff, v7;
	v17 =	vand.u32 $0x400, v44  }
0x1fd: {  	v7 =	vtrunc.f32 v56;
	[tilespmem:v38+s23+$0x0] =	vst.idx.add.f32.msk $0xffff, v31;
	v31 =	vcvt.f32.s32 v57;
	v63 =	vor.u32 v42, v17  }
0x1fe: {  	s31 =	simm.s32 $0x16000;
	s7 =	sadd.s32 $0x8000, s9;
	[tilespmem:v40+s23+$0x0] =	vst.idx.add.f32.msk $0xffff, v29;
	v43 =	vadd.s32 $0x2800, v43;
	v36 =	vcvt.f32.s32 v7;
	v53 =	vbroadcast v63, $0x0  }
0x1ff: {  	s17 =	sadd.s32 $0x5000, s30;
	s24 =	sor.u32 s8, s7;
	v58 =	vmul.f32 $5.119994810e+02, v48;
	v29 =	vand.u32 $0x7F, v52;
	[tilespmem:v40+s31+$0x0] =	vst.idx.add.f32.msk $0xffff, v2;
	v31 =	vadd.s32 v31, v21  }
0x200: {  	s18 =	sor.u32 s15, s17;
	v57 =	vcvt.f32.s32 v54;
	v38 =	vld [tilespmem:s24+$0x0];
	v61 =	vadd.s32 $0x2800, v36;
	v32 =	vor.u32 v53, v55  }
0x201: {  	v16 =	vshll.u32 v18, $0xB;
	v34 =	vtrunc.f32 v58;
	v44 =	vld [tilespmem:s18+$0x0];
	v29 =	vor.u32 v29, v32  }
0x202: {  	[tilespmem:v41+s23+$0x0] =	vst.idx.add.f32.msk $0xffff, v37;
	v17 =	vsub.f32 $1.000000000e+00, v30;
	v30 =	vsub.f32 $0.0e+00, v30;
	v32 =	vadd.s32 $0x2200, v57  }
0x203: {  	v7 =	vshll.u32 v18, $0x9;
	v18 =	vcvt.f32.s32 v34;
	v60 =	vmul.f32 $5.119994810e+02, v39;
	[tilespmem:v43+s23+$0x0] =	vst.idx.add.f32.msk $0xffff, v33  }
0x204: {  	v20 =	vor.u32 v22, v20;
	[tilespmem:v31+s23+$0x0] =	vst.idx.add.f32.msk $0xffff, v30  }
0x205: {  	v18 =	vadd.s32 $0x600, v18;
	v34 =	vtrunc.f32 v60;
	[tilespmem:v61+s23+$0x0] =	vst.idx.add.f32.msk $0xffff, v45;
	v45 =	vmul.f32 $5.119994810e+02, v38  }
0x206: {  	v30 =	vcvt.f32.s32 v34;
	v31 =	vor.u32 v19, v20;
	v62 =	vld.idx.msk [tilespmem:v29+s29+$0x0], $0xffff;
	v29 =	vmul.f32 $5.119994810e+02, v47  }
0x207: {  	s26 =	sor.u32 s19, s22;
	v20 =	vmul.f32 $5.119994810e+02, v44;
	[tilespmem:v32+s23+$0x0] =	vst.idx.add.f32.msk $0xffff, v28;
	v28 =	vmov s21;
	v32 =	vtrunc.f32 v45  }
0x208: {  	v63 =	vld [tilespmem:s26+$0x0];
	v32 =	vcvt.f32.s32 v32;
	v19 =	vtrunc.f32 v29;
	v29 =	vadd.s32 $0x1200, v30  }
0x209: {  	[tilespmem:v41+s31+$0x0] =	vst.idx.add.f32.msk $0xffff, v2;
	v28 =	vshll.u32 v28, $0x3;
	v30 =	vtrunc.f32 v20;
	v19 =	vcvt.f32.s32 v19  }
0x20a: {  	[tilespmem:v18+s23+$0x0] =	vst.idx.add.f32.msk $0xffff, v48;
	v20 =	vand.u32 $0x400, v28;
	v28 =	vcvt.f32.s32 v30;
	v52 =	vadd.s32 $0x2000, v32  }
0x20b: {  	s5 =	sor.u32 s1, s5;
	v46 =	vmul.f32 $5.119994810e+02, v27;
	v48 =	vld.idx.msk [tilespmem:v31+s29+$0x0], $0xffff;
	v18 =	vadd.s32 $0x800, v19  }
0x20c: {  	v13 =	vand.u32 $0x6F, v13;
	v59 =	vmul.f32 $5.119994810e+02, v17;
	v30 =	vld [tilespmem:s5+$0x0];
	v28 =	vadd.s32 $0x1400, v28  }
0x20d: {  	v12 =	vand.u32 $0x400, v12;
	s10 =	sor.u32 s14, s17;
	v31 =	vtrunc.f32 v46;
	v50 =	vmul.f32 $5.119994810e+02, v63;
	[tilespmem:v29+s23+$0x0] =	vst.idx.add.f32.msk $0xffff, v39  }
0x20e: {  	v15 =	vshll.u32 v15, $0x3;
	v35 =	vtrunc.f32 v59;
	v51 =	vcvt.f32.s32 v31;
	v31 =	vld [tilespmem:s10+$0x0]  }
0x20f: {  	v22 =	vcvt.f32.s32 v35;
	v49 =	vsub.f32 $1.000000000e+00, v62;
	v33 =	vtrunc.f32 v50;
	[tilespmem:v52+s23+$0x0] =	vst.idx.add.f32.msk $0xffff, v38  }
0x210: {  	s5 =	sadd.s32 $0x2800, s20;
	v29 =	vmul.f32 $5.119994810e+02, v62;
	v39 =	vadd.s32 $0x1C00, v51;
	v54 =	vcvt.f32.s32 v33;
	[tilespmem:v18+s23+$0x0] =	vst.idx.add.f32.msk $0xffff, v47  }
0x211: {  	s16 =	sadd.s32 $0x5800, s30;
	v22 =	vadd.s32 v22, v21;
	v21 =	vshll.u32 v23, $0xB;
	s13 =	sor.u32 s3, s5;
	v53 =	vmul.f32 $5.119994810e+02, v49;
	[tilespmem:v28+s23+$0x0] =	vst.idx.add.f32.msk $0xffff, v44  }
0x212: {  	s11 =	sadd.s32 $0x8800, s9;
	s29 =	sor.u32 s15, s16;
	v18 =	vshll.u32 v23, $0x9;
	v23 =	vtrunc.f32 v29;
	v33 =	vld [tilespmem:s13+$0x0];
	v41 =	vadd.s32 $0x2400, v54  }
0x213: {  	v15 =	vand.u32 $0x400, v15;
	s24 =	sor.u32 s8, s11;
	v29 =	vtrunc.f32 v53;
	v23 =	vcvt.f32.s32 v23;
	v32 =	vld [tilespmem:s29+$0x0]  }
0x214: {  	v10 =	vshll.u32 v10, $0x9;
	v25 =	vor.u32 v42, v25;
	v28 =	vcvt.f32.s32 v29;
	v29 =	vld [tilespmem:s24+$0x0]  }
0x215: {  	s4 =	sor.u32 s28, s4;
	v56 =	vbroadcast v25, $0x0;
	v55 =	vmul.f32 $5.119994810e+02, v30;
	[tilespmem:v39+s23+$0x0] =	vst.idx.add.f32.msk $0xffff, v27;
	v23 =	vadd.s32 v23, v10  }
0x216: {  	v36 =	vsub.f32 $0.0e+00, v62;
	v58 =	vmul.f32 $5.119994810e+02, v48;
	v57 =	vadd.s32 v28, v10;
	v28 =	vld [tilespmem:s4+$0x0]  }
0x217: {  	s2 =	sor.u32 s19, s2;
	s26 =	simm.s32 $0x0;
	v25 =	vsub.f32 $1.000000000e+00, v48;
	v27 =	vor.u32 v56, v26;
	v10 =	vtrunc.f32 v55;
	[tilespmem:v41+s23+$0x0] =	vst.idx.add.f32.msk $0xffff, v63  }
0x218: {  	s29 =	simm.s32 $0x0;
	v60 =	vmul.f32 $5.119994810e+02, v31;
	v59 =	vcvt.f32.s32 v10;
	v10 =	vor.u32 v24, v27;
	v24 =	vld [tilespmem:s2+$0x0];
	[dreg:$0xc] =	wrdreg s26  }
0x219: {  	v19 =	vor.u32 s21, v1;
	v61 =	vmul.f32 $5.119994810e+02, v25;
	v26 =	vtrunc.f32 v58;
	[dreg:$0x9] =	wrdreg s29  }
0x21a: {  	v62 =	vtrunc.f32 v60;
	v27 =	vmul.f32 $5.119994810e+02, v33;
	[tilespmem:v23+s23+$0x0] =	vst.idx.add.f32.msk $0xffff, v36;
	v36 =	vadd.s32 $0x800, v59  }
0x21b: {  	s22 =	sor.u32 s28, s7;
	s17 =	simm.s32 $0x0;
	v19 =	vand.u32 $0x6F, v19;
	v34 =	vcvt.f32.s32 v62;
	v63 =	vtrunc.f32 v61  }
0x21c: {  	s18 =	sor.u32 s19, s0;
	s19 =	smov.u32 s28;
	s28 =	sor.u32 s28, s11;
	v35 =	vmul.f32 $5.119994810e+02, v32;
	v23 =	vsub.f32 $0.0e+00, v48;
	v27 =	vtrunc.f32 v27;
	[tilespmem:v57+s23+$0x0] =	vst.idx.add.f32.msk $0xffff, v49  }
0x21d: {  	s7 =	sor.u32 s1, s5;
	s21 =	simm.s32 $0xA;
	s4 =	sor.u32 s14, s16;
	v34 =	vadd.s32 $0x1400, v34;
	v37 =	vcvt.f32.s32 v27;
	v27 =	vcvt.f32.s32 v63;
	[tilespmem:v57+s31+$0x0] =	vst.idx.add.f32.msk $0xffff, v2  }
.LBB2_5:
0x21e: {  	s21 =	sadd.s32 $0x2, s21;
	s6 =	sadd.s32 $0x20, s6;
	[tilespmem:v22+s23+$0x0] =	vst.idx.add.f32.msk $0xffff, v17;
	s12 =	sadd.s32 $0x100, s12  }
0x21f: {  	s11 =	smov.u32 s25;
	s2 =	sshrl.u32 s21, $0x4;
	s26 =	sand.u32 $0xE0, s6;
	[tilespmem:v36+s23+$0x0] =	vst.idx.add.f32.msk $0xffff, v30  }
0x220: {  	v35 =	vtrunc.f32 v35;
	s5 =	sand.u32 $0x400, s12;
	s16 =	sshll.u32 s2, $0x7;
	s0 =	sor.u32 $0x10, s26;
	v55 =	vld [tilespmem:s7+$0x0]  }
0x221: {  	v17 =	vmovc v25;
	v54 =	vadd.s32 $0xA00, v37;
	s24 =	sand.u32 $0x60, s6;
	v25 =	vcvt.f32.s32 v35;
	[tilespmem:v22+s31+$0x0] =	vst.idx.add.f32.msk $0xffff, v2;
	s13 =	sor.u32 s16, s5;
	s25 =	sand.u32 $0x70, s0;
	v38 =	vmul.f32 $5.119994810e+02, v29  }
0x222: {  	[tilespmem:v34+s23+$0x0] =	vst.idx.add.f32.msk $0xffff, v31;
	s29 =	sor.u32 s24, s13;
	s13 =	sor.u32 s13, s25  }
0x223: {  	v56 =	vmul.f32 $5.119994810e+02, v28;
	v39 =	vadd.s32 $0x1600, v25;
	v58 =	vld [tilespmem:s13+$0x0];
	v38 =	vtrunc.f32 v38  }
0x224: {  	v26 =	vcvt.f32.s32 v26;
	v30 =	vmov s26;
	v48 =	vld [tilespmem:s4+$0x0];
	v25 =	vcvt.f32.s32 v38  }
0x225: {  	v57 =	vor.u32 s26, v1;
	s26 =	sadd.s32 $0x3000, s20;
	v22 =	vtrunc.f32 v56;
	v63 =	vld [tilespmem:s29+$0x0];
	v60 =	vmul.f32 $5.119994810e+02, v55  }
0x226: {  	s7 =	sor.u32 s3, s26;
	v59 =	vcvt.f32.s32 v22;
	[tilespmem:v54+s23+$0x0] =	vst.idx.add.f32.msk $0xffff, v33;
	v40 =	vadd.s32 $0x2200, v25  }
0x227: {  	s10 =	sadd.s32 $0x6000, s30;
	v22 =	vadd.s32 v27, v11;
	v27 =	vadd.s32 v26, v11;
	v11 =	vmovc v6;
	v6 =	vmovc v8;
	v61 =	vld [tilespmem:s7+$0x0];
	v26 =	vtrunc.f32 v60  }
0x228: {  	v8 =	vmovc v7;
	v7 =	vmovc v18;
	s7 =	sor.u32 s15, s10;
	v62 =	vadd.s32 $0x1E00, v59;
	[tilespmem:v39+s23+$0x0] =	vst.idx.add.f32.msk $0xffff, v32;
	v18 =	vmul.f32 $5.119994810e+02, v58;
	v26 =	vcvt.f32.s32 v26  }
0x229: {  	v32 =	vld [tilespmem:s7+$0x0]  }
0x22a: {  	s31 =	sor.u32 s1, s26;
	s26 =	sor.u32 s14, s10;
	v46 =	vld [tilespmem:s29+$0x15000];
	s10 =	sadd.s32 $0x9000, s9;
	v18 =	vtrunc.f32 v18;
	v26 =	vadd.s32 $0xA00, v26  }
0x22b: {  	s7 =	sor.u32 s19, s10;
	s10 =	sor.u32 s8, s10;
	v42 =	vmul.f32 $5.119994810e+02, v63;
	v47 =	vcvt.f32.s32 v18;
	[tilespmem:v40+s23+$0x0] =	vst.idx.add.f32.msk $0xffff, v29  }
0x22c: {  	v45 =	vmul.f32 $5.119994810e+02, v61;
	v29 =	vld [tilespmem:s10+$0x0]  }
0x22d: {  	v42 =	vtrunc.f32 v42;
	[tilespmem:v62+s23+$0x0] =	vst.idx.add.f32.msk $0xffff, v28  }
0x22e: {  	v18 =	vtrunc.f32 v45;
	v36 =	vld [tilespmem:s22+$0x0];
	v41 =	vmul.f32 $5.119994810e+02, v32  }
0x22f: {  	v42 =	vcvt.f32.s32 v42;
	s22 =	sadd.s32 s16, s5;
	v18 =	vcvt.f32.s32 v18;
	[tilespmem:v26+s23+$0x0] =	vst.idx.add.f32.msk $0xffff, v55  }
0x230: {  	s16 =	sadd.s32 $0x800, s22;
	v28 =	vtrunc.f32 v41;
	v26 =	vld [tilespmem:s13+$0x15000]  }
0x231: {  	s4 =	sor.u32 s25, s16;
	v50 =	vadd.s32 $0xC00, v18;
	v43 =	vcvt.f32.s32 v28;
	[tilespmem:v47+s23+$0x0] =	vst.idx.add.f32.msk $0xffff, v58;
	v49 =	vmul.f32 $5.119994810e+02, v29  }
0x232: {  	v40 =	vld [tilespmem:s4+$0x0]  }
0x233: {  	v51 =	vld [tilespmem:s31+$0x0];
	v43 =	vadd.s32 $0x1800, v43;
	v41 =	vtrunc.f32 v49  }
0x234: {  	v52 =	vmul.f32 $5.119994810e+02, v48;
	v41 =	vcvt.f32.s32 v41  }
0x235: {  	s29 =	sadd.s32 $0x3800, s20;
	[tilespmem:v42+s23+$0x0] =	vst.idx.add.f32.msk $0xffff, v63  }
0x236: {  	v53 =	vtrunc.f32 v52;
	v44 =	vmul.f32 $5.119994810e+02, v36;
	s4 =	sor.u32 s3, s29;
	[tilespmem:v50+s23+$0x0] =	vst.idx.add.f32.msk $0xffff, v61;
	v41 =	vadd.s32 $0x2400, v41  }
0x237: {  	v25 =	vand.u32 $0x6F, v57;
	v34 =	vcvt.f32.s32 v53;
	s5 =	sadd.s32 $0x6800, s30;
	v55 =	vld [tilespmem:s4+$0x0];
	v57 =	vmul.f32 $5.119994810e+02, v40  }
0x238: {  	v56 =	vtrunc.f32 v44;
	v54 =	vmul.f32 $5.119994810e+02, v51;
	s4 =	sor.u32 s15, s5;
	[tilespmem:v43+s23+$0x0] =	vst.idx.add.f32.msk $0xffff, v32  }
0x239: {  	v34 =	vadd.s32 $0x1600, v34;
	s10 =	sor.u32 s24, s16;
	v32 =	vcvt.f32.s32 v56;
	v43 =	vld [tilespmem:s4+$0x0];
	v59 =	vtrunc.f32 v57  }
0x23a: {  	v42 =	vld [tilespmem:s10+$0x0];
	v35 =	vtrunc.f32 v54;
	v33 =	vcvt.f32.s32 v59  }
0x23b: {  	s13 =	sor.u32 s1, s29;
	s29 =	sadd.s32 $0x9800, s9;
	v35 =	vcvt.f32.s32 v35;
	[tilespmem:v41+s23+$0x0] =	vst.idx.add.f32.msk $0xffff, v29;
	v29 =	vadd.s32 $0x2000, v32  }
0x23c: {  	s4 =	sor.u32 s8, s29;
	v60 =	vmul.f32 $5.119994810e+02, v55;
	v33 =	vadd.s32 $0x200, v33  }
0x23d: {  	v35 =	vadd.s32 $0xC00, v35;
	v58 =	vld [tilespmem:s4+$0x0]  }
0x23e: {  	[tilespmem:v34+s23+$0x0] =	vst.idx.add.f32.msk $0xffff, v48;
	v41 =	vtrunc.f32 v60;
	v61 =	vmul.f32 $5.119994810e+02, v43  }
0x23f: {  	v63 =	vld [tilespmem:s26+$0x0];
	v62 =	vcvt.f32.s32 v41  }
0x240: {  	v49 =	vmul.f32 $5.119994810e+02, v42;
	v34 =	vtrunc.f32 v61;
	[tilespmem:v29+s23+$0x0] =	vst.idx.add.f32.msk $0xffff, v36  }
0x241: {  	v48 =	vadd.s32 $0xE00, v62;
	v34 =	vcvt.f32.s32 v34;
	[tilespmem:v33+s23+$0x0] =	vst.idx.add.f32.msk $0xffff, v40  }
0x242: {  	s16 =	sor.u32 s14, s5;
	s5 =	sor.u32 s19, s29;
	s29 =	sadd.s32 $0x1000, s22;
	v36 =	vtrunc.f32 v49;
	v29 =	vmul.f32 $5.119994810e+02, v58;
	[tilespmem:v35+s23+$0x0] =	vst.idx.add.f32.msk $0xffff, v51  }
0x243: {  	v31 =	vmul.f32 $5.119994810e+02, v24;
	s4 =	sor.u32 s25, s29;
	v34 =	vadd.s32 $0x1A00, v34;
	v36 =	vcvt.f32.s32 v36;
	v50 =	vld [tilespmem:s13+$0x0]  }
0x244: {  	v52 =	vmul.f32 $5.119994810e+02, v63;
	v40 =	vld [tilespmem:s4+$0x0];
	v51 =	vtrunc.f32 v29  }
0x245: {  	s13 =	sadd.s32 $0x4000, s20;
	v29 =	vld [tilespmem:s28+$0x0];
	v53 =	vadd.s32 $0x200, v36;
	v39 =	vcvt.f32.s32 v51  }
0x246: {  	v31 =	vtrunc.f32 v31;
	v33 =	vtrunc.f32 v52;
	[tilespmem:v48+s23+$0x0] =	vst.idx.add.f32.msk $0xffff, v55;
	s4 =	sor.u32 s3, s13  }
0x247: {  	v31 =	vcvt.f32.s32 v31;
	s26 =	sadd.s32 $0x7000, s30;
	v33 =	vcvt.f32.s32 v33;
	v37 =	vld [tilespmem:s4+$0x0];
	v39 =	vadd.s32 $0x2600, v39  }
0x248: {  	v30 =	vshll.u32 v30, $0x3;
	s10 =	sor.u32 s24, s29;
	s29 =	sor.u32 s1, s13;
	s13 =	sor.u32 s15, s26;
	[tilespmem:v34+s23+$0x0] =	vst.idx.add.f32.msk $0xffff, v43;
	v54 =	vmul.f32 $5.119994810e+02, v50  }
0x249: {  	v30 =	vand.u32 $0x400, v30;
	v31 =	vadd.s32 $0x2600, v31;
	v33 =	vadd.s32 $0x1800, v33;
	v43 =	vld [tilespmem:s13+$0x0]  }
0x24a: {  	v18 =	vshll.u32 v46, $0x9;
	v56 =	vmul.f32 $5.119994810e+02, v40;
	[tilespmem:v53+s23+$0x0] =	vst.idx.add.f32.msk $0xffff, v42;
	v36 =	vtrunc.f32 v54  }
0x24b: {  	v28 =	vshll.u32 v46, $0xB;
	s4 =	sor.u32 s14, s26;
	s13 =	sadd.s32 $0xA000, s9;
	v55 =	vmul.f32 $5.119994810e+02, v29;
	v44 =	vld [tilespmem:s10+$0x0];
	v36 =	vcvt.f32.s32 v36  }
0x24c: {  	v51 =	vshll.u32 v3, $0xB;
	s26 =	sor.u32 s19, s13;
	s13 =	sor.u32 s8, s13;
	s19 =	rddreg [dreg:$0xc];
	v59 =	vmul.f32 $5.119994810e+02, v37;
	[tilespmem:v39+s23+$0x0] =	vst.idx.add.f32.msk $0xffff, v58;
	v58 =	vtrunc.f32 v56  }
0x24d: {  	v60 =	vmov s19;
	s19 =	rddreg [dreg:$0x4];
	v34 =	vld [tilespmem:s13+$0x0];
	v35 =	vcvt.f32.s32 v58;
	v36 =	vadd.s32 $0xE00, v36  }
0x24e: {  	[tilespmem:v33+s23+$0x0] =	vst.idx.add.f32.msk $0xffff, v63;
	v42 =	vshll.u32 v60, $0x7;
	v62 =	vmov s19;
	v39 =	vtrunc.f32 v59  }
0x24f: {  	s28 =	smov.u32 s14;
	s14 =	smov.u32 s1;
	v45 =	vld [tilespmem:s16+$0x0];
	v61 =	vmul.f32 $5.119994810e+02, v43;
	v39 =	vcvt.f32.s32 v39;
	v35 =	vadd.s32 $0x400, v35  }
0x250: {  	s1 =	smov.u32 s24;
	s9 =	smov.u32 s30;
	s30 =	smov.u32 s20;
	v57 =	vtrunc.f32 v55;
	[tilespmem:v31+s23+$0x0] =	vst.idx.add.f32.msk $0xffff, v24;
	v42 =	vand.u32 $0x380, v42;
	v41 =	vshll.u32 v62, $0x3  }
0x251: {  	s20 =	rddreg [dreg:$0x9];
	s8 =	smov.u32 s15;
	s15 =	smov.u32 s17;
	v24 =	vld [tilespmem:s18+$0x0];
	v33 =	vtrunc.f32 v61;
	v31 =	vadd.s32 $0x1000, v39;
	v47 =	vmul.f32 $5.119994810e+02, v44  }
0x252: {  	s24 =	smov.u32 s20;
	s20 =	smov.u32 s22;
	[dreg:$0x9] =	wrdreg s15;
	v63 =	vand.u32 $0x400, v41;
	v33 =	vcvt.f32.s32 v33;
	v46 =	vmul.f32 $5.119994810e+02, v34;
	[tilespmem:v36+s23+$0x0] =	vst.idx.add.f32.msk $0xffff, v50  }
0x253: {  	s15 =	smov.u32 s3;
	s3 =	smov.u32 s25;
	s22 =	sadd.s32 $0x1800, s20;
	v32 =	vcvt.f32.s32 v57;
	v49 =	vor.u32 v42, v63;
	v41 =	vtrunc.f32 v47;
	v39 =	vld [tilespmem:s29+$0x0]  }
0x254: {  	s17 =	smov.u32 s2;
	s2 =	sor.u32 s3, s22;
	v33 =	vadd.s32 $0x1C00, v33;
	v53 =	vcvt.f32.s32 v41;
	v48 =	vtrunc.f32 v46;
	[tilespmem:v35+s23+$0x0] =	vst.idx.add.f32.msk $0xffff, v40  }
0x255: {  	s18 =	smov.u32 s26;
	s26 =	sadd.s32 $0x4800, s30;
	v54 =	vor.u32 v42, v12;
	v38 =	vbroadcast v49, $0x0;
	v36 =	vcvt.f32.s32 v48;
	v52 =	vld [tilespmem:s2+$0x0]  }
0x256: {  	v50 =	vor.u32 s19, v1;
	s19 =	sor.u32 s15, s26;
	v40 =	vadd.s32 $0x400, v53;
	[tilespmem:v31+s23+$0x0] =	vst.idx.add.f32.msk $0xffff, v37;
	v31 =	vmul.f32 $5.119994810e+02, v45  }
0x257: {  	v38 =	vor.u32 v38, v51;
	v35 =	vand.u32 $0x7F, v50;
	v37 =	vld [tilespmem:s19+$0x0];
	v36 =	vadd.s32 $0x2800, v36  }
0x258: {  	s10 =	sor.u32 s1, s22;
	s22 =	sadd.s32 $0x7800, s9;
	[tilespmem:v27+s23+$0x0] =	vst.idx.add.f32.msk $0xffff, v23;
	v35 =	vor.u32 v35, v38;
	v31 =	vtrunc.f32 v31;
	v56 =	vmul.f32 $5.119994810e+02, v39  }
0x259: {  	v12 =	vmovc v15;
	v15 =	vmov v20;
	s13 =	sor.u32 s8, s22;
	v20 =	vmov v30;
	[tilespmem:v33+s23+$0x0] =	vst.idx.add.f32.msk $0xffff, v43;
	v30 =	vcvt.f32.s32 v31  }
0x25a: {  	[dreg:$0xc] =	wrdreg s24;
	v32 =	vadd.s32 $0x2200, v32;
	v31 =	vld [tilespmem:s13+$0x0];
	v58 =	vmul.f32 $5.119994810e+02, v52;
	v42 =	vtrunc.f32 v56  }
0x25b: {  	s24 =	rddreg [dreg:$0x6];
	[tilespmem:v40+s23+$0x0] =	vst.idx.add.f32.msk $0xffff, v44;
	v30 =	vadd.s32 $0x1A00, v30;
	v59 =	vcvt.f32.s32 v42  }
0x25c: {  	s25 =	smov.u32 s24;
	s24 =	simm.s32 $0x0;
	v61 =	vmul.f32 $5.119994810e+02, v37;
	[tilespmem:v36+s23+$0x0] =	vst.idx.add.f32.msk $0xffff, v34;
	v60 =	vtrunc.f32 v58  }
0x25d: {  	v62 =	vbroadcast v54, $0x0;
	v35 =	vld.idx.msk [tilespmem:v35+s24+$0x0], $0xffff;
	v23 =	vcvt.f32.s32 v60;
	v27 =	vadd.s32 $0x1000, v59  }
0x25e: {  	v55 =	vmul.f32 $5.119994810e+02, v24;
	v63 =	vld [tilespmem:s10+$0x0];
	v44 =	vtrunc.f32 v61  }
0x25f: {  	[tilespmem:v32+s23+$0x0] =	vst.idx.add.f32.msk $0xffff, v29;
	v47 =	vmul.f32 $5.119994810e+02, v31;
	v38 =	vcvt.f32.s32 v44;
	v23 =	vadd.s32 $0x600, v23  }
0x260: {  	v57 =	vtrunc.f32 v55;
	v29 =	vor.u32 v62, v14;
	[tilespmem:v30+s23+$0x0] =	vst.idx.add.f32.msk $0xffff, v45  }
0x261: {  	v29 =	vor.u32 v13, v29;
	v13 =	vmovc v9;
	v40 =	vtrunc.f32 v47;
	v30 =	vadd.s32 $0x1200, v38;
	v48 =	vld [tilespmem:s4+$0x0]  }
0x262: {  	s16 =	sor.u32 s14, s26;
	v9 =	vmovc v19;
	v19 =	vmovc v25;
	v49 =	vcvt.f32.s32 v40;
	v50 =	vsub.f32 $1.000000000e+00, v35;
	[tilespmem:v27+s23+$0x0] =	vst.idx.add.f32.msk $0xffff, v39;
	v25 =	vmul.f32 $5.119994810e+02, v35  }
0x263: {  	s26 =	sadd.s32 $0x2000, s20;
	v33 =	vcvt.f32.s32 v57;
	v14 =	vmovc v16;
	v16 =	vmovc v21;
	v21 =	vmov v28;
	v27 =	vmul.f32 $5.119994810e+02, v63;
	v28 =	vld [tilespmem:s16+$0x0]  }
0x264: {  	s10 =	sor.u32 s3, s26;
	v32 =	vadd.s32 $0x1E00, v49;
	v51 =	vmul.f32 $5.119994810e+02, v50;
	[tilespmem:v23+s23+$0x0] =	vst.idx.add.f32.msk $0xffff, v52;
	v23 =	vtrunc.f32 v25  }
0x265: {  	v33 =	vadd.s32 $0x2800, v33;
	v27 =	vtrunc.f32 v27;
	v25 =	vld [tilespmem:s10+$0x0];
	v23 =	vcvt.f32.s32 v23  }
0x266: {  	s29 =	smov.u32 s11;
	s11 =	sadd.s32 $0x5000, s30;
	[tilespmem:v30+s23+$0x0] =	vst.idx.add.f32.msk $0xffff, v37;
	v30 =	vshll.u32 v3, $0x9;
	v27 =	vcvt.f32.s32 v27;
	v39 =	vtrunc.f32 v51  }
0x267: {  	v57 =	vld [tilespmem:s7+$0x0];
	s10 =	sor.u32 s15, s11;
	v52 =	vcvt.f32.s32 v39;
	v23 =	vadd.s32 v23, v30  }
0x268: {  	s16 =	sadd.s32 $0x8000, s9;
	v3 =	vmovc v4;
	v4 =	vmovc v5;
	v5 =	vmov v26;
	v53 =	vld [tilespmem:s10+$0x0];
	v27 =	vadd.s32 $0x600, v27;
	v26 =	vmul.f32 $5.119994810e+02, v28  }
0x269: {  	v54 =	vmul.f32 $5.119994810e+02, v48;
	s10 =	sor.u32 s8, s16;
	[tilespmem:v32+s23+$0x0] =	vst.idx.add.f32.msk $0xffff, v31;
	v30 =	vadd.s32 v52, v30  }
0x26a: {  	v35 =	vsub.f32 $0.0e+00, v35;
	v55 =	vld [tilespmem:s10+$0x0];
	v56 =	vmul.f32 $5.119994810e+02, v25;
	v26 =	vtrunc.f32 v26  }
0x26b: {  	[tilespmem:v33+s23+$0x0] =	vst.idx.add.f32.msk $0xffff, v24;
	v31 =	vtrunc.f32 v54;
	v26 =	vcvt.f32.s32 v26  }
0x26c: {  	v31 =	vcvt.f32.s32 v31;
	v24 =	vtrunc.f32 v56;
	[tilespmem:v23+s23+$0x0] =	vst.idx.add.f32.msk $0xffff, v35  }
0x26d: {  	v58 =	vmul.f32 $5.119994810e+02, v53;
	[tilespmem:v27+s23+$0x0] =	vst.idx.add.f32.msk $0xffff, v63;
	v23 =	vcvt.f32.s32 v24;
	v24 =	vadd.s32 $0x1200, v26  }
0x26e: {  	s31 =	simm.s32 $0x16000;
	v59 =	vadd.s32 $0x1C00, v31;
	[tilespmem:v30+s23+$0x0] =	vst.idx.add.f32.msk $0xffff, v50  }
0x26f: {  	[dreg:$0x6] =	wrdreg s29;
	s29 =	sor.u32 s1, s26;
	v26 =	vtrunc.f32 v58;
	v31 =	vmul.f32 $5.119994810e+02, v55;
	[tilespmem:v30+s31+$0x0] =	vst.idx.add.f32.msk $0xffff, v2;
	v23 =	vadd.s32 $0x800, v23  }
0x270: {  	s10 =	simm.s32 $0x0;
	v26 =	vcvt.f32.s32 v26;
	v30 =	vld [tilespmem:s29+$0x0]  }
0x271: {  	v27 =	vmul.f32 $5.119994810e+02, v57;
	v36 =	vld.idx.msk [tilespmem:v10+s10+$0x0], $0xffff;
	v31 =	vtrunc.f32 v31  }
0x272: {  	s13 =	sor.u32 s14, s11;
	v26 =	vadd.s32 $0x1400, v26;
	v60 =	vcvt.f32.s32 v31;
	[tilespmem:v24+s23+$0x0] =	vst.idx.add.f32.msk $0xffff, v28  }
0x273: {  	s19 =	sadd.s32 $0x2800, s20;
	v27 =	vtrunc.f32 v27;
	v31 =	vld [tilespmem:s13+$0x0]  }
0x274: {  	s24 =	sor.u32 s3, s19;
	v24 =	vcvt.f32.s32 v27;
	v27 =	vadd.s32 $0x2000, v60;
	[tilespmem:v23+s23+$0x0] =	vst.idx.add.f32.msk $0xffff, v25  }
0x275: {  	v23 =	vmul.f32 $5.119994810e+02, v30;
	v33 =	vld [tilespmem:s24+$0x0]  }
0x276: {  	s26 =	sadd.s32 $0x5800, s30;
	[tilespmem:v59+s23+$0x0] =	vst.idx.add.f32.msk $0xffff, v48;
	v24 =	vadd.s32 $0x2400, v24  }
0x277: {  	s2 =	sor.u32 s15, s26;
	v25 =	vsub.f32 $1.000000000e+00, v36;
	[tilespmem:v26+s23+$0x0] =	vst.idx.add.f32.msk $0xffff, v53;
	v26 =	vmul.f32 $5.119994810e+02, v36;
	v23 =	vtrunc.f32 v23  }
0x278: {  	p0 =	slt.u32 s21, $0x7E;
	s29 =	sadd.s32 $0x8800, s9;
	v32 =	vld [tilespmem:s2+$0x0];
	v28 =	vcvt.f32.s32 v23;
	v61 =	vmul.f32 $5.119994810e+02, v31  }
.Ltmp1:
0x279: {  	s2 =	sor.u32 s8, s29;
	[tilespmem:v27+s23+$0x0] =	vst.idx.add.f32.msk $0xffff, v55;
	v23 =	vsub.f32 $0.0e+00, v36;
	v26 =	vtrunc.f32 v26;
	v27 =	vmul.f32 $5.119994810e+02, v25;
	(pc) =	sbr.rel @p0 .LBB2_5-.Ltmp1, $4  }
0x27a: {  	[dreg:$0x4] =	wrdreg s25;
	s25 =	smov.u32 s0;
	s0 =	sor.u32 s28, s22;
	v10 =	vmovc v29;
	v29 =	vld [tilespmem:s2+$0x0];
	v36 =	vadd.s32 $0x800, v28;
	v62 =	vmul.f32 $5.119994810e+02, v33;
	v28 =	vtrunc.f32 v61  }
0x27b: {  	v27 =	vtrunc.f32 v27;
	v63 =	vcvt.f32.s32 v28;
	v28 =	vld [tilespmem:s0+$0x0]  }
0x27c: {  	s4 =	sor.u32 s14, s26;
	s7 =	sor.u32 s1, s19;
	v27 =	vcvt.f32.s32 v27;
	[tilespmem:v24+s23+$0x0] =	vst.idx.add.f32.msk $0xffff, v57;
	v37 =	vtrunc.f32 v62  }
0x27d: {  	s19 =	smov.u32 s28;
	s22 =	sor.u32 s28, s16;
	s28 =	sor.u32 s28, s29;
	v35 =	vmul.f32 $5.119994810e+02, v32;
	v24 =	vld [tilespmem:s5+$0x0];
	v37 =	vcvt.f32.s32 v37;
	v34 =	vadd.s32 $0x1400, v63  }
0x27e: {  	_ =	sdelay $0x3  }
0x27f: {  	[tilespmem:v36+s23+$0x0] =	vst.idx.add.f32.msk $0xffff, v30  }
0x280: {  	v30 =	vld [tilespmem:s7+$0x0]  }
0x281: {  	v50 =	vadd.s32 $0xA00, v37;
	_ =	sdelay $0x3  }
0x282: {  	s0 =	sadd.s32 $0x3000, s20;
	v51 =	vmul.f32 $5.119994810e+02, v30  }
0x283: {  	s2 =	sor.u32 s3, s0;
	[tilespmem:v50+s23+$0x0] =	vst.idx.add.f32.msk $0xffff, v33  }
0x284: {  	v36 =	vld [tilespmem:s2+$0x0];
	v52 =	vtrunc.f32 v51  }
0x285: {  	v33 =	vcvt.f32.s32 v52;
	_ =	sdelay $0x1  }
0x286: {  	v33 =	vadd.s32 $0xA00, v33;
	_ =	sdelay $0x1  }
0x287: {  	v53 =	vmul.f32 $5.119994810e+02, v36;
	_ =	sdelay $0x1  }
0x288: {  	v37 =	vtrunc.f32 v53  }
0x289: {  	s0 =	sor.u32 s1, s0;
	[tilespmem:v33+s23+$0x0] =	vst.idx.add.f32.msk $0xffff, v30;
	v30 =	vcvt.f32.s32 v37  }
0x28a: {  	v33 =	vld [tilespmem:s0+$0x0]  }
0x28b: {  	v30 =	vadd.s32 $0xC00, v30;
	_ =	sdelay $0x3  }
0x28c: {  	s21 =	sadd.s32 $0x3800, s20;
	v54 =	vmul.f32 $5.119994810e+02, v33  }
0x28d: {  	s24 =	sor.u32 s3, s21;
	[tilespmem:v30+s23+$0x0] =	vst.idx.add.f32.msk $0xffff, v36  }
0x28e: {  	v30 =	vtrunc.f32 v54;
	v36 =	vld [tilespmem:s24+$0x0]  }
0x28f: {  	v30 =	vcvt.f32.s32 v30;
	_ =	sdelay $0x1  }
0x290: {  	v30 =	vadd.s32 $0xC00, v30;
	_ =	sdelay $0x1  }
0x291: {  	v55 =	vmul.f32 $5.119994810e+02, v36;
	_ =	sdelay $0x1  }
0x292: {  	v37 =	vtrunc.f32 v55  }
0x293: {  	s0 =	sor.u32 s1, s21;
	[tilespmem:v30+s23+$0x0] =	vst.idx.add.f32.msk $0xffff, v33;
	v30 =	vcvt.f32.s32 v37  }
0x294: {  	v33 =	vld [tilespmem:s0+$0x0]  }
0x295: {  	v30 =	vadd.s32 $0xE00, v30;
	_ =	sdelay $0x3  }
0x296: {  	s26 =	sadd.s32 $0x4000, s20;
	v56 =	vmul.f32 $5.119994810e+02, v33  }
0x297: {  	s29 =	sor.u32 s3, s26;
	[tilespmem:v30+s23+$0x0] =	vst.idx.add.f32.msk $0xffff, v36  }
0x298: {  	v30 =	vtrunc.f32 v56;
	v36 =	vld [tilespmem:s29+$0x0]  }
0x299: {  	v30 =	vcvt.f32.s32 v30;
	_ =	sdelay $0x1  }
0x29a: {  	v30 =	vadd.s32 $0xE00, v30;
	_ =	sdelay $0x1  }
0x29b: {  	v57 =	vmul.f32 $5.119994810e+02, v36;
	_ =	sdelay $0x1  }
0x29c: {  	v37 =	vtrunc.f32 v57  }
0x29d: {  	s0 =	sor.u32 s1, s26;
	[tilespmem:v30+s23+$0x0] =	vst.idx.add.f32.msk $0xffff, v33;
	v30 =	vcvt.f32.s32 v37  }
0x29e: {  	v33 =	vld [tilespmem:s0+$0x0]  }
0x29f: {  	v30 =	vadd.s32 $0x1000, v30;
	_ =	sdelay $0x3  }
0x2a0: {  	s5 =	sadd.s32 $0x4800, s20;
	v58 =	vmul.f32 $5.119994810e+02, v33  }
0x2a1: {  	s6 =	sor.u32 s3, s5;
	[tilespmem:v30+s23+$0x0] =	vst.idx.add.f32.msk $0xffff, v36  }
0x2a2: {  	v30 =	vtrunc.f32 v58;
	v36 =	vld [tilespmem:s6+$0x0]  }
0x2a3: {  	v30 =	vcvt.f32.s32 v30;
	_ =	sdelay $0x1  }
0x2a4: {  	v30 =	vadd.s32 $0x1000, v30;
	_ =	sdelay $0x1  }
0x2a5: {  	v59 =	vmul.f32 $5.119994810e+02, v36;
	_ =	sdelay $0x1  }
0x2a6: {  	v37 =	vtrunc.f32 v59  }
0x2a7: {  	s0 =	sor.u32 s1, s5;
	[tilespmem:v30+s23+$0x0] =	vst.idx.add.f32.msk $0xffff, v33;
	v30 =	vcvt.f32.s32 v37  }
0x2a8: {  	v33 =	vld [tilespmem:s0+$0x0]  }
0x2a9: {  	v30 =	vadd.s32 $0x1200, v30;
	_ =	sdelay $0x3  }
0x2aa: {  	s7 =	sadd.s32 $0x5000, s20;
	v60 =	vmul.f32 $5.119994810e+02, v33  }
0x2ab: {  	s11 =	sor.u32 s3, s7;
	[tilespmem:v30+s23+$0x0] =	vst.idx.add.f32.msk $0xffff, v36  }
0x2ac: {  	v30 =	vtrunc.f32 v60;
	v36 =	vld [tilespmem:s11+$0x0]  }
0x2ad: {  	v30 =	vcvt.f32.s32 v30;
	_ =	sdelay $0x1  }
0x2ae: {  	v30 =	vadd.s32 $0x1200, v30;
	_ =	sdelay $0x1  }
0x2af: {  	v61 =	vmul.f32 $5.119994810e+02, v36  }
0x2b0: {  	v35 =	vtrunc.f32 v35  }
0x2b1: {  	v35 =	vcvt.f32.s32 v35;
	v37 =	vtrunc.f32 v61  }
0x2b2: {  	s0 =	sor.u32 s1, s7;
	[tilespmem:v30+s23+$0x0] =	vst.idx.add.f32.msk $0xffff, v33;
	v30 =	vcvt.f32.s32 v37  }
0x2b3: {  	v35 =	vadd.s32 $0x1600, v35;
	v33 =	vld [tilespmem:s0+$0x0]  }
0x2b4: {  	v30 =	vadd.s32 $0x1400, v30;
	_ =	sdelay $0x1  }
0x2b5: {  	[tilespmem:v34+s23+$0x0] =	vst.idx.add.f32.msk $0xffff, v31  }
0x2b6: {  	v31 =	vld [tilespmem:s4+$0x0]  }
0x2b7: {  	s12 =	sadd.s32 $0x5800, s20;
	[tilespmem:v35+s23+$0x0] =	vst.idx.add.f32.msk $0xffff, v32;
	v62 =	vmul.f32 $5.119994810e+02, v33  }
0x2b8: {  	s13 =	sor.u32 s3, s12;
	s5 =	sadd.s32 $0x6000, s30;
	[tilespmem:v30+s23+$0x0] =	vst.idx.add.f32.msk $0xffff, v36  }
0x2b9: {  	s16 =	sor.u32 s15, s5;
	v30 =	vtrunc.f32 v62;
	v36 =	vld [tilespmem:s13+$0x0]  }
0x2ba: {  	v32 =	vld [tilespmem:s16+$0x0];
	v30 =	vcvt.f32.s32 v30;
	_ =	sdelay $0x1  }
0x2bb: {  	v39 =	vmul.f32 $5.119994810e+02, v31;
	v30 =	vadd.s32 $0x1400, v30;
	_ =	sdelay $0x1  }
0x2bc: {  	v35 =	vtrunc.f32 v39;
	v63 =	vmul.f32 $5.119994810e+02, v36  }
0x2bd: {  	v35 =	vcvt.f32.s32 v35;
	v37 =	vmul.f32 $5.119994810e+02, v32  }
0x2be: {  	v34 =	vtrunc.f32 v63  }
0x2bf: {  	v35 =	vadd.s32 $0x1600, v35;
	v38 =	vtrunc.f32 v37;
	[tilespmem:v30+s23+$0x0] =	vst.idx.add.f32.msk $0xffff, v33;
	v30 =	vcvt.f32.s32 v34  }
0x2c0: {  	s0 =	sor.u32 s1, s12;
	v34 =	vcvt.f32.s32 v38  }
0x2c1: {  	v33 =	vld [tilespmem:s0+$0x0];
	v30 =	vadd.s32 $0x1600, v30  }
0x2c2: {  	v34 =	vadd.s32 $0x1800, v34;
	_ =	sdelay $0x1  }
0x2c3: {  	[tilespmem:v35+s23+$0x0] =	vst.idx.add.f32.msk $0xffff, v31;
	s6 =	sor.u32 s14, s5  }
0x2c4: {  	v31 =	vld [tilespmem:s6+$0x0]  }
0x2c5: {  	s21 =	sadd.s32 $0x6000, s20;
	v40 =	vmul.f32 $5.119994810e+02, v33;
	[tilespmem:v30+s23+$0x0] =	vst.idx.add.f32.msk $0xffff, v36  }
0x2c6: {  	s24 =	sor.u32 s3, s21;
	s26 =	sadd.s32 $0x6800, s30;
	[tilespmem:v34+s23+$0x0] =	vst.idx.add.f32.msk $0xffff, v32  }
0x2c7: {  	s29 =	sor.u32 s15, s26;
	v30 =	vtrunc.f32 v40;
	v36 =	vld [tilespmem:s24+$0x0]  }
0x2c8: {  	v32 =	vld [tilespmem:s29+$0x0];
	v30 =	vcvt.f32.s32 v30;
	_ =	sdelay $0x1  }
0x2c9: {  	v44 =	vmul.f32 $5.119994810e+02, v31;
	v30 =	vadd.s32 $0x1600, v30;
	_ =	sdelay $0x1  }
0x2ca: {  	v35 =	vtrunc.f32 v44;
	v41 =	vmul.f32 $5.119994810e+02, v36  }
0x2cb: {  	v35 =	vcvt.f32.s32 v35;
	v42 =	vmul.f32 $5.119994810e+02, v32  }
0x2cc: {  	v34 =	vtrunc.f32 v41  }
0x2cd: {  	v35 =	vadd.s32 $0x1800, v35;
	v43 =	vtrunc.f32 v42;
	[tilespmem:v30+s23+$0x0] =	vst.idx.add.f32.msk $0xffff, v33;
	v30 =	vcvt.f32.s32 v34  }
0x2ce: {  	s0 =	sor.u32 s1, s21;
	v34 =	vcvt.f32.s32 v43  }
0x2cf: {  	v33 =	vld [tilespmem:s0+$0x0];
	v30 =	vadd.s32 $0x1800, v30  }
0x2d0: {  	v34 =	vadd.s32 $0x1A00, v34;
	_ =	sdelay $0x1  }
0x2d1: {  	s16 =	sor.u32 s14, s26;
	[tilespmem:v35+s23+$0x0] =	vst.idx.add.f32.msk $0xffff, v31  }
0x2d2: {  	v31 =	vld [tilespmem:s16+$0x0]  }
0x2d3: {  	s7 =	sadd.s32 $0x6800, s20;
	v45 =	vmul.f32 $5.119994810e+02, v33;
	[tilespmem:v30+s23+$0x0] =	vst.idx.add.f32.msk $0xffff, v36  }
0x2d4: {  	s11 =	sor.u32 s3, s7;
	s12 =	sadd.s32 $0x7000, s30;
	[tilespmem:v34+s23+$0x0] =	vst.idx.add.f32.msk $0xffff, v32  }
0x2d5: {  	s13 =	sor.u32 s15, s12;
	v30 =	vtrunc.f32 v45;
	v36 =	vld [tilespmem:s11+$0x0]  }
0x2d6: {  	v32 =	vld [tilespmem:s13+$0x0];
	v30 =	vcvt.f32.s32 v30;
	_ =	sdelay $0x1  }
0x2d7: {  	v49 =	vmul.f32 $5.119994810e+02, v31;
	v30 =	vadd.s32 $0x1800, v30;
	_ =	sdelay $0x1  }
0x2d8: {  	v35 =	vtrunc.f32 v49;
	v46 =	vmul.f32 $5.119994810e+02, v36  }
0x2d9: {  	v35 =	vcvt.f32.s32 v35;
	v47 =	vmul.f32 $5.119994810e+02, v32  }
0x2da: {  	v34 =	vtrunc.f32 v46  }
0x2db: {  	v35 =	vadd.s32 $0x1A00, v35;
	v48 =	vtrunc.f32 v47;
	[tilespmem:v30+s23+$0x0] =	vst.idx.add.f32.msk $0xffff, v33;
	v30 =	vcvt.f32.s32 v34  }
0x2dc: {  	s0 =	sor.u32 s1, s7;
	v34 =	vcvt.f32.s32 v48  }
0x2dd: {  	v33 =	vld [tilespmem:s0+$0x0];
	v30 =	vadd.s32 $0x1A00, v30  }
0x2de: {  	v34 =	vadd.s32 $0x1C00, v34;
	_ =	sdelay $0x1  }
0x2df: {  	s6 =	sor.u32 s14, s12;
	[tilespmem:v35+s23+$0x0] =	vst.idx.add.f32.msk $0xffff, v31  }
0x2e0: {  	v31 =	vld [tilespmem:s6+$0x0]  }
0x2e1: {  	s21 =	sadd.s32 $0x7000, s20;
	v50 =	vmul.f32 $5.119994810e+02, v33;
	[tilespmem:v30+s23+$0x0] =	vst.idx.add.f32.msk $0xffff, v36  }
0x2e2: {  	s26 =	sadd.s32 $0x7800, s30;
	s24 =	sor.u32 s3, s21;
	[tilespmem:v34+s23+$0x0] =	vst.idx.add.f32.msk $0xffff, v32  }
0x2e3: {  	s29 =	sor.u32 s15, s26;
	v30 =	vtrunc.f32 v50;
	v36 =	vld [tilespmem:s24+$0x0]  }
0x2e4: {  	v32 =	vld [tilespmem:s29+$0x0];
	v30 =	vcvt.f32.s32 v30;
	_ =	sdelay $0x1  }
0x2e5: {  	v54 =	vmul.f32 $5.119994810e+02, v31;
	v30 =	vadd.s32 $0x1A00, v30;
	_ =	sdelay $0x1  }
0x2e6: {  	v35 =	vtrunc.f32 v54;
	v51 =	vmul.f32 $5.119994810e+02, v36  }
0x2e7: {  	v35 =	vcvt.f32.s32 v35;
	v52 =	vmul.f32 $5.119994810e+02, v32  }
0x2e8: {  	v34 =	vtrunc.f32 v51  }
0x2e9: {  	v35 =	vadd.s32 $0x1C00, v35;
	v53 =	vtrunc.f32 v52;
	[tilespmem:v30+s23+$0x0] =	vst.idx.add.f32.msk $0xffff, v33;
	v30 =	vcvt.f32.s32 v34  }
0x2ea: {  	s0 =	sor.u32 s1, s21;
	v34 =	vcvt.f32.s32 v53  }
0x2eb: {  	v33 =	vld [tilespmem:s0+$0x0];
	v30 =	vadd.s32 $0x1C00, v30  }
0x2ec: {  	v34 =	vadd.s32 $0x1E00, v34  }
0x2ed: {  	v56 =	vmul.f32 $5.119994810e+02, v28;
	v38 =	vmul.f32 $5.119994810e+02, v29  }
0x2ee: {  	s16 =	sor.u32 s14, s26;
	[tilespmem:v35+s23+$0x0] =	vst.idx.add.f32.msk $0xffff, v31  }
0x2ef: {  	v37 =	vtrunc.f32 v56;
	v38 =	vtrunc.f32 v38;
	v35 =	vld [tilespmem:s16+$0x0]  }
0x2f0: {  	v31 =	vcvt.f32.s32 v37;
	s7 =	sadd.s32 $0x7800, s20;
	v55 =	vmul.f32 $5.119994810e+02, v33;
	[tilespmem:v30+s23+$0x0] =	vst.idx.add.f32.msk $0xffff, v36  }
0x2f1: {  	s12 =	sadd.s32 $0x8000, s30;
	v57 =	vcvt.f32.s32 v38;
	s11 =	sor.u32 s3, s7;
	[tilespmem:v34+s23+$0x0] =	vst.idx.add.f32.msk $0xffff, v32  }
0x2f2: {  	v31 =	vadd.s32 $0x1E00, v31;
	s13 =	sor.u32 s15, s12;
	v30 =	vtrunc.f32 v55;
	v36 =	vld [tilespmem:s11+$0x0]  }
0x2f3: {  	v32 =	vadd.s32 $0x2200, v57;
	v34 =	vld [tilespmem:s13+$0x0];
	v30 =	vcvt.f32.s32 v30;
	_ =	sdelay $0x1  }
0x2f4: {  	v30 =	vadd.s32 $0x1C00, v30  }
0x2f5: {  	v60 =	vmul.f32 $5.119994810e+02, v35  }
0x2f6: {  	s4 =	sadd.s32 $0x9000, s9;
	[tilespmem:v31+s23+$0x0] =	vst.idx.add.f32.msk $0xffff, v28;
	v58 =	vmul.f32 $5.119994810e+02, v36  }
0x2f7: {  	v28 =	vtrunc.f32 v60;
	s21 =	sor.u32 s8, s4;
	[tilespmem:v32+s23+$0x0] =	vst.idx.add.f32.msk $0xffff, v29;
	v59 =	vmul.f32 $5.119994810e+02, v34  }
0x2f8: {  	v28 =	vcvt.f32.s32 v28;
	v61 =	vld [tilespmem:s21+$0x0];
	v37 =	vtrunc.f32 v58  }
0x2f9: {  	v29 =	vtrunc.f32 v59;
	[tilespmem:v30+s23+$0x0] =	vst.idx.add.f32.msk $0xffff, v33;
	v30 =	vcvt.f32.s32 v37  }
0x2fa: {  	v28 =	vadd.s32 $0x1E00, v28;
	s0 =	sor.u32 s1, s7;
	v29 =	vcvt.f32.s32 v29  }
0x2fb: {  	v33 =	vld [tilespmem:s0+$0x0];
	v30 =	vadd.s32 $0x1E00, v30  }
0x2fc: {  	v29 =	vadd.s32 $0x2000, v29  }
0x2fd: {  	v31 =	vld [tilespmem:s22+$0x0]  }
0x2fe: {  	v63 =	vmul.f32 $5.119994810e+02, v61  }
0x2ff: {  	[tilespmem:v28+s23+$0x0] =	vst.idx.add.f32.msk $0xffff, v35  }
0x300: {  	s6 =	sadd.s32 $0x8800, s30;
	v41 =	vtrunc.f32 v63;
	v62 =	vmul.f32 $5.119994810e+02, v33;
	[tilespmem:v30+s23+$0x0] =	vst.idx.add.f32.msk $0xffff, v36  }
0x301: {  	s24 =	sadd.s32 $0x8000, s20;
	s29 =	sor.u32 s15, s6;
	[tilespmem:v29+s23+$0x0] =	vst.idx.add.f32.msk $0xffff, v34;
	v29 =	vcvt.f32.s32 v41  }
0x302: {  	v42 =	vmul.f32 $5.119994810e+02, v31;
	s26 =	sor.u32 s3, s24;
	v30 =	vtrunc.f32 v62;
	v34 =	vld [tilespmem:s29+$0x0]  }
0x303: {  	s7 =	sor.u32 s14, s12;
	v40 =	vld [tilespmem:s26+$0x0];
	v30 =	vcvt.f32.s32 v30;
	v28 =	vadd.s32 $0x2400, v29  }
0x304: {  	v43 =	vtrunc.f32 v42;
	v35 =	vld [tilespmem:s7+$0x0]  }
0x305: {  	v29 =	vcvt.f32.s32 v43;
	v30 =	vadd.s32 $0x1E00, v30;
	_ =	sdelay $0x1  }
0x306: {  	s2 =	sadd.s32 $0x9800, s9;
	v29 =	vadd.s32 $0x2000, v29;
	v45 =	vmul.f32 $5.119994810e+02, v34  }
0x307: {  	s11 =	sor.u32 s8, s2;
	v44 =	vmul.f32 $5.119994810e+02, v40;
	[tilespmem:v28+s23+$0x0] =	vst.idx.add.f32.msk $0xffff, v61  }
0x308: {  	v46 =	vmul.f32 $5.119994810e+02, v35;
	v28 =	vtrunc.f32 v45;
	v37 =	vld [tilespmem:s11+$0x0]  }
0x309: {  	s0 =	sor.u32 s1, s24;
	v36 =	vtrunc.f32 v44;
	[tilespmem:v30+s23+$0x0] =	vst.idx.add.f32.msk $0xffff, v33;
	v28 =	vcvt.f32.s32 v28  }
0x30a: {  	v30 =	vcvt.f32.s32 v36;
	v33 =	vld [tilespmem:s0+$0x0]  }
0x30b: {  	[tilespmem:v29+s23+$0x0] =	vst.idx.add.f32.msk $0xffff, v31;
	v29 =	vtrunc.f32 v46;
	v28 =	vadd.s32 $0x2200, v28  }
0x30c: {  	v31 =	vld [tilespmem:s28+$0x0];
	v29 =	vcvt.f32.s32 v29;
	v30 =	vadd.s32 $0x2000, v30  }
0x30d: {  	v48 =	vmul.f32 $5.119994810e+02, v37  }
0x30e: {  	v29 =	vadd.s32 $0x2000, v29  }
0x30f: {  	v47 =	vmul.f32 $5.119994810e+02, v33;
	v49 =	vtrunc.f32 v48  }
0x310: {  	s12 =	sadd.s32 $0x8800, s20;
	[tilespmem:v28+s23+$0x0] =	vst.idx.add.f32.msk $0xffff, v34;
	v28 =	vcvt.f32.s32 v49  }
0x311: {  	s13 =	sor.u32 s3, s12;
	v50 =	vmul.f32 $5.119994810e+02, v31;
	[tilespmem:v30+s23+$0x0] =	vst.idx.add.f32.msk $0xffff, v40;
	v30 =	vtrunc.f32 v47  }
0x312: {  	v32 =	vld [tilespmem:s13+$0x0];
	v30 =	vcvt.f32.s32 v30;
	v28 =	vadd.s32 $0x2600, v28  }
0x313: {  	s6 =	sor.u32 s14, s6;
	v38 =	vtrunc.f32 v50;
	[tilespmem:v29+s23+$0x0] =	vst.idx.add.f32.msk $0xffff, v35  }
0x314: {  	s16 =	sadd.s32 $0x9000, s30;
	v29 =	vcvt.f32.s32 v38;
	v35 =	vld [tilespmem:s6+$0x0];
	v30 =	vadd.s32 $0x2000, v30  }
0x315: {  	v51 =	vmul.f32 $5.119994810e+02, v24;
	s21 =	sor.u32 s15, s16  }
0x316: {  	s0 =	sadd.s32 $0xA000, s9;
	v34 =	vld [tilespmem:s21+$0x0];
	v29 =	vadd.s32 $0x2200, v29  }
0x317: {  	v36 =	vtrunc.f32 v51;
	s24 =	sor.u32 s8, s0;
	v52 =	vmul.f32 $5.119994810e+02, v32;
	[tilespmem:v28+s23+$0x0] =	vst.idx.add.f32.msk $0xffff, v37  }
0x318: {  	v36 =	vcvt.f32.s32 v36;
	v56 =	vld [tilespmem:s24+$0x0]  }
0x319: {  	s22 =	sor.u32 s1, s12;
	v55 =	vmul.f32 $5.119994810e+02, v35;
	v38 =	vtrunc.f32 v52;
	[tilespmem:v30+s23+$0x0] =	vst.idx.add.f32.msk $0xffff, v33  }
0x31a: {  	v30 =	vadd.s32 $0x2600, v36;
	v53 =	vcvt.f32.s32 v38;
	v54 =	vld [tilespmem:s22+$0x0]  }
0x31b: {  	s4 =	sor.u32 s19, s4;
	v39 =	vmul.f32 $5.119994810e+02, v34;
	[tilespmem:v29+s23+$0x0] =	vst.idx.add.f32.msk $0xffff, v31;
	v29 =	vtrunc.f32 v55  }
0x31c: {  	v31 =	vld [tilespmem:s4+$0x0];
	v29 =	vcvt.f32.s32 v29;
	v33 =	vadd.s32 $0x2200, v53  }
0x31d: {  	v28 =	vtrunc.f32 v39  }
0x31e: {  	v28 =	vcvt.f32.s32 v28;
	v29 =	vadd.s32 $0x2200, v29  }
0x31f: {  	v41 =	vshll.u32 v3, $0xB;
	s26 =	rddreg [dreg:$0xc];
	[tilespmem:v30+s23+$0x0] =	vst.idx.add.f32.msk $0xffff, v24;
	v24 =	vmul.f32 $5.119994810e+02, v54  }
0x320: {  	s29 =	sadd.s32 $0x9000, s20;
	v28 =	vadd.s32 $0x2400, v28;
	v57 =	vmov s26;
	v40 =	vmul.f32 $5.119994810e+02, v56;
	v58 =	vld [tilespmem:s18+$0x0]  }
0x321: {  	s9 =	sor.u32 s3, s29;
	v30 =	vshll.u32 v57, $0x7;
	s4 =	rddreg [dreg:$0x4];
	v62 =	vmul.f32 $5.119994810e+02, v31;
	[tilespmem:v33+s23+$0x0] =	vst.idx.add.f32.msk $0xffff, v32;
	v24 =	vtrunc.f32 v24  }
0x322: {  	v30 =	vand.u32 $0x380, v30;
	v59 =	vmov s4;
	v33 =	vld [tilespmem:s9+$0x0];
	v24 =	vcvt.f32.s32 v24  }
0x323: {  	s5 =	sor.u32 s14, s16;
	v61 =	vtrunc.f32 v40;
	v60 =	vshll.u32 v59, $0x3;
	v44 =	vtrunc.f32 v62;
	[tilespmem:v29+s23+$0x0] =	vst.idx.add.f32.msk $0xffff, v35  }
0x324: {  	s11 =	sadd.s32 $0x9800, s30;
	v32 =	vand.u32 $0x400, v60;
	v39 =	vcvt.f32.s32 v44;
	v46 =	vld [tilespmem:s5+$0x0];
	v24 =	vadd.s32 $0x2200, v24  }
0x325: {  	s12 =	sor.u32 s15, s11;
	[tilespmem:v28+s23+$0x0] =	vst.idx.add.f32.msk $0xffff, v34;
	v63 =	vcvt.f32.s32 v61;
	v28 =	vor.u32 v30, v32;
	v45 =	vmul.f32 $5.119994810e+02, v58  }
0x326: {  	v34 =	vld [tilespmem:s12+$0x0];
	v29 =	vor.u32 s4, v1;
	v28 =	vbroadcast v28, $0x0;
	v39 =	vadd.s32 $0x2400, v39  }
0x327: {  	v32 =	vadd.s32 $0x2800, v63;
	v42 =	vmul.f32 $5.119994810e+02, v33;
	v35 =	vtrunc.f32 v45  }
0x328: {  	v29 =	vand.u32 $0x7F, v29;
	v28 =	vor.u32 v28, v41;
	v35 =	vcvt.f32.s32 v35  }
0x329: {  	s13 =	sor.u32 s1, s29;
	v48 =	vmul.f32 $5.119994810e+02, v46;
	v47 =	vtrunc.f32 v42;
	[tilespmem:v24+s23+$0x0] =	vst.idx.add.f32.msk $0xffff, v54;
	v24 =	vor.u32 v29, v28  }
0x32a: {  	v29 =	vcvt.f32.s32 v47;
	v35 =	vadd.s32 $0x2800, v35;
	v36 =	vld [tilespmem:s13+$0x0]  }
0x32b: {  	v28 =	vmul.f32 $5.119994810e+02, v34;
	[tilespmem:v39+s23+$0x0] =	vst.idx.add.f32.msk $0xffff, v31;
	v31 =	vtrunc.f32 v48  }
0x32c: {  	s2 =	sor.u32 s19, s2;
	[tilespmem:v32+s23+$0x0] =	vst.idx.add.f32.msk $0xffff, v56;
	v31 =	vcvt.f32.s32 v31;
	v29 =	vadd.s32 $0x2400, v29  }
0x32d: {  	v49 =	vld [tilespmem:s2+$0x0];
	v28 =	vtrunc.f32 v28  }
0x32e: {  	v28 =	vcvt.f32.s32 v28;
	v31 =	vadd.s32 $0x2400, v31;
	v38 =	vld.idx.msk [tilespmem:v24+s10+$0x0], $0xffff  }
0x32f: {  	[tilespmem:v35+s23+$0x0] =	vst.idx.add.f32.msk $0xffff, v58;
	v24 =	vmul.f32 $5.119994810e+02, v36  }
0x330: {  	s16 =	sadd.s32 $0x9800, s20;
	v28 =	vadd.s32 $0x2600, v28;
	v10 =	vld.idx.msk [tilespmem:v10+s10+$0x0], $0xffff  }
0x331: {  	v26 =	vcvt.f32.s32 v26;
	s18 =	sor.u32 s3, s16;
	v12 =	vor.u32 v30, v12;
	[tilespmem:v29+s23+$0x0] =	vst.idx.add.f32.msk $0xffff, v33;
	v24 =	vtrunc.f32 v24  }
0x332: {  	v12 =	vbroadcast v12, $0x0;
	v29 =	vld [tilespmem:s18+$0x0];
	v50 =	vcvt.f32.s32 v24  }
0x333: {  	s4 =	sor.u32 s14, s11;
	[tilespmem:v31+s23+$0x0] =	vst.idx.add.f32.msk $0xffff, v46;
	v24 =	vadd.s32 v27, v11;
	v27 =	vmul.f32 $5.119994810e+02, v49;
	v30 =	vsub.f32 $1.000000000e+00, v38  }
0x334: {  	s21 =	sadd.s32 $0xA000, s30;
	v12 =	vor.u32 v12, v14;
	v11 =	vadd.s32 v26, v11;
	v31 =	vld [tilespmem:s4+$0x0];
	v26 =	vmul.f32 $5.119994810e+02, v38  }
0x335: {  	s22 =	sor.u32 s15, s21;
	[tilespmem:v28+s23+$0x0] =	vst.idx.add.f32.msk $0xffff, v34;
	v28 =	vadd.s32 $0x2400, v50;
	v27 =	vtrunc.f32 v27;
	v14 =	vmul.f32 $5.119994810e+02, v30  }
0x336: {  	v12 =	vor.u32 v13, v12;
	v27 =	vcvt.f32.s32 v27;
	v13 =	vtrunc.f32 v26;
	v26 =	vld [tilespmem:s22+$0x0]  }
0x337: {  	v52 =	vshll.u32 v3, $0x9;
	v51 =	vmul.f32 $5.119994810e+02, v29  }
0x338: {  	v13 =	vcvt.f32.s32 v13;
	v14 =	vtrunc.f32 v14;
	v27 =	vadd.s32 $0x2600, v27  }
0x339: {  	v63 =	vshll.u32 v4, $0xB;
	v55 =	vmul.f32 $5.119994810e+02, v31;
	v3 =	vtrunc.f32 v51  }
0x33a: {  	s2 =	sor.u32 s1, s16;
	v14 =	vcvt.f32.s32 v14;
	v13 =	vadd.s32 v13, v52;
	[tilespmem:v28+s23+$0x0] =	vst.idx.add.f32.msk $0xffff, v36;
	v54 =	vcvt.f32.s32 v3  }
0x33b: {  	v28 =	vmul.f32 $5.119994810e+02, v10;
	v3 =	vsub.f32 $1.000000000e+00, v10;
	s24 =	rddreg [dreg:$0x9];
	v36 =	vld [tilespmem:s2+$0x0];
	v57 =	vmul.f32 $5.119994810e+02, v26  }
0x33c: {  	s26 =	rddreg [dreg:$0x6];
	v14 =	vadd.s32 v14, v52;
	v53 =	vmov s24;
	v35 =	vadd.s32 $0x2600, v54  }
0x33d: {  	s0 =	sor.u32 s19, s0;
	v56 =	vmov s26;
	v33 =	vshll.u32 v53, $0x7;
	[tilespmem:v27+s23+$0x0] =	vst.idx.add.f32.msk $0xffff, v49;
	v27 =	vtrunc.f32 v55  }
0x33e: {  	v39 =	vshll.u32 v56, $0x3;
	v60 =	vtrunc.f32 v57;
	v59 =	vld [tilespmem:s0+$0x0];
	v27 =	vcvt.f32.s32 v27  }
0x33f: {  	v33 =	vand.u32 $0x380, v33;
	v58 =	vand.u32 $0x400, v39;
	v39 =	vcvt.f32.s32 v60  }
0x340: {  	s29 =	sadd.s32 $0xA000, s20;
	[tilespmem:v22+s23+$0x0] =	vst.idx.add.f32.msk $0xffff, v17;
	v32 =	vor.u32 v33, v58;
	v61 =	vmul.f32 $5.119994810e+02, v36;
	v27 =	vadd.s32 $0x2600, v27  }
0x341: {  	s4 =	sor.u32 s3, s29;
	v62 =	vor.u32 s26, v1;
	v32 =	vbroadcast v32, $0x0;
	v39 =	vadd.s32 $0x2800, v39;
	[tilespmem:v35+s23+$0x0] =	vst.idx.add.f32.msk $0xffff, v29  }
0x342: {  	v17 =	vor.u32 s25, v1;
	v44 =	vand.u32 $0x7F, v62;
	v29 =	vtrunc.f32 v61;
	v45 =	vld [tilespmem:s4+$0x0]  }
0x343: {  	v32 =	vor.u32 v32, v63;
	v29 =	vcvt.f32.s32 v29;
	v47 =	vmul.f32 $5.119994810e+02, v59  }
0x344: {  	v52 =	vshll.u32 v5, $0xB;
	[tilespmem:v11+s23+$0x0] =	vst.idx.add.f32.msk $0xffff, v23;
	v23 =	vsub.f32 $0.0e+00, v38;
	v32 =	vor.u32 v44, v32  }
0x345: {  	v46 =	vmul.f32 $5.119994810e+02, v3;
	v29 =	vadd.s32 $0x2600, v29;
	v35 =	vtrunc.f32 v47;
	[tilespmem:v27+s23+$0x0] =	vst.idx.add.f32.msk $0xffff, v31  }
0x346: {  	s5 =	sor.u32 s14, s21;
	v49 =	vmov s25;
	v31 =	vmov s17;
	[tilespmem:v39+s23+$0x0] =	vst.idx.add.f32.msk $0xffff, v26;
	v27 =	vcvt.f32.s32 v35  }
0x347: {  	v50 =	vld [tilespmem:s5+$0x0];
	v26 =	vshll.u32 v31, $0x7;
	v35 =	vshll.u32 v49, $0x3;
	v31 =	vmul.f32 $5.119994810e+02, v45  }
0x348: {  	v28 =	vtrunc.f32 v28;
	v26 =	vand.u32 $0x380, v26;
	v35 =	vand.u32 $0x400, v35  }
0x349: {  	v32 =	vld.idx.msk [tilespmem:v32+s10+$0x0], $0xffff;
	v27 =	vadd.s32 $0x2800, v27;
	v35 =	vor.u32 v26, v35;
	v31 =	vtrunc.f32 v31  }
0x34a: {  	s0 =	sor.u32 s1, s29;
	v15 =	vor.u32 v33, v15;
	[tilespmem:v29+s23+$0x0] =	vst.idx.add.f32.msk $0xffff, v36;
	v29 =	vcvt.f32.s32 v31;
	v31 =	vbroadcast v35, $0x0  }
0x34b: {  	v17 =	vand.u32 $0x7F, v17;
	v48 =	vtrunc.f32 v46;
	v11 =	vbroadcast v15, $0x0;
	v51 =	vld [tilespmem:s0+$0x0]  }
0x34c: {  	[tilespmem:v22+s31+$0x0] =	vst.idx.add.f32.msk $0xffff, v2;
	v53 =	vmul.f32 $5.119994810e+02, v50;
	v22 =	vadd.s32 $0x2800, v29;
	v29 =	vor.u32 v31, v52  }
0x34d: {  	[tilespmem:v24+s23+$0x0] =	vst.idx.add.f32.msk $0xffff, v25;
	v28 =	vcvt.f32.s32 v28;
	v34 =	vcvt.f32.s32 v48;
	v15 =	vor.u32 v17, v29  }
0x34e: {  	v11 =	vor.u32 v11, v16;
	v17 =	vtrunc.f32 v53;
	[tilespmem:v27+s23+$0x0] =	vst.idx.add.f32.msk $0xffff, v59;
	v16 =	vmul.f32 $5.119994810e+02, v32  }
0x34f: {  	v9 =	vor.u32 v9, v11;
	v11 =	vsub.f32 $1.000000000e+00, v32;
	v17 =	vcvt.f32.s32 v17;
	v12 =	vld.idx.msk [tilespmem:v12+s10+$0x0], $0xffff  }
0x350: {  	v4 =	vshll.u32 v4, $0x9;
	[tilespmem:v13+s23+$0x0] =	vst.idx.add.f32.msk $0xffff, v23;
	v16 =	vtrunc.f32 v16;
	v27 =	vmul.f32 $5.119994810e+02, v51  }
0x351: {  	v23 =	vmul.f32 $5.119994810e+02, v11;
	v13 =	vadd.s32 $0x2800, v17;
	v17 =	vor.u32 v26, v20;
	[tilespmem:v22+s23+$0x0] =	vst.idx.add.f32.msk $0xffff, v45  }
0x352: {  	v10 =	vsub.f32 $0.0e+00, v10;
	v17 =	vbroadcast v17, $0x0;
	v20 =	vtrunc.f32 v27;
	v15 =	vld.idx.msk [tilespmem:v15+s10+$0x0], $0xffff  }
0x353: {  	[tilespmem:v14+s23+$0x0] =	vst.idx.add.f32.msk $0xffff, v30;
	v16 =	vcvt.f32.s32 v16;
	v22 =	vadd.s32 v28, v6;
	v20 =	vcvt.f32.s32 v20  }
0x354: {  	[tilespmem:v14+s31+$0x0] =	vst.idx.add.f32.msk $0xffff, v2;
	v6 =	vadd.s32 v34, v6;
	v14 =	vsub.f32 $1.000000000e+00, v12;
	v17 =	vor.u32 v17, v21  }
0x355: {  	[tilespmem:v24+s31+$0x0] =	vst.idx.add.f32.msk $0xffff, v2;
	v21 =	vtrunc.f32 v23;
	v23 =	vmul.f32 $5.119994810e+02, v12;
	v20 =	vadd.s32 $0x2800, v20  }
0x356: {  	v17 =	vor.u32 v19, v17;
	[tilespmem:v13+s23+$0x0] =	vst.idx.add.f32.msk $0xffff, v50;
	v13 =	vcvt.f32.s32 v21;
	v19 =	vmul.f32 $5.119994810e+02, v14  }
0x357: {  	v16 =	vadd.s32 v16, v4;
	v21 =	vtrunc.f32 v23;
	v9 =	vld.idx.msk [tilespmem:v9+s10+$0x0], $0xffff;
	v23 =	vsub.f32 $1.000000000e+00, v15  }
0x358: {  	[tilespmem:v22+s23+$0x0] =	vst.idx.add.f32.msk $0xffff, v10;
	v4 =	vadd.s32 v13, v4;
	v13 =	vtrunc.f32 v19;
	v19 =	vmul.f32 $5.119994810e+02, v15  }
0x359: {  	v21 =	vcvt.f32.s32 v21;
	[tilespmem:v6+s23+$0x0] =	vst.idx.add.f32.msk $0xffff, v3  }
0x35a: {  	v24 =	vmul.f32 $5.119994810e+02, v23;
	v19 =	vtrunc.f32 v19;
	[tilespmem:v20+s23+$0x0] =	vst.idx.add.f32.msk $0xffff, v51;
	v20 =	vsub.f32 $0.0e+00, v32  }
0x35b: {  	v5 =	vshll.u32 v5, $0x9;
	v13 =	vcvt.f32.s32 v13;
	v10 =	vcvt.f32.s32 v19;
	v17 =	vld.idx.msk [tilespmem:v17+s10+$0x0], $0xffff  }
0x35c: {  	v19 =	vtrunc.f32 v24;
	v22 =	vsub.f32 $1.000000000e+00, v9;
	[tilespmem:v16+s23+$0x0] =	vst.idx.add.f32.msk $0xffff, v20;
	v16 =	vadd.s32 v21, v8  }
0x35d: {  	v19 =	vcvt.f32.s32 v19;
	v10 =	vadd.s32 v10, v5;
	[tilespmem:v4+s23+$0x0] =	vst.idx.add.f32.msk $0xffff, v11;
	v11 =	vmul.f32 $5.119994810e+02, v9  }
0x35e: {  	[tilespmem:v6+s31+$0x0] =	vst.idx.add.f32.msk $0xffff, v2;
	v6 =	vsub.f32 $0.0e+00, v15;
	v8 =	vadd.s32 v13, v8;
	v20 =	vmul.f32 $5.119994810e+02, v22  }
0x35f: {  	[tilespmem:v4+s31+$0x0] =	vst.idx.add.f32.msk $0xffff, v2;
	v4 =	vsub.f32 $0.0e+00, v12;
	v5 =	vadd.s32 v19, v5;
	v3 =	vtrunc.f32 v11  }
0x360: {  	v11 =	vtrunc.f32 v20;
	v12 =	vsub.f32 $1.000000000e+00, v17;
	v3 =	vcvt.f32.s32 v3  }
0x361: {  	v13 =	vmul.f32 $5.119994810e+02, v17;
	[tilespmem:v16+s23+$0x0] =	vst.idx.add.f32.msk $0xffff, v4;
	v4 =	vcvt.f32.s32 v11  }
0x362: {  	[tilespmem:v10+s23+$0x0] =	vst.idx.add.f32.msk $0xffff, v6;
	v11 =	vmul.f32 $5.119994810e+02, v12;
	v3 =	vadd.s32 v3, v7  }
0x363: {  	v6 =	vtrunc.f32 v13;
	[tilespmem:v8+s23+$0x0] =	vst.idx.add.f32.msk $0xffff, v14;
	v4 =	vadd.s32 v4, v7  }
0x364: {  	[tilespmem:v5+s23+$0x0] =	vst.idx.add.f32.msk $0xffff, v23;
	v6 =	vcvt.f32.s32 v6;
	v7 =	vtrunc.f32 v11  }
0x365: {  	[tilespmem:v5+s31+$0x0] =	vst.idx.add.f32.msk $0xffff, v2;
	v5 =	vcvt.f32.s32 v7;
	v7 =	vsub.f32 $0.0e+00, v9  }
0x366: {  	[tilespmem:v8+s31+$0x0] =	vst.idx.add.f32.msk $0xffff, v2;
	v6 =	vadd.s32 v6, v18  }
0x367: {  	[tilespmem:v3+s23+$0x0] =	vst.idx.add.f32.msk $0xffff, v7  }
0x368: {  	[tilespmem:v4+s23+$0x0] =	vst.idx.add.f32.msk $0xffff, v22  }
0x369: {  	v5 =	vadd.s32 v5, v18;
	v3 =	vsub.f32 $0.0e+00, v17;
	s6 =	rddreg [dreg:$0x19];
	[tilespmem:v4+s31+$0x0] =	vst.idx.add.f32.msk $0xffff, v2  }
0x36a: {  	s0 =	rddreg [dreg:$0x14]  }
0x36b: {  	p0 =	seq.s32 s6, $0x7;
	s1 =	rddreg [dreg:$0x1a];
	[tilespmem:v6+s23+$0x0] =	vst.idx.add.f32.msk $0xffff, v3  }
0x36c: {  	s0 =	sadd.s32 @!p0 s1, s0;
	s1 =	rddreg [dreg:$0xf]  }
0x36d: {  	s1 =	sadd.s32 @!p0 s1, s0  }
0x36e: {  	s2 =	rddreg [dreg:$0x1];
	[tilespmem:v5+s23+$0x0] =	vst.idx.add.f32.msk $0xffff, v12;
	s1 =	sshrl.u32 @!p0 s1, $0x3  }
0x36f: {  	s3 =	simm.s32 @!p0 $0x15000;
	[tilespmem:v5+s31+$0x0] =	vst.idx.add.f32.msk $0xffff, v2;
	s1 =	sadd.s32 @!p0 s2, s1;
	s2 =	simm.s32 @!p0 $0x0  }
0x370: {  	[tilespmem:s3], [sflag:$0x3] =	stream.linear.gather @!p0 [hbm4b:s1+s2], $0x800, $0x38;
	[tilespmem:$0x1B400] =	vst v63  }
0x371: {  	s1 =	rddreg [dreg:$0xd]  }
0x372: {  	s0 =	sadd.s32 @!p0 s1, s0  }
0x373: {  	s7 =	simm.s32 $0x4;
	s1 =	rddreg [dreg:$0x0];
	s0 =	sshrl.u32 @!p0 s0, $0x3  }
0x374: {  	s3 =	simm.s32 @!p0 $0x40000;
	s0 =	sadd.s32 @!p0 s1, s0;
	s1 =	simm.s32 @!p0 $0x800  }
0x375: {  	[tilespmem:s2], [sflag:$0x1] =	stream.strided.gather @!p0 [hbm4b:s0+s1], $0xA800, s3, s1, $0x38;
	[tilespmem:$0x1B400] =	vst v63  }
0x376: {  	s8 =	simm.s32 $0x0;
	_ =	swait.ge [sflag:s7], $0x800  }
0x377: {  	s9 =	sand.u32 $0xE0, s8;
	s11 =	simm.s32 $0x2;
	[sflag:s7] =	ssyncset.done $0x0  }
0x378: {  	s10 =	sand.u32 $0x400, s8;
	[smem:$0x7FA] =	sst s9;
	[sflag:s7] =	ssyncadd.s32 $0xFFFFF800  }
0x379: {  	s12 =	sor.u32 $0x10, s9;
	s3 =	sadd.s32 $0x0, s10;
	_ =	swait.ge [sflag:s11], $0xA800  }
0x37a: {  	s1 =	sand.u32 $0x70, s12;
	s13 =	sadd.s32 $0xA800, s3;
	[sflag:s11] =	ssyncset.done $0x0  }
0x37b: {  	s14 =	sor.u32 s1, s13;
	[smem:$0x7FB] =	sst s12;
	[sflag:s11] =	ssyncadd.s32 $0xFFFF5800  }
0x37c: {  	v3 =	vld [tilespmem:s14+$0x0];
	_ =	sdelay $0x4  }
0x37d: {  	v4 =	vmul.f32 $5.119994810e+02, v3;
	_ =	sdelay $0x1  }
0x37e: {  	v4 =	vtrunc.f32 v4  }
0x37f: {  	v4 =	vcvt.f32.s32 v4;
	_ =	sdelay $0x2  }
0x380: {  	s15 =	sadd.s32 $0x15800, s3  }
0x381: {  	s16 =	sor.u32 s1, s15  }
0x382: {  	s17 =	sadd.s32 $0xB000, s3;
	v9 =	vld [tilespmem:s16+$0x0]  }
0x383: {  	s20 =	sor.u32 s1, s17;
	[tilespmem:v4+s23+$0x0] =	vst.idx.add.f32.msk $0xffff, v3  }
0x384: {  	v3 =	vld [tilespmem:s20+$0x0];
	_ =	sdelay $0x4  }
0x385: {  	v4 =	vmul.f32 $5.119994810e+02, v3;
	_ =	sdelay $0x1  }
0x386: {  	v4 =	vtrunc.f32 v4  }
0x387: {  	v4 =	vcvt.f32.s32 v4;
	_ =	sdelay $0x1  }
0x388: {  	v4 =	vadd.s32 $0x200, v4;
	_ =	sdelay $0x3  }
0x389: {  	s21 =	sadd.s32 $0xB800, s3  }
0x38a: {  	s9 =	sor.u32 s1, s21;
	[tilespmem:v4+s23+$0x0] =	vst.idx.add.f32.msk $0xffff, v3  }
0x38b: {  	v3 =	vld [tilespmem:s9+$0x0];
	_ =	sdelay $0x4  }
0x38c: {  	v4 =	vmul.f32 $5.119994810e+02, v3;
	_ =	sdelay $0x1  }
0x38d: {  	v4 =	vtrunc.f32 v4  }
0x38e: {  	v4 =	vcvt.f32.s32 v4  }
0x38f: {  	s12 =	sand.u32 $0x60, s8  }
0x390: {  	s0 =	sor.u32 s12, s13;
	v4 =	vadd.s32 $0x400, v4  }
0x391: {  	v5 =	vld [tilespmem:s0+$0x0];
	_ =	sdelay $0x2  }
0x392: {  	s26 =	simm.s32 $0x100;
	s25 =	simm.s32 $0x20;
	s10 =	sadd.s32 $0xC000, s3  }
0x393: {  	s22 =	sand.u32 $0xE0, s25;
	s29 =	sand.u32 $0x400, s26;
	s24 =	sor.u32 s1, s10;
	[tilespmem:v4+s23+$0x0] =	vst.idx.add.f32.msk $0xffff, v3  }
0x394: {  	s19 =	sadd.s32 $0x0, s29;
	s31 =	sor.u32 $0x10, s22;
	v4 =	vmul.f32 $5.119994810e+02, v5;
	v3 =	vld [tilespmem:s24+$0x0]  }
0x395: {  	s18 =	sand.u32 $0x70, s31;
	s7 =	sadd.s32 $0xA800, s19  }
0x396: {  	s8 =	sor.u32 s18, s7;
	[smem:$0x7FC] =	sst s31;
	v4 =	vtrunc.f32 v4  }
0x397: {  	v7 =	vld [tilespmem:s8+$0x0];
	v4 =	vcvt.f32.s32 v4;
	_ =	sdelay $0x1  }
0x398: {  	v6 =	vmul.f32 $5.119994810e+02, v3;
	_ =	sdelay $0x1  }
0x399: {  	s4 =	sor.u32 s12, s15;
	v6 =	vtrunc.f32 v6  }
0x39a: {  	v10 =	vmul.f32 $5.119994810e+02, v7;
	v8 =	vcvt.f32.s32 v6;
	v6 =	vld [tilespmem:s4+$0x0]  }
0x39b: {  	s6 =	sor.u32 s12, s17;
	[tilespmem:v4+s23+$0x0] =	vst.idx.add.f32.msk $0xffff, v5  }
0x39c: {  	v4 =	vtrunc.f32 v10;
	v5 =	vld [tilespmem:s6+$0x0];
	v8 =	vadd.s32 $0x600, v8  }
0x39d: {  	v4 =	vcvt.f32.s32 v4  }
0x39e: {  	s9 =	sadd.s32 $0x15800, s19  }
0x39f: {  	s13 =	sor.u32 s18, s9  }
0x3a0: {  	s11 =	sadd.s32 $0xC800, s3;
	v18 =	vld [tilespmem:s13+$0x0]  }
0x3a1: {  	s8 =	sor.u32 s1, s11;
	[tilespmem:v8+s23+$0x0] =	vst.idx.add.f32.msk $0xffff, v3;
	v8 =	vmul.f32 $5.119994810e+02, v5  }
0x3a2: {  	s14 =	sadd.s32 $0xB000, s19;
	v3 =	vld [tilespmem:s8+$0x0]  }
0x3a3: {  	s15 =	sor.u32 s18, s14;
	[tilespmem:v4+s23+$0x0] =	vst.idx.add.f32.msk $0xffff, v7;
	v4 =	vtrunc.f32 v8  }
0x3a4: {  	v7 =	vld [tilespmem:s15+$0x0];
	v4 =	vcvt.f32.s32 v4;
	_ =	sdelay $0x1  }
0x3a5: {  	v4 =	vadd.s32 $0x200, v4  }
0x3a6: {  	v8 =	vmul.f32 $5.119994810e+02, v3;
	_ =	sdelay $0x1  }
0x3a7: {  	v10 =	vmul.f32 $5.119994810e+02, v7;
	v8 =	vtrunc.f32 v8  }
0x3a8: {  	v8 =	vcvt.f32.s32 v8  }
0x3a9: {  	s5 =	sor.u32 s12, s21;
	v10 =	vtrunc.f32 v10;
	[tilespmem:v4+s23+$0x0] =	vst.idx.add.f32.msk $0xffff, v5  }
0x3aa: {  	v5 =	vcvt.f32.s32 v10;
	v4 =	vadd.s32 $0x800, v8;
	v8 =	vld [tilespmem:s5+$0x0];
	_ =	sdelay $0x1  }
0x3ab: {  	v5 =	vadd.s32 $0x200, v5;
	_ =	sdelay $0x1  }
0x3ac: {  	s16 =	sadd.s32 $0xD000, s3  }
0x3ad: {  	s17 =	sor.u32 s1, s16;
	[tilespmem:v4+s23+$0x0] =	vst.idx.add.f32.msk $0xffff, v3;
	v3 =	vmul.f32 $5.119994810e+02, v8  }
0x3ae: {  	s20 =	sadd.s32 $0xB800, s19;
	v4 =	vld [tilespmem:s17+$0x0]  }
0x3af: {  	s21 =	sor.u32 s18, s20;
	[tilespmem:v5+s23+$0x0] =	vst.idx.add.f32.msk $0xffff, v7;
	v3 =	vtrunc.f32 v3  }
0x3b0: {  	v5 =	vld [tilespmem:s21+$0x0];
	v3 =	vcvt.f32.s32 v3;
	_ =	sdelay $0x1  }
0x3b1: {  	v3 =	vadd.s32 $0x400, v3  }
0x3b2: {  	v7 =	vmul.f32 $5.119994810e+02, v4;
	_ =	sdelay $0x1  }
0x3b3: {  	v10 =	vmul.f32 $5.119994810e+02, v5;
	v7 =	vtrunc.f32 v7  }
0x3b4: {  	v7 =	vcvt.f32.s32 v7  }
0x3b5: {  	s2 =	sor.u32 s12, s10;
	v10 =	vtrunc.f32 v10;
	[tilespmem:v3+s23+$0x0] =	vst.idx.add.f32.msk $0xffff, v8  }
0x3b6: {  	v3 =	vadd.s32 $0xA00, v7;
	v7 =	vcvt.f32.s32 v10;
	v8 =	vld [tilespmem:s2+$0x0];
	_ =	sdelay $0x1  }
0x3b7: {  	v7 =	vadd.s32 $0x400, v7;
	_ =	sdelay $0x1  }
0x3b8: {  	s24 =	sadd.s32 $0xD800, s3  }
0x3b9: {  	s26 =	sor.u32 s1, s24;
	[tilespmem:v3+s23+$0x0] =	vst.idx.add.f32.msk $0xffff, v4;
	v3 =	vmul.f32 $5.119994810e+02, v8  }
0x3ba: {  	s29 =	sadd.s32 $0xC000, s19;
	v4 =	vld [tilespmem:s26+$0x0]  }
0x3bb: {  	s31 =	sor.u32 s18, s29;
	[tilespmem:v7+s23+$0x0] =	vst.idx.add.f32.msk $0xffff, v5;
	v3 =	vtrunc.f32 v3  }
0x3bc: {  	v5 =	vld [tilespmem:s31+$0x0];
	v3 =	vcvt.f32.s32 v3;
	_ =	sdelay $0x1  }
0x3bd: {  	v3 =	vadd.s32 $0x600, v3  }
0x3be: {  	s10 =	sand.u32 $0x60, s25;
	v7 =	vmul.f32 $5.119994810e+02, v4  }
0x3bf: {  	s0 =	sor.u32 s10, s7  }
0x3c0: {  	v10 =	vld [tilespmem:s0+$0x0];
	v7 =	vtrunc.f32 v7;
	v11 =	vmul.f32 $5.119994810e+02, v5  }
0x3c1: {  	v7 =	vcvt.f32.s32 v7  }
0x3c2: {  	s7 =	sor.u32 s12, s11;
	v11 =	vtrunc.f32 v11;
	[tilespmem:v3+s23+$0x0] =	vst.idx.add.f32.msk $0xffff, v8  }
0x3c3: {  	v3 =	vadd.s32 $0xC00, v7;
	v7 =	vcvt.f32.s32 v11;
	v8 =	vld [tilespmem:s7+$0x0];
	_ =	sdelay $0x1  }
0x3c4: {  	v11 =	vmul.f32 $5.119994810e+02, v10;
	v7 =	vadd.s32 $0x600, v7;
	_ =	sdelay $0x1  }
0x3c5: {  	s7 =	sadd.s32 $0xE000, s3;
	v11 =	vtrunc.f32 v11  }
0x3c6: {  	s11 =	sor.u32 s1, s7;
	v11 =	vcvt.f32.s32 v11;
	[tilespmem:v3+s23+$0x0] =	vst.idx.add.f32.msk $0xffff, v4;
	v3 =	vmul.f32 $5.119994810e+02, v8  }
0x3c7: {  	s0 =	sadd.s32 $0xC800, s19;
	v4 =	vld [tilespmem:s11+$0x0]  }
0x3c8: {  	s13 =	sor.u32 s18, s0;
	[tilespmem:v7+s23+$0x0] =	vst.idx.add.f32.msk $0xffff, v5;
	v3 =	vtrunc.f32 v3  }
0x3c9: {  	v5 =	vld [tilespmem:s13+$0x0];
	v3 =	vcvt.f32.s32 v3  }
0x3ca: {  	s4 =	sor.u32 s10, s9  }
0x3cb: {  	v7 =	vld [tilespmem:s4+$0x0];
	v3 =	vadd.s32 $0x800, v3  }
0x3cc: {  	s14 =	sor.u32 s10, s14;
	[tilespmem:v11+s23+$0x0] =	vst.idx.add.f32.msk $0xffff, v10;
	v12 =	vmul.f32 $5.119994810e+02, v4  }
0x3cd: {  	v10 =	vld [tilespmem:s14+$0x0]  }
0x3ce: {  	v11 =	vtrunc.f32 v12;
	v12 =	vmul.f32 $5.119994810e+02, v5  }
0x3cf: {  	v11 =	vcvt.f32.s32 v11  }
0x3d0: {  	s15 =	sor.u32 s12, s16;
	v12 =	vtrunc.f32 v12;
	[tilespmem:v3+s23+$0x0] =	vst.idx.add.f32.msk $0xffff, v8  }
0x3d1: {  	v3 =	vadd.s32 $0xE00, v11;
	v8 =	vcvt.f32.s32 v12;
	v11 =	vld [tilespmem:s15+$0x0]  }
0x3d2: {  	v12 =	vmul.f32 $5.119994810e+02, v10  }
0x3d3: {  	v8 =	vadd.s32 $0x800, v8  }
0x3d4: {  	v12 =	vtrunc.f32 v12  }
0x3d5: {  	s8 =	sadd.s32 $0xE800, s3;
	v12 =	vcvt.f32.s32 v12  }
0x3d6: {  	s16 =	sor.u32 s1, s8;
	[tilespmem:v3+s23+$0x0] =	vst.idx.add.f32.msk $0xffff, v4;
	v3 =	vmul.f32 $5.119994810e+02, v11  }
0x3d7: {  	s4 =	sadd.s32 $0xD000, s19;
	v12 =	vadd.s32 $0x200, v12;
	v4 =	vld [tilespmem:s16+$0x0]  }
0x3d8: {  	s17 =	sor.u32 s18, s4;
	[tilespmem:v8+s23+$0x0] =	vst.idx.add.f32.msk $0xffff, v5;
	v3 =	vtrunc.f32 v3  }
0x3d9: {  	v5 =	vld [tilespmem:s17+$0x0];
	v3 =	vcvt.f32.s32 v3;
	_ =	sdelay $0x1  }
0x3da: {  	v3 =	vadd.s32 $0xA00, v3  }
0x3db: {  	s9 =	simm.s32 $0x40;
	s6 =	sor.u32 s10, s20;
	s20 =	simm.s32 $0x200;
	[tilespmem:v12+s23+$0x0] =	vst.idx.add.f32.msk $0xffff, v10;
	v8 =	vmul.f32 $5.119994810e+02, v4  }
0x3dc: {  	s25 =	sand.u32 $0xE0, s9;
	v10 =	vld [tilespmem:s6+$0x0];
	s6 =	sand.u32 $0x400, s20  }
0x3dd: {  	s21 =	sor.u32 $0x10, s25;
	s16 =	sadd.s32 $0x0, s6;
	v8 =	vtrunc.f32 v8;
	v12 =	vmul.f32 $5.119994810e+02, v5  }
0x3de: {  	s28 =	sand.u32 $0x70, s21;
	[dreg:$0x5] =	wrdreg s21;
	s13 =	sadd.s32 $0xA800, s16;
	v8 =	vcvt.f32.s32 v8  }
0x3df: {  	s6 =	sor.u32 s28, s13;
	v12 =	vtrunc.f32 v12;
	[tilespmem:v3+s23+$0x0] =	vst.idx.add.f32.msk $0xffff, v11  }
0x3e0: {  	s5 =	sor.u32 s12, s24;
	v3 =	vadd.s32 $0x1000, v8;
	v8 =	vcvt.f32.s32 v12;
	v12 =	vld [tilespmem:s6+$0x0]  }
0x3e1: {  	v11 =	vmul.f32 $5.119994810e+02, v10;
	v13 =	vld [tilespmem:s5+$0x0];
	_ =	sdelay $0x1  }
0x3e2: {  	v8 =	vadd.s32 $0xA00, v8;
	v11 =	vtrunc.f32 v11  }
0x3e3: {  	s6 =	sadd.s32 $0xF000, s3;
	v11 =	vcvt.f32.s32 v11  }
0x3e4: {  	s24 =	sor.u32 s1, s6;
	[tilespmem:v3+s23+$0x0] =	vst.idx.add.f32.msk $0xffff, v4  }
0x3e5: {  	v3 =	vadd.s32 $0x400, v11;
	v11 =	vmul.f32 $5.119994810e+02, v12;
	v14 =	vmul.f32 $5.119994810e+02, v13;
	v4 =	vld [tilespmem:s24+$0x0]  }
0x3e6: {  	s5 =	sadd.s32 $0xD800, s19  }
0x3e7: {  	s26 =	sor.u32 s18, s5;
	[tilespmem:v8+s23+$0x0] =	vst.idx.add.f32.msk $0xffff, v5;
	v8 =	vtrunc.f32 v11;
	v11 =	vtrunc.f32 v14  }
0x3e8: {  	v5 =	vld [tilespmem:s26+$0x0];
	v8 =	vcvt.f32.s32 v8;
	v11 =	vcvt.f32.s32 v11;
	_ =	sdelay $0x1  }
0x3e9: {  	[tilespmem:v3+s23+$0x0] =	vst.idx.add.f32.msk $0xffff, v10;
	v10 =	vadd.s32 $0xC00, v11;
	v14 =	vmul.f32 $5.119994810e+02, v4  }
0x3ea: {  	s2 =	sor.u32 s10, s29;
	s14 =	sadd.s32 $0x15800, s16  }
0x3eb: {  	s29 =	sor.u32 s28, s14;
	v11 =	vld [tilespmem:s2+$0x0];
	v3 =	vtrunc.f32 v14  }
0x3ec: {  	v14 =	vmul.f32 $5.119994810e+02, v5;
	v15 =	vcvt.f32.s32 v3;
	v3 =	vld [tilespmem:s29+$0x0]  }
0x3ed: {  	s15 =	sadd.s32 $0xB000, s16;
	[tilespmem:v8+s23+$0x0] =	vst.idx.add.f32.msk $0xffff, v12  }
0x3ee: {  	s31 =	sor.u32 s28, s15;
	v14 =	vtrunc.f32 v14;
	[tilespmem:v10+s23+$0x0] =	vst.idx.add.f32.msk $0xffff, v13  }
0x3ef: {  	s11 =	sor.u32 s12, s7;
	v8 =	vadd.s32 $0x1200, v15;
	v12 =	vcvt.f32.s32 v14;
	v14 =	vld [tilespmem:s31+$0x0]  }
0x3f0: {  	v10 =	vmul.f32 $5.119994810e+02, v11;
	v13 =	vld [tilespmem:s11+$0x0];
	_ =	sdelay $0x1  }
0x3f1: {  	v12 =	vadd.s32 $0xC00, v12;
	v10 =	vtrunc.f32 v10  }
0x3f2: {  	v10 =	vcvt.f32.s32 v10  }
0x3f3: {  	s7 =	sadd.s32 $0xF800, s3;
	[tilespmem:v8+s23+$0x0] =	vst.idx.add.f32.msk $0xffff, v4;
	v4 =	vmul.f32 $5.119994810e+02, v14  }
0x3f4: {  	s17 =	sor.u32 s1, s7;
	v10 =	vadd.s32 $0x600, v10;
	v15 =	vmul.f32 $5.119994810e+02, v13  }
0x3f5: {  	s2 =	sadd.s32 $0xE000, s19;
	v8 =	vld [tilespmem:s17+$0x0];
	v4 =	vtrunc.f32 v4  }
0x3f6: {  	s20 =	sor.u32 s18, s2;
	[tilespmem:v12+s23+$0x0] =	vst.idx.add.f32.msk $0xffff, v5;
	v12 =	vtrunc.f32 v15;
	v4 =	vcvt.f32.s32 v4  }
0x3f7: {  	v5 =	vld [tilespmem:s20+$0x0];
	v12 =	vcvt.f32.s32 v12  }
0x3f8: {  	v4 =	vadd.s32 $0x200, v4  }
0x3f9: {  	[tilespmem:v10+s23+$0x0] =	vst.idx.add.f32.msk $0xffff, v11;
	v10 =	vadd.s32 $0xE00, v12  }
0x3fa: {  	s0 =	sor.u32 s10, s0;
	v15 =	vmul.f32 $5.119994810e+02, v8  }
0x3fb: {  	v11 =	vld [tilespmem:s0+$0x0]  }
0x3fc: {  	v12 =	vtrunc.f32 v15;
	v15 =	vmul.f32 $5.119994810e+02, v5  }
0x3fd: {  	s11 =	sadd.s32 $0xB800, s16;
	v12 =	vcvt.f32.s32 v12;
	[tilespmem:v4+s23+$0x0] =	vst.idx.add.f32.msk $0xffff, v14  }
0x3fe: {  	s21 =	sor.u32 s28, s11;
	v15 =	vtrunc.f32 v15;
	[tilespmem:v10+s23+$0x0] =	vst.idx.add.f32.msk $0xffff, v13  }
0x3ff: {  	s24 =	sor.u32 s12, s8;
	v4 =	vadd.s32 $0x1400, v12;
	v12 =	vcvt.f32.s32 v15;
	v14 =	vld [tilespmem:s21+$0x0]  }
0x400: {  	v10 =	vmul.f32 $5.119994810e+02, v11;
	v13 =	vld [tilespmem:s24+$0x0]  }
0x401: {  	v12 =	vadd.s32 $0xE00, v12  }
0x402: {  	v10 =	vtrunc.f32 v10  }
0x403: {  	s9 =	sand.u32 $0x60, s9;
	v10 =	vcvt.f32.s32 v10  }
0x404: {  	s26 =	sor.u32 s9, s13;
	[tilespmem:v4+s23+$0x0] =	vst.idx.add.f32.msk $0xffff, v8;
	v4 =	vmul.f32 $5.119994810e+02, v14  }
0x405: {  	s0 =	sadd.s32 $0xE800, s19;
	v8 =	vadd.s32 $0x800, v10;
	v10 =	vld [tilespmem:s26+$0x0];
	v15 =	vmul.f32 $5.119994810e+02, v13  }
0x406: {  	s8 =	sadd.s32 $0x10000, s3;
	s29 =	sor.u32 s18, s0;
	[tilespmem:v12+s23+$0x0] =	vst.idx.add.f32.msk $0xffff, v5;
	v4 =	vtrunc.f32 v4  }
0x407: {  	s31 =	sor.u32 s1, s8;
	v12 =	vtrunc.f32 v15;
	v5 =	vld [tilespmem:s29+$0x0];
	v4 =	vcvt.f32.s32 v4  }
0x408: {  	v15 =	vld [tilespmem:s31+$0x0];
	v12 =	vcvt.f32.s32 v12  }
0x409: {  	v4 =	vadd.s32 $0x400, v4  }
0x40a: {  	s4 =	sor.u32 s10, s4;
	[tilespmem:v8+s23+$0x0] =	vst.idx.add.f32.msk $0xffff, v11;
	v8 =	vadd.s32 $0x1000, v12  }
0x40b: {  	v12 =	vmul.f32 $5.119994810e+02, v10;
	v11 =	vld [tilespmem:s4+$0x0]  }
0x40c: {  	v16 =	vmul.f32 $5.119994810e+02, v5  }
0x40d: {  	v17 =	vmul.f32 $5.119994810e+02, v15;
	v12 =	vtrunc.f32 v12  }
0x40e: {  	s13 =	sadd.s32 $0xC000, s16;
	v12 =	vcvt.f32.s32 v12;
	v16 =	vtrunc.f32 v16;
	[tilespmem:v4+s23+$0x0] =	vst.idx.add.f32.msk $0xffff, v14  }
0x40f: {  	s17 =	sor.u32 s28, s13;
	[tilespmem:v8+s23+$0x0] =	vst.idx.add.f32.msk $0xffff, v13;
	v8 =	vtrunc.f32 v17;
	v4 =	vcvt.f32.s32 v16  }
0x410: {  	s20 =	sor.u32 s12, s6;
	v14 =	vld [tilespmem:s17+$0x0];
	v13 =	vmul.f32 $5.119994810e+02, v11;
	v8 =	vcvt.f32.s32 v8  }
0x411: {  	v16 =	vld [tilespmem:s20+$0x0];
	v4 =	vadd.s32 $0x1000, v4  }
0x412: {  	s21 =	sor.u32 s9, s14;
	v13 =	vtrunc.f32 v13;
	v17 =	vadd.s32 $0x1600, v8  }
0x413: {  	v8 =	vld [tilespmem:s21+$0x0];
	v13 =	vcvt.f32.s32 v13  }
0x414: {  	s24 =	sor.u32 s9, s15;
	[tilespmem:v12+s23+$0x0] =	vst.idx.add.f32.msk $0xffff, v10  }
0x415: {  	v10 =	vmul.f32 $5.119994810e+02, v14;
	v12 =	vadd.s32 $0xA00, v13;
	v13 =	vld [tilespmem:s24+$0x0]  }
0x416: {  	s4 =	sadd.s32 $0xF000, s19;
	v19 =	vmul.f32 $5.119994810e+02, v16;
	[tilespmem:v4+s23+$0x0] =	vst.idx.add.f32.msk $0xffff, v5  }
0x417: {  	s6 =	sadd.s32 $0x10800, s3;
	s26 =	sor.u32 s18, s4;
	v4 =	vtrunc.f32 v10;
	[tilespmem:v17+s23+$0x0] =	vst.idx.add.f32.msk $0xffff, v15  }
0x418: {  	s29 =	sor.u32 s1, s6;
	v10 =	vtrunc.f32 v19;
	v5 =	vld [tilespmem:s26+$0x0];
	v4 =	vcvt.f32.s32 v4  }
0x419: {  	v10 =	vcvt.f32.s32 v10;
	v15 =	vld [tilespmem:s29+$0x0]  }
0x41a: {  	v4 =	vadd.s32 $0x600, v4  }
0x41b: {  	s5 =	sor.u32 s10, s5;
	[tilespmem:v12+s23+$0x0] =	vst.idx.add.f32.msk $0xffff, v11;
	v11 =	vmul.f32 $5.119994810e+02, v13;
	v10 =	vadd.s32 $0x1200, v10  }
0x41c: {  	v12 =	vld [tilespmem:s5+$0x0]  }
0x41d: {  	v11 =	vtrunc.f32 v11;
	v17 =	vmul.f32 $5.119994810e+02, v5  }
0x41e: {  	v11 =	vcvt.f32.s32 v11;
	v19 =	vmul.f32 $5.119994810e+02, v15  }
0x41f: {  	s17 =	sadd.s32 $0xC800, s16;
	v17 =	vtrunc.f32 v17;
	[tilespmem:v4+s23+$0x0] =	vst.idx.add.f32.msk $0xffff, v14  }
0x420: {  	s31 =	sor.u32 s28, s17;
	v4 =	vadd.s32 $0x200, v11;
	[tilespmem:v10+s23+$0x0] =	vst.idx.add.f32.msk $0xffff, v16;
	v10 =	vtrunc.f32 v19;
	v11 =	vcvt.f32.s32 v17  }
0x421: {  	s7 =	sor.u32 s12, s7;
	v14 =	vld [tilespmem:s31+$0x0];
	v16 =	vmul.f32 $5.119994810e+02, v12;
	v10 =	vcvt.f32.s32 v10  }
0x422: {  	v17 =	vld [tilespmem:s7+$0x0];
	v11 =	vadd.s32 $0x1200, v11  }
0x423: {  	v16 =	vtrunc.f32 v16;
	v10 =	vadd.s32 $0x1800, v10  }
0x424: {  	v16 =	vcvt.f32.s32 v16  }
0x425: {  	s11 =	sor.u32 s9, s11;
	[tilespmem:v4+s23+$0x0] =	vst.idx.add.f32.msk $0xffff, v13  }
0x426: {  	v4 =	vmul.f32 $5.119994810e+02, v14;
	v13 =	vadd.s32 $0xC00, v16;
	v16 =	vld [tilespmem:s11+$0x0]  }
0x427: {  	s5 =	sadd.s32 $0xF800, s19;
	v19 =	vmul.f32 $5.119994810e+02, v17;
	[tilespmem:v11+s23+$0x0] =	vst.idx.add.f32.msk $0xffff, v5  }
0x428: {  	s14 =	sor.u32 s18, s5;
	s7 =	sadd.s32 $0x11000, s3;
	v4 =	vtrunc.f32 v4;
	[tilespmem:v10+s23+$0x0] =	vst.idx.add.f32.msk $0xffff, v15  }
0x429: {  	s15 =	sor.u32 s1, s7;
	v11 =	vtrunc.f32 v19;
	v5 =	vld [tilespmem:s14+$0x0];
	v4 =	vcvt.f32.s32 v4  }
0x42a: {  	v10 =	vcvt.f32.s32 v11;
	v11 =	vld [tilespmem:s15+$0x0]  }
0x42b: {  	v4 =	vadd.s32 $0x800, v4  }
0x42c: {  	[tilespmem:v13+s23+$0x0] =	vst.idx.add.f32.msk $0xffff, v12;
	v12 =	vmul.f32 $5.119994810e+02, v16;
	v10 =	vadd.s32 $0x1400, v10  }
0x42d: {  	s2 =	sor.u32 s10, s2  }
0x42e: {  	v13 =	vld [tilespmem:s2+$0x0];
	v12 =	vtrunc.f32 v12;
	v15 =	vmul.f32 $5.119994810e+02, v5  }
0x42f: {  	v12 =	vcvt.f32.s32 v12;
	v19 =	vmul.f32 $5.119994810e+02, v11  }
0x430: {  	s15 =	sadd.s32 $0xD000, s16;
	v15 =	vtrunc.f32 v15;
	[tilespmem:v4+s23+$0x0] =	vst.idx.add.f32.msk $0xffff, v14  }
0x431: {  	s20 =	sor.u32 s28, s15;
	v4 =	vadd.s32 $0x400, v12;
	[tilespmem:v10+s23+$0x0] =	vst.idx.add.f32.msk $0xffff, v17;
	v10 =	vtrunc.f32 v19;
	v12 =	vcvt.f32.s32 v15  }
0x432: {  	s21 =	sor.u32 s12, s8;
	v14 =	vld [tilespmem:s20+$0x0];
	v10 =	vcvt.f32.s32 v10  }
0x433: {  	v15 =	vmul.f32 $5.119994810e+02, v13;
	v17 =	vld [tilespmem:s21+$0x0];
	v12 =	vadd.s32 $0x1400, v12  }
0x434: {  	v10 =	vadd.s32 $0x1A00, v10  }
0x435: {  	v15 =	vtrunc.f32 v15  }
0x436: {  	s24 =	sor.u32 s9, s13;
	v15 =	vcvt.f32.s32 v15;
	[tilespmem:v4+s23+$0x0] =	vst.idx.add.f32.msk $0xffff, v16  }
0x437: {  	v4 =	vmul.f32 $5.119994810e+02, v14;
	v16 =	vld [tilespmem:s24+$0x0]  }
0x438: {  	s2 =	sadd.s32 $0x10000, s19;
	v15 =	vadd.s32 $0xE00, v15;
	v19 =	vmul.f32 $5.119994810e+02, v17;
	[tilespmem:v12+s23+$0x0] =	vst.idx.add.f32.msk $0xffff, v5  }
0x439: {  	s8 =	sadd.s32 $0x11800, s3;
	s26 =	sor.u32 s18, s2;
	v4 =	vtrunc.f32 v4;
	[tilespmem:v10+s23+$0x0] =	vst.idx.add.f32.msk $0xffff, v11  }
0x43a: {  	s29 =	sor.u32 s1, s8;
	v12 =	vtrunc.f32 v19;
	v5 =	vld [tilespmem:s26+$0x0];
	v4 =	vcvt.f32.s32 v4  }
0x43b: {  	s31 =	simm.s32 $0x300;
	s11 =	simm.s32 $0x60;
	v10 =	vld [tilespmem:s29+$0x0];
	v11 =	vcvt.f32.s32 v12  }
0x43c: {  	s20 =	sand.u32 $0x400, s31;
	s26 =	sand.u32 $0xE0, s11;
	v4 =	vadd.s32 $0xA00, v4  }
0x43d: {  	s0 =	sor.u32 s10, s0;
	s13 =	sadd.s32 $0x0, s20;
	s21 =	sor.u32 $0x10, s26;
	[tilespmem:v15+s23+$0x0] =	vst.idx.add.f32.msk $0xffff, v13;
	v12 =	vmul.f32 $5.119994810e+02, v16;
	v11 =	vadd.s32 $0x1600, v11  }
0x43e: {  	s24 =	sadd.s32 $0xA800, s13;
	s14 =	sand.u32 $0x70, s21;
	v13 =	vld [tilespmem:s0+$0x0]  }
0x43f: {  	[dreg:$0x7] =	wrdreg s21;
	s29 =	sor.u32 s14, s24;
	v12 =	vtrunc.f32 v12;
	v15 =	vmul.f32 $5.119994810e+02, v5  }
0x440: {  	v19 =	vld [tilespmem:s29+$0x0];
	v12 =	vcvt.f32.s32 v12;
	v20 =	vmul.f32 $5.119994810e+02, v10  }
0x441: {  	s21 =	sadd.s32 $0xD800, s16;
	v15 =	vtrunc.f32 v15;
	[tilespmem:v4+s23+$0x0] =	vst.idx.add.f32.msk $0xffff, v14  }
0x442: {  	s31 =	sor.u32 s28, s21;
	v4 =	vadd.s32 $0x600, v12;
	[tilespmem:v11+s23+$0x0] =	vst.idx.add.f32.msk $0xffff, v17;
	v11 =	vtrunc.f32 v20;
	v12 =	vcvt.f32.s32 v15  }
0x443: {  	s6 =	sor.u32 s12, s6;
	v14 =	vld [tilespmem:s31+$0x0];
	v15 =	vmul.f32 $5.119994810e+02, v13;
	v11 =	vcvt.f32.s32 v11  }
0x444: {  	v17 =	vld [tilespmem:s6+$0x0];
	v12 =	vadd.s32 $0x1600, v12  }
0x445: {  	v15 =	vtrunc.f32 v15;
	v11 =	vadd.s32 $0x1C00, v11  }
0x446: {  	v15 =	vcvt.f32.s32 v15  }
0x447: {  	s20 =	sor.u32 s9, s17;
	[tilespmem:v4+s23+$0x0] =	vst.idx.add.f32.msk $0xffff, v16;
	v4 =	vmul.f32 $5.119994810e+02, v19  }
0x448: {  	v16 =	vld [tilespmem:s20+$0x0];
	v15 =	vadd.s32 $0x1000, v15;
	v20 =	vmul.f32 $5.119994810e+02, v14  }
0x449: {  	s0 =	sadd.s32 $0x10800, s19;
	v21 =	vmul.f32 $5.119994810e+02, v17;
	v4 =	vtrunc.f32 v4;
	[tilespmem:v12+s23+$0x0] =	vst.idx.add.f32.msk $0xffff, v5  }
0x44a: {  	s29 =	sor.u32 s18, s0;
	s6 =	sadd.s32 $0x12000, s3;
	v12 =	vcvt.f32.s32 v4;
	v4 =	vtrunc.f32 v20;
	[tilespmem:v11+s23+$0x0] =	vst.idx.add.f32.msk $0xffff, v10  }
0x44b: {  	s31 =	sor.u32 s1, s6;
	v11 =	vtrunc.f32 v21;
	v5 =	vld [tilespmem:s29+$0x0];
	v4 =	vcvt.f32.s32 v4  }
0x44c: {  	v10 =	vld [tilespmem:s31+$0x0];
	v11 =	vcvt.f32.s32 v11;
	s29 =	sadd.s32 $0x15800, s13  }
0x44d: {  	s17 =	sor.u32 s14, s29;
	[tilespmem:v15+s23+$0x0] =	vst.idx.add.f32.msk $0xffff, v13;
	v15 =	vadd.s32 $0xC00, v4  }
0x44e: {  	s4 =	sor.u32 s10, s4;
	v4 =	vld [tilespmem:s17+$0x0];
	v11 =	vadd.s32 $0x1800, v11  }
0x44f: {  	s31 =	sadd.s32 $0xB000, s13;
	v13 =	vmul.f32 $5.119994810e+02, v16;
	v20 =	vld [tilespmem:s4+$0x0]  }
0x450: {  	s20 =	sor.u32 s14, s31;
	[tilespmem:v12+s23+$0x0] =	vst.idx.add.f32.msk $0xffff, v19  }
0x451: {  	v13 =	vtrunc.f32 v13;
	v21 =	vmul.f32 $5.119994810e+02, v5;
	v12 =	vld [tilespmem:s20+$0x0]  }
0x452: {  	v13 =	vcvt.f32.s32 v13;
	v19 =	vmul.f32 $5.119994810e+02, v10;
	s20 =	sadd.s32 $0xE000, s16;
	[tilespmem:v15+s23+$0x0] =	vst.idx.add.f32.msk $0xffff, v14  }
0x453: {  	v21 =	vtrunc.f32 v21;
	s17 =	sor.u32 s28, s20;
	[tilespmem:v11+s23+$0x0] =	vst.idx.add.f32.msk $0xffff, v17  }
0x454: {  	v13 =	vadd.s32 $0x800, v13;
	v11 =	vtrunc.f32 v19;
	v14 =	vld [tilespmem:s17+$0x0];
	v15 =	vcvt.f32.s32 v21  }
0x455: {  	s17 =	sor.u32 s12, s7;
	v17 =	vmul.f32 $5.119994810e+02, v20;
	v11 =	vcvt.f32.s32 v11  }
0x456: {  	s7 =	sor.u32 s9, s15;
	s15 =	sand.u32 $0x60, s11;
	v19 =	vld [tilespmem:s17+$0x0];
	v15 =	vadd.s32 $0x1800, v15  }
0x457: {  	s11 =	sor.u32 s15, s24;
	v17 =	vtrunc.f32 v17;
	v11 =	vadd.s32 $0x1E00, v11;
	v21 =	vmul.f32 $5.119994810e+02, v12  }
0x458: {  	v22 =	vld [tilespmem:s11+$0x0];
	v17 =	vcvt.f32.s32 v17  }
0x459: {  	[tilespmem:v13+s23+$0x0] =	vst.idx.add.f32.msk $0xffff, v16;
	v13 =	vtrunc.f32 v21;
	v21 =	vmul.f32 $5.119994810e+02, v14  }
0x45a: {  	v16 =	vld [tilespmem:s7+$0x0];
	v17 =	vadd.s32 $0x1200, v17;
	v13 =	vcvt.f32.s32 v13  }
0x45b: {  	s4 =	sadd.s32 $0x11000, s19;
	v23 =	vmul.f32 $5.119994810e+02, v19;
	[tilespmem:v15+s23+$0x0] =	vst.idx.add.f32.msk $0xffff, v5;
	v5 =	vtrunc.f32 v21  }
0x45c: {  	s17 =	sor.u32 s18, s4;
	s7 =	sadd.s32 $0x12800, s3;
	[tilespmem:v11+s23+$0x0] =	vst.idx.add.f32.msk $0xffff, v10;
	v13 =	vadd.s32 $0x200, v13;
	v5 =	vcvt.f32.s32 v5  }
0x45d: {  	s24 =	sor.u32 s1, s7;
	v15 =	vld [tilespmem:s17+$0x0];
	v10 =	vtrunc.f32 v23  }
0x45e: {  	v11 =	vld [tilespmem:s24+$0x0];
	v10 =	vcvt.f32.s32 v10;
	v5 =	vadd.s32 $0xE00, v5  }
0x45f: {  	s5 =	sor.u32 s10, s5;
	[tilespmem:v17+s23+$0x0] =	vst.idx.add.f32.msk $0xffff, v20;
	v17 =	vmul.f32 $5.119994810e+02, v16;
	v20 =	vmul.f32 $5.119994810e+02, v22  }
0x460: {  	s11 =	sadd.s32 $0xB800, s13;
	v21 =	vld [tilespmem:s5+$0x0];
	v10 =	vadd.s32 $0x1A00, v10  }
0x461: {  	s17 =	sor.u32 s14, s11;
	v17 =	vtrunc.f32 v17;
	v20 =	vtrunc.f32 v20;
	[tilespmem:v13+s23+$0x0] =	vst.idx.add.f32.msk $0xffff, v12  }
0x462: {  	v20 =	vcvt.f32.s32 v20;
	v13 =	vmul.f32 $5.119994810e+02, v15;
	v12 =	vld [tilespmem:s17+$0x0];
	s17 =	sadd.s32 $0xE800, s16  }
0x463: {  	v17 =	vcvt.f32.s32 v17;
	[tilespmem:v5+s23+$0x0] =	vst.idx.add.f32.msk $0xffff, v14;
	s24 =	sor.u32 s28, s17  }
0x464: {  	v14 =	vmul.f32 $5.119994810e+02, v11;
	v13 =	vtrunc.f32 v13;
	v5 =	vld [tilespmem:s24+$0x0]  }
0x465: {  	s29 =	sor.u32 s15, s29;
	[tilespmem:v10+s23+$0x0] =	vst.idx.add.f32.msk $0xffff, v19;
	v10 =	vadd.s32 $0xA00, v17;
	v17 =	vcvt.f32.s32 v13  }
0x466: {  	s24 =	sor.u32 s12, s8;
	v23 =	vmul.f32 $5.119994810e+02, v21;
	v13 =	vld [tilespmem:s29+$0x0];
	v14 =	vtrunc.f32 v14  }
0x467: {  	v19 =	vld [tilespmem:s24+$0x0];
	v14 =	vcvt.f32.s32 v14;
	v17 =	vadd.s32 $0x1A00, v17  }
0x468: {  	s8 =	sor.u32 s15, s31;
	v23 =	vtrunc.f32 v23;
	[tilespmem:v20+s23+$0x0] =	vst.idx.add.f32.msk $0xffff, v22;
	v20 =	vmul.f32 $5.119994810e+02, v12  }
0x469: {  	v23 =	vcvt.f32.s32 v23;
	v22 =	vld [tilespmem:s8+$0x0];
	v14 =	vadd.s32 $0x2000, v14  }
0x46a: {  	s24 =	sor.u32 s9, s21;
	[tilespmem:v10+s23+$0x0] =	vst.idx.add.f32.msk $0xffff, v16;
	v10 =	vtrunc.f32 v20;
	v16 =	vmul.f32 $5.119994810e+02, v5  }
0x46b: {  	s8 =	sadd.s32 $0x11800, s19;
	v23 =	vadd.s32 $0x1400, v23;
	v20 =	vld [tilespmem:s24+$0x0];
	v10 =	vcvt.f32.s32 v10  }
0x46c: {  	s29 =	sor.u32 s18, s8;
	v24 =	vmul.f32 $5.119994810e+02, v19;
	[tilespmem:v17+s23+$0x0] =	vst.idx.add.f32.msk $0xffff, v15;
	v15 =	vtrunc.f32 v16  }
0x46d: {  	s5 =	sadd.s32 $0x13000, s3;
	v16 =	vld [tilespmem:s29+$0x0];
	v10 =	vadd.s32 $0x400, v10;
	v15 =	vcvt.f32.s32 v15  }
0x46e: {  	s31 =	sor.u32 s1, s5;
	[tilespmem:v14+s23+$0x0] =	vst.idx.add.f32.msk $0xffff, v11;
	v11 =	vtrunc.f32 v24;
	v14 =	vmul.f32 $5.119994810e+02, v22  }
0x46f: {  	v17 =	vld [tilespmem:s31+$0x0];
	v11 =	vcvt.f32.s32 v11;
	v15 =	vadd.s32 $0x1000, v15  }
0x470: {  	s2 =	sor.u32 s10, s2;
	[tilespmem:v23+s23+$0x0] =	vst.idx.add.f32.msk $0xffff, v21;
	v24 =	vmul.f32 $5.119994810e+02, v20;
	v14 =	vtrunc.f32 v14  }
0x471: {  	v21 =	vld [tilespmem:s2+$0x0];
	s2 =	sadd.s32 $0xC000, s13;
	v11 =	vadd.s32 $0x1C00, v11;
	v14 =	vcvt.f32.s32 v14  }
0x472: {  	s24 =	sor.u32 s14, s2;
	v23 =	vtrunc.f32 v24;
	v24 =	vmul.f32 $5.119994810e+02, v16;
	[tilespmem:v10+s23+$0x0] =	vst.idx.add.f32.msk $0xffff, v12  }
0x473: {  	s21 =	sadd.s32 $0xF000, s16;
	v10 =	vld [tilespmem:s24+$0x0];
	v12 =	vcvt.f32.s32 v23;
	v14 =	vadd.s32 $0x200, v14  }
0x474: {  	s29 =	sor.u32 s28, s21;
	v23 =	vmul.f32 $5.119994810e+02, v17;
	v24 =	vtrunc.f32 v24;
	[tilespmem:v15+s23+$0x0] =	vst.idx.add.f32.msk $0xffff, v5  }
0x475: {  	v5 =	vld [tilespmem:s29+$0x0];
	v12 =	vadd.s32 $0xC00, v12;
	v15 =	vcvt.f32.s32 v24  }
0x476: {  	s6 =	sor.u32 s12, s6;
	v23 =	vtrunc.f32 v23;
	[tilespmem:v11+s23+$0x0] =	vst.idx.add.f32.msk $0xffff, v19;
	v11 =	vmul.f32 $5.119994810e+02, v21  }
0x477: {  	v19 =	vld [tilespmem:s6+$0x0];
	v23 =	vcvt.f32.s32 v23;
	v15 =	vadd.s32 $0x1C00, v15  }
0x478: {  	s31 =	sor.u32 s15, s11;
	v11 =	vtrunc.f32 v11;
	[tilespmem:v14+s23+$0x0] =	vst.idx.add.f32.msk $0xffff, v22;
	v14 =	vmul.f32 $5.119994810e+02, v10  }
0x479: {  	v22 =	vld [tilespmem:s31+$0x0];
	v23 =	vadd.s32 $0x2200, v23;
	v11 =	vcvt.f32.s32 v11  }
0x47a: {  	s11 =	sor.u32 s9, s20;
	[tilespmem:v12+s23+$0x0] =	vst.idx.add.f32.msk $0xffff, v20;
	v12 =	vtrunc.f32 v14;
	v14 =	vmul.f32 $5.119994810e+02, v5  }
0x47b: {  	v20 =	vld [tilespmem:s11+$0x0];
	v11 =	vadd.s32 $0x1600, v11;
	v12 =	vcvt.f32.s32 v12;
	s11 =	sadd.s32 $0x12000, s19  }
0x47c: {  	v24 =	vmul.f32 $5.119994810e+02, v19;
	[tilespmem:v15+s23+$0x0] =	vst.idx.add.f32.msk $0xffff, v16;
	v14 =	vtrunc.f32 v14;
	s20 =	sor.u32 s18, s11  }
0x47d: {  	s29 =	sadd.s32 $0x13800, s3;
	v15 =	vld [tilespmem:s20+$0x0];
	v12 =	vadd.s32 $0x600, v12;
	v14 =	vcvt.f32.s32 v14  }
0x47e: {  	s24 =	sor.u32 s1, s29;
	[tilespmem:v23+s23+$0x0] =	vst.idx.add.f32.msk $0xffff, v17;
	v16 =	vtrunc.f32 v24;
	v17 =	vmul.f32 $5.119994810e+02, v22  }
0x47f: {  	v23 =	vld [tilespmem:s24+$0x0];
	v16 =	vcvt.f32.s32 v16;
	v14 =	vadd.s32 $0x1200, v14  }
0x480: {  	s0 =	sor.u32 s10, s0;
	v24 =	vmul.f32 $5.119994810e+02, v20;
	[tilespmem:v11+s23+$0x0] =	vst.idx.add.f32.msk $0xffff, v21;
	v11 =	vtrunc.f32 v17  }
0x481: {  	s6 =	sadd.s32 $0xC800, s13;
	v17 =	vld [tilespmem:s0+$0x0];
	v16 =	vadd.s32 $0x1E00, v16;
	v11 =	vcvt.f32.s32 v11  }
0x482: {  	s31 =	sor.u32 s14, s6;
	v21 =	vtrunc.f32 v24;
	v24 =	vmul.f32 $5.119994810e+02, v15;
	[tilespmem:v12+s23+$0x0] =	vst.idx.add.f32.msk $0xffff, v10  }
0x483: {  	v10 =	vld [tilespmem:s31+$0x0];
	v12 =	vcvt.f32.s32 v21;
	v11 =	vadd.s32 $0x400, v11;
	s31 =	sadd.s32 $0xF800, s16  }
0x484: {  	v21 =	vmul.f32 $5.119994810e+02, v23;
	v24 =	vtrunc.f32 v24;
	[tilespmem:v14+s23+$0x0] =	vst.idx.add.f32.msk $0xffff, v5;
	s20 =	sor.u32 s28, s31  }
0x485: {  	v5 =	vld [tilespmem:s20+$0x0];
	v12 =	vadd.s32 $0xE00, v12;
	v14 =	vcvt.f32.s32 v24  }
0x486: {  	s24 =	sor.u32 s12, s7;
	v21 =	vtrunc.f32 v21;
	[tilespmem:v16+s23+$0x0] =	vst.idx.add.f32.msk $0xffff, v19;
	v16 =	vmul.f32 $5.119994810e+02, v17  }
0x487: {  	v19 =	vld [tilespmem:s24+$0x0];
	v21 =	vcvt.f32.s32 v21;
	v14 =	vadd.s32 $0x1E00, v14  }
0x488: {  	s7 =	sor.u32 s15, s2;
	v16 =	vtrunc.f32 v16;
	[tilespmem:v11+s23+$0x0] =	vst.idx.add.f32.msk $0xffff, v22  }
0x489: {  	v11 =	vmul.f32 $5.119994810e+02, v10;
	v22 =	vld [tilespmem:s7+$0x0];
	v21 =	vadd.s32 $0x2400, v21;
	v16 =	vcvt.f32.s32 v16  }
0x48a: {  	s20 =	sor.u32 s9, s17;
	[tilespmem:v12+s23+$0x0] =	vst.idx.add.f32.msk $0xffff, v20  }
0x48b: {  	v11 =	vtrunc.f32 v11;
	v12 =	vmul.f32 $5.119994810e+02, v5;
	v20 =	vld [tilespmem:s20+$0x0];
	v16 =	vadd.s32 $0x1800, v16;
	s20 =	sadd.s32 $0x12800, s19  }
0x48c: {  	v11 =	vcvt.f32.s32 v11;
	v24 =	vmul.f32 $5.119994810e+02, v19;
	[tilespmem:v14+s23+$0x0] =	vst.idx.add.f32.msk $0xffff, v15;
	s24 =	sor.u32 s18, s20  }
0x48d: {  	v12 =	vtrunc.f32 v12;
	v14 =	vld [tilespmem:s24+$0x0];
	s24 =	sadd.s32 $0x14000, s3  }
0x48e: {  	v11 =	vadd.s32 $0x800, v11;
	v12 =	vcvt.f32.s32 v12;
	[tilespmem:v21+s23+$0x0] =	vst.idx.add.f32.msk $0xffff, v23;
	v15 =	vtrunc.f32 v24;
	s2 =	sor.u32 s1, s24  }
0x48f: {  	v21 =	vmul.f32 $5.119994810e+02, v22;
	v23 =	vld [tilespmem:s2+$0x0];
	v15 =	vcvt.f32.s32 v15  }
0x490: {  	s4 =	sor.u32 s10, s4;
	v12 =	vadd.s32 $0x1400, v12;
	[tilespmem:v16+s23+$0x0] =	vst.idx.add.f32.msk $0xffff, v17  }
0x491: {  	v16 =	vmul.f32 $5.119994810e+02, v20;
	v17 =	vtrunc.f32 v21;
	v21 =	vld [tilespmem:s4+$0x0];
	v15 =	vadd.s32 $0x2000, v15  }
0x492: {  	s0 =	sadd.s32 $0xD000, s13;
	v17 =	vcvt.f32.s32 v17  }
0x493: {  	s7 =	sor.u32 s14, s0;
	v16 =	vtrunc.f32 v16;
	v24 =	vmul.f32 $5.119994810e+02, v14;
	[tilespmem:v11+s23+$0x0] =	vst.idx.add.f32.msk $0xffff, v10  }
0x494: {  	v11 =	vld [tilespmem:s7+$0x0];
	v10 =	vcvt.f32.s32 v16;
	v16 =	vadd.s32 $0x600, v17  }
0x495: {  	s4 =	sadd.s32 $0x10000, s16;
	v17 =	vmul.f32 $5.119994810e+02, v23;
	v24 =	vtrunc.f32 v24;
	[tilespmem:v12+s23+$0x0] =	vst.idx.add.f32.msk $0xffff, v5  }
0x496: {  	s17 =	sor.u32 s28, s4;
	v10 =	vadd.s32 $0x1000, v10;
	v12 =	vcvt.f32.s32 v24;
	[tilespmem:v15+s23+$0x0] =	vst.idx.add.f32.msk $0xffff, v19;
	v15 =	vmul.f32 $5.119994810e+02, v21  }
0x497: {  	s5 =	sor.u32 s12, s5;
	v5 =	vld [tilespmem:s17+$0x0];
	v17 =	vtrunc.f32 v17  }
0x498: {  	v19 =	vld [tilespmem:s5+$0x0];
	v17 =	vcvt.f32.s32 v17;
	v12 =	vadd.s32 $0x2000, v12;
	v15 =	vtrunc.f32 v15  }
0x499: {  	s6 =	sor.u32 s15, s6;
	[tilespmem:v16+s23+$0x0] =	vst.idx.add.f32.msk $0xffff, v22;
	v15 =	vcvt.f32.s32 v15  }
0x49a: {  	v22 =	vmul.f32 $5.119994810e+02, v11;
	v16 =	vld [tilespmem:s6+$0x0];
	v17 =	vadd.s32 $0x2600, v17  }
0x49b: {  	s7 =	sor.u32 s9, s21;
	s17 =	sadd.s32 $0x13000, s19;
	[tilespmem:v10+s23+$0x0] =	vst.idx.add.f32.msk $0xffff, v20;
	v15 =	vadd.s32 $0x1A00, v15  }
0x49c: {  	v10 =	vtrunc.f32 v22;
	v22 =	vmul.f32 $5.119994810e+02, v5;
	v20 =	vld [tilespmem:s7+$0x0];
	[smem:$0x7FD] =	sst s17  }
0x49d: {  	s2 =	sor.u32 s18, s17;
	v10 =	vcvt.f32.s32 v10;
	[tilespmem:v12+s23+$0x0] =	vst.idx.add.f32.msk $0xffff, v14  }
0x49e: {  	s6 =	simm.s32 $0x80;
	s7 =	sadd.s32 $0x14800, s3;
	s17 =	simm.s32 $0x400;
	v14 =	vmul.f32 $5.119994810e+02, v19;
	v22 =	vtrunc.f32 v22;
	v12 =	vld [tilespmem:s2+$0x0]  }
0x49f: {  	s5 =	sand.u32 $0xE0, s6;
	s1 =	sor.u32 s1, s7;
	s21 =	sand.u32 $0x400, s17;
	v22 =	vcvt.f32.s32 v22;
	[tilespmem:v17+s23+$0x0] =	vst.idx.add.f32.msk $0xffff, v23;
	v17 =	vadd.s32 $0xA00, v10;
	v23 =	vmul.f32 $5.119994810e+02, v16  }
0x4a0: {  	s3 =	sadd.s32 $0x0, s21;
	s2 =	sor.u32 $0x10, s5;
	s21 =	sor.u32 s10, s8;
	v14 =	vtrunc.f32 v14;
	[tilespmem:v15+s23+$0x0] =	vst.idx.add.f32.msk $0xffff, v21  }
0x4a1: {  	s8 =	sadd.s32 $0xA800, s3;
	v10 =	vld [tilespmem:s1+$0x0];
	s1 =	sand.u32 $0x70, s2;
	v15 =	vadd.s32 $0x1600, v22;
	v22 =	vtrunc.f32 v23;
	v23 =	vmul.f32 $5.119994810e+02, v20;
	[dreg:$0x8] =	wrdreg s2  }
0x4a2: {  	v14 =	vcvt.f32.s32 v14;
	v22 =	vcvt.f32.s32 v22;
	v21 =	vld [tilespmem:s21+$0x0];
	s21 =	sor.u32 s1, s8  }
0x4a3: {  	s2 =	sadd.s32 $0xD800, s13;
	v23 =	vtrunc.f32 v23;
	v24 =	vld [tilespmem:s21+$0x0]  }
0x4a4: {  	v14 =	vadd.s32 $0x2200, v14;
	[tilespmem:v17+s23+$0x0] =	vst.idx.add.f32.msk $0xffff, v11;
	s21 =	sor.u32 s14, s2;
	v11 =	vadd.s32 $0x800, v22;
	v22 =	vcvt.f32.s32 v23  }
0x4a5: {  	v25 =	vmul.f32 $5.119994810e+02, v12;
	v17 =	vld [tilespmem:s21+$0x0]  }
0x4a6: {  	s21 =	sadd.s32 $0x10800, s16;
	[tilespmem:v15+s23+$0x0] =	vst.idx.add.f32.msk $0xffff, v5;
	v5 =	vadd.s32 $0x1200, v22  }
0x4a7: {  	v23 =	vtrunc.f32 v25;
	s30 =	sor.u32 s28, s21  }
0x4a8: {  	v22 =	vcvt.f32.s32 v23;
	v15 =	vld [tilespmem:s30+$0x0]  }
0x4a9: {  	[tilespmem:v14+s23+$0x0] =	vst.idx.add.f32.msk $0xffff, v19;
	v14 =	vmul.f32 $5.119994810e+02, v24  }
0x4aa: {  	v22 =	vadd.s32 $0x2200, v22;
	[tilespmem:v11+s23+$0x0] =	vst.idx.add.f32.msk $0xffff, v16  }
0x4ab: {  	s29 =	sor.u32 s12, s29;
	v11 =	vtrunc.f32 v14;
	v14 =	vmul.f32 $5.119994810e+02, v17;
	[tilespmem:v5+s23+$0x0] =	vst.idx.add.f32.msk $0xffff, v20  }
0x4ac: {  	s0 =	sor.u32 s15, s0;
	v19 =	vld [tilespmem:s29+$0x0];
	v25 =	vmul.f32 $5.119994810e+02, v21;
	s29 =	sld [smem:$0x7FA]  }
0x4ad: {  	s31 =	sor.u32 s9, s31;
	v29 =	vld [tilespmem:s0+$0x0];
	v16 =	vcvt.f32.s32 v11;
	v5 =	vtrunc.f32 v14  }
0x4ae: {  	v11 =	vld [tilespmem:s31+$0x0];
	s31 =	sadd.s32 $0x13800, s19;
	v14 =	vmul.f32 $5.119994810e+02, v15;
	v5 =	vcvt.f32.s32 v5  }
0x4af: {  	s30 =	sand.u32 $0x60, s6;
	v25 =	vtrunc.f32 v25;
	[tilespmem:v22+s23+$0x0] =	vst.idx.add.f32.msk $0xffff, v12;
	v20 =	vmov s29;
	v23 =	vor.u32 s29, v1;
	s29 =	sor.u32 s18, s31  }
0x4b0: {  	s8 =	sor.u32 s30, s8;
	s0 =	sadd.s32 $0x15800, s3;
	v25 =	vcvt.f32.s32 v25;
	v12 =	vtrunc.f32 v14;
	v14 =	vld [tilespmem:s29+$0x0];
	v26 =	vadd.s32 $0xC00, v5  }
0x4b1: {  	v30 =	vor.u32 s22, v1;
	v31 =	vld [tilespmem:s8+$0x0];
	v27 =	vmul.f32 $5.119994810e+02, v19;
	v12 =	vcvt.f32.s32 v12;
	s29 =	sor.u32 s1, s0  }
0x4b2: {  	v32 =	vmov s25;
	v22 =	vmov s22;
	v25 =	vadd.s32 $0x1C00, v25;
	v5 =	vld [tilespmem:s29+$0x0];
	s29 =	sadd.s32 $0xB000, s3  }
0x4b3: {  	v27 =	vtrunc.f32 v27;
	v55 =	vmul.f32 $5.119994810e+02, v29;
	v54 =	vadd.s32 $0x1800, v12;
	[tilespmem:v16+s23+$0x0] =	vst.idx.add.f32.msk $0xffff, v24;
	s22 =	sor.u32 s1, s29  }
0x4b4: {  	v28 =	vmov s26;
	v47 =	vmul.f32 $5.119994810e+02, v10;
	s8 =	sadd.s32 $0xE000, s13;
	v16 =	vcvt.f32.s32 v27;
	v56 =	vld [tilespmem:s22+$0x0]  }
0x4b5: {  	v24 =	vor.u32 s26, v1;
	v27 =	vtrunc.f32 v55;
	s26 =	sor.u32 s14, s8;
	v57 =	vmul.f32 $5.119994810e+02, v14;
	[tilespmem:v26+s23+$0x0] =	vst.idx.add.f32.msk $0xffff, v17  }
0x4b6: {  	v12 =	vor.u32 s25, v1;
	s25 =	simm.s32 $0x0;
	v60 =	vadd.s32 $0x2400, v16;
	v16 =	vcvt.f32.s32 v27;
	v59 =	vld [tilespmem:s26+$0x0]  }
0x4b7: {  	v36 =	vtrunc.f32 v47;
	v58 =	vmov s25;
	s22 =	sadd.s32 $0x11000, s16;
	s26 =	sld [smem:$0x7FB];
	[tilespmem:v25+s23+$0x0] =	vst.idx.add.f32.msk $0xffff, v21;
	v26 =	vtrunc.f32 v57  }
0x4b8: {  	s25 =	sor.u32 s28, s22;
	v17 =	vshll.u32 v20, $0x3;
	v61 =	vadd.s32 $0xA00, v16;
	[tilespmem:v54+s23+$0x0] =	vst.idx.add.f32.msk $0xffff, v15;
	v62 =	vcvt.f32.s32 v26  }
0x4b9: {  	s11 =	sor.u32 s10, s11;
	v27 =	vand.u32 $0x400, v17;
	v17 =	vshll.u32 v6, $0xB;
	v15 =	vmul.f32 $5.119994810e+02, v31;
	v33 =	vld [tilespmem:s25+$0x0]  }
0x4ba: {  	v25 =	vshll.u32 v6, $0x9;
	v26 =	vld [tilespmem:s11+$0x0];
	v45 =	vmul.f32 $5.119994810e+02, v56;
	v39 =	vadd.s32 $0x2400, v62  }
0x4bb: {  	v20 =	vmov s26;
	v63 =	vor.u32 s26, v1;
	v21 =	vtrunc.f32 v15;
	s26 =	sor.u32 s12, s24;
	[tilespmem:v60+s23+$0x0] =	vst.idx.add.f32.msk $0xffff, v19  }
0x4bc: {  	v15 =	vand.u32 $0x6F, v23;
	v46 =	vcvt.f32.s32 v21;
	v23 =	vld [tilespmem:s26+$0x0];
	v6 =	vtrunc.f32 v45  }
0x4bd: {  	s2 =	sor.u32 s15, s2;
	v21 =	vshll.u32 v58, $0x7;
	v19 =	vmul.f32 $5.119994810e+02, v59;
	[tilespmem:v61+s23+$0x0] =	vst.idx.add.f32.msk $0xffff, v29;
	v6 =	vcvt.f32.s32 v6  }
0x4be: {  	v36 =	vcvt.f32.s32 v36;
	s25 =	simm.s32 $0x0;
	v34 =	vand.u32 $0x380, v21;
	v29 =	vld [tilespmem:s2+$0x0];
	v21 =	vmul.f32 $5.119994810e+02, v33  }
0x4bf: {  	s0 =	sor.u32 s30, s0;
	v16 =	vmov s25;
	s25 =	sadd.s32 $0x14000, s19;
	v19 =	vtrunc.f32 v19;
	v6 =	vadd.s32 $0x200, v6;
	[tilespmem:v39+s23+$0x0] =	vst.idx.add.f32.msk $0xffff, v14  }
0x4c0: {  	v36 =	vadd.s32 $0x2800, v36;
	s11 =	sor.u32 s18, s25;
	v14 =	vcvt.f32.s32 v19;
	v48 =	vtrunc.f32 v21;
	v21 =	vld [tilespmem:s0+$0x0]  }
0x4c1: {  	v22 =	vshll.u32 v22, $0x3;
	v19 =	vshll.u32 v20, $0x3;
	v20 =	vmul.f32 $5.119994810e+02, v11;
	v39 =	vld [tilespmem:s11+$0x0]  }
0x4c2: {  	s24 =	sor.u32 s30, s29;
	v49 =	vand.u32 $0x400, v19;
	v41 =	vcvt.f32.s32 v48;
	[tilespmem:v46+s23+$0x0] =	vst.idx.add.f32.msk $0xffff, v31;
	v14 =	vadd.s32 $0xE00, v14  }
0x4c3: {  	s0 =	sadd.s32 $0xB800, s3;
	v19 =	vand.u32 $0x400, v22;
	v22 =	vor.u32 v34, v49;
	v20 =	vtrunc.f32 v20;
	v31 =	vld [tilespmem:s24+$0x0]  }
0x4c4: {  	s26 =	sor.u32 s1, s0;
	v20 =	vcvt.f32.s32 v20;
	v50 =	vadd.s32 $0x1A00, v41;
	v22 =	vor.u32 $0xA800, v22;
	[tilespmem:v6+s23+$0x0] =	vst.idx.add.f32.msk $0xffff, v56  }
0x4c5: {  	v51 =	vmul.f32 $5.119994810e+02, v29;
	v35 =	vld [tilespmem:s26+$0x0];
	v6 =	vbroadcast v22, $0x0  }
0x4c6: {  	[tilespmem:v36+s23+$0x0] =	vst.idx.add.f32.msk $0xffff, v10;
	s24 =	sadd.s32 $0xE800, s13;
	v22 =	vshll.u32 v9, $0xB;
	v52 =	vadd.s32 $0x1400, v20  }
0x4c7: {  	s11 =	sor.u32 s14, s24;
	v20 =	vtrunc.f32 v51;
	v6 =	vadd.s32 v22, v6;
	[tilespmem:v14+s23+$0x0] =	vst.idx.add.f32.msk $0xffff, v59;
	v14 =	vand.u32 $0x7F, v63  }
0x4c8: {  	v53 =	vmul.f32 $5.119994810e+02, v39;
	v22 =	vcvt.f32.s32 v20;
	v37 =	vld [tilespmem:s11+$0x0];
	s11 =	sadd.s32 $0x11800, s16;
	v6 =	vor.u32 v14, v6  }
0x4c9: {  	v20 =	vand.u32 $0x6F, v30;
	v54 =	vmul.f32 $5.119994810e+02, v31;
	[tilespmem:v50+s23+$0x0] =	vst.idx.add.f32.msk $0xffff, v33;
	s26 =	sor.u32 s28, s11  }
0x4ca: {  	v14 =	vtrunc.f32 v53;
	v30 =	vadd.s32 $0xC00, v22;
	v55 =	vmul.f32 $5.119994810e+02, v35;
	v33 =	vld [tilespmem:s26+$0x0]  }
0x4cb: {  	s4 =	sor.u32 s9, s4;
	v14 =	vcvt.f32.s32 v14;
	[tilespmem:v52+s23+$0x0] =	vst.idx.add.f32.msk $0xffff, v11;
	v11 =	vtrunc.f32 v54  }
0x4cc: {  	s29 =	simm.s32 $0x0;
	v56 =	vld [tilespmem:s4+$0x0];
	v11 =	vcvt.f32.s32 v11;
	v10 =	vtrunc.f32 v55  }
0x4cd: {  	v57 =	vadd.s32 $0x2600, v14;
	v58 =	vmul.f32 $5.119994810e+02, v37;
	v36 =	vld.idx.msk [tilespmem:v6+s29+$0x0], $0xffff;
	v6 =	vcvt.f32.s32 v10  }
0x4ce: {  	v59 =	vadd.s32 $0x200, v11;
	v11 =	vand.u32 $0x6F, v12;
	v12 =	vshll.u32 v8, $0xB  }
0x4cf: {  	[tilespmem:v30+s23+$0x0] =	vst.idx.add.f32.msk $0xffff, v29;
	v10 =	vtrunc.f32 v58;
	v29 =	vmul.f32 $5.119994810e+02, v33;
	v60 =	vadd.s32 $0x400, v6  }
0x4d0: {  	s8 =	sor.u32 s15, s8;
	v6 =	vshll.u32 v8, $0x9;
	v8 =	vmul.f32 $5.119994810e+02, v26;
	v10 =	vcvt.f32.s32 v10  }
0x4d1: {  	s26 =	sadd.s32 $0x14800, s19;
	v30 =	vld [tilespmem:s8+$0x0];
	v47 =	vmul.f32 $5.119994810e+02, v56;
	v61 =	vtrunc.f32 v29  }
0x4d2: {  	s18 =	sor.u32 s18, s26;
	[tilespmem:v57+s23+$0x0] =	vst.idx.add.f32.msk $0xffff, v39;
	v8 =	vtrunc.f32 v8;
	v62 =	vadd.s32 $0x1000, v10;
	v10 =	vcvt.f32.s32 v61  }
0x4d3: {  	v28 =	vshll.u32 v28, $0x3;
	v29 =	vld [tilespmem:s18+$0x0];
	v8 =	vcvt.f32.s32 v8;
	v42 =	vtrunc.f32 v47  }
0x4d4: {  	s0 =	sor.u32 s30, s0;
	[tilespmem:v59+s23+$0x0] =	vst.idx.add.f32.msk $0xffff, v31;
	v43 =	vadd.s32 $0x1C00, v10;
	v10 =	vand.u32 $0x400, v28;
	v28 =	vmul.f32 $5.119994810e+02, v23  }
0x4d5: {  	v31 =	vld [tilespmem:s0+$0x0];
	s0 =	sadd.s32 $0xC000, s3;
	v42 =	vcvt.f32.s32 v42;
	v44 =	vadd.s32 $0x1E00, v8  }
0x4d6: {  	[tilespmem:v60+s23+$0x0] =	vst.idx.add.f32.msk $0xffff, v35;
	s19 =	sor.u32 s1, s0;
	v8 =	vand.u32 $0x6F, v24;
	v24 =	vtrunc.f32 v28;
	v28 =	vmul.f32 $5.119994810e+02, v30  }
0x4d7: {  	v27 =	vor.u32 v34, v27;
	v14 =	vshll.u32 v32, $0x3;
	s8 =	sadd.s32 $0xF000, s13;
	v32 =	vld [tilespmem:s19+$0x0]  }
0x4d8: {  	s4 =	sor.u32 s14, s8;
	v50 =	vadd.s32 $0x1600, v42;
	[tilespmem:v62+s23+$0x0] =	vst.idx.add.f32.msk $0xffff, v37;
	v24 =	vcvt.f32.s32 v24;
	v28 =	vtrunc.f32 v28  }
0x4d9: {  	v27 =	vor.u32 $0xA800, v27;
	v48 =	vmul.f32 $5.119994810e+02, v36;
	v37 =	vld [tilespmem:s4+$0x0];
	v28 =	vcvt.f32.s32 v28  }
0x4da: {  	v27 =	vbroadcast v27, $0x0;
	v63 =	vsub.f32 $1.000000000e+00, v36;
	s4 =	sadd.s32 $0x12000, s16;
	[tilespmem:v43+s23+$0x0] =	vst.idx.add.f32.msk $0xffff, v33;
	v24 =	vadd.s32 $0x2600, v24  }
0x4db: {  	v38 =	vtrunc.f32 v48;
	v51 =	vmul.f32 $5.119994810e+02, v31;
	s18 =	sor.u32 s28, s4;
	[tilespmem:v44+s23+$0x0] =	vst.idx.add.f32.msk $0xffff, v26;
	v28 =	vadd.s32 $0xE00, v28  }
0x4dc: {  	v49 =	vmul.f32 $5.119994810e+02, v63;
	v38 =	vcvt.f32.s32 v38;
	v33 =	vld [tilespmem:s18+$0x0]  }
0x4dd: {  	s19 =	sor.u32 s10, s20;
	s20 =	sor.u32 s9, s21;
	v26 =	vtrunc.f32 v51;
	v52 =	vmul.f32 $5.119994810e+02, v32;
	[tilespmem:v50+s23+$0x0] =	vst.idx.add.f32.msk $0xffff, v56  }
0x4de: {  	v16 =	vshll.u32 v16, $0x7;
	v35 =	vtrunc.f32 v49;
	v26 =	vcvt.f32.s32 v26;
	v41 =	vld [tilespmem:s20+$0x0]  }
0x4df: {  	v9 =	vshll.u32 v9, $0x9;
	v35 =	vcvt.f32.s32 v35;
	v34 =	vtrunc.f32 v52;
	[tilespmem:v24+s23+$0x0] =	vst.idx.add.f32.msk $0xffff, v23  }
0x4e0: {  	v54 =	vmul.f32 $5.119994810e+02, v37;
	v26 =	vadd.s32 $0x400, v26;
	v34 =	vcvt.f32.s32 v34;
	[tilespmem:v28+s23+$0x0] =	vst.idx.add.f32.msk $0xffff, v30  }
0x4e1: {  	v58 =	vmul.f32 $5.119994810e+02, v29;
	v38 =	vadd.s32 v38, v9;
	v24 =	vmul.f32 $5.119994810e+02, v33;
	s2 =	sld [smem:$0x7FC]  }
0x4e2: {  	s21 =	sor.u32 s12, s7;
	v35 =	vadd.s32 v35, v9;
	v53 =	vld [tilespmem:s19+$0x0];
	v23 =	vtrunc.f32 v54;
	v9 =	vadd.s32 $0x600, v34  }
0x4e3: {  	v45 =	vshll.u32 v18, $0xB;
	s24 =	sor.u32 s15, s24;
	v55 =	vld [tilespmem:s21+$0x0];
	v23 =	vcvt.f32.s32 v23;
	v24 =	vtrunc.f32 v24  }
0x4e4: {  	v56 =	vsub.f32 $0.0e+00, v36;
	v28 =	vld [tilespmem:s24+$0x0];
	v24 =	vcvt.f32.s32 v24;
	v30 =	vmov s2  }
0x4e5: {  	s0 =	sor.u32 s30, s0;
	v59 =	vmul.f32 $5.119994810e+02, v41;
	v23 =	vadd.s32 $0x1200, v23;
	[tilespmem:v26+s23+$0x0] =	vst.idx.add.f32.msk $0xffff, v31;
	v30 =	vshll.u32 v30, $0x3  }
0x4e6: {  	v26 =	vand.u32 $0x380, v16;
	v24 =	vadd.s32 $0x1E00, v24;
	v16 =	vand.u32 $0x400, v30;
	v30 =	vld [tilespmem:s0+$0x0]  }
0x4e7: {  	v43 =	vtrunc.f32 v58;
	[tilespmem:v9+s23+$0x0] =	vst.idx.add.f32.msk $0xffff, v32;
	v32 =	vtrunc.f32 v59;
	v16 =	vor.u32 v26, v16  }
0x4e8: {  	[tilespmem:v38+s23+$0x0] =	vst.idx.add.f32.msk $0xffff, v56;
	v32 =	vcvt.f32.s32 v32;
	v9 =	vor.u32 $0xA800, v16;
	v16 =	vcvt.f32.s32 v43  }
0x4e9: {  	v17 =	vadd.s32 v17, v27;
	[tilespmem:v35+s23+$0x0] =	vst.idx.add.f32.msk $0xffff, v63;
	v61 =	vor.u32 s2, v1;
	v9 =	vbroadcast v9, $0x0  }
0x4ea: {  	[tilespmem:v23+s23+$0x0] =	vst.idx.add.f32.msk $0xffff, v37;
	v32 =	vadd.s32 $0x1800, v32;
	v23 =	vadd.s32 $0x2800, v16;
	v16 =	vmul.f32 $5.119994810e+02, v53  }
0x4eb: {  	s12 =	sadd.s32 $0xC800, s3;
	s24 =	simm.s32 $0x16000;
	[tilespmem:v24+s23+$0x0] =	vst.idx.add.f32.msk $0xffff, v33;
	v24 =	vand.u32 $0x7F, v61;
	v9 =	vadd.s32 v45, v9;
	v44 =	vmul.f32 $5.119994810e+02, v30  }
0x4ec: {  	s18 =	sor.u32 s1, s12;
	[tilespmem:v35+s24+$0x0] =	vst.idx.add.f32.msk $0xffff, v2;
	s0 =	sadd.s32 $0xF800, s13;
	v24 =	vor.u32 v24, v9;
	v9 =	vmul.f32 $5.119994810e+02, v55;
	v16 =	vtrunc.f32 v16  }
0x4ed: {  	v57 =	vmov s5;
	v31 =	vor.u32 s5, v1;
	v60 =	vld [tilespmem:s18+$0x0];
	s19 =	sor.u32 s14, s0;
	v62 =	vcvt.f32.s32 v16  }
0x4ee: {  	v37 =	vld [tilespmem:s19+$0x0];
	v16 =	vshll.u32 v13, $0xB;
	v27 =	vtrunc.f32 v44;
	v63 =	vtrunc.f32 v9  }
0x4ef: {  	s5 =	sadd.s32 $0x12800, s16;
	[tilespmem:v32+s23+$0x0] =	vst.idx.add.f32.msk $0xffff, v41;
	v9 =	vshll.u32 v13, $0x9;
	v13 =	vadd.s32 $0x2000, v62;
	v45 =	vcvt.f32.s32 v63  }
0x4f0: {  	s20 =	sor.u32 s28, s5;
	[tilespmem:v23+s23+$0x0] =	vst.idx.add.f32.msk $0xffff, v29;
	v23 =	vmul.f32 $5.119994810e+02, v28;
	v29 =	vor.u32 v15, v17;
	v15 =	vcvt.f32.s32 v27  }
0x4f1: {  	s21 =	sor.u32 s9, s22;
	v33 =	vld [tilespmem:s20+$0x0];
	s22 =	sld [smem:$0x7FD];
	v34 =	vadd.s32 $0x2800, v45  }
0x4f2: {  	v32 =	vld [tilespmem:s21+$0x0];
	v27 =	vmul.f32 $5.119994810e+02, v60;
	v23 =	vtrunc.f32 v23;
	v46 =	vadd.s32 $0x600, v15  }
0x4f3: {  	v18 =	vshll.u32 v18, $0x9;
	v22 =	vshll.u32 v7, $0xB;
	v24 =	vld.idx.msk [tilespmem:v24+s29+$0x0], $0xffff;
	v23 =	vcvt.f32.s32 v23  }
0x4f4: {  	v19 =	vor.u32 v26, v19;
	s7 =	sor.u32 s10, s22;
	[tilespmem:v13+s23+$0x0] =	vst.idx.add.f32.msk $0xffff, v53;
	v13 =	vtrunc.f32 v27;
	v27 =	vmul.f32 $5.119994810e+02, v37  }
0x4f5: {  	v19 =	vor.u32 $0xA800, v19;
	v23 =	vadd.s32 $0x1000, v23;
	v47 =	vld [tilespmem:s7+$0x0];
	v13 =	vcvt.f32.s32 v13  }
0x4f6: {  	v15 =	vand.u32 $0x6F, v31;
	[tilespmem:v34+s23+$0x0] =	vst.idx.add.f32.msk $0xffff, v55;
	v26 =	vtrunc.f32 v27;
	v27 =	vmul.f32 $5.119994810e+02, v33  }
0x4f7: {  	v31 =	vbroadcast v19, $0x0;
	[tilespmem:v46+s23+$0x0] =	vst.idx.add.f32.msk $0xffff, v30;
	v48 =	vadd.s32 $0x800, v13;
	v13 =	vcvt.f32.s32 v26  }
0x4f8: {  	s2 =	sor.u32 s30, s12;
	v49 =	vsub.f32 $1.000000000e+00, v24;
	v34 =	vld.idx.msk [tilespmem:v29+s29+$0x0], $0xffff;
	v26 =	vmul.f32 $5.119994810e+02, v32;
	v19 =	vtrunc.f32 v27  }
0x4f9: {  	v29 =	vld [tilespmem:s2+$0x0];
	v27 =	vmul.f32 $5.119994810e+02, v24;
	v50 =	vadd.s32 $0x1400, v13;
	v13 =	vcvt.f32.s32 v19  }
0x4fa: {  	v7 =	vshll.u32 v7, $0x9;
	s12 =	sor.u32 s15, s8;
	v30 =	vmul.f32 $5.119994810e+02, v49;
	v26 =	vtrunc.f32 v26;
	[tilespmem:v23+s23+$0x0] =	vst.idx.add.f32.msk $0xffff, v28  }
0x4fb: {  	s2 =	sadd.s32 $0xD000, s3;
	v23 =	vtrunc.f32 v27;
	v26 =	vcvt.f32.s32 v26;
	v27 =	vld [tilespmem:s12+$0x0];
	v51 =	vadd.s32 $0x2000, v13  }
0x4fc: {  	v14 =	vand.u32 $0x400, v14;
	s18 =	sor.u32 s1, s2;
	v19 =	vshll.u32 v21, $0xB;
	v52 =	vmul.f32 $5.119994810e+02, v47;
	[tilespmem:v48+s23+$0x0] =	vst.idx.add.f32.msk $0xffff, v60  }
0x4fd: {  	s8 =	sadd.s32 $0x10000, s13;
	v28 =	vtrunc.f32 v30;
	v23 =	vcvt.f32.s32 v23;
	v26 =	vadd.s32 $0x1A00, v26;
	v30 =	vld [tilespmem:s18+$0x0]  }
0x4fe: {  	s19 =	sor.u32 s14, s8;
	v13 =	vshll.u32 v21, $0x9;
	v53 =	vcvt.f32.s32 v28;
	v55 =	vtrunc.f32 v52;
	[tilespmem:v50+s23+$0x0] =	vst.idx.add.f32.msk $0xffff, v37  }
0x4ff: {  	s21 =	sadd.s32 $0x13000, s16;
	v21 =	vsub.f32 $1.000000000e+00, v34;
	v23 =	vadd.s32 v23, v18;
	v35 =	vcvt.f32.s32 v55;
	v28 =	vld [tilespmem:s19+$0x0]  }
0x500: {  	s20 =	sor.u32 s28, s21;
	v54 =	vmul.f32 $5.119994810e+02, v34;
	v59 =	vmul.f32 $5.119994810e+02, v29;
	v18 =	vadd.s32 v53, v18;
	[tilespmem:v51+s23+$0x0] =	vst.idx.add.f32.msk $0xffff, v33  }
0x501: {  	v58 =	vsub.f32 $0.0e+00, v24;
	v56 =	vmul.f32 $5.119994810e+02, v21;
	v35 =	vadd.s32 $0x2200, v35;
	v24 =	vld [tilespmem:s20+$0x0]  }
0x502: {  	v17 =	vshll.u32 v57, $0x3;
	s22 =	sor.u32 s9, s11;
	s29 =	simm.s32 $0x0;
	v57 =	vtrunc.f32 v54;
	v61 =	vtrunc.f32 v59;
	[tilespmem:v26+s23+$0x0] =	vst.idx.add.f32.msk $0xffff, v32  }
0x503: {  	v17 =	vand.u32 $0x400, v17;
	v38 =	vcvt.f32.s32 v57;
	v60 =	vmul.f32 $5.119994810e+02, v27;
	v26 =	vld [tilespmem:s22+$0x0];
	[dreg:$0xa] =	wrdreg s29  }
0x504: {  	s21 =	sor.u32 s9, s21;
	v22 =	vadd.s32 v22, v31;
	v37 =	vtrunc.f32 v56;
	v32 =	vcvt.f32.s32 v61;
	[tilespmem:v23+s23+$0x0] =	vst.idx.add.f32.msk $0xffff, v58  }
0x505: {  	v20 =	vor.u32 v20, v22;
	s7 =	sor.u32 s15, s0;
	s11 =	sor.u32 s30, s2;
	s2 =	sor.u32 s15, s8;
	v62 =	vmul.f32 $5.119994810e+02, v30;
	v23 =	vtrunc.f32 v60;
	[tilespmem:v18+s23+$0x0] =	vst.idx.add.f32.msk $0xffff, v49  }
0x506: {  	s12 =	sor.u32 s10, s26;
	s26 =	sor.u32 s9, s4;
	v22 =	vsub.f32 $0.0e+00, v34;
	s18 =	simm.s32 $0x0;
	v31 =	vcvt.f32.s32 v37;
	v63 =	vcvt.f32.s32 v23;
	[tilespmem:v35+s23+$0x0] =	vst.idx.add.f32.msk $0xffff, v47  }
0x507: {  	s19 =	sor.u32 s10, s25;
	s20 =	sor.u32 s10, s31;
	s31 =	simm.s32 $0x0;
	v33 =	vadd.s32 $0x800, v32;
	v23 =	vadd.s32 v38, v25;
	v34 =	vtrunc.f32 v62;
	[tilespmem:v18+s24+$0x0] =	vst.idx.add.f32.msk $0xffff, v2  }
0x508: {  	s25 =	simm.s32 $0x8;
	s22 =	sor.u32 s9, s5;
	v18 =	vadd.s32 v31, v25;
	v31 =	vmul.f32 $5.119994810e+02, v28;
	v25 =	vadd.s32 $0x1200, v63;
	[dreg:$0xb] =	wrdreg s31  }
.LBB2_7:
0x509: {  	_ =	sdelay $0x2  }
0x50a: {  	s25 =	sadd.s32 $0x2, s25;
	v32 =	vcvt.f32.s32 v34;
	v63 =	vld [tilespmem:s20+$0x0];
	s6 =	sadd.s32 $0x20, s6  }
0x50b: {  	s17 =	sadd.s32 $0x100, s17;
	[tilespmem:v23+s23+$0x0] =	vst.idx.add.f32.msk $0xffff, v22;
	s4 =	sshrl.u32 s25, $0x4;
	v31 =	vtrunc.f32 v31;
	s0 =	sand.u32 $0xE0, s6;
	v35 =	vmul.f32 $5.119994810e+02, v24  }
0x50c: {  	s5 =	sand.u32 $0x400, s17;
	[tilespmem:v33+s23+$0x0] =	vst.idx.add.f32.msk $0xffff, v29;
	s8 =	sshll.u32 s4, $0x7;
	v23 =	vadd.s32 $0xA00, v32;
	v22 =	vcvt.f32.s32 v31;
	v29 =	vmov s0  }
0x50d: {  	v31 =	vld [tilespmem:s11+$0x0];
	s8 =	sadd.s32 s8, s5;
	s5 =	sor.u32 $0x10, s0;
	v29 =	vshll.u32 v29, $0x3;
	v42 =	vtrunc.f32 v35  }
0x50e: {  	[tilespmem:v25+s23+$0x0] =	vst.idx.add.f32.msk $0xffff, v27;
	v41 =	vmul.f32 $5.119994810e+02, v26;
	s31 =	sadd.s32 $0xA800, s8;
	s24 =	sand.u32 $0x70, s5;
	v43 =	vadd.s32 $0x1600, v22;
	v22 =	vcvt.f32.s32 v42  }
0x50f: {  	v25 =	vld [tilespmem:s7+$0x0];
	v27 =	vand.u32 $0x400, v29;
	s11 =	sor.u32 s24, s31  }
0x510: {  	v44 =	vmul.f32 $5.119994810e+02, v63;
	v29 =	vtrunc.f32 v41;
	v36 =	vld [tilespmem:s11+$0x0];
	s11 =	sadd.s32 $0xD800, s3;
	v37 =	vadd.s32 $0x2200, v22  }
0x511: {  	v45 =	vor.u32 s0, v1;
	v29 =	vcvt.f32.s32 v29;
	[tilespmem:v23+s23+$0x0] =	vst.idx.add.f32.msk $0xffff, v30;
	s0 =	sor.u32 s1, s11  }
0x512: {  	s20 =	sadd.s32 $0x10800, s13;
	v23 =	vtrunc.f32 v44;
	v30 =	vmul.f32 $5.119994810e+02, v31;
	v46 =	vld [tilespmem:s0+$0x0]  }
0x513: {  	v23 =	vcvt.f32.s32 v23;
	s0 =	sor.u32 s14, s20;
	v29 =	vadd.s32 $0x1C00, v29;
	[tilespmem:v43+s23+$0x0] =	vst.idx.add.f32.msk $0xffff, v28  }
0x514: {  	s7 =	sor.u32 s30, s11;
	s11 =	sadd.s32 $0x13800, s16;
	v28 =	vtrunc.f32 v30;
	v30 =	vmul.f32 $5.119994810e+02, v25;
	v47 =	vld [tilespmem:s0+$0x0]  }
0x515: {  	s29 =	sand.u32 $0x60, s6;
	v23 =	vadd.s32 $0x2400, v23;
	v28 =	vcvt.f32.s32 v28;
	s0 =	sor.u32 s28, s11;
	v48 =	vmul.f32 $5.119994810e+02, v36;
	[tilespmem:v37+s23+$0x0] =	vst.idx.add.f32.msk $0xffff, v24  }
0x516: {  	s10 =	sor.u32 s29, s31;
	v24 =	vtrunc.f32 v30;
	v30 =	vld [tilespmem:s0+$0x0]  }
0x517: {  	v49 =	vld [tilespmem:s10+$0x0];
	v28 =	vadd.s32 $0xA00, v28;
	v35 =	vtrunc.f32 v48;
	v38 =	vmul.f32 $5.119994810e+02, v46  }
0x518: {  	v35 =	vcvt.f32.s32 v35;
	[tilespmem:v29+s23+$0x0] =	vst.idx.add.f32.msk $0xffff, v26  }
0x519: {  	v26 =	vtrunc.f32 v38;
	v29 =	vmul.f32 $5.119994810e+02, v47;
	v50 =	vld [tilespmem:s26+$0x0]  }
0x51a: {  	[tilespmem:v23+s23+$0x0] =	vst.idx.add.f32.msk $0xffff, v63;
	v39 =	vcvt.f32.s32 v26  }
0x51b: {  	v26 =	vld [tilespmem:s19+$0x0];
	v23 =	vtrunc.f32 v29;
	v29 =	vmul.f32 $5.119994810e+02, v30  }
0x51c: {  	s26 =	sadd.s32 $0x15800, s8;
	[tilespmem:v28+s23+$0x0] =	vst.idx.add.f32.msk $0xffff, v31;
	v28 =	vadd.s32 $0xC00, v39;
	v31 =	vcvt.f32.s32 v23  }
0x51d: {  	v51 =	vmul.f32 $5.119994810e+02, v49;
	s0 =	sor.u32 s24, s26;
	v52 =	vld [tilespmem:s7+$0x0];
	v29 =	vtrunc.f32 v29  }
0x51e: {  	s31 =	sor.u32 s15, s20;
	s20 =	sor.u32 s9, s11;
	s11 =	sadd.s32 $0xB000, s8;
	v23 =	vld [tilespmem:s0+$0x0];
	v31 =	vadd.s32 $0x1800, v31;
	v29 =	vcvt.f32.s32 v29  }
0x51f: {  	v34 =	vtrunc.f32 v51;
	s7 =	sor.u32 s24, s11;
	[tilespmem:v35+s23+$0x0] =	vst.idx.add.f32.msk $0xffff, v36;
	v53 =	vmul.f32 $5.119994810e+02, v50  }
0x520: {  	v34 =	vcvt.f32.s32 v34;
	s19 =	sadd.s32 $0xE000, s3;
	v36 =	vld [tilespmem:s7+$0x0];
	v29 =	vadd.s32 $0x2400, v29  }
0x521: {  	v40 =	vmul.f32 $5.119994810e+02, v26;
	s7 =	sor.u32 s1, s19;
	[tilespmem:v28+s23+$0x0] =	vst.idx.add.f32.msk $0xffff, v46;
	v28 =	vtrunc.f32 v53  }
0x522: {  	v24 =	vcvt.f32.s32 v24;
	s10 =	sor.u32 s29, s26;
	s26 =	sadd.s32 $0x11000, s13;
	v55 =	vld [tilespmem:s7+$0x0];
	v28 =	vcvt.f32.s32 v28  }
0x523: {  	s0 =	sor.u32 s29, s11;
	s11 =	sor.u32 s30, s19;
	s19 =	sor.u32 s14, s26;
	v54 =	vmul.f32 $5.119994810e+02, v52;
	[tilespmem:v31+s23+$0x0] =	vst.idx.add.f32.msk $0xffff, v47;
	v31 =	vtrunc.f32 v40  }
0x524: {  	v33 =	vld [tilespmem:s19+$0x0];
	v56 =	vadd.s32 $0x1E00, v28;
	v28 =	vcvt.f32.s32 v31  }
0x525: {  	v24 =	vadd.s32 $0x1400, v24;
	s7 =	sor.u32 s15, s26;
	s26 =	sadd.s32 $0x14000, s16;
	v32 =	vtrunc.f32 v54;
	[tilespmem:v29+s23+$0x0] =	vst.idx.add.f32.msk $0xffff, v30  }
0x526: {  	v31 =	vmul.f32 $5.119994810e+02, v36;
	v32 =	vcvt.f32.s32 v32;
	s19 =	sor.u32 s9, s26;
	s26 =	sor.u32 s28, s26;
	v30 =	vadd.s32 $0x2600, v28;
	v28 =	vld [tilespmem:s10+$0x0]  }
0x527: {  	v29 =	vld [tilespmem:s26+$0x0]  }
0x528: {  	v31 =	vtrunc.f32 v31;
	v32 =	vadd.s32 $0xC00, v32;
	v41 =	vmul.f32 $5.119994810e+02, v55;
	[tilespmem:v34+s23+$0x0] =	vst.idx.add.f32.msk $0xffff, v49  }
0x529: {  	v31 =	vcvt.f32.s32 v31;
	v34 =	vld [tilespmem:s0+$0x0]  }
0x52a: {  	v57 =	vtrunc.f32 v41;
	v58 =	vmul.f32 $5.119994810e+02, v33  }
0x52b: {  	v31 =	vadd.s32 $0x200, v31;
	[tilespmem:v24+s23+$0x0] =	vst.idx.add.f32.msk $0xffff, v25;
	v37 =	vcvt.f32.s32 v57  }
0x52c: {  	v42 =	vld [tilespmem:s2+$0x0];
	v25 =	vtrunc.f32 v58;
	v59 =	vmul.f32 $5.119994810e+02, v29  }
0x52d: {  	[tilespmem:v32+s23+$0x0] =	vst.idx.add.f32.msk $0xffff, v52;
	v60 =	vadd.s32 $0xE00, v37;
	v61 =	vcvt.f32.s32 v25;
	v24 =	vshll.u32 v28, $0xB  }
0x52e: {  	v25 =	vshll.u32 v28, $0x9;
	v28 =	vld [tilespmem:s11+$0x0];
	v63 =	vmul.f32 $5.119994810e+02, v34;
	v62 =	vtrunc.f32 v59  }
0x52f: {  	s26 =	sadd.s32 $0xB800, s8;
	[tilespmem:v56+s23+$0x0] =	vst.idx.add.f32.msk $0xffff, v50;
	v37 =	vadd.s32 $0x1A00, v61;
	v43 =	vcvt.f32.s32 v62  }
0x530: {  	s0 =	sor.u32 s24, s26;
	[tilespmem:v31+s23+$0x0] =	vst.idx.add.f32.msk $0xffff, v36;
	v31 =	vtrunc.f32 v63  }
0x531: {  	s10 =	sadd.s32 $0xE800, s3;
	v36 =	vld [tilespmem:s0+$0x0];
	v44 =	vmul.f32 $5.119994810e+02, v42;
	v31 =	vcvt.f32.s32 v31;
	v38 =	vadd.s32 $0x2600, v43  }
0x532: {  	s0 =	sor.u32 s1, s10;
	[tilespmem:v60+s23+$0x0] =	vst.idx.add.f32.msk $0xffff, v55  }
0x533: {  	s2 =	sor.u32 s29, s26;
	s26 =	sadd.s32 $0x11800, s13;
	v39 =	vtrunc.f32 v44;
	v35 =	vld [tilespmem:s0+$0x0];
	v31 =	vadd.s32 $0x200, v31  }
0x534: {  	s11 =	sor.u32 s30, s10;
	s10 =	sor.u32 s14, s26;
	v39 =	vcvt.f32.s32 v39;
	[tilespmem:v37+s23+$0x0] =	vst.idx.add.f32.msk $0xffff, v33  }
0x535: {  	v33 =	vld [tilespmem:s10+$0x0]  }
0x536: {  	s0 =	sor.u32 s15, s26;
	s10 =	sadd.s32 $0x14800, s16;
	s16 =	smov.u32 s13;
	v46 =	vmul.f32 $5.119994810e+02, v36;
	v39 =	vadd.s32 $0x1600, v39;
	[tilespmem:v38+s23+$0x0] =	vst.idx.add.f32.msk $0xffff, v29  }
0x537: {  	v22 =	vand.u32 $0x6F, v45;
	v45 =	vmul.f32 $5.119994810e+02, v28;
	s13 =	smov.u32 s3;
	s3 =	smov.u32 s8;
	s8 =	rddreg [dreg:$0xb];
	v29 =	vld [tilespmem:s22+$0x0]  }
0x538: {  	v48 =	vmov s18;
	s26 =	sor.u32 s9, s10;
	s10 =	sor.u32 s28, s10;
	v37 =	vtrunc.f32 v46;
	v47 =	vmul.f32 $5.119994810e+02, v35;
	s22 =	rddreg [dreg:$0xa];
	[tilespmem:v31+s23+$0x0] =	vst.idx.add.f32.msk $0xffff, v34  }
0x539: {  	v49 =	vshll.u32 v48, $0x7;
	v32 =	vtrunc.f32 v45;
	v31 =	vcvt.f32.s32 v37;
	v38 =	vld [tilespmem:s10+$0x0];
	s18 =	smov.u32 s22;
	s22 =	smov.u32 s8  }
0x53a: {  	v55 =	vshll.u32 v3, $0xB;
	v51 =	vld [tilespmem:s2+$0x0];
	v40 =	vtrunc.f32 v47;
	v43 =	vmul.f32 $5.119994810e+02, v33;
	[dreg:$0xa] =	wrdreg s22  }
0x53b: {  	v32 =	vcvt.f32.s32 v32;
	[tilespmem:v39+s23+$0x0] =	vst.idx.add.f32.msk $0xffff, v42;
	s22 =	rddreg [dreg:$0x5];
	v31 =	vadd.s32 $0x400, v31;
	v40 =	vcvt.f32.s32 v40  }
0x53c: {  	v34 =	vand.u32 $0x380, v49;
	v39 =	vld [tilespmem:s31+$0x0];
	v50 =	vmov s22;
	v52 =	vtrunc.f32 v43  }
0x53d: {  	[tilespmem:v30+s23+$0x0] =	vst.idx.add.f32.msk $0xffff, v26;
	v37 =	vshll.u32 v50, $0x3;
	v40 =	vadd.s32 $0x1000, v40;
	v42 =	vcvt.f32.s32 v52  }
0x53e: {  	s28 =	smov.u32 s14;
	v30 =	vadd.s32 $0xE00, v32;
	v26 =	vld [tilespmem:s12+$0x0];
	v37 =	vand.u32 $0x400, v37;
	v53 =	vmul.f32 $5.119994810e+02, v38  }
0x53f: {  	s14 =	smov.u32 s1;
	s1 =	smov.u32 s24;
	s24 =	sadd.s32 $0xC000, s3;
	[tilespmem:v18+s23+$0x0] =	vst.idx.add.f32.msk $0xffff, v21;
	v59 =	vmul.f32 $5.119994810e+02, v29;
	v37 =	vor.u32 v34, v37;
	v42 =	vadd.s32 $0x1C00, v42  }
0x540: {  	s2 =	sor.u32 s1, s24;
	v21 =	vmul.f32 $5.119994810e+02, v51;
	v37 =	vor.u32 $0xA800, v37;
	[tilespmem:v31+s23+$0x0] =	vst.idx.add.f32.msk $0xffff, v36;
	v54 =	vtrunc.f32 v53  }
0x541: {  	s9 =	smov.u32 s15;
	s15 =	smov.u32 s30;
	s8 =	sadd.s32 $0xF000, s13;
	v31 =	vor.u32 s22, v1;
	v37 =	vbroadcast v37, $0x0;
	v56 =	vld [tilespmem:s2+$0x0];
	v32 =	vcvt.f32.s32 v54  }
0x542: {  	v34 =	vor.u32 v34, v14;
	v57 =	vmul.f32 $5.119994810e+02, v39;
	v31 =	vand.u32 $0x7F, v31;
	s2 =	sor.u32 s15, s8;
	s8 =	sor.u32 s14, s8;
	[tilespmem:v40+s23+$0x0] =	vst.idx.add.f32.msk $0xffff, v35  }
0x543: {  	s12 =	smov.u32 s26;
	s26 =	rddreg [dreg:$0x7];
	v21 =	vtrunc.f32 v21;
	v36 =	vadd.s32 v55, v37;
	v58 =	vld [tilespmem:s8+$0x0];
	v32 =	vadd.s32 $0x2800, v32  }
0x544: {  	s31 =	smov.u32 s26;
	s22 =	sadd.s32 $0x12000, s16;
	v21 =	vcvt.f32.s32 v21;
	v35 =	vtrunc.f32 v57;
	v31 =	vor.u32 v31, v36  }
0x545: {  	[dreg:$0x5] =	wrdreg s31;
	s31 =	smov.u32 s5;
	v14 =	vmovc v10;
	v10 =	vmov v17;
	v17 =	vmov v27;
	s5 =	sor.u32 s28, s22;
	v27 =	vcvt.f32.s32 v35;
	[tilespmem:v42+s23+$0x0] =	vst.idx.add.f32.msk $0xffff, v33  }
0x546: {  	v37 =	vtrunc.f32 v59;
	v21 =	vadd.s32 $0x400, v21;
	v62 =	vld [tilespmem:s5+$0x0];
	v63 =	vmul.f32 $5.119994810e+02, v56  }
0x547: {  	v60 =	vor.u32 $0xA800, v34;
	[tilespmem:v30+s23+$0x0] =	vst.idx.add.f32.msk $0xffff, v28;
	v61 =	vmul.f32 $5.119994810e+02, v26;
	v37 =	vcvt.f32.s32 v37  }
0x548: {  	s30 =	smov.u32 s29;
	s29 =	simm.s32 $0x0;
	v27 =	vadd.s32 $0x1800, v27;
	v45 =	vtrunc.f32 v63;
	v28 =	vmul.f32 $5.119994810e+02, v58;
	[tilespmem:v32+s23+$0x0] =	vst.idx.add.f32.msk $0xffff, v38  }
0x549: {  	v42 =	vbroadcast v60, $0x0;
	v34 =	vcvt.f32.s32 v45;
	v44 =	vld.idx.msk [tilespmem:v31+s29+$0x0], $0xffff  }
0x54a: {  	v46 =	vld [tilespmem:s11+$0x0];
	v30 =	vadd.s32 $0x2000, v37;
	v31 =	vtrunc.f32 v61;
	v47 =	vtrunc.f32 v28  }
0x54b: {  	s10 =	smov.u32 s4;
	s4 =	sor.u32 s30, s24;
	v32 =	vadd.s32 v12, v42;
	[tilespmem:v21+s23+$0x0] =	vst.idx.add.f32.msk $0xffff, v51;
	v21 =	vmul.f32 $5.119994810e+02, v62;
	v31 =	vcvt.f32.s32 v31  }
0x54c: {  	v12 =	vmovc v16;
	v16 =	vmovc v19;
	v19 =	vmov v24;
	v48 =	vld [tilespmem:s4+$0x0];
	v34 =	vadd.s32 $0x600, v34;
	v49 =	vcvt.f32.s32 v47  }
0x54d: {  	v28 =	vor.u32 v11, v32;
	v11 =	vmovc v8;
	[tilespmem:v27+s23+$0x0] =	vst.idx.add.f32.msk $0xffff, v39;
	v21 =	vtrunc.f32 v21;
	v50 =	vadd.s32 $0x2800, v31  }
0x54e: {  	v8 =	vmovc v15;
	v15 =	vmovc v22;
	v22 =	vadd.s32 $0x1200, v49;
	v31 =	vld [tilespmem:s7+$0x0];
	v21 =	vcvt.f32.s32 v21;
	v24 =	vsub.f32 $1.000000000e+00, v44  }
0x54f: {  	s24 =	rddreg [dreg:$0x8];
	[tilespmem:v30+s23+$0x0] =	vst.idx.add.f32.msk $0xffff, v29;
	v29 =	vmul.f32 $5.119994810e+02, v44  }
0x550: {  	s26 =	smov.u32 s24;
	s24 =	sadd.s32 $0xC800, s3;
	v27 =	vmul.f32 $5.119994810e+02, v46;
	v51 =	vld [tilespmem:s21+$0x0];
	v21 =	vadd.s32 $0x1E00, v21;
	v30 =	vmul.f32 $5.119994810e+02, v24  }
0x551: {  	s5 =	sor.u32 s1, s24;
	v52 =	vmul.f32 $5.119994810e+02, v48;
	[tilespmem:v34+s23+$0x0] =	vst.idx.add.f32.msk $0xffff, v56;
	v29 =	vtrunc.f32 v29  }
0x552: {  	s8 =	sadd.s32 $0xF800, s13;
	v34 =	vld [tilespmem:s5+$0x0];
	v29 =	vcvt.f32.s32 v29;
	v30 =	vtrunc.f32 v30  }
0x553: {  	v39 =	vtrunc.f32 v52;
	s5 =	sor.u32 s14, s8;
	[tilespmem:v22+s23+$0x0] =	vst.idx.add.f32.msk $0xffff, v58;
	v22 =	vshll.u32 v3, $0x9;
	v30 =	vcvt.f32.s32 v30  }
0x554: {  	v27 =	vtrunc.f32 v27;
	v3 =	vmovc v4;
	v53 =	vcvt.f32.s32 v39;
	v54 =	vld [tilespmem:s5+$0x0];
	v29 =	vadd.s32 v29, v22  }
0x555: {  	s11 =	sadd.s32 $0x12800, s16;
	v4 =	vmovc v5;
	v5 =	vmov v23;
	v23 =	vcvt.f32.s32 v27;
	[tilespmem:v21+s23+$0x0] =	vst.idx.add.f32.msk $0xffff, v62;
	v21 =	vadd.s32 v30, v22  }
0x556: {  	v27 =	vmul.f32 $5.119994810e+02, v31;
	[tilespmem:v50+s23+$0x0] =	vst.idx.add.f32.msk $0xffff, v26;
	s5 =	sor.u32 s28, s11;
	v22 =	vadd.s32 $0x600, v53;
	v30 =	vmul.f32 $5.119994810e+02, v51  }
0x557: {  	v33 =	vsub.f32 $0.0e+00, v44;
	v35 =	vld [tilespmem:s5+$0x0];
	v55 =	vmul.f32 $5.119994810e+02, v34  }
0x558: {  	v26 =	vtrunc.f32 v27;
	v27 =	vtrunc.f32 v30;
	v30 =	vld.idx.msk [tilespmem:v20+s29+$0x0], $0xffff  }
0x559: {  	v23 =	vadd.s32 $0x1000, v23;
	v20 =	vmovc v28;
	v28 =	vtrunc.f32 v55;
	v56 =	vmul.f32 $5.119994810e+02, v54;
	[tilespmem:v29+s23+$0x0] =	vst.idx.add.f32.msk $0xffff, v33  }
0x55a: {  	v28 =	vcvt.f32.s32 v28;
	[tilespmem:v21+s23+$0x0] =	vst.idx.add.f32.msk $0xffff, v24  }
0x55b: {  	[dreg:$0xb] =	wrdreg s10;
	s10 =	simm.s32 $0x16000;
	v24 =	vtrunc.f32 v56;
	[tilespmem:v22+s23+$0x0] =	vst.idx.add.f32.msk $0xffff, v48  }
0x55c: {  	[dreg:$0x8] =	wrdreg s31;
	s31 =	sor.u32 s30, s24;
	v28 =	vadd.s32 $0x800, v28;
	[tilespmem:v21+s10+$0x0] =	vst.idx.add.f32.msk $0xffff, v2;
	v21 =	vcvt.f32.s32 v24  }
0x55d: {  	v26 =	vcvt.f32.s32 v26;
	v29 =	vld [tilespmem:s31+$0x0];
	v24 =	vcvt.f32.s32 v27  }
0x55e: {  	v57 =	vmul.f32 $5.119994810e+02, v35;
	[tilespmem:v23+s23+$0x0] =	vst.idx.add.f32.msk $0xffff, v46;
	v23 =	vadd.s32 $0x1400, v21;
	v21 =	vsub.f32 $1.000000000e+00, v30  }
0x55f: {  	v27 =	vld [tilespmem:s2+$0x0];
	v58 =	vadd.s32 $0x2200, v24;
	v24 =	vmul.f32 $5.119994810e+02, v30  }
0x560: {  	s21 =	sadd.s32 $0xD000, s3;
	v26 =	vadd.s32 $0x1A00, v26;
	v22 =	vtrunc.f32 v57;
	[tilespmem:v18+s10+$0x0] =	vst.idx.add.f32.msk $0xffff, v2;
	v59 =	vmul.f32 $5.119994810e+02, v21  }
0x561: {  	v33 =	vcvt.f32.s32 v22;
	s2 =	sor.u32 s1, s21;
	[tilespmem:v28+s23+$0x0] =	vst.idx.add.f32.msk $0xffff, v34;
	v18 =	vtrunc.f32 v24  }
0x562: {  	s24 =	sadd.s32 $0x10000, s13;
	v22 =	vsub.f32 $0.0e+00, v30;
	v24 =	vmul.f32 $5.119994810e+02, v29;
	v30 =	vld [tilespmem:s2+$0x0];
	v28 =	vtrunc.f32 v59  }
0x563: {  	s4 =	sor.u32 s14, s24;
	v33 =	vadd.s32 $0x2000, v33;
	v18 =	vcvt.f32.s32 v18;
	[tilespmem:v23+s23+$0x0] =	vst.idx.add.f32.msk $0xffff, v54;
	v60 =	vcvt.f32.s32 v28  }
0x564: {  	p0 =	slt.u32 s25, $0x7E;
	v23 =	vtrunc.f32 v24;
	v24 =	vmul.f32 $5.119994810e+02, v27;
	v28 =	vld [tilespmem:s4+$0x0]  }
.Ltmp2:
0x565: {  	[tilespmem:v26+s23+$0x0] =	vst.idx.add.f32.msk $0xffff, v31;
	v61 =	vcvt.f32.s32 v23;
	(pc) =	sbr.rel @p0 .LBB2_7-.Ltmp2, $4  }
0x566: {  	v26 =	vld [tilespmem:s0+$0x0];
	v23 =	vadd.s32 v18, v7;
	v18 =	vadd.s32 v60, v7;
	v62 =	vtrunc.f32 v24;
	v7 =	vmovc v6  }
0x567: {  	[dreg:$0x7] =	wrdreg s26;
	s26 =	sor.u32 s9, s22;
	s31 =	sadd.s32 $0x13000, s16;
	[tilespmem:v58+s23+$0x0] =	vst.idx.add.f32.msk $0xffff, v51;
	v6 =	vmovc v9;
	v9 =	vmovc v13;
	v13 =	vmov v25;
	v25 =	vmul.f32 $5.119994810e+02, v30;
	v63 =	vcvt.f32.s32 v62  }
0x568: {  	s22 =	sor.u32 s9, s11;
	s7 =	sor.u32 s15, s8;
	[tilespmem:v33+s23+$0x0] =	vst.idx.add.f32.msk $0xffff, v35;
	s4 =	sor.u32 s28, s31;
	v33 =	vadd.s32 $0x800, v61  }
0x569: {  	s11 =	sor.u32 s30, s21;
	s21 =	sor.u32 s9, s31;
	s2 =	sor.u32 s15, s24;
	v24 =	vld [tilespmem:s4+$0x0];
	v34 =	vtrunc.f32 v25;
	v25 =	vadd.s32 $0x1200, v63;
	v31 =	vmul.f32 $5.119994810e+02, v28  }
0x56a: {  	_ =	sdelay $0x1  }
0x56b: {  	v43 =	vcvt.f32.s32 v34;
	_ =	sdelay $0x1  }
0x56c: {  	[tilespmem:v33+s23+$0x0] =	vst.idx.add.f32.msk $0xffff, v29;
	v29 =	vadd.s32 $0xA00, v43  }
0x56d: {  	v32 =	vld [tilespmem:s11+$0x0];
	_ =	sdelay $0x2  }
0x56e: {  	s0 =	sadd.s32 $0xD800, s3  }
0x56f: {  	s4 =	sor.u32 s1, s0;
	[tilespmem:v29+s23+$0x0] =	vst.idx.add.f32.msk $0xffff, v30  }
0x570: {  	v44 =	vmul.f32 $5.119994810e+02, v32;
	v30 =	vld [tilespmem:s4+$0x0];
	_ =	sdelay $0x1  }
0x571: {  	v45 =	vtrunc.f32 v44  }
0x572: {  	v29 =	vcvt.f32.s32 v45;
	_ =	sdelay $0x1  }
0x573: {  	v29 =	vadd.s32 $0xA00, v29;
	v46 =	vmul.f32 $5.119994810e+02, v30;
	_ =	sdelay $0x1  }
0x574: {  	v33 =	vtrunc.f32 v46  }
0x575: {  	v47 =	vcvt.f32.s32 v33;
	_ =	sdelay $0x1  }
0x576: {  	s0 =	sor.u32 s30, s0;
	[tilespmem:v29+s23+$0x0] =	vst.idx.add.f32.msk $0xffff, v32;
	v29 =	vadd.s32 $0xC00, v47  }
0x577: {  	v32 =	vld [tilespmem:s0+$0x0];
	_ =	sdelay $0x2  }
0x578: {  	s8 =	sadd.s32 $0xE000, s3  }
0x579: {  	s11 =	sor.u32 s1, s8;
	[tilespmem:v29+s23+$0x0] =	vst.idx.add.f32.msk $0xffff, v30  }
0x57a: {  	v48 =	vmul.f32 $5.119994810e+02, v32;
	v30 =	vld [tilespmem:s11+$0x0];
	_ =	sdelay $0x1  }
0x57b: {  	v49 =	vtrunc.f32 v48  }
0x57c: {  	v29 =	vcvt.f32.s32 v49;
	_ =	sdelay $0x1  }
0x57d: {  	v29 =	vadd.s32 $0xC00, v29;
	v50 =	vmul.f32 $5.119994810e+02, v30;
	_ =	sdelay $0x1  }
0x57e: {  	v33 =	vtrunc.f32 v50  }
0x57f: {  	v51 =	vcvt.f32.s32 v33;
	_ =	sdelay $0x1  }
0x580: {  	s0 =	sor.u32 s30, s8;
	[tilespmem:v29+s23+$0x0] =	vst.idx.add.f32.msk $0xffff, v32;
	v29 =	vadd.s32 $0xE00, v51  }
0x581: {  	v32 =	vld [tilespmem:s0+$0x0];
	_ =	sdelay $0x2  }
0x582: {  	s17 =	sadd.s32 $0xE800, s3  }
0x583: {  	s24 =	sor.u32 s1, s17;
	[tilespmem:v29+s23+$0x0] =	vst.idx.add.f32.msk $0xffff, v30  }
0x584: {  	v52 =	vmul.f32 $5.119994810e+02, v32;
	v30 =	vld [tilespmem:s24+$0x0];
	_ =	sdelay $0x1  }
0x585: {  	v53 =	vtrunc.f32 v52  }
0x586: {  	v29 =	vcvt.f32.s32 v53;
	_ =	sdelay $0x1  }
0x587: {  	v29 =	vadd.s32 $0xE00, v29;
	v54 =	vmul.f32 $5.119994810e+02, v30;
	_ =	sdelay $0x1  }
0x588: {  	v33 =	vtrunc.f32 v54  }
0x589: {  	v55 =	vcvt.f32.s32 v33;
	_ =	sdelay $0x1  }
0x58a: {  	s0 =	sor.u32 s30, s17;
	[tilespmem:v29+s23+$0x0] =	vst.idx.add.f32.msk $0xffff, v32;
	v29 =	vadd.s32 $0x1000, v55  }
0x58b: {  	v32 =	vld [tilespmem:s0+$0x0];
	_ =	sdelay $0x2  }
0x58c: {  	s25 =	sadd.s32 $0xF000, s3  }
0x58d: {  	s31 =	sor.u32 s1, s25;
	[tilespmem:v29+s23+$0x0] =	vst.idx.add.f32.msk $0xffff, v30  }
0x58e: {  	v56 =	vmul.f32 $5.119994810e+02, v32;
	v30 =	vld [tilespmem:s31+$0x0];
	_ =	sdelay $0x1  }
0x58f: {  	v57 =	vtrunc.f32 v56  }
0x590: {  	v29 =	vcvt.f32.s32 v57;
	_ =	sdelay $0x1  }
0x591: {  	v29 =	vadd.s32 $0x1000, v29;
	v58 =	vmul.f32 $5.119994810e+02, v30;
	_ =	sdelay $0x1  }
0x592: {  	v33 =	vtrunc.f32 v58  }
0x593: {  	v59 =	vcvt.f32.s32 v33;
	_ =	sdelay $0x1  }
0x594: {  	[tilespmem:v29+s23+$0x0] =	vst.idx.add.f32.msk $0xffff, v32;
	v29 =	vadd.s32 $0x1200, v59  }
0x595: {  	s0 =	sor.u32 s30, s25  }
0x596: {  	v32 =	vld [tilespmem:s0+$0x0];
	_ =	sdelay $0x1  }
0x597: {  	s5 =	sadd.s32 $0xF800, s3  }
0x598: {  	s6 =	sor.u32 s1, s5;
	[tilespmem:v29+s23+$0x0] =	vst.idx.add.f32.msk $0xffff, v30  }
0x599: {  	v30 =	vld [tilespmem:s6+$0x0]  }
0x59a: {  	v60 =	vmul.f32 $5.119994810e+02, v32;
	_ =	sdelay $0x1  }
0x59b: {  	v61 =	vtrunc.f32 v60  }
0x59c: {  	v29 =	vcvt.f32.s32 v61  }
0x59d: {  	[tilespmem:v25+s23+$0x0] =	vst.idx.add.f32.msk $0xffff, v27;
	v62 =	vmul.f32 $5.119994810e+02, v30  }
0x59e: {  	v25 =	vld [tilespmem:s7+$0x0];
	v31 =	vtrunc.f32 v31;
	v29 =	vadd.s32 $0x1200, v29  }
0x59f: {  	v31 =	vcvt.f32.s32 v31;
	v27 =	vtrunc.f32 v62  }
0x5a0: {  	v27 =	vcvt.f32.s32 v27  }
0x5a1: {  	v38 =	vadd.s32 $0x1600, v31  }
0x5a2: {  	v27 =	vadd.s32 $0x1400, v27  }
0x5a3: {  	v63 =	vmul.f32 $5.119994810e+02, v25;
	s0 =	sor.u32 s30, s5;
	[tilespmem:v29+s23+$0x0] =	vst.idx.add.f32.msk $0xffff, v32  }
0x5a4: {  	v29 =	vld [tilespmem:s0+$0x0]  }
0x5a5: {  	v32 =	vtrunc.f32 v63  }
0x5a6: {  	[tilespmem:v38+s23+$0x0] =	vst.idx.add.f32.msk $0xffff, v28;
	s17 =	sadd.s32 $0x10800, s13;
	v32 =	vcvt.f32.s32 v32  }
0x5a7: {  	s8 =	sadd.s32 $0x10000, s3;
	s24 =	sor.u32 s14, s17;
	[tilespmem:v27+s23+$0x0] =	vst.idx.add.f32.msk $0xffff, v30  }
0x5a8: {  	s11 =	sor.u32 s1, s8;
	v32 =	vadd.s32 $0x1400, v32;
	v30 =	vld [tilespmem:s24+$0x0]  }
0x5a9: {  	v36 =	vmul.f32 $5.119994810e+02, v29;
	v39 =	vld [tilespmem:s11+$0x0];
	_ =	sdelay $0x1  }
0x5aa: {  	v37 =	vtrunc.f32 v36  }
0x5ab: {  	v27 =	vcvt.f32.s32 v37  }
0x5ac: {  	[tilespmem:v32+s23+$0x0] =	vst.idx.add.f32.msk $0xffff, v25;
	v44 =	vmul.f32 $5.119994810e+02, v30  }
0x5ad: {  	v25 =	vld [tilespmem:s2+$0x0];
	v27 =	vadd.s32 $0x1400, v27;
	v40 =	vmul.f32 $5.119994810e+02, v39  }
0x5ae: {  	v32 =	vtrunc.f32 v44  }
0x5af: {  	v28 =	vtrunc.f32 v40;
	v32 =	vcvt.f32.s32 v32  }
0x5b0: {  	v41 =	vcvt.f32.s32 v28  }
0x5b1: {  	v47 =	vadd.s32 $0x1800, v32  }
0x5b2: {  	v43 =	vmul.f32 $5.119994810e+02, v25;
	[tilespmem:v27+s23+$0x0] =	vst.idx.add.f32.msk $0xffff, v29;
	v27 =	vadd.s32 $0x1600, v41  }
0x5b3: {  	s0 =	sor.u32 s30, s8  }
0x5b4: {  	v29 =	vtrunc.f32 v43;
	v42 =	vld [tilespmem:s0+$0x0]  }
0x5b5: {  	v29 =	vcvt.f32.s32 v29  }
0x5b6: {  	s6 =	sadd.s32 $0x11000, s13;
	[tilespmem:v47+s23+$0x0] =	vst.idx.add.f32.msk $0xffff, v30  }
0x5b7: {  	s25 =	sadd.s32 $0x10800, s3;
	s7 =	sor.u32 s14, s6;
	v29 =	vadd.s32 $0x1600, v29;
	[tilespmem:v27+s23+$0x0] =	vst.idx.add.f32.msk $0xffff, v39  }
0x5b8: {  	s31 =	sor.u32 s1, s25;
	v30 =	vld [tilespmem:s7+$0x0]  }
0x5b9: {  	v45 =	vmul.f32 $5.119994810e+02, v42;
	v48 =	vld [tilespmem:s31+$0x0];
	_ =	sdelay $0x1  }
0x5ba: {  	v46 =	vtrunc.f32 v45  }
0x5bb: {  	s5 =	sor.u32 s15, s17;
	[tilespmem:v29+s23+$0x0] =	vst.idx.add.f32.msk $0xffff, v25;
	v27 =	vcvt.f32.s32 v46  }
0x5bc: {  	v25 =	vld [tilespmem:s5+$0x0];
	v52 =	vmul.f32 $5.119994810e+02, v30  }
0x5bd: {  	v27 =	vadd.s32 $0x1600, v27;
	v49 =	vmul.f32 $5.119994810e+02, v48  }
0x5be: {  	v31 =	vtrunc.f32 v52  }
0x5bf: {  	v29 =	vtrunc.f32 v49;
	v31 =	vcvt.f32.s32 v31  }
0x5c0: {  	v50 =	vcvt.f32.s32 v29  }
0x5c1: {  	v51 =	vmul.f32 $5.119994810e+02, v25;
	v31 =	vadd.s32 $0x1A00, v31  }
0x5c2: {  	[tilespmem:v27+s23+$0x0] =	vst.idx.add.f32.msk $0xffff, v42;
	v27 =	vadd.s32 $0x1800, v50  }
0x5c3: {  	s0 =	sor.u32 s30, s25;
	v29 =	vtrunc.f32 v51  }
0x5c4: {  	v28 =	vld [tilespmem:s0+$0x0];
	v29 =	vcvt.f32.s32 v29;
	_ =	sdelay $0x1  }
0x5c5: {  	s24 =	sadd.s32 $0x11800, s13;
	v29 =	vadd.s32 $0x1800, v29;
	[tilespmem:v31+s23+$0x0] =	vst.idx.add.f32.msk $0xffff, v30  }
0x5c6: {  	s8 =	sadd.s32 $0x11000, s3;
	s25 =	sor.u32 s14, s24;
	[tilespmem:v27+s23+$0x0] =	vst.idx.add.f32.msk $0xffff, v48  }
0x5c7: {  	s11 =	sor.u32 s1, s8;
	v30 =	vld [tilespmem:s25+$0x0]  }
0x5c8: {  	v53 =	vmul.f32 $5.119994810e+02, v28;
	v32 =	vld [tilespmem:s11+$0x0];
	_ =	sdelay $0x1  }
0x5c9: {  	s17 =	sor.u32 s15, s6;
	v54 =	vtrunc.f32 v53;
	[tilespmem:v29+s23+$0x0] =	vst.idx.add.f32.msk $0xffff, v25  }
0x5ca: {  	v27 =	vcvt.f32.s32 v54;
	v25 =	vld [tilespmem:s17+$0x0]  }
0x5cb: {  	v58 =	vmul.f32 $5.119994810e+02, v30  }
0x5cc: {  	v27 =	vadd.s32 $0x1800, v27;
	v55 =	vmul.f32 $5.119994810e+02, v32  }
0x5cd: {  	v31 =	vtrunc.f32 v58  }
0x5ce: {  	v29 =	vtrunc.f32 v55;
	v31 =	vcvt.f32.s32 v31  }
0x5cf: {  	v57 =	vmul.f32 $5.119994810e+02, v25;
	v56 =	vcvt.f32.s32 v29  }
0x5d0: {  	v31 =	vadd.s32 $0x1C00, v31  }
0x5d1: {  	s0 =	sor.u32 s30, s8;
	[tilespmem:v27+s23+$0x0] =	vst.idx.add.f32.msk $0xffff, v28;
	v29 =	vtrunc.f32 v57;
	v27 =	vadd.s32 $0x1A00, v56  }
0x5d2: {  	v28 =	vld [tilespmem:s0+$0x0];
	v29 =	vcvt.f32.s32 v29;
	_ =	sdelay $0x1  }
0x5d3: {  	v29 =	vadd.s32 $0x1A00, v29  }
0x5d4: {  	s7 =	sadd.s32 $0x12000, s13;
	[tilespmem:v31+s23+$0x0] =	vst.idx.add.f32.msk $0xffff, v30  }
0x5d5: {  	v61 =	vmul.f32 $5.119994810e+02, v26;
	s31 =	sadd.s32 $0x11800, s3;
	s8 =	sor.u32 s14, s7;
	[tilespmem:v27+s23+$0x0] =	vst.idx.add.f32.msk $0xffff, v32  }
0x5d6: {  	s5 =	sor.u32 s1, s31;
	v59 =	vmul.f32 $5.119994810e+02, v28;
	v31 =	vld [tilespmem:s8+$0x0]  }
0x5d7: {  	v32 =	vtrunc.f32 v61;
	v62 =	vld [tilespmem:s5+$0x0]  }
0x5d8: {  	s6 =	sor.u32 s15, s24;
	v60 =	vtrunc.f32 v59;
	v32 =	vcvt.f32.s32 v32;
	[tilespmem:v29+s23+$0x0] =	vst.idx.add.f32.msk $0xffff, v25  }
0x5d9: {  	v27 =	vcvt.f32.s32 v60;
	v25 =	vld [tilespmem:s6+$0x0]  }
0x5da: {  	v63 =	vadd.s32 $0x1C00, v32  }
0x5db: {  	v27 =	vadd.s32 $0x1A00, v27  }
0x5dc: {  	v39 =	vmul.f32 $5.119994810e+02, v31  }
0x5dd: {  	v34 =	vmul.f32 $5.119994810e+02, v62  }
0x5de: {  	v36 =	vmul.f32 $5.119994810e+02, v25;
	v29 =	vtrunc.f32 v39  }
0x5df: {  	v30 =	vtrunc.f32 v34;
	[tilespmem:v63+s23+$0x0] =	vst.idx.add.f32.msk $0xffff, v26;
	v29 =	vcvt.f32.s32 v29  }
0x5e0: {  	[tilespmem:v27+s23+$0x0] =	vst.idx.add.f32.msk $0xffff, v28;
	v35 =	vcvt.f32.s32 v30  }
0x5e1: {  	s0 =	sor.u32 s30, s31;
	v38 =	vld [tilespmem:s26+$0x0];
	v30 =	vtrunc.f32 v36;
	v29 =	vadd.s32 $0x1E00, v29  }
0x5e2: {  	v28 =	vld [tilespmem:s0+$0x0];
	v30 =	vcvt.f32.s32 v30;
	v37 =	vadd.s32 $0x1C00, v35;
	_ =	sdelay $0x1  }
0x5e3: {  	v30 =	vadd.s32 $0x1C00, v30;
	_ =	sdelay $0x1  }
0x5e4: {  	s11 =	sadd.s32 $0x12000, s3;
	v42 =	vmul.f32 $5.119994810e+02, v38;
	[tilespmem:v29+s23+$0x0] =	vst.idx.add.f32.msk $0xffff, v31  }
0x5e5: {  	s17 =	sor.u32 s1, s11;
	v40 =	vmul.f32 $5.119994810e+02, v28;
	[tilespmem:v37+s23+$0x0] =	vst.idx.add.f32.msk $0xffff, v62  }
0x5e6: {  	v32 =	vtrunc.f32 v42;
	v33 =	vld [tilespmem:s17+$0x0]  }
0x5e7: {  	s24 =	sor.u32 s15, s7;
	s25 =	sadd.s32 $0x12800, s13;
	v41 =	vtrunc.f32 v40;
	v32 =	vcvt.f32.s32 v32;
	[tilespmem:v30+s23+$0x0] =	vst.idx.add.f32.msk $0xffff, v25  }
0x5e8: {  	v43 =	vmul.f32 $5.119994810e+02, v24;
	s26 =	sor.u32 s14, s25;
	v26 =	vcvt.f32.s32 v41;
	v30 =	vld [tilespmem:s24+$0x0]  }
0x5e9: {  	v31 =	vld [tilespmem:s26+$0x0];
	v32 =	vadd.s32 $0x1E00, v32  }
0x5ea: {  	v44 =	vtrunc.f32 v43;
	v26 =	vadd.s32 $0x1C00, v26  }
0x5eb: {  	v25 =	vcvt.f32.s32 v44;
	v45 =	vmul.f32 $5.119994810e+02, v33;
	_ =	sdelay $0x1  }
0x5ec: {  	v25 =	vadd.s32 $0x2200, v25;
	v47 =	vmul.f32 $5.119994810e+02, v30;
	v29 =	vtrunc.f32 v45  }
0x5ed: {  	v48 =	vmul.f32 $5.119994810e+02, v31;
	[tilespmem:v32+s23+$0x0] =	vst.idx.add.f32.msk $0xffff, v38;
	v46 =	vcvt.f32.s32 v29  }
0x5ee: {  	[tilespmem:v26+s23+$0x0] =	vst.idx.add.f32.msk $0xffff, v28;
	v29 =	vtrunc.f32 v47  }
0x5ef: {  	s0 =	sor.u32 s30, s11;
	v50 =	vtrunc.f32 v48;
	v27 =	vld [tilespmem:s22+$0x0];
	v49 =	vcvt.f32.s32 v29;
	v26 =	vadd.s32 $0x1E00, v46  }
0x5f0: {  	v28 =	vld [tilespmem:s0+$0x0];
	v29 =	vcvt.f32.s32 v50  }
0x5f1: {  	s31 =	sadd.s32 $0x13800, s16;
	[tilespmem:v25+s23+$0x0] =	vst.idx.add.f32.msk $0xffff, v24;
	v24 =	vadd.s32 $0x1E00, v49  }
0x5f2: {  	s6 =	sor.u32 s28, s31;
	v29 =	vadd.s32 $0x2000, v29  }
0x5f3: {  	s7 =	sadd.s32 $0x12800, s3;
	v25 =	vld [tilespmem:s6+$0x0]  }
0x5f4: {  	s5 =	sor.u32 s1, s7;
	v54 =	vmul.f32 $5.119994810e+02, v27;
	[tilespmem:v26+s23+$0x0] =	vst.idx.add.f32.msk $0xffff, v33  }
0x5f5: {  	v51 =	vmul.f32 $5.119994810e+02, v28;
	v53 =	vld [tilespmem:s5+$0x0]  }
0x5f6: {  	v33 =	vtrunc.f32 v54;
	[tilespmem:v24+s23+$0x0] =	vst.idx.add.f32.msk $0xffff, v30  }
0x5f7: {  	s4 =	sor.u32 s15, s25;
	s8 =	sadd.s32 $0x13000, s13;
	v52 =	vtrunc.f32 v51;
	v33 =	vcvt.f32.s32 v33;
	[tilespmem:v29+s23+$0x0] =	vst.idx.add.f32.msk $0xffff, v31  }
0x5f8: {  	s11 =	sor.u32 s14, s8;
	v35 =	vmul.f32 $5.119994810e+02, v25;
	v26 =	vcvt.f32.s32 v52;
	v30 =	vld [tilespmem:s4+$0x0]  }
0x5f9: {  	v31 =	vld [tilespmem:s11+$0x0];
	v33 =	vadd.s32 $0x2000, v33  }
0x5fa: {  	v56 =	vtrunc.f32 v35;
	v26 =	vadd.s32 $0x1E00, v26  }
0x5fb: {  	v24 =	vcvt.f32.s32 v56;
	v57 =	vmul.f32 $5.119994810e+02, v53;
	_ =	sdelay $0x1  }
0x5fc: {  	v55 =	vld [tilespmem:s20+$0x0];
	v24 =	vadd.s32 $0x2400, v24;
	v61 =	vmul.f32 $5.119994810e+02, v30;
	v29 =	vtrunc.f32 v57  }
0x5fd: {  	v62 =	vmul.f32 $5.119994810e+02, v31;
	[tilespmem:v33+s23+$0x0] =	vst.idx.add.f32.msk $0xffff, v27;
	v59 =	vcvt.f32.s32 v29  }
0x5fe: {  	[tilespmem:v26+s23+$0x0] =	vst.idx.add.f32.msk $0xffff, v28;
	v35 =	vtrunc.f32 v61  }
0x5ff: {  	s2 =	sor.u32 s30, s7;
	v27 =	vld [tilespmem:s21+$0x0];
	v33 =	vtrunc.f32 v62;
	v63 =	vcvt.f32.s32 v35;
	v26 =	vadd.s32 $0x2000, v59  }
0x600: {  	v28 =	vld [tilespmem:s2+$0x0];
	v33 =	vcvt.f32.s32 v33  }
0x601: {  	s17 =	sadd.s32 $0x14000, s16;
	[tilespmem:v24+s23+$0x0] =	vst.idx.add.f32.msk $0xffff, v25;
	v24 =	vadd.s32 $0x2000, v63  }
0x602: {  	v58 =	vmul.f32 $5.119994810e+02, v55;
	s20 =	sor.u32 s28, s17;
	v33 =	vadd.s32 $0x2200, v33  }
0x603: {  	v25 =	vld [tilespmem:s20+$0x0];
	s21 =	sadd.s32 $0x13000, s3  }
0x604: {  	v60 =	vtrunc.f32 v58;
	s6 =	sor.u32 s1, s21;
	v38 =	vmul.f32 $5.119994810e+02, v27;
	[tilespmem:v26+s23+$0x0] =	vst.idx.add.f32.msk $0xffff, v53  }
0x605: {  	v29 =	vcvt.f32.s32 v60;
	v36 =	vmul.f32 $5.119994810e+02, v28;
	v32 =	vld [tilespmem:s6+$0x0]  }
0x606: {  	v35 =	vtrunc.f32 v38;
	[tilespmem:v24+s23+$0x0] =	vst.idx.add.f32.msk $0xffff, v30  }
0x607: {  	s22 =	sadd.s32 $0x13800, s13;
	s5 =	sor.u32 s15, s8;
	v29 =	vadd.s32 $0x2400, v29;
	v37 =	vtrunc.f32 v36;
	v35 =	vcvt.f32.s32 v35;
	[tilespmem:v33+s23+$0x0] =	vst.idx.add.f32.msk $0xffff, v31  }
0x608: {  	s24 =	sor.u32 s14, s22;
	v39 =	vmul.f32 $5.119994810e+02, v25;
	v26 =	vcvt.f32.s32 v37;
	v30 =	vld [tilespmem:s5+$0x0]  }
0x609: {  	v33 =	vld [tilespmem:s24+$0x0];
	v41 =	vadd.s32 $0x2200, v35  }
0x60a: {  	v40 =	vtrunc.f32 v39;
	v26 =	vadd.s32 $0x2000, v26  }
0x60b: {  	v24 =	vcvt.f32.s32 v40;
	v42 =	vmul.f32 $5.119994810e+02, v32  }
0x60c: {  	[tilespmem:v29+s23+$0x0] =	vst.idx.add.f32.msk $0xffff, v55  }
0x60d: {  	v29 =	vld [tilespmem:s19+$0x0];
	v24 =	vadd.s32 $0x2600, v24;
	v44 =	vmul.f32 $5.119994810e+02, v30;
	v31 =	vtrunc.f32 v42  }
0x60e: {  	v48 =	vmul.f32 $5.119994810e+02, v33;
	[tilespmem:v41+s23+$0x0] =	vst.idx.add.f32.msk $0xffff, v27;
	v43 =	vcvt.f32.s32 v31  }
0x60f: {  	s4 =	sor.u32 s30, s21;
	[tilespmem:v26+s23+$0x0] =	vst.idx.add.f32.msk $0xffff, v28;
	v31 =	vtrunc.f32 v44  }
0x610: {  	s0 =	sor.u32 s9, s31;
	v50 =	vtrunc.f32 v48;
	v26 =	vld [tilespmem:s4+$0x0];
	v49 =	vcvt.f32.s32 v31;
	v46 =	vadd.s32 $0x2200, v43  }
0x611: {  	v47 =	vld [tilespmem:s0+$0x0];
	s0 =	sadd.s32 $0x14800, s16;
	v31 =	vcvt.f32.s32 v50  }
0x612: {  	v45 =	vmul.f32 $5.119994810e+02, v29;
	[tilespmem:v24+s23+$0x0] =	vst.idx.add.f32.msk $0xffff, v25;
	s25 =	sor.u32 s28, s0;
	v24 =	vadd.s32 $0x2200, v49  }
0x613: {  	v25 =	vld [tilespmem:s25+$0x0];
	v31 =	vadd.s32 $0x2400, v31  }
0x614: {  	s26 =	sadd.s32 $0x13800, s3;
	v35 =	vtrunc.f32 v45  }
0x615: {  	v36 =	vmov s18;
	v35 =	vcvt.f32.s32 v35;
	s28 =	sor.u32 s1, s26;
	v51 =	vmul.f32 $5.119994810e+02, v26;
	[tilespmem:v46+s23+$0x0] =	vst.idx.add.f32.msk $0xffff, v32  }
0x616: {  	v39 =	vshll.u32 v3, $0xB;
	v55 =	vshll.u32 v36, $0x7;
	v54 =	vld [tilespmem:s28+$0x0]  }
0x617: {  	v53 =	vadd.s32 $0x2600, v35;
	v37 =	vmul.f32 $5.119994810e+02, v47;
	v52 =	vtrunc.f32 v51;
	s31 =	rddreg [dreg:$0x5];
	[tilespmem:v24+s23+$0x0] =	vst.idx.add.f32.msk $0xffff, v30  }
0x618: {  	s8 =	sadd.s32 $0x14000, s13;
	s6 =	sor.u32 s15, s22;
	v38 =	vmul.f32 $5.119994810e+02, v25;
	[tilespmem:v31+s23+$0x0] =	vst.idx.add.f32.msk $0xffff, v33;
	v27 =	vcvt.f32.s32 v52;
	v56 =	vmov s31  }
0x619: {  	s11 =	sor.u32 s14, s8;
	v35 =	vand.u32 $0x380, v55;
	v37 =	vtrunc.f32 v37;
	v60 =	vld [tilespmem:s6+$0x0];
	v36 =	vshll.u32 v56, $0x3  }
0x61a: {  	v58 =	vtrunc.f32 v38;
	v63 =	vld [tilespmem:s11+$0x0];
	v27 =	vadd.s32 $0x2200, v27;
	v36 =	vand.u32 $0x400, v36  }
0x61b: {  	v59 =	vcvt.f32.s32 v37;
	v30 =	vcvt.f32.s32 v58;
	v57 =	vor.u32 v35, v36  }
0x61c: {  	v62 =	vor.u32 s31, v1;
	v24 =	vor.u32 $0xA800, v57;
	v61 =	vmul.f32 $5.119994810e+02, v54  }
0x61d: {  	v42 =	vand.u32 $0x7F, v62;
	v30 =	vadd.s32 $0x2800, v30;
	v24 =	vbroadcast v24, $0x0  }
0x61e: {  	[tilespmem:v53+s23+$0x0] =	vst.idx.add.f32.msk $0xffff, v29;
	v36 =	vadd.s32 $0x2400, v59;
	v43 =	vmul.f32 $5.119994810e+02, v60;
	v31 =	vtrunc.f32 v61  }
0x61f: {  	s4 =	sor.u32 s30, s26;
	v44 =	vmul.f32 $5.119994810e+02, v63;
	[tilespmem:v27+s23+$0x0] =	vst.idx.add.f32.msk $0xffff, v26;
	v24 =	vadd.s32 v39, v24;
	v31 =	vcvt.f32.s32 v31  }
0x620: {  	v27 =	vtrunc.f32 v43;
	v26 =	vld [tilespmem:s4+$0x0];
	v24 =	vor.u32 v42, v24  }
0x621: {  	v29 =	vld [tilespmem:s12+$0x0];
	v46 =	vtrunc.f32 v44;
	v27 =	vcvt.f32.s32 v27;
	v31 =	vadd.s32 $0x2400, v31  }
0x622: {  	[tilespmem:v30+s23+$0x0] =	vst.idx.add.f32.msk $0xffff, v25;
	v25 =	vcvt.f32.s32 v46  }
0x623: {  	s2 =	sor.u32 s9, s17;
	v14 =	vor.u32 v35, v14;
	[tilespmem:v36+s23+$0x0] =	vst.idx.add.f32.msk $0xffff, v47;
	v27 =	vadd.s32 $0x2400, v27  }
0x624: {  	v14 =	vor.u32 $0xA800, v14;
	v45 =	vld [tilespmem:s2+$0x0];
	s12 =	rddreg [dreg:$0xa];
	v25 =	vadd.s32 $0x2600, v25  }
0x625: {  	v3 =	vshll.u32 v3, $0x9;
	s16 =	sadd.s32 $0x14000, s3;
	v14 =	vbroadcast v14, $0x0;
	s17 =	rddreg [dreg:$0x7];
	v47 =	vmul.f32 $5.119994810e+02, v26;
	v24 =	vld.idx.msk [tilespmem:v24+s29+$0x0], $0xffff  }
0x626: {  	s18 =	sor.u32 s1, s16;
	v52 =	vmul.f32 $5.119994810e+02, v29;
	v48 =	vmov s12;
	v49 =	vmov s17;
	[tilespmem:v31+s23+$0x0] =	vst.idx.add.f32.msk $0xffff, v54  }
0x627: {  	v30 =	vshll.u32 v48, $0x7;
	v33 =	vshll.u32 v49, $0x3;
	v28 =	vtrunc.f32 v47;
	v31 =	vld [tilespmem:s18+$0x0];
	s19 =	rddreg [dreg:$0xb]  }
0x628: {  	v30 =	vand.u32 $0x380, v30;
	v33 =	vand.u32 $0x400, v33;
	s20 =	rddreg [dreg:$0x8];
	[tilespmem:v27+s23+$0x0] =	vst.idx.add.f32.msk $0xffff, v60;
	v28 =	vcvt.f32.s32 v28  }
0x629: {  	s21 =	sor.u32 s15, s8;
	s22 =	sadd.s32 $0x14800, s13;
	v12 =	vadd.s32 v12, v14;
	v35 =	vtrunc.f32 v52;
	v33 =	vor.u32 v30, v33;
	[tilespmem:v25+s23+$0x0] =	vst.idx.add.f32.msk $0xffff, v63  }
0x62a: {  	s24 =	sor.u32 s14, s22;
	v41 =	vmul.f32 $5.119994810e+02, v45;
	v33 =	vor.u32 $0xA800, v33;
	v27 =	vld [tilespmem:s21+$0x0];
	v28 =	vadd.s32 $0x2400, v28  }
0x62b: {  	v11 =	vor.u32 v11, v12;
	v35 =	vcvt.f32.s32 v35;
	v46 =	vbroadcast v33, $0x0;
	v38 =	vld [tilespmem:s24+$0x0]  }
0x62c: {  	v54 =	vtrunc.f32 v41;
	v37 =	vsub.f32 $1.000000000e+00, v24;
	v42 =	vmul.f32 $5.119994810e+02, v24  }
0x62d: {  	v50 =	vor.u32 s17, v1;
	v14 =	vcvt.f32.s32 v54;
	v55 =	vmul.f32 $5.119994810e+02, v31  }
0x62e: {  	v35 =	vadd.s32 $0x2800, v35;
	v56 =	vmul.f32 $5.119994810e+02, v37;
	v57 =	vtrunc.f32 v42  }
0x62f: {  	s2 =	sor.u32 s30, s16;
	v14 =	vadd.s32 $0x2600, v14;
	v58 =	vcvt.f32.s32 v57;
	v59 =	vmul.f32 $5.119994810e+02, v27;
	[tilespmem:v28+s23+$0x0] =	vst.idx.add.f32.msk $0xffff, v26  }
0x630: {  	v48 =	vand.u32 $0x7F, v50;
	v60 =	vmul.f32 $5.119994810e+02, v38;
	v25 =	vtrunc.f32 v55;
	v26 =	vld [tilespmem:s2+$0x0]  }
0x631: {  	v10 =	vor.u32 v30, v10;
	v12 =	vtrunc.f32 v56;
	v25 =	vcvt.f32.s32 v25  }
0x632: {  	v10 =	vor.u32 $0xA800, v10;
	v12 =	vcvt.f32.s32 v12;
	v41 =	vtrunc.f32 v59  }
0x633: {  	v47 =	vshll.u32 v4, $0xB;
	v61 =	vcvt.f32.s32 v41;
	v25 =	vadd.s32 $0x2600, v25  }
0x634: {  	s0 =	sor.u32 s9, s0;
	v28 =	vadd.s32 v58, v3;
	v44 =	vtrunc.f32 v60;
	[tilespmem:v14+s23+$0x0] =	vst.idx.add.f32.msk $0xffff, v45;
	v3 =	vadd.s32 v12, v3  }
0x635: {  	v63 =	vld [tilespmem:s0+$0x0];
	v12 =	vcvt.f32.s32 v44;
	v14 =	vadd.s32 $0x2600, v61;
	v62 =	vmul.f32 $5.119994810e+02, v26  }
0x636: {  	[tilespmem:v35+s23+$0x0] =	vst.idx.add.f32.msk $0xffff, v29;
	v10 =	vbroadcast v10, $0x0;
	v51 =	vmov s19;
	v53 =	vmov s20  }
0x637: {  	s25 =	sadd.s32 $0x14800, s3;
	v20 =	vld.idx.msk [tilespmem:v20+s29+$0x0], $0xffff;
	v32 =	vadd.s32 v47, v46;
	v12 =	vadd.s32 $0x2800, v12;
	v45 =	vtrunc.f32 v62  }
0x638: {  	s26 =	sor.u32 s1, s25;
	v40 =	vor.u32 s20, v1;
	v29 =	vor.u32 v48, v32;
	[tilespmem:v25+s23+$0x0] =	vst.idx.add.f32.msk $0xffff, v31;
	v25 =	vcvt.f32.s32 v45  }
0x639: {  	v34 =	vshll.u32 v51, $0x7;
	v49 =	vshll.u32 v53, $0x3;
	v54 =	vshll.u32 v5, $0xB;
	v31 =	vld [tilespmem:s26+$0x0]  }
0x63a: {  	s28 =	sor.u32 s15, s22;
	v34 =	vand.u32 $0x380, v34;
	v50 =	vmul.f32 $5.119994810e+02, v63;
	[tilespmem:v14+s23+$0x0] =	vst.idx.add.f32.msk $0xffff, v27;
	v25 =	vadd.s32 $0x2600, v25  }
0x63b: {  	v10 =	vadd.s32 v16, v10;
	v35 =	vand.u32 $0x400, v49;
	v17 =	vor.u32 v34, v17;
	v27 =	vld [tilespmem:s28+$0x0]  }
0x63c: {  	v35 =	vor.u32 v34, v35;
	v17 =	vor.u32 $0xA800, v17;
	v52 =	vtrunc.f32 v50;
	[tilespmem:v12+s23+$0x0] =	vst.idx.add.f32.msk $0xffff, v38  }
0x63d: {  	v17 =	vbroadcast v17, $0x0;
	v55 =	vsub.f32 $1.000000000e+00, v20;
	v30 =	vcvt.f32.s32 v52;
	v29 =	vld.idx.msk [tilespmem:v29+s29+$0x0], $0xffff  }
0x63e: {  	v51 =	vor.u32 $0xA800, v35;
	v56 =	vmul.f32 $5.119994810e+02, v20;
	v53 =	vmul.f32 $5.119994810e+02, v31  }
0x63f: {  	v57 =	vmul.f32 $5.119994810e+02, v55;
	s0 =	sor.u32 s30, s25;
	v14 =	vbroadcast v51, $0x0;
	v30 =	vadd.s32 $0x2800, v30;
	[tilespmem:v25+s23+$0x0] =	vst.idx.add.f32.msk $0xffff, v26  }
0x640: {  	v24 =	vsub.f32 $0.0e+00, v24;
	v59 =	vmul.f32 $5.119994810e+02, v27;
	v32 =	vtrunc.f32 v53;
	v25 =	vld [tilespmem:s0+$0x0]  }
0x641: {  	v58 =	vand.u32 $0x7F, v40;
	v12 =	vtrunc.f32 v57;
	v32 =	vcvt.f32.s32 v32  }
0x642: {  	[tilespmem:v23+s23+$0x0] =	vst.idx.add.f32.msk $0xffff, v22;
	v14 =	vadd.s32 v54, v14;
	v34 =	vmul.f32 $5.119994810e+02, v29;
	v60 =	vtrunc.f32 v59  }
0x643: {  	[tilespmem:v28+s23+$0x0] =	vst.idx.add.f32.msk $0xffff, v24;
	v26 =	vtrunc.f32 v56;
	v62 =	vcvt.f32.s32 v60;
	v32 =	vadd.s32 $0x2800, v32  }
0x644: {  	v14 =	vor.u32 v58, v14;
	v61 =	vcvt.f32.s32 v26;
	[tilespmem:v30+s23+$0x0] =	vst.idx.add.f32.msk $0xffff, v63;
	v30 =	vsub.f32 $1.000000000e+00, v29  }
0x645: {  	v22 =	vtrunc.f32 v34;
	v63 =	vld.idx.msk [tilespmem:v11+s29+$0x0], $0xffff;
	v16 =	vadd.s32 $0x2800, v62;
	v26 =	vmul.f32 $5.119994810e+02, v25  }
0x646: {  	v8 =	vor.u32 v8, v10;
	[tilespmem:v3+s23+$0x0] =	vst.idx.add.f32.msk $0xffff, v37;
	v12 =	vcvt.f32.s32 v12;
	v39 =	vcvt.f32.s32 v22  }
0x647: {  	[tilespmem:v3+s10+$0x0] =	vst.idx.add.f32.msk $0xffff, v2;
	v36 =	vmul.f32 $5.119994810e+02, v30;
	v11 =	vtrunc.f32 v26  }
0x648: {  	v17 =	vadd.s32 v19, v17;
	v41 =	vshll.u32 v4, $0x9;
	[tilespmem:v32+s23+$0x0] =	vst.idx.add.f32.msk $0xffff, v31;
	v11 =	vcvt.f32.s32 v11  }
0x649: {  	v35 =	vadd.s32 v12, v7;
	v45 =	vadd.s32 v39, v41;
	v12 =	vtrunc.f32 v36;
	v14 =	vld.idx.msk [tilespmem:v14+s29+$0x0], $0xffff  }
0x64a: {  	v3 =	vcvt.f32.s32 v12;
	v38 =	vsub.f32 $1.000000000e+00, v63;
	[tilespmem:v16+s23+$0x0] =	vst.idx.add.f32.msk $0xffff, v27;
	v11 =	vadd.s32 $0x2800, v11  }
0x64b: {  	v15 =	vor.u32 v15, v17;
	v40 =	vmul.f32 $5.119994810e+02, v63;
	v8 =	vld.idx.msk [tilespmem:v8+s29+$0x0], $0xffff  }
0x64c: {  	[tilespmem:v18+s23+$0x0] =	vst.idx.add.f32.msk $0xffff, v21;
	v48 =	vsub.f32 $0.0e+00, v29;
	v3 =	vadd.s32 v3, v41;
	v42 =	vmul.f32 $5.119994810e+02, v38  }
0x64d: {  	[tilespmem:v18+s10+$0x0] =	vst.idx.add.f32.msk $0xffff, v2;
	v20 =	vsub.f32 $0.0e+00, v20;
	v43 =	vtrunc.f32 v40  }
0x64e: {  	v23 =	vadd.s32 v61, v7;
	[tilespmem:v45+s23+$0x0] =	vst.idx.add.f32.msk $0xffff, v48;
	v16 =	vtrunc.f32 v42;
	v46 =	vmul.f32 $5.119994810e+02, v14  }
0x64f: {  	v12 =	vcvt.f32.s32 v43;
	v16 =	vcvt.f32.s32 v16;
	v44 =	vsub.f32 $1.000000000e+00, v14;
	[tilespmem:v11+s23+$0x0] =	vst.idx.add.f32.msk $0xffff, v25  }
0x650: {  	v49 =	vsub.f32 $1.000000000e+00, v8;
	v53 =	vmul.f32 $5.119994810e+02, v8;
	v4 =	vtrunc.f32 v46;
	v15 =	vld.idx.msk [tilespmem:v15+s29+$0x0], $0xffff  }
0x651: {  	v12 =	vadd.s32 v12, v6;
	[tilespmem:v3+s23+$0x0] =	vst.idx.add.f32.msk $0xffff, v30;
	v47 =	vmul.f32 $5.119994810e+02, v44;
	v4 =	vcvt.f32.s32 v4  }
0x652: {  	v50 =	vadd.s32 v16, v6;
	[tilespmem:v3+s10+$0x0] =	vst.idx.add.f32.msk $0xffff, v2;
	v54 =	vmul.f32 $5.119994810e+02, v49;
	v3 =	vtrunc.f32 v53  }
0x653: {  	v52 =	vshll.u32 v5, $0x9;
	[tilespmem:v23+s23+$0x0] =	vst.idx.add.f32.msk $0xffff, v20;
	v19 =	vtrunc.f32 v47;
	v3 =	vcvt.f32.s32 v3  }
0x654: {  	v10 =	vsub.f32 $0.0e+00, v63;
	[tilespmem:v35+s23+$0x0] =	vst.idx.add.f32.msk $0xffff, v55;
	v51 =	vcvt.f32.s32 v19;
	v4 =	vadd.s32 v4, v52  }
0x655: {  	[tilespmem:v35+s10+$0x0] =	vst.idx.add.f32.msk $0xffff, v2;
	v55 =	vtrunc.f32 v54;
	v3 =	vadd.s32 v3, v9;
	v57 =	vmul.f32 $5.119994810e+02, v15  }
0x656: {  	[tilespmem:v12+s23+$0x0] =	vst.idx.add.f32.msk $0xffff, v10;
	v11 =	vcvt.f32.s32 v55;
	v5 =	vadd.s32 v51, v52  }
0x657: {  	v58 =	vsub.f32 $0.0e+00, v14;
	[tilespmem:v50+s23+$0x0] =	vst.idx.add.f32.msk $0xffff, v38;
	v7 =	vtrunc.f32 v57  }
0x658: {  	v62 =	vsub.f32 $0.0e+00, v8;
	[tilespmem:v50+s10+$0x0] =	vst.idx.add.f32.msk $0xffff, v2;
	v60 =	vadd.s32 v11, v9;
	v7 =	vcvt.f32.s32 v7  }
0x659: {  	[tilespmem:v4+s23+$0x0] =	vst.idx.add.f32.msk $0xffff, v58  }
0x65a: {  	v56 =	vsub.f32 $1.000000000e+00, v15;
	[tilespmem:v3+s23+$0x0] =	vst.idx.add.f32.msk $0xffff, v62;
	v7 =	vadd.s32 v7, v13  }
0x65b: {  	[tilespmem:v5+s23+$0x0] =	vst.idx.add.f32.msk $0xffff, v44  }
0x65c: {  	v59 =	vmul.f32 $5.119994810e+02, v56;
	[tilespmem:v5+s10+$0x0] =	vst.idx.add.f32.msk $0xffff, v2  }
0x65d: {  	v3 =	vsub.f32 $0.0e+00, v15;
	[tilespmem:v60+s23+$0x0] =	vst.idx.add.f32.msk $0xffff, v49  }
0x65e: {  	v61 =	vtrunc.f32 v59;
	[tilespmem:v60+s10+$0x0] =	vst.idx.add.f32.msk $0xffff, v2  }
0x65f: {  	v9 =	vcvt.f32.s32 v61;
	[tilespmem:v7+s23+$0x0] =	vst.idx.add.f32.msk $0xffff, v3  }
0x660: {  	s31 =	rddreg [dreg:$0x19]  }
0x661: {  	v63 =	vadd.s32 v9, v13;
	s0 =	sadd.s32 $0x1, s31  }
0x662: {  	p0 =	sne.s32 s0, $0x8  }
.Ltmp3:
0x663: {  	_ = 	snop;
	(pc) =	sbr.rel @p0 .LBB2_4-.Ltmp3, $3  }
0x664: {  	_ =	sdelay $0x1  }
0x665: {  	[tilespmem:v63+s23+$0x0] =	vst.idx.add.f32.msk $0xffff, v56  }
0x666: {  	[tilespmem:v63+s10+$0x0] =	vst.idx.add.f32.msk $0xffff, v2  }
0x667: {  	s0 =	rddreg [dreg:$0x15]  }
0x668: {  	s1 =	simm.s32 $0x80;
	s2 =	simm.s32 $0x400;
	s3 =	simm.s32 $0x5  }
0x669: {  	[hbm4b:s0+s1] =	stream.strided.scatter [tilespmem:s10], [sflag:$0x5], $0x2A00, s2, s1, $0x38;
	[tilespmem:$0x1B400] =	vst v63  }
0x66a: {  	_ =	swait.ge [sflag:s3], $0x2A00  }
0x66b: {  	[sflag:s3] =	ssyncset.done $0x0  }
0x66c: {  	s28 =	rddreg [dreg:$0x16];
	[sflag:s3] =	ssyncadd.s32 $0xFFFFD600  }
0x66d: {  	[hbm4b:s28+s1] =	stream.strided.scatter [tilespmem:s23], [sflag:$0x5], $0x2A00, s2, s1, $0x38;
	[tilespmem:$0x1B400] =	vst v63  }
0x66e: {  	_ =	swait.ge [sflag:s3], $0x2A00  }
0x66f: {  	s30 =	rddreg [dreg:$0x18]  }
0x670: {  	s31 =	rddreg [dreg:$0x17];
	s1 =	sadd.s32 $0x1, s30  }
0x671: {  	p0 =	sne.s32 s1, s31  }
.Ltmp4:
0x672: {  	_ = 	snop;
	(pc) =	sbr.rel @p0 .LBB2_1-.Ltmp4, $3  }
0x673: {  	_ =	sdelay $0x1  }
0x674: {  	[sflag:s3] =	ssyncset.done $0x0  }
0x675: {  	[sflag:s3] =	ssyncadd.s32 $0xFFFFD600  }
0x676: {  	_ =	sfence.sel $0x180000  }
0x677: {  	[bflag:$0x0] =	sbarrier.arrive $0xFFFF  }
0x678: {  	_ =	strace $0x90000047  }
0x679: {  	s0 =	stileid.u32;
	[bflag:$0x2] =	sbarrier.arrive $0xFFFF  }
0x67a: {  	p0 =	sne.s32 s0, $0x0;
	s0 =	rddreg [dreg:$0x3]  }
0x67b: {  	s0 =	sadd.s32 @!p0 $0x100000, s0  }
0x67c: {  	[sflag:s0] =	ssyncadd.tile.s32 @!p0 $0x1;
	_ =	shalt  }
.Lfunc_end2:
_tile_overlayer_lowered:
.L_overlay_start_2:
0x67d: {  	(tag) =	ssettag $0x2  }
0x67e: {  	s0 =	rddreg [dreg:$0x0];
	s2 =	stileid.u32  }
0x67f: {  	s1 =	rddreg [dreg:$0x1];
	p0 =	sne.s32 s2, $0x0  }
0x680: {  	s3 =	rddreg [dreg:$0x2];
	[bflag:$0x3] =	sbarrier.arrive $0xFFFF;
	s2 =	simm.s32 @!p0 $0x1C05  }
0x681: {  	[timem:s3], [sflag:s2] =	dma.local @!p0 [hbm:s0], s1  }
0x682: {  	s0 =	simm.s32 @!p0 $0x5  }
0x683: {  	_ =	swait.ge @!p0 [sflag:s0], s1  }
0x684: {  	s1 =	ssub.s32 @!p0 $0x0, s1;
	[sflag:s0] =	ssyncset.done @!p0 $0x0  }
0x685: {  	[sflag:s0] =	ssyncadd.s32 @!p0 s1  }
0x686: {  	[bflag:$0x3] =	sbarrier.arrive $0xFFFF  }
0x687: {  	_ =	shalt  }

</sc_bundles>
